<compile_context>
chip_gen: v7x
topology: tpu7x:2x2x1
jax: 0.10.2.dev20260603
libtpu: 0.0.44.dev20260713+nightly
codegen_flags: <defaults>
</compile_context>

<pallas_src>
import functools

import jax
import jax.numpy as jnp
from jax import lax
from jax.experimental import pallas as pl
from jax.experimental.pallas import tpu as pltpu
from jax.experimental.pallas import tpu_sc as plsc

_N = 8192
_K = 81
_BLK = 256
_C = 128
_BIS = 11



def _sim_thr_body(xnb_ref, xnt_ref, sim_ref, thr_ref, *, row_base):
    b, n = sim_ref.shape
    row0 = row_base + pl.program_id(0) * b
    col_ids = lax.broadcasted_iota(jnp.int32, (b, n), 1)
    row_ids = row0 + lax.broadcasted_iota(jnp.int32, (b, n), 0)
    xb16 = xnb_ref[:, :].astype(jnp.bfloat16)
    yt16 = xnt_ref[:, :].astype(jnp.bfloat16)
    sim = jnp.dot(xb16, yt16, preferred_element_type=jnp.float32)
    sim = jnp.where(col_ids == row_ids, jnp.float32(2.0), sim)
    sim_ref[:, :] = sim

    lo0 = jnp.full((b, 1), -1.0, jnp.float32)
    hi0 = jnp.full((b, 1), 1.0, jnp.float32)

    def bis(_, c):
        lo, hi = c
        mid = jnp.float32(0.5) * (lo + hi)
        cnt = jnp.sum(jnp.where(sim_ref[:, :] >= mid, 1.0, 0.0),
                      axis=1, keepdims=True)
        p = cnt >= jnp.float32(_K)
        return (jnp.where(p, mid, lo), jnp.where(p, hi, mid))

    lo, hi = lax.fori_loop(0, _BIS, bis, (lo0, hi0))
    thr_ref[:, :] = jnp.broadcast_to(lo, (b, 16))


def _sim_thr_call(xn_part, xnt, row_base):
    nr = xn_part.shape[0]
    n = xnt.shape[1]
    grid = nr // _BLK
    return pl.pallas_call(
        functools.partial(_sim_thr_body, row_base=row_base),
        grid=(grid,),
        in_specs=[
            pl.BlockSpec((_BLK, 3), lambda i: (i, 0)),
            pl.BlockSpec((3, n), lambda i: (0, 0)),
        ],
        out_specs=[
            pl.BlockSpec((_BLK, n), lambda i: (i, 0)),
            pl.BlockSpec((_BLK, 16), lambda i: (i, 0)),
        ],
        out_shape=[
            jax.ShapeDtypeStruct((nr, n), jnp.float32),
            jax.ShapeDtypeStruct((nr, 16), jnp.float32),
        ],
    )(xn_part, xnt)




def _make_sc_compact(n, nr):
    info = plsc.get_sparse_core_info()
    nw = info.num_cores * info.num_subcores
    rows_w = nr // nw
    rb_rows = 64
    nvec = n // 16
    i32, f32 = jnp.int32, jnp.float32
    mesh = plsc.VectorSubcoreMesh(core_axis_name="c", subcore_axis_name="s")

    @functools.partial(
        pl.kernel,
        mesh=mesh,
        out_type=(jax.ShapeDtypeStruct((nr * _C,), f32),) * 4,
        compiler_params=pltpu.CompilerParams(needs_layout_passes=False),
        scratch_types=[
            pltpu.VMEM((n,), f32),
            pltpu.VMEM((n,), f32),
            pltpu.VMEM((n,), f32),
            pltpu.VMEM((n,), f32),
            pltpu.VMEM((n,), f32),
            pltpu.VMEM((rows_w * 16,), f32),
            pltpu.VMEM((144,), i32),
            pltpu.SemaphoreType.DMA,
            pltpu.SemaphoreType.DMA,
            pltpu.VMEM((rb_rows * _C,), f32),
            pltpu.VMEM((rb_rows * _C,), f32),
            pltpu.VMEM((rb_rows * _C,), f32),
            pltpu.VMEM((rb_rows * _C,), f32),
        ],
    )
    def sc_compact(sim_hbm, thr_hbm, x_hbm, y_hbm, z_hbm,
                   cv_hbm, cx_hbm, cy_hbm, cz_hbm,
                   xv, yv, zv, rowbuf0, rowbuf1, thrv, ci, sem0, sem1,
                   ov, ox, oy, oz):
        wid = lax.axis_index("s") * info.num_cores + lax.axis_index("c")
        r0 = wid * rows_w
        pltpu.sync_copy(x_hbm, xv)
        pltpu.sync_copy(y_hbm, yv)
        pltpu.sync_copy(z_hbm, zv)
        pltpu.sync_copy(thr_hbm.at[pl.ds(r0 * 16, rows_w * 16)], thrv)
        iota16 = lax.iota(i32, 16)
        zero16 = jnp.zeros((16,), i32)

        def process(rowbuf, r, bb):
            tv = thrv[pl.ds((bb * rb_rows + r) * 16, 16)]

            @plsc.parallel_loop(0, nvec, unroll=8, carry=zero16)
            def cnt16(vb, ptr_v):
                o = vb * 16
                s = rowbuf[pl.ds(o, 16)]
                msk = s >= tv
                pos = ptr_v + plsc.cumsum(msk.astype(i32)) - 1
                pos = jnp.minimum(pos, jnp.int32(136))
                plsc.store_scatter(ci, [pos], iota16 + o, mask=msk)
                return ptr_v + plsc.all_reduce_population_count(msk)
            for t in range(_C // 16):
                ii = ci[pl.ds(t * 16, 16)]
                valid = (iota16 + t * 16) < cnt16
                vals = plsc.load_gather(rowbuf, [ii], mask=valid)
                ob = r * _C + t * 16
                ov[pl.ds(ob, 16)] = jnp.where(
                    valid, vals, jnp.float32(-3.0))
                ox[pl.ds(ob, 16)] = plsc.load_gather(xv, [ii], mask=valid)
                oy[pl.ds(ob, 16)] = plsc.load_gather(yv, [ii], mask=valid)
                oz[pl.ds(ob, 16)] = plsc.load_gather(zv, [ii], mask=valid)

        def start(buf, sem, g):
            pltpu.async_copy(sim_hbm.at[g], buf, sem)

        def drain(buf, sem):
            pltpu.make_async_copy(sim_hbm.at[0], buf, sem).wait()

        for bb in range(rows_w // rb_rows):
            g0 = r0 + bb * rb_rows
            start(rowbuf0, sem0, g0)

            def pair(p, _, bb=bb, g0=g0):
                r = 2 * p
                drain(rowbuf0, sem0)
                start(rowbuf1, sem1, g0 + r + 1)
                process(rowbuf0, r, bb)
                drain(rowbuf1, sem1)
                start(rowbuf0, sem0,
                      g0 + jnp.minimum(r + 2, rb_rows - 1))
                process(rowbuf1, r + 1, bb)
                return 0

            lax.fori_loop(0, rb_rows // 2, pair, 0)
            drain(rowbuf0, sem0)
            base = g0 * _C
            pltpu.sync_copy(ov, cv_hbm.at[pl.ds(base, rb_rows * _C)])
            pltpu.sync_copy(ox, cx_hbm.at[pl.ds(base, rb_rows * _C)])
            pltpu.sync_copy(oy, cy_hbm.at[pl.ds(base, rb_rows * _C)])
            pltpu.sync_copy(oz, cz_hbm.at[pl.ds(base, rb_rows * _C)])

    return sc_compact




def _rank_body(cv_ref, cx_ref, cy_ref, cz_ref, pts_ref, dwt_ref, w_ref,
               bias_ref, out_ref, cv_s, sx_s, sy_s, sz_s):
    f32 = jnp.float32
    b = cv_ref.shape[0]
    lane_c = lax.broadcasted_iota(jnp.int32, (b, _C), 1)
    lane_k = lax.broadcasted_iota(jnp.int32, (b, _K), 1)
    cv_s[:, :] = cv_ref[:, :]
    cx = cx_ref[:, :]
    cy = cy_ref[:, :]
    cz = cz_ref[:, :]
    sx_s[:, :] = jnp.zeros((b, _K), f32)
    sy_s[:, :] = jnp.zeros((b, _K), f32)
    sz_s[:, :] = jnp.zeros((b, _K), f32)

    def body(j, _):
        cv = cv_s[:, :]
        m = jnp.max(cv, axis=1, keepdims=True)
        a = jnp.min(jnp.where(cv == m, lane_c, jnp.int32(_C)),
                    axis=1, keepdims=True)
        oh = lane_c == a
        vx = jnp.sum(jnp.where(oh, cx, 0.0), axis=1, keepdims=True)
        vy = jnp.sum(jnp.where(oh, cy, 0.0), axis=1, keepdims=True)
        vz = jnp.sum(jnp.where(oh, cz, 0.0), axis=1, keepdims=True)
        cv_s[:, :] = jnp.where(oh, jnp.float32(-3.0), cv)
        kj = lane_k == j
        sx_s[:, :] = jnp.where(kj, vx, sx_s[:, :])
        sy_s[:, :] = jnp.where(kj, vy, sy_s[:, :])
        sz_s[:, :] = jnp.where(kj, vz, sz_s[:, :])
        return 0

    lax.fori_loop(0, _K, body, 0)

    gx = sx_s[:, :]
    gy = sy_s[:, :]
    gz = sz_s[:, :]
    dx = gx - pts_ref[:, 0:1]
    dy = gy - pts_ref[:, 1:2]
    dz = gz - pts_ref[:, 2:3]
    dist = dx * dx + dy * dy + dz * dz + jnp.float32(1.0)
    acc = jnp.dot(gx * dwt_ref[0:1, :], w_ref[0], preferred_element_type=f32)
    acc = acc + jnp.dot(gy * dwt_ref[1:2, :], w_ref[1],
                        preferred_element_type=f32)
    acc = acc + jnp.dot(gz * dwt_ref[2:3, :], w_ref[2],
                        preferred_element_type=f32)
    acc = acc + jnp.dot(dist * dwt_ref[3:4, :], w_ref[3],
                        preferred_element_type=f32)
    out_ref[:, :] = acc + bias_ref[:, :]


def _rank_call(cv, cx, cy, cz, points, dwt, weight, bias2d):
    n = points.shape[0]
    grid = n // _BLK
    cout = weight.shape[2]
    return pl.pallas_call(
        _rank_body,
        grid=(grid,),
        in_specs=[
            pl.BlockSpec((_BLK, _C), lambda i: (i, 0)),
            pl.BlockSpec((_BLK, _C), lambda i: (i, 0)),
            pl.BlockSpec((_BLK, _C), lambda i: (i, 0)),
            pl.BlockSpec((_BLK, _C), lambda i: (i, 0)),
            pl.BlockSpec((_BLK, 3), lambda i: (i, 0)),
            pl.BlockSpec((4, _K), lambda i: (0, 0)),
            pl.BlockSpec((4, _K, cout), lambda i: (0, 0, 0)),
            pl.BlockSpec((1, cout), lambda i: (0, 0)),
        ],
        out_specs=pl.BlockSpec((_BLK, cout), lambda i: (i, 0)),
        out_shape=jax.ShapeDtypeStruct((n, cout), jnp.float32),
        scratch_shapes=[
            pltpu.VMEM((_BLK, _C), jnp.float32),
            pltpu.VMEM((_BLK, _K), jnp.float32),
            pltpu.VMEM((_BLK, _K), jnp.float32),
            pltpu.VMEM((_BLK, _K), jnp.float32),
        ],
    )(cv, cx, cy, cz, points, dwt, weight, bias2d)




def kernel(points, dw, weight, bias):
    n = points.shape[0]
    cout = weight.shape[2]
    norm = jnp.linalg.norm(points[:, :3], axis=-1, keepdims=True)
    xn = points[:, :3] / jnp.maximum(norm, 1e-12)
    xnt = xn.T

    px = jnp.asarray(points[:, 0], jnp.float32)
    py = jnp.asarray(points[:, 1], jnp.float32)
    pz = jnp.asarray(points[:, 2], jnp.float32)

    nh = n // 2
    sc_compact = _make_sc_compact(n, nh)
    outs = []
    for off in (0, nh):
        sim, thr16 = _sim_thr_call(
            lax.slice_in_dim(xn, off, off + nh, axis=0), xnt, off)
        cv1, cx1, cy1, cz1 = sc_compact(sim, thr16.reshape(-1), px, py, pz)
        outs.append(_rank_call(
            cv1.reshape(nh, _C), cx1.reshape(nh, _C),
            cy1.reshape(nh, _C), cz1.reshape(nh, _C),
            lax.slice_in_dim(points, off, off + nh, axis=0),
            dw.T, weight, bias.reshape(1, cout)))
    return jnp.concatenate(outs, axis=0)

# --- scband reference (transcript-rebuilt; emitter-appended) ---
"""Pipeline reference for scband-conv-on-tree-14474039787898 (READ-ONLY COPY).

The authoritative reference and input builder live on the scoring server;
editing this copy changes nothing except your own understanding.
"""

import jax, jax.numpy as jnp
import numpy as np

N = 8192
KS = 9
K = KS * KS  # 81
CIN = 4      # in_channels(3) + 1 for add_dist
COUT = 64


def setup_inputs(seed: int = 0) -> dict:
    key = jax.random.key(seed)
    k1, k2, k3, k4 = jax.random.split(key, 4)
    points = jax.random.normal(k1, (N, 3), dtype=jnp.float32)
    dw = jax.random.normal(k2, (K, CIN), dtype=jnp.float32)
    weight = jax.random.normal(k3, (CIN, K, COUT), dtype=jnp.float32)
    bias = jax.random.normal(k4, (COUT,), dtype=jnp.float32)
    return {"points": points, "dw": dw, "weight": weight, "bias": bias}


def _knn_cosine(x, k):
    # knn_graph(..., cosine=True, loop=True): k nearest by cosine distance,
    # self-loop included (self has cosine distance 0 -> max similarity).
    norm = jnp.linalg.norm(x, axis=-1, keepdims=True)
    xn = x / jnp.maximum(norm, 1e-12)
    sim = xn @ xn.T
    n = x.shape[0]
    diag = jnp.arange(n)
    # force self to be the first neighbor (loop=True, distance 0)
    sim = sim.at[diag, diag].set(2.0)
    _, idx = jax.lax.top_k(sim, k)
    return idx  # [N, K]


def reference(points, dw, weight, bias):
    idx = _knn_cosine(points[:, :3], K)                 # [N, K]
    selected = jnp.take(points, idx, axis=0)            # [N, K, 3] gather
    dist = jnp.sum((selected - selected[:, :1]) ** 2, axis=-1) + 1.0  # [N, K]
    data = jnp.concatenate([selected, dist[..., None]], axis=-1)      # [N, K, 4]
    data = dw * data                                     # broadcast [K,4]
    out = jnp.einsum('ijk,kjl->il', data, weight) + bias  # [N, COUT]
    return out

if __name__ == "__main__":
    import jax
    _d = setup_inputs()
    print(jax.jit(kernel)(*tuple(_d.values())))

</pallas_src>

<mosaic_0001>
#map = affine_map<(d0, d1) -> (0, 0)>
#map1 = affine_map<(d0, d1) -> (0)>
module attributes {stable_mosaic.version = 14 : i64} {
  func.func @sc_compact(%arg0: i32, %arg1: i32, %arg2: memref<4096x8192xf32, #tpu.memory_space<hbm>>, %arg3: memref<65536xf32, #tpu.memory_space<hbm>>, %arg4: memref<8192xf32, #tpu.memory_space<hbm>>, %arg5: memref<8192xf32, #tpu.memory_space<hbm>>, %arg6: memref<8192xf32, #tpu.memory_space<hbm>>, %arg7: memref<524288xf32, #tpu.memory_space<hbm>>, %arg8: memref<524288xf32, #tpu.memory_space<hbm>>, %arg9: memref<524288xf32, #tpu.memory_space<hbm>>, %arg10: memref<524288xf32, #tpu.memory_space<hbm>>, %arg11: memref<8192xf32, #tpu.memory_space<vmem>>, %arg12: memref<8192xf32, #tpu.memory_space<vmem>>, %arg13: memref<8192xf32, #tpu.memory_space<vmem>>, %arg14: memref<8192xf32, #tpu.memory_space<vmem>>, %arg15: memref<8192xf32, #tpu.memory_space<vmem>>, %arg16: memref<2048xf32, #tpu.memory_space<vmem>>, %arg17: memref<144xi32, #tpu.memory_space<vmem>>, %arg18: memref<!tpu.dma_semaphore, #tpu.memory_space<semaphore_mem>>, %arg19: memref<!tpu.dma_semaphore, #tpu.memory_space<semaphore_mem>>, %arg20: memref<8192xf32, #tpu.memory_space<vmem>>, %arg21: memref<8192xf32, #tpu.memory_space<vmem>>, %arg22: memref<8192xf32, #tpu.memory_space<vmem>>, %arg23: memref<8192xf32, #tpu.memory_space<vmem>>) attributes {dimension_semantics = [#tpu.dimension_semantics<core_parallel>, #tpu.dimension_semantics<subcore_parallel>], iteration_bounds = array<i64: 2, 16>, scalar_prefetch = 0 : i64, scratch_operands = 13 : i64, tpu.core_type = #tpu.core_type<sc_vector_subcore>, window_params = [{transform_indices = #map}, {transform_indices = #map1}, {transform_indices = #map1}, {transform_indices = #map1}, {transform_indices = #map1}, {transform_indices = #map1}, {transform_indices = #map1}, {transform_indices = #map1}, {transform_indices = #map1}]} {
    %mul3A = arith.constant 2 : i32
    %mul3A_0 = arith.muli %arg1, %mul3A : i32
    %add3A = arith.addi %mul3A_0, %arg0 : i32
    %mul3A_1 = arith.constant 128 : i32
    %mul3A_2 = arith.muli %add3A, %mul3A_1 : i32
    "tpu.region"() ({
      %run_scoped3A = tpu.sem_alloc : memref<!tpu.dma_semaphore, #tpu.memory_space<semaphore_mem>>
      tpu.enqueue_dma source(%arg4 : memref<8192xf32, #tpu.memory_space<hbm>>) target(%arg11 : memref<8192xf32, #tpu.memory_space<vmem>>) target_semaphore(%run_scoped3A : memref<!tpu.dma_semaphore, #tpu.memory_space<semaphore_mem>>)
      tpu.wait_dma2 semaphore(%run_scoped3A : memref<!tpu.dma_semaphore, #tpu.memory_space<semaphore_mem>>) src(%arg4 : memref<8192xf32, #tpu.memory_space<hbm>>) dst(%arg11 : memref<8192xf32, #tpu.memory_space<vmem>>)
      tpu.yield
    }) : () -> ()
    "tpu.region"() ({
      %run_scoped3A = tpu.sem_alloc : memref<!tpu.dma_semaphore, #tpu.memory_space<semaphore_mem>>
      tpu.enqueue_dma source(%arg5 : memref<8192xf32, #tpu.memory_space<hbm>>) target(%arg12 : memref<8192xf32, #tpu.memory_space<vmem>>) target_semaphore(%run_scoped3A : memref<!tpu.dma_semaphore, #tpu.memory_space<semaphore_mem>>)
      tpu.wait_dma2 semaphore(%run_scoped3A : memref<!tpu.dma_semaphore, #tpu.memory_space<semaphore_mem>>) src(%arg5 : memref<8192xf32, #tpu.memory_space<hbm>>) dst(%arg12 : memref<8192xf32, #tpu.memory_space<vmem>>)
      tpu.yield
    }) : () -> ()
    "tpu.region"() ({
      %run_scoped3A = tpu.sem_alloc : memref<!tpu.dma_semaphore, #tpu.memory_space<semaphore_mem>>
      tpu.enqueue_dma source(%arg6 : memref<8192xf32, #tpu.memory_space<hbm>>) target(%arg13 : memref<8192xf32, #tpu.memory_space<vmem>>) target_semaphore(%run_scoped3A : memref<!tpu.dma_semaphore, #tpu.memory_space<semaphore_mem>>)
      tpu.wait_dma2 semaphore(%run_scoped3A : memref<!tpu.dma_semaphore, #tpu.memory_space<semaphore_mem>>) src(%arg6 : memref<8192xf32, #tpu.memory_space<hbm>>) dst(%arg13 : memref<8192xf32, #tpu.memory_space<vmem>>)
      tpu.yield
    }) : () -> ()
    %mul3A_3 = arith.constant 16 : i32
    %mul3A_4 = arith.muli %mul3A_2, %mul3A_3 : i32
    "tpu.region"() ({
      %run_scoped3A = tpu.sem_alloc : memref<!tpu.dma_semaphore, #tpu.memory_space<semaphore_mem>>
      %dma_start3A_51 = tpu.memref_slice %arg3[%mul3A_4] : memref<65536xf32, #tpu.memory_space<hbm>> -> memref<2048xf32, #tpu.memory_space<hbm>>
      %dma_start3A_52 = tpu.memref_slice %arg3[%mul3A_4] : memref<65536xf32, #tpu.memory_space<hbm>> -> memref<2048xf32, #tpu.memory_space<hbm>>
      tpu.enqueue_dma source(%dma_start3A_52 : memref<2048xf32, #tpu.memory_space<hbm>>) target(%arg16 : memref<2048xf32, #tpu.memory_space<vmem>>) target_semaphore(%run_scoped3A : memref<!tpu.dma_semaphore, #tpu.memory_space<semaphore_mem>>)
      %dma_wait3A_53 = tpu.memref_slice %arg3[%mul3A_4] : memref<65536xf32, #tpu.memory_space<hbm>> -> memref<2048xf32, #tpu.memory_space<hbm>>
      %dma_wait3A_54 = tpu.memref_slice %arg3[%mul3A_4] : memref<65536xf32, #tpu.memory_space<hbm>> -> memref<2048xf32, #tpu.memory_space<hbm>>
      tpu.wait_dma2 semaphore(%run_scoped3A : memref<!tpu.dma_semaphore, #tpu.memory_space<semaphore_mem>>) src(%dma_wait3A_54 : memref<2048xf32, #tpu.memory_space<hbm>>) dst(%arg16 : memref<2048xf32, #tpu.memory_space<vmem>>)
      tpu.yield
    }) : () -> ()
    %iota3A = tpu.iota {dimensions = array<i32: 0>} : vector<16xi32>
    %broadcast_in_dim3A = arith.constant 0 : i32
    %broadcast_in_dim3A_5 = vector.broadcast %broadcast_in_dim3A : i32 to vector<16xi32>
    %add3A_6 = arith.constant 0 : i32
    %add3A_7 = arith.addi %mul3A_2, %add3A_6 : i32
    %dma_start3A = arith.constant 0 : i32
    %dma_start3A_8 = tpu.memref_slice %arg2[%add3A_7, %dma_start3A] : memref<4096x8192xf32, #tpu.memory_space<hbm>> -> memref<1x8192xf32, #tpu.memory_space<hbm>>
    %dma_start3A_9 = tpu.memref_squeeze %dma_start3A_8 : memref<1x8192xf32, #tpu.memory_space<hbm>> -> memref<8192xf32, #tpu.memory_space<hbm>>
    %dma_start3A_10 = arith.constant 0 : i32
    %dma_start3A_11 = tpu.memref_slice %arg2[%add3A_7, %dma_start3A_10] : memref<4096x8192xf32, #tpu.memory_space<hbm>> -> memref<1x8192xf32, #tpu.memory_space<hbm>>
    %dma_start3A_12 = tpu.memref_squeeze %dma_start3A_11 : memref<1x8192xf32, #tpu.memory_space<hbm>> -> memref<8192xf32, #tpu.memory_space<hbm>>
    tpu.enqueue_dma source(%dma_start3A_12 : memref<8192xf32, #tpu.memory_space<hbm>>) target(%arg14 : memref<8192xf32, #tpu.memory_space<vmem>>) target_semaphore(%arg18 : memref<!tpu.dma_semaphore, #tpu.memory_space<semaphore_mem>>)
    %scan3A = arith.constant 0 : i32
    %scan3A_13 = arith.constant 0 : i32
    %scan3A_14 = arith.constant 32 : i32
    %scan3A_15 = arith.addi %scan3A_13, %scan3A_14 : i32
    %scan3A_16 = arith.constant 1 : i32
    %scan3A_17 = scf.for %scan3A_51 = %scan3A_13 to %scan3A_15 step %scan3A_16 iter_args(%scan3A_52 = %scan3A) -> (i32)  : i32 {
      %mul3A_53 = arith.constant 2 : i32
      %mul3A_54 = arith.muli %mul3A_53, %scan3A_51 : i32
      %dma_wait3A_55 = arith.constant 0 : i32
      %dma_wait3A_56 = arith.constant 0 : i32
      %dma_wait3A_57 = tpu.memref_slice %arg2[%dma_wait3A_55, %dma_wait3A_56] : memref<4096x8192xf32, #tpu.memory_space<hbm>> -> memref<1x8192xf32, #tpu.memory_space<hbm>>
      %dma_wait3A_58 = tpu.memref_squeeze %dma_wait3A_57 : memref<1x8192xf32, #tpu.memory_space<hbm>> -> memref<8192xf32, #tpu.memory_space<hbm>>
      %dma_wait3A_59 = arith.constant 0 : i32
      %dma_wait3A_60 = tpu.memref_slice %arg2[%dma_wait3A_55, %dma_wait3A_59] : memref<4096x8192xf32, #tpu.memory_space<hbm>> -> memref<1x8192xf32, #tpu.memory_space<hbm>>
      %dma_wait3A_61 = tpu.memref_squeeze %dma_wait3A_60 : memref<1x8192xf32, #tpu.memory_space<hbm>> -> memref<8192xf32, #tpu.memory_space<hbm>>
      tpu.wait_dma2 semaphore(%arg18 : memref<!tpu.dma_semaphore, #tpu.memory_space<semaphore_mem>>) src(%dma_wait3A_61 : memref<8192xf32, #tpu.memory_space<hbm>>) dst(%arg14 : memref<8192xf32, #tpu.memory_space<vmem>>)
      %add3A_62 = arith.addi %add3A_7, %mul3A_54 : i32
      %add3A_63 = arith.constant 1 : i32
      %add3A_64 = arith.addi %add3A_62, %add3A_63 : i32
      %dma_start3A_65 = arith.constant 0 : i32
      %dma_start3A_66 = tpu.memref_slice %arg2[%add3A_64, %dma_start3A_65] : memref<4096x8192xf32, #tpu.memory_space<hbm>> -> memref<1x8192xf32, #tpu.memory_space<hbm>>
      %dma_start3A_67 = tpu.memref_squeeze %dma_start3A_66 : memref<1x8192xf32, #tpu.memory_space<hbm>> -> memref<8192xf32, #tpu.memory_space<hbm>>
      %dma_start3A_68 = arith.constant 0 : i32
      %dma_start3A_69 = tpu.memref_slice %arg2[%add3A_64, %dma_start3A_68] : memref<4096x8192xf32, #tpu.memory_space<hbm>> -> memref<1x8192xf32, #tpu.memory_space<hbm>>
      %dma_start3A_70 = tpu.memref_squeeze %dma_start3A_69 : memref<1x8192xf32, #tpu.memory_space<hbm>> -> memref<8192xf32, #tpu.memory_space<hbm>>
      tpu.enqueue_dma source(%dma_start3A_70 : memref<8192xf32, #tpu.memory_space<hbm>>) target(%arg15 : memref<8192xf32, #tpu.memory_space<vmem>>) target_semaphore(%arg19 : memref<!tpu.dma_semaphore, #tpu.memory_space<semaphore_mem>>)
      %add3A_71 = arith.constant 0 : i32
      %add3A_72 = arith.addi %add3A_71, %mul3A_54 : i32
      %mul3A_73 = arith.constant 16 : i32
      %mul3A_74 = arith.muli %add3A_72, %mul3A_73 : i32
      %get3A = arith.index_cast %mul3A_74 : i32 to index
      %get3A_75 = tpu.vector_load %arg16[%get3A] {strides = array<i32>} : memref<2048xf32, #tpu.memory_space<vmem>>, vector<16xf32>,
      %parallel_loop3A = arith.constant 0 : i32
      %parallel_loop3A_76 = arith.constant 512 : i32
      %parallel_loop3A_77 = arith.constant 1 : i32
      %parallel_loop3A_78 = scf.for %parallel_loop3A_504 = %parallel_loop3A to %parallel_loop3A_76 step %parallel_loop3A_77 iter_args(%parallel_loop3A_505 = %broadcast_in_dim3A_5) -> (vector<16xi32>)  : i32 {
        %parallel_loop3A_506 = arith.constant 16 : i32
        %parallel_loop3A_507 = arith.muli %parallel_loop3A_504, %parallel_loop3A_506 : i32
        %parallel_loop3A_508 = arith.index_cast %parallel_loop3A_507 : i32 to index
        %parallel_loop3A_509 = tpu.vector_load %arg14[%parallel_loop3A_508] {strides = array<i32>} : memref<8192xf32, #tpu.memory_space<vmem>>, vector<16xf32>,
        %parallel_loop3A_510 = arith.cmpf oge, %parallel_loop3A_509, %get3A_75 : vector<16xf32>
        %parallel_loop3A_511 = arith.extui %parallel_loop3A_510 : vector<16xi1> to vector<16xi32>
        %parallel_loop3A_512 = arith.constant true
        %parallel_loop3A_513 = vector.broadcast %parallel_loop3A_512 : i1 to vector<16xi1>
        %parallel_loop3A_514 = tpu.scan <sum>, %parallel_loop3A_511 masked %parallel_loop3A_513 : vector<16xi32>, vector<16xi1> -> vector<16xi32>
        %parallel_loop3A_515 = arith.addi %parallel_loop3A_505, %parallel_loop3A_514 : vector<16xi32>
        %parallel_loop3A_516 = arith.constant 1 : i32
        %parallel_loop3A_517 = vector.broadcast %parallel_loop3A_516 : i32 to vector<16xi32>
        %parallel_loop3A_518 = arith.subi %parallel_loop3A_515, %parallel_loop3A_517 : vector<16xi32>
        %parallel_loop3A_519 = arith.constant 136 : i32
        %parallel_loop3A_520 = vector.broadcast %parallel_loop3A_519 : i32 to vector<16xi32>
        %parallel_loop3A_521 = arith.minsi %parallel_loop3A_518, %parallel_loop3A_520 : vector<16xi32>
        %parallel_loop3A_522 = vector.broadcast %parallel_loop3A_507 : i32 to vector<16xi32>
        %parallel_loop3A_523 = arith.addi %iota3A, %parallel_loop3A_522 : vector<16xi32>
        tpu.vector_store_idx %arg17[%parallel_loop3A_521], %parallel_loop3A_523 masked %parallel_loop3A_510 : memref<144xi32, #tpu.memory_space<vmem>>[vector<16xi32>], vector<16xi32>, vector<16xi1>
        %parallel_loop3A_524 = tpu.all_reduce %parallel_loop3A_510 {dim = 0 : i64, kind = #tpu.reduction_kind<sum>} : vector<16xi1> -> vector<16xi32>
        %parallel_loop3A_525 = arith.addi %parallel_loop3A_505, %parallel_loop3A_524 : vector<16xi32>
        scf.yield %parallel_loop3A_525 : vector<16xi32>
      } {sc.loop_unroll_factor = 8 : i64, sc.parallel_access}
      %get3A_79 = arith.constant 0 : index
      %get3A_80 = tpu.vector_load %arg17[%get3A_79] {strides = array<i32>} : memref<144xi32, #tpu.memory_space<vmem>>, vector<16xi32>,
      %add3A_81 = arith.constant 0 : i32
      %add3A_82 = vector.broadcast %add3A_81 : i32 to vector<16xi32>
      %add3A_83 = arith.addi %iota3A, %add3A_82 : vector<16xi32>
      %lt3A = arith.cmpi slt, %add3A_83, %parallel_loop3A_78 : vector<16xi32>
      %gather3A = tpu.vector_load_idx %arg14[%get3A_80] masked %lt3A : memref<8192xf32, #tpu.memory_space<vmem>>[vector<16xi32>], vector<16xf32>, vector<16xi1>
      %mul3A_84 = arith.constant 128 : i32
      %mul3A_85 = arith.muli %mul3A_54, %mul3A_84 : i32
      %add3A_86 = arith.constant 0 : i32
      %add3A_87 = arith.addi %mul3A_85, %add3A_86 : i32
      %jit3A = arith.constant -3.000000e+00 : f32
      %broadcast_in_dim3A_88 = vector.broadcast %jit3A : f32 to vector<16xf32>
      %select_n3A = arith.select %lt3A, %gather3A, %broadcast_in_dim3A_88 : vector<16xi1>, vector<16xf32>
      %swap3A = arith.index_cast %add3A_87 : i32 to index
      %swap3A_89 = tpu.vector_load %arg20[%swap3A] {strides = array<i32>} : memref<8192xf32, #tpu.memory_space<vmem>>, vector<16xf32>,
      tpu.vector_store %arg20[%swap3A], %select_n3A {strides = array<i32>} : memref<8192xf32, #tpu.memory_space<vmem>>, vector<16xf32>,
      %gather3A_90 = tpu.vector_load_idx %arg11[%get3A_80] masked %lt3A : memref<8192xf32, #tpu.memory_space<vmem>>[vector<16xi32>], vector<16xf32>, vector<16xi1>
      %swap3A_91 = arith.index_cast %add3A_87 : i32 to index
      %swap3A_92 = tpu.vector_load %arg21[%swap3A_91] {strides = array<i32>} : memref<8192xf32, #tpu.memory_space<vmem>>, vector<16xf32>,
      tpu.vector_store %arg21[%swap3A_91], %gather3A_90 {strides = array<i32>} : memref<8192xf32, #tpu.memory_space<vmem>>, vector<16xf32>,
      %gather3A_93 = tpu.vector_load_idx %arg12[%get3A_80] masked %lt3A : memref<8192xf32, #tpu.memory_space<vmem>>[vector<16xi32>], vector<16xf32>, vector<16xi1>
      %swap3A_94 = arith.index_cast %add3A_87 : i32 to index
      %swap3A_95 = tpu.vector_load %arg22[%swap3A_94] {strides = array<i32>} : memref<8192xf32, #tpu.memory_space<vmem>>, vector<16xf32>,
      tpu.vector_store %arg22[%swap3A_94], %gather3A_93 {strides = array<i32>} : memref<8192xf32, #tpu.memory_space<vmem>>, vector<16xf32>,
      %gather3A_96 = tpu.vector_load_idx %arg13[%get3A_80] masked %lt3A : memref<8192xf32, #tpu.memory_space<vmem>>[vector<16xi32>], vector<16xf32>, vector<16xi1>
      %swap3A_97 = arith.index_cast %add3A_87 : i32 to index
      %swap3A_98 = tpu.vector_load %arg23[%swap3A_97] {strides = array<i32>} : memref<8192xf32, #tpu.memory_space<vmem>>, vector<16xf32>,
      tpu.vector_store %arg23[%swap3A_97], %gather3A_96 {strides = array<i32>} : memref<8192xf32, #tpu.memory_space<vmem>>, vector<16xf32>,
      %get3A_99 = arith.constant 16 : index
      %get3A_100 = tpu.vector_load %arg17[%get3A_99] {strides = array<i32>} : memref<144xi32, #tpu.memory_space<vmem>>, vector<16xi32>,
      %add3A_101 = arith.constant 16 : i32
      %add3A_102 = vector.broadcast %add3A_101 : i32 to vector<16xi32>
      %add3A_103 = arith.addi %iota3A, %add3A_102 : vector<16xi32>
      %lt3A_104 = arith.cmpi slt, %add3A_103, %parallel_loop3A_78 : vector<16xi32>
      %gather3A_105 = tpu.vector_load_idx %arg14[%get3A_100] masked %lt3A_104 : memref<8192xf32, #tpu.memory_space<vmem>>[vector<16xi32>], vector<16xf32>, vector<16xi1>
      %mul3A_106 = arith.constant 128 : i32
      %mul3A_107 = arith.muli %mul3A_54, %mul3A_106 : i32
      %add3A_108 = arith.constant 16 : i32
      %add3A_109 = arith.addi %mul3A_107, %add3A_108 : i32
      %jit3A_110 = arith.constant -3.000000e+00 : f32
      %broadcast_in_dim3A_111 = vector.broadcast %jit3A_110 : f32 to vector<16xf32>
      %select_n3A_112 = arith.select %lt3A_104, %gather3A_105, %broadcast_in_dim3A_111 : vector<16xi1>, vector<16xf32>
      %swap3A_113 = arith.index_cast %add3A_109 : i32 to index
      %swap3A_114 = tpu.vector_load %arg20[%swap3A_113] {strides = array<i32>} : memref<8192xf32, #tpu.memory_space<vmem>>, vector<16xf32>,
      tpu.vector_store %arg20[%swap3A_113], %select_n3A_112 {strides = array<i32>} : memref<8192xf32, #tpu.memory_space<vmem>>, vector<16xf32>,
      %gather3A_115 = tpu.vector_load_idx %arg11[%get3A_100] masked %lt3A_104 : memref<8192xf32, #tpu.memory_space<vmem>>[vector<16xi32>], vector<16xf32>, vector<16xi1>
      %swap3A_116 = arith.index_cast %add3A_109 : i32 to index
      %swap3A_117 = tpu.vector_load %arg21[%swap3A_116] {strides = array<i32>} : memref<8192xf32, #tpu.memory_space<vmem>>, vector<16xf32>,
      tpu.vector_store %arg21[%swap3A_116], %gather3A_115 {strides = array<i32>} : memref<8192xf32, #tpu.memory_space<vmem>>, vector<16xf32>,
      %gather3A_118 = tpu.vector_load_idx %arg12[%get3A_100] masked %lt3A_104 : memref<8192xf32, #tpu.memory_space<vmem>>[vector<16xi32>], vector<16xf32>, vector<16xi1>
      %swap3A_119 = arith.index_cast %add3A_109 : i32 to index
      %swap3A_120 = tpu.vector_load %arg22[%swap3A_119] {strides = array<i32>} : memref<8192xf32, #tpu.memory_space<vmem>>, vector<16xf32>,
      tpu.vector_store %arg22[%swap3A_119], %gather3A_118 {strides = array<i32>} : memref<8192xf32, #tpu.memory_space<vmem>>, vector<16xf32>,
      %gather3A_121 = tpu.vector_load_idx %arg13[%get3A_100] masked %lt3A_104 : memref<8192xf32, #tpu.memory_space<vmem>>[vector<16xi32>], vector<16xf32>, vector<16xi1>
      %swap3A_122 = arith.index_cast %add3A_109 : i32 to index
      %swap3A_123 = tpu.vector_load %arg23[%swap3A_122] {strides = array<i32>} : memref<8192xf32, #tpu.memory_space<vmem>>, vector<16xf32>,
      tpu.vector_store %arg23[%swap3A_122], %gather3A_121 {strides = array<i32>} : memref<8192xf32, #tpu.memory_space<vmem>>, vector<16xf32>,
      %get3A_124 = arith.constant 32 : index
      %get3A_125 = tpu.vector_load %arg17[%get3A_124] {strides = array<i32>} : memref<144xi32, #tpu.memory_space<vmem>>, vector<16xi32>,
      %add3A_126 = arith.constant 32 : i32
      %add3A_127 = vector.broadcast %add3A_126 : i32 to vector<16xi32>
      %add3A_128 = arith.addi %iota3A, %add3A_127 : vector<16xi32>
      %lt3A_129 = arith.cmpi slt, %add3A_128, %parallel_loop3A_78 : vector<16xi32>
      %gather3A_130 = tpu.vector_load_idx %arg14[%get3A_125] masked %lt3A_129 : memref<8192xf32, #tpu.memory_space<vmem>>[vector<16xi32>], vector<16xf32>, vector<16xi1>
      %mul3A_131 = arith.constant 128 : i32
      %mul3A_132 = arith.muli %mul3A_54, %mul3A_131 : i32
      %add3A_133 = arith.constant 32 : i32
      %add3A_134 = arith.addi %mul3A_132, %add3A_133 : i32
      %jit3A_135 = arith.constant -3.000000e+00 : f32
      %broadcast_in_dim3A_136 = vector.broadcast %jit3A_135 : f32 to vector<16xf32>
      %select_n3A_137 = arith.select %lt3A_129, %gather3A_130, %broadcast_in_dim3A_136 : vector<16xi1>, vector<16xf32>
      %swap3A_138 = arith.index_cast %add3A_134 : i32 to index
      %swap3A_139 = tpu.vector_load %arg20[%swap3A_138] {strides = array<i32>} : memref<8192xf32, #tpu.memory_space<vmem>>, vector<16xf32>,
      tpu.vector_store %arg20[%swap3A_138], %select_n3A_137 {strides = array<i32>} : memref<8192xf32, #tpu.memory_space<vmem>>, vector<16xf32>,
      %gather3A_140 = tpu.vector_load_idx %arg11[%get3A_125] masked %lt3A_129 : memref<8192xf32, #tpu.memory_space<vmem>>[vector<16xi32>], vector<16xf32>, vector<16xi1>
      %swap3A_141 = arith.index_cast %add3A_134 : i32 to index
      %swap3A_142 = tpu.vector_load %arg21[%swap3A_141] {strides = array<i32>} : memref<8192xf32, #tpu.memory_space<vmem>>, vector<16xf32>,
      tpu.vector_store %arg21[%swap3A_141], %gather3A_140 {strides = array<i32>} : memref<8192xf32, #tpu.memory_space<vmem>>, vector<16xf32>,
      %gather3A_143 = tpu.vector_load_idx %arg12[%get3A_125] masked %lt3A_129 : memref<8192xf32, #tpu.memory_space<vmem>>[vector<16xi32>], vector<16xf32>, vector<16xi1>
      %swap3A_144 = arith.index_cast %add3A_134 : i32 to index
      %swap3A_145 = tpu.vector_load %arg22[%swap3A_144] {strides = array<i32>} : memref<8192xf32, #tpu.memory_space<vmem>>, vector<16xf32>,
      tpu.vector_store %arg22[%swap3A_144], %gather3A_143 {strides = array<i32>} : memref<8192xf32, #tpu.memory_space<vmem>>, vector<16xf32>,
      %gather3A_146 = tpu.vector_load_idx %arg13[%get3A_125] masked %lt3A_129 : memref<8192xf32, #tpu.memory_space<vmem>>[vector<16xi32>], vector<16xf32>, vector<16xi1>
      %swap3A_147 = arith.index_cast %add3A_134 : i32 to index
      %swap3A_148 = tpu.vector_load %arg23[%swap3A_147] {strides = array<i32>} : memref<8192xf32, #tpu.memory_space<vmem>>, vector<16xf32>,
      tpu.vector_store %arg23[%swap3A_147], %gather3A_146 {strides = array<i32>} : memref<8192xf32, #tpu.memory_space<vmem>>, vector<16xf32>,
      %get3A_149 = arith.constant 48 : index
      %get3A_150 = tpu.vector_load %arg17[%get3A_149] {strides = array<i32>} : memref<144xi32, #tpu.memory_space<vmem>>, vector<16xi32>,
      %add3A_151 = arith.constant 48 : i32
      %add3A_152 = vector.broadcast %add3A_151 : i32 to vector<16xi32>
      %add3A_153 = arith.addi %iota3A, %add3A_152 : vector<16xi32>
      %lt3A_154 = arith.cmpi slt, %add3A_153, %parallel_loop3A_78 : vector<16xi32>
      %gather3A_155 = tpu.vector_load_idx %arg14[%get3A_150] masked %lt3A_154 : memref<8192xf32, #tpu.memory_space<vmem>>[vector<16xi32>], vector<16xf32>, vector<16xi1>
      %mul3A_156 = arith.constant 128 : i32
      %mul3A_157 = arith.muli %mul3A_54, %mul3A_156 : i32
      %add3A_158 = arith.constant 48 : i32
      %add3A_159 = arith.addi %mul3A_157, %add3A_158 : i32
      %jit3A_160 = arith.constant -3.000000e+00 : f32
      %broadcast_in_dim3A_161 = vector.broadcast %jit3A_160 : f32 to vector<16xf32>
      %select_n3A_162 = arith.select %lt3A_154, %gather3A_155, %broadcast_in_dim3A_161 : vector<16xi1>, vector<16xf32>
      %swap3A_163 = arith.index_cast %add3A_159 : i32 to index
      %swap3A_164 = tpu.vector_load %arg20[%swap3A_163] {strides = array<i32>} : memref<8192xf32, #tpu.memory_space<vmem>>, vector<16xf32>,
      tpu.vector_store %arg20[%swap3A_163], %select_n3A_162 {strides = array<i32>} : memref<8192xf32, #tpu.memory_space<vmem>>, vector<16xf32>,
      %gather3A_165 = tpu.vector_load_idx %arg11[%get3A_150] masked %lt3A_154 : memref<8192xf32, #tpu.memory_space<vmem>>[vector<16xi32>], vector<16xf32>, vector<16xi1>
      %swap3A_166 = arith.index_cast %add3A_159 : i32 to index
      %swap3A_167 = tpu.vector_load %arg21[%swap3A_166] {strides = array<i32>} : memref<8192xf32, #tpu.memory_space<vmem>>, vector<16xf32>,
      tpu.vector_store %arg21[%swap3A_166], %gather3A_165 {strides = array<i32>} : memref<8192xf32, #tpu.memory_space<vmem>>, vector<16xf32>,
      %gather3A_168 = tpu.vector_load_idx %arg12[%get3A_150] masked %lt3A_154 : memref<8192xf32, #tpu.memory_space<vmem>>[vector<16xi32>], vector<16xf32>, vector<16xi1>
      %swap3A_169 = arith.index_cast %add3A_159 : i32 to index
      %swap3A_170 = tpu.vector_load %arg22[%swap3A_169] {strides = array<i32>} : memref<8192xf32, #tpu.memory_space<vmem>>, vector<16xf32>,
      tpu.vector_store %arg22[%swap3A_169], %gather3A_168 {strides = array<i32>} : memref<8192xf32, #tpu.memory_space<vmem>>, vector<16xf32>,
      %gather3A_171 = tpu.vector_load_idx %arg13[%get3A_150] masked %lt3A_154 : memref<8192xf32, #tpu.memory_space<vmem>>[vector<16xi32>], vector<16xf32>, vector<16xi1>
      %swap3A_172 = arith.index_cast %add3A_159 : i32 to index
      %swap3A_173 = tpu.vector_load %arg23[%swap3A_172] {strides = array<i32>} : memref<8192xf32, #tpu.memory_space<vmem>>, vector<16xf32>,
      tpu.vector_store %arg23[%swap3A_172], %gather3A_171 {strides = array<i32>} : memref<8192xf32, #tpu.memory_space<vmem>>, vector<16xf32>,
      %get3A_174 = arith.constant 64 : index
      %get3A_175 = tpu.vector_load %arg17[%get3A_174] {strides = array<i32>} : memref<144xi32, #tpu.memory_space<vmem>>, vector<16xi32>,
      %add3A_176 = arith.constant 64 : i32
      %add3A_177 = vector.broadcast %add3A_176 : i32 to vector<16xi32>
      %add3A_178 = arith.addi %iota3A, %add3A_177 : vector<16xi32>
      %lt3A_179 = arith.cmpi slt, %add3A_178, %parallel_loop3A_78 : vector<16xi32>
      %gather3A_180 = tpu.vector_load_idx %arg14[%get3A_175] masked %lt3A_179 : memref<8192xf32, #tpu.memory_space<vmem>>[vector<16xi32>], vector<16xf32>, vector<16xi1>
      %mul3A_181 = arith.constant 128 : i32
      %mul3A_182 = arith.muli %mul3A_54, %mul3A_181 : i32
      %add3A_183 = arith.constant 64 : i32
      %add3A_184 = arith.addi %mul3A_182, %add3A_183 : i32
      %jit3A_185 = arith.constant -3.000000e+00 : f32
      %broadcast_in_dim3A_186 = vector.broadcast %jit3A_185 : f32 to vector<16xf32>
      %select_n3A_187 = arith.select %lt3A_179, %gather3A_180, %broadcast_in_dim3A_186 : vector<16xi1>, vector<16xf32>
      %swap3A_188 = arith.index_cast %add3A_184 : i32 to index
      %swap3A_189 = tpu.vector_load %arg20[%swap3A_188] {strides = array<i32>} : memref<8192xf32, #tpu.memory_space<vmem>>, vector<16xf32>,
      tpu.vector_store %arg20[%swap3A_188], %select_n3A_187 {strides = array<i32>} : memref<8192xf32, #tpu.memory_space<vmem>>, vector<16xf32>,
      %gather3A_190 = tpu.vector_load_idx %arg11[%get3A_175] masked %lt3A_179 : memref<8192xf32, #tpu.memory_space<vmem>>[vector<16xi32>], vector<16xf32>, vector<16xi1>
      %swap3A_191 = arith.index_cast %add3A_184 : i32 to index
      %swap3A_192 = tpu.vector_load %arg21[%swap3A_191] {strides = array<i32>} : memref<8192xf32, #tpu.memory_space<vmem>>, vector<16xf32>,
      tpu.vector_store %arg21[%swap3A_191], %gather3A_190 {strides = array<i32>} : memref<8192xf32, #tpu.memory_space<vmem>>, vector<16xf32>,
      %gather3A_193 = tpu.vector_load_idx %arg12[%get3A_175] masked %lt3A_179 : memref<8192xf32, #tpu.memory_space<vmem>>[vector<16xi32>], vector<16xf32>, vector<16xi1>
      %swap3A_194 = arith.index_cast %add3A_184 : i32 to index
      %swap3A_195 = tpu.vector_load %arg22[%swap3A_194] {strides = array<i32>} : memref<8192xf32, #tpu.memory_space<vmem>>, vector<16xf32>,
      tpu.vector_store %arg22[%swap3A_194], %gather3A_193 {strides = array<i32>} : memref<8192xf32, #tpu.memory_space<vmem>>, vector<16xf32>,
      %gather3A_196 = tpu.vector_load_idx %arg13[%get3A_175] masked %lt3A_179 : memref<8192xf32, #tpu.memory_space<vmem>>[vector<16xi32>], vector<16xf32>, vector<16xi1>
      %swap3A_197 = arith.index_cast %add3A_184 : i32 to index
      %swap3A_198 = tpu.vector_load %arg23[%swap3A_197] {strides = array<i32>} : memref<8192xf32, #tpu.memory_space<vmem>>, vector<16xf32>,
      tpu.vector_store %arg23[%swap3A_197], %gather3A_196 {strides = array<i32>} : memref<8192xf32, #tpu.memory_space<vmem>>, vector<16xf32>,
      %get3A_199 = arith.constant 80 : index
      %get3A_200 = tpu.vector_load %arg17[%get3A_199] {strides = array<i32>} : memref<144xi32, #tpu.memory_space<vmem>>, vector<16xi32>,
      %add3A_201 = arith.constant 80 : i32
      %add3A_202 = vector.broadcast %add3A_201 : i32 to vector<16xi32>
      %add3A_203 = arith.addi %iota3A, %add3A_202 : vector<16xi32>
      %lt3A_204 = arith.cmpi slt, %add3A_203, %parallel_loop3A_78 : vector<16xi32>
      %gather3A_205 = tpu.vector_load_idx %arg14[%get3A_200] masked %lt3A_204 : memref<8192xf32, #tpu.memory_space<vmem>>[vector<16xi32>], vector<16xf32>, vector<16xi1>
      %mul3A_206 = arith.constant 128 : i32
      %mul3A_207 = arith.muli %mul3A_54, %mul3A_206 : i32
      %add3A_208 = arith.constant 80 : i32
      %add3A_209 = arith.addi %mul3A_207, %add3A_208 : i32
      %jit3A_210 = arith.constant -3.000000e+00 : f32
      %broadcast_in_dim3A_211 = vector.broadcast %jit3A_210 : f32 to vector<16xf32>
      %select_n3A_212 = arith.select %lt3A_204, %gather3A_205, %broadcast_in_dim3A_211 : vector<16xi1>, vector<16xf32>
      %swap3A_213 = arith.index_cast %add3A_209 : i32 to index
      %swap3A_214 = tpu.vector_load %arg20[%swap3A_213] {strides = array<i32>} : memref<8192xf32, #tpu.memory_space<vmem>>, vector<16xf32>,
      tpu.vector_store %arg20[%swap3A_213], %select_n3A_212 {strides = array<i32>} : memref<8192xf32, #tpu.memory_space<vmem>>, vector<16xf32>,
      %gather3A_215 = tpu.vector_load_idx %arg11[%get3A_200] masked %lt3A_204 : memref<8192xf32, #tpu.memory_space<vmem>>[vector<16xi32>], vector<16xf32>, vector<16xi1>
      %swap3A_216 = arith.index_cast %add3A_209 : i32 to index
      %swap3A_217 = tpu.vector_load %arg21[%swap3A_216] {strides = array<i32>} : memref<8192xf32, #tpu.memory_space<vmem>>, vector<16xf32>,
      tpu.vector_store %arg21[%swap3A_216], %gather3A_215 {strides = array<i32>} : memref<8192xf32, #tpu.memory_space<vmem>>, vector<16xf32>,
      %gather3A_218 = tpu.vector_load_idx %arg12[%get3A_200] masked %lt3A_204 : memref<8192xf32, #tpu.memory_space<vmem>>[vector<16xi32>], vector<16xf32>, vector<16xi1>
      %swap3A_219 = arith.index_cast %add3A_209 : i32 to index
      %swap3A_220 = tpu.vector_load %arg22[%swap3A_219] {strides = array<i32>} : memref<8192xf32, #tpu.memory_space<vmem>>, vector<16xf32>,
      tpu.vector_store %arg22[%swap3A_219], %gather3A_218 {strides = array<i32>} : memref<8192xf32, #tpu.memory_space<vmem>>, vector<16xf32>,
      %gather3A_221 = tpu.vector_load_idx %arg13[%get3A_200] masked %lt3A_204 : memref<8192xf32, #tpu.memory_space<vmem>>[vector<16xi32>], vector<16xf32>, vector<16xi1>
      %swap3A_222 = arith.index_cast %add3A_209 : i32 to index
      %swap3A_223 = tpu.vector_load %arg23[%swap3A_222] {strides = array<i32>} : memref<8192xf32, #tpu.memory_space<vmem>>, vector<16xf32>,
      tpu.vector_store %arg23[%swap3A_222], %gather3A_221 {strides = array<i32>} : memref<8192xf32, #tpu.memory_space<vmem>>, vector<16xf32>,
      %get3A_224 = arith.constant 96 : index
      %get3A_225 = tpu.vector_load %arg17[%get3A_224] {strides = array<i32>} : memref<144xi32, #tpu.memory_space<vmem>>, vector<16xi32>,
      %add3A_226 = arith.constant 96 : i32
      %add3A_227 = vector.broadcast %add3A_226 : i32 to vector<16xi32>
      %add3A_228 = arith.addi %iota3A, %add3A_227 : vector<16xi32>
      %lt3A_229 = arith.cmpi slt, %add3A_228, %parallel_loop3A_78 : vector<16xi32>
      %gather3A_230 = tpu.vector_load_idx %arg14[%get3A_225] masked %lt3A_229 : memref<8192xf32, #tpu.memory_space<vmem>>[vector<16xi32>], vector<16xf32>, vector<16xi1>
      %mul3A_231 = arith.constant 128 : i32
      %mul3A_232 = arith.muli %mul3A_54, %mul3A_231 : i32
      %add3A_233 = arith.constant 96 : i32
      %add3A_234 = arith.addi %mul3A_232, %add3A_233 : i32
      %jit3A_235 = arith.constant -3.000000e+00 : f32
      %broadcast_in_dim3A_236 = vector.broadcast %jit3A_235 : f32 to vector<16xf32>
      %select_n3A_237 = arith.select %lt3A_229, %gather3A_230, %broadcast_in_dim3A_236 : vector<16xi1>, vector<16xf32>
      %swap3A_238 = arith.index_cast %add3A_234 : i32 to index
      %swap3A_239 = tpu.vector_load %arg20[%swap3A_238] {strides = array<i32>} : memref<8192xf32, #tpu.memory_space<vmem>>, vector<16xf32>,
      tpu.vector_store %arg20[%swap3A_238], %select_n3A_237 {strides = array<i32>} : memref<8192xf32, #tpu.memory_space<vmem>>, vector<16xf32>,
      %gather3A_240 = tpu.vector_load_idx %arg11[%get3A_225] masked %lt3A_229 : memref<8192xf32, #tpu.memory_space<vmem>>[vector<16xi32>], vector<16xf32>, vector<16xi1>
      %swap3A_241 = arith.index_cast %add3A_234 : i32 to index
      %swap3A_242 = tpu.vector_load %arg21[%swap3A_241] {strides = array<i32>} : memref<8192xf32, #tpu.memory_space<vmem>>, vector<16xf32>,
      tpu.vector_store %arg21[%swap3A_241], %gather3A_240 {strides = array<i32>} : memref<8192xf32, #tpu.memory_space<vmem>>, vector<16xf32>,
      %gather3A_243 = tpu.vector_load_idx %arg12[%get3A_225] masked %lt3A_229 : memref<8192xf32, #tpu.memory_space<vmem>>[vector<16xi32>], vector<16xf32>, vector<16xi1>
      %swap3A_244 = arith.index_cast %add3A_234 : i32 to index
      %swap3A_245 = tpu.vector_load %arg22[%swap3A_244] {strides = array<i32>} : memref<8192xf32, #tpu.memory_space<vmem>>, vector<16xf32>,
      tpu.vector_store %arg22[%swap3A_244], %gather3A_243 {strides = array<i32>} : memref<8192xf32, #tpu.memory_space<vmem>>, vector<16xf32>,
      %gather3A_246 = tpu.vector_load_idx %arg13[%get3A_225] masked %lt3A_229 : memref<8192xf32, #tpu.memory_space<vmem>>[vector<16xi32>], vector<16xf32>, vector<16xi1>
      %swap3A_247 = arith.index_cast %add3A_234 : i32 to index
      %swap3A_248 = tpu.vector_load %arg23[%swap3A_247] {strides = array<i32>} : memref<8192xf32, #tpu.memory_space<vmem>>, vector<16xf32>,
      tpu.vector_store %arg23[%swap3A_247], %gather3A_246 {strides = array<i32>} : memref<8192xf32, #tpu.memory_space<vmem>>, vector<16xf32>,
      %get3A_249 = arith.constant 112 : index
      %get3A_250 = tpu.vector_load %arg17[%get3A_249] {strides = array<i32>} : memref<144xi32, #tpu.memory_space<vmem>>, vector<16xi32>,
      %add3A_251 = arith.constant 112 : i32
      %add3A_252 = vector.broadcast %add3A_251 : i32 to vector<16xi32>
      %add3A_253 = arith.addi %iota3A, %add3A_252 : vector<16xi32>
      %lt3A_254 = arith.cmpi slt, %add3A_253, %parallel_loop3A_78 : vector<16xi32>
      %gather3A_255 = tpu.vector_load_idx %arg14[%get3A_250] masked %lt3A_254 : memref<8192xf32, #tpu.memory_space<vmem>>[vector<16xi32>], vector<16xf32>, vector<16xi1>
      %mul3A_256 = arith.constant 128 : i32
      %mul3A_257 = arith.muli %mul3A_54, %mul3A_256 : i32
      %add3A_258 = arith.constant 112 : i32
      %add3A_259 = arith.addi %mul3A_257, %add3A_258 : i32
      %jit3A_260 = arith.constant -3.000000e+00 : f32
      %broadcast_in_dim3A_261 = vector.broadcast %jit3A_260 : f32 to vector<16xf32>
      %select_n3A_262 = arith.select %lt3A_254, %gather3A_255, %broadcast_in_dim3A_261 : vector<16xi1>, vector<16xf32>
      %swap3A_263 = arith.index_cast %add3A_259 : i32 to index
      %swap3A_264 = tpu.vector_load %arg20[%swap3A_263] {strides = array<i32>} : memref<8192xf32, #tpu.memory_space<vmem>>, vector<16xf32>,
      tpu.vector_store %arg20[%swap3A_263], %select_n3A_262 {strides = array<i32>} : memref<8192xf32, #tpu.memory_space<vmem>>, vector<16xf32>,
      %gather3A_265 = tpu.vector_load_idx %arg11[%get3A_250] masked %lt3A_254 : memref<8192xf32, #tpu.memory_space<vmem>>[vector<16xi32>], vector<16xf32>, vector<16xi1>
      %swap3A_266 = arith.index_cast %add3A_259 : i32 to index
      %swap3A_267 = tpu.vector_load %arg21[%swap3A_266] {strides = array<i32>} : memref<8192xf32, #tpu.memory_space<vmem>>, vector<16xf32>,
      tpu.vector_store %arg21[%swap3A_266], %gather3A_265 {strides = array<i32>} : memref<8192xf32, #tpu.memory_space<vmem>>, vector<16xf32>,
      %gather3A_268 = tpu.vector_load_idx %arg12[%get3A_250] masked %lt3A_254 : memref<8192xf32, #tpu.memory_space<vmem>>[vector<16xi32>], vector<16xf32>, vector<16xi1>
      %swap3A_269 = arith.index_cast %add3A_259 : i32 to index
      %swap3A_270 = tpu.vector_load %arg22[%swap3A_269] {strides = array<i32>} : memref<8192xf32, #tpu.memory_space<vmem>>, vector<16xf32>,
      tpu.vector_store %arg22[%swap3A_269], %gather3A_268 {strides = array<i32>} : memref<8192xf32, #tpu.memory_space<vmem>>, vector<16xf32>,
      %gather3A_271 = tpu.vector_load_idx %arg13[%get3A_250] masked %lt3A_254 : memref<8192xf32, #tpu.memory_space<vmem>>[vector<16xi32>], vector<16xf32>, vector<16xi1>
      %swap3A_272 = arith.index_cast %add3A_259 : i32 to index
      %swap3A_273 = tpu.vector_load %arg23[%swap3A_272] {strides = array<i32>} : memref<8192xf32, #tpu.memory_space<vmem>>, vector<16xf32>,
      tpu.vector_store %arg23[%swap3A_272], %gather3A_271 {strides = array<i32>} : memref<8192xf32, #tpu.memory_space<vmem>>, vector<16xf32>,
      %dma_wait3A_274 = arith.constant 0 : i32
      %dma_wait3A_275 = arith.constant 0 : i32
      %dma_wait3A_276 = tpu.memref_slice %arg2[%dma_wait3A_274, %dma_wait3A_275] : memref<4096x8192xf32, #tpu.memory_space<hbm>> -> memref<1x8192xf32, #tpu.memory_space<hbm>>
      %dma_wait3A_277 = tpu.memref_squeeze %dma_wait3A_276 : memref<1x8192xf32, #tpu.memory_space<hbm>> -> memref<8192xf32, #tpu.memory_space<hbm>>
      %dma_wait3A_278 = arith.constant 0 : i32
      %dma_wait3A_279 = tpu.memref_slice %arg2[%dma_wait3A_274, %dma_wait3A_278] : memref<4096x8192xf32, #tpu.memory_space<hbm>> -> memref<1x8192xf32, #tpu.memory_space<hbm>>
      %dma_wait3A_280 = tpu.memref_squeeze %dma_wait3A_279 : memref<1x8192xf32, #tpu.memory_space<hbm>> -> memref<8192xf32, #tpu.memory_space<hbm>>
      tpu.wait_dma2 semaphore(%arg19 : memref<!tpu.dma_semaphore, #tpu.memory_space<semaphore_mem>>) src(%dma_wait3A_280 : memref<8192xf32, #tpu.memory_space<hbm>>) dst(%arg15 : memref<8192xf32, #tpu.memory_space<vmem>>)
      %add3A_281 = arith.constant 2 : i32
      %add3A_282 = arith.addi %mul3A_54, %add3A_281 : i32
      %min3A = arith.constant 63 : i32
      %min3A_283 = arith.minsi %add3A_282, %min3A : i32
      %add3A_284 = arith.addi %add3A_7, %min3A_283 : i32
      %dma_start3A_285 = arith.constant 0 : i32
      %dma_start3A_286 = tpu.memref_slice %arg2[%add3A_284, %dma_start3A_285] : memref<4096x8192xf32, #tpu.memory_space<hbm>> -> memref<1x8192xf32, #tpu.memory_space<hbm>>
      %dma_start3A_287 = tpu.memref_squeeze %dma_start3A_286 : memref<1x8192xf32, #tpu.memory_space<hbm>> -> memref<8192xf32, #tpu.memory_space<hbm>>
      %dma_start3A_288 = arith.constant 0 : i32
      %dma_start3A_289 = tpu.memref_slice %arg2[%add3A_284, %dma_start3A_288] : memref<4096x8192xf32, #tpu.memory_space<hbm>> -> memref<1x8192xf32, #tpu.memory_space<hbm>>
      %dma_start3A_290 = tpu.memref_squeeze %dma_start3A_289 : memref<1x8192xf32, #tpu.memory_space<hbm>> -> memref<8192xf32, #tpu.memory_space<hbm>>
      tpu.enqueue_dma source(%dma_start3A_290 : memref<8192xf32, #tpu.memory_space<hbm>>) target(%arg14 : memref<8192xf32, #tpu.memory_space<vmem>>) target_semaphore(%arg18 : memref<!tpu.dma_semaphore, #tpu.memory_space<semaphore_mem>>)
      %add3A_291 = arith.constant 1 : i32
      %add3A_292 = arith.addi %mul3A_54, %add3A_291 : i32
      %add3A_293 = arith.constant 0 : i32
      %add3A_294 = arith.addi %add3A_293, %add3A_292 : i32
      %mul3A_295 = arith.constant 16 : i32
      %mul3A_296 = arith.muli %add3A_294, %mul3A_295 : i32
      %get3A_297 = arith.index_cast %mul3A_296 : i32 to index
      %get3A_298 = tpu.vector_load %arg16[%get3A_297] {strides = array<i32>} : memref<2048xf32, #tpu.memory_space<vmem>>, vector<16xf32>,
      %parallel_loop3A_299 = arith.constant 0 : i32
      %parallel_loop3A_300 = arith.constant 512 : i32
      %parallel_loop3A_301 = arith.constant 1 : i32
      %parallel_loop3A_302 = scf.for %parallel_loop3A_504 = %parallel_loop3A_299 to %parallel_loop3A_300 step %parallel_loop3A_301 iter_args(%parallel_loop3A_505 = %broadcast_in_dim3A_5) -> (vector<16xi32>)  : i32 {
        %parallel_loop3A_506 = arith.constant 16 : i32
        %parallel_loop3A_507 = arith.muli %parallel_loop3A_504, %parallel_loop3A_506 : i32
        %parallel_loop3A_508 = arith.index_cast %parallel_loop3A_507 : i32 to index
        %parallel_loop3A_509 = tpu.vector_load %arg15[%parallel_loop3A_508] {strides = array<i32>} : memref<8192xf32, #tpu.memory_space<vmem>>, vector<16xf32>,
        %parallel_loop3A_510 = arith.cmpf oge, %parallel_loop3A_509, %get3A_298 : vector<16xf32>
        %parallel_loop3A_511 = arith.extui %parallel_loop3A_510 : vector<16xi1> to vector<16xi32>
        %parallel_loop3A_512 = arith.constant true
        %parallel_loop3A_513 = vector.broadcast %parallel_loop3A_512 : i1 to vector<16xi1>
        %parallel_loop3A_514 = tpu.scan <sum>, %parallel_loop3A_511 masked %parallel_loop3A_513 : vector<16xi32>, vector<16xi1> -> vector<16xi32>
        %parallel_loop3A_515 = arith.addi %parallel_loop3A_505, %parallel_loop3A_514 : vector<16xi32>
        %parallel_loop3A_516 = arith.constant 1 : i32
        %parallel_loop3A_517 = vector.broadcast %parallel_loop3A_516 : i32 to vector<16xi32>
        %parallel_loop3A_518 = arith.subi %parallel_loop3A_515, %parallel_loop3A_517 : vector<16xi32>
        %parallel_loop3A_519 = arith.constant 136 : i32
        %parallel_loop3A_520 = vector.broadcast %parallel_loop3A_519 : i32 to vector<16xi32>
        %parallel_loop3A_521 = arith.minsi %parallel_loop3A_518, %parallel_loop3A_520 : vector<16xi32>
        %parallel_loop3A_522 = vector.broadcast %parallel_loop3A_507 : i32 to vector<16xi32>
        %parallel_loop3A_523 = arith.addi %iota3A, %parallel_loop3A_522 : vector<16xi32>
        tpu.vector_store_idx %arg17[%parallel_loop3A_521], %parallel_loop3A_523 masked %parallel_loop3A_510 : memref<144xi32, #tpu.memory_space<vmem>>[vector<16xi32>], vector<16xi32>, vector<16xi1>
        %parallel_loop3A_524 = tpu.all_reduce %parallel_loop3A_510 {dim = 0 : i64, kind = #tpu.reduction_kind<sum>} : vector<16xi1> -> vector<16xi32>
        %parallel_loop3A_525 = arith.addi %parallel_loop3A_505, %parallel_loop3A_524 : vector<16xi32>
        scf.yield %parallel_loop3A_525 : vector<16xi32>
      } {sc.loop_unroll_factor = 8 : i64, sc.parallel_access}
      %get3A_303 = arith.constant 0 : index
      %get3A_304 = tpu.vector_load %arg17[%get3A_303] {strides = array<i32>} : memref<144xi32, #tpu.memory_space<vmem>>, vector<16xi32>,
      %add3A_305 = arith.constant 0 : i32
      %add3A_306 = vector.broadcast %add3A_305 : i32 to vector<16xi32>
      %add3A_307 = arith.addi %iota3A, %add3A_306 : vector<16xi32>
      %lt3A_308 = arith.cmpi slt, %add3A_307, %parallel_loop3A_302 : vector<16xi32>
      %gather3A_309 = tpu.vector_load_idx %arg15[%get3A_304] masked %lt3A_308 : memref<8192xf32, #tpu.memory_space<vmem>>[vector<16xi32>], vector<16xf32>, vector<16xi1>
      %mul3A_310 = arith.constant 128 : i32
      %mul3A_311 = arith.muli %add3A_292, %mul3A_310 : i32
      %add3A_312 = arith.constant 0 : i32
      %add3A_313 = arith.addi %mul3A_311, %add3A_312 : i32
      %jit3A_314 = arith.constant -3.000000e+00 : f32
      %broadcast_in_dim3A_315 = vector.broadcast %jit3A_314 : f32 to vector<16xf32>
      %select_n3A_316 = arith.select %lt3A_308, %gather3A_309, %broadcast_in_dim3A_315 : vector<16xi1>, vector<16xf32>
      %swap3A_317 = arith.index_cast %add3A_313 : i32 to index
      %swap3A_318 = tpu.vector_load %arg20[%swap3A_317] {strides = array<i32>} : memref<8192xf32, #tpu.memory_space<vmem>>, vector<16xf32>,
      tpu.vector_store %arg20[%swap3A_317], %select_n3A_316 {strides = array<i32>} : memref<8192xf32, #tpu.memory_space<vmem>>, vector<16xf32>,
      %gather3A_319 = tpu.vector_load_idx %arg11[%get3A_304] masked %lt3A_308 : memref<8192xf32, #tpu.memory_space<vmem>>[vector<16xi32>], vector<16xf32>, vector<16xi1>
      %swap3A_320 = arith.index_cast %add3A_313 : i32 to index
      %swap3A_321 = tpu.vector_load %arg21[%swap3A_320] {strides = array<i32>} : memref<8192xf32, #tpu.memory_space<vmem>>, vector<16xf32>,
      tpu.vector_store %arg21[%swap3A_320], %gather3A_319 {strides = array<i32>} : memref<8192xf32, #tpu.memory_space<vmem>>, vector<16xf32>,
      %gather3A_322 = tpu.vector_load_idx %arg12[%get3A_304] masked %lt3A_308 : memref<8192xf32, #tpu.memory_space<vmem>>[vector<16xi32>], vector<16xf32>, vector<16xi1>
      %swap3A_323 = arith.index_cast %add3A_313 : i32 to index
      %swap3A_324 = tpu.vector_load %arg22[%swap3A_323] {strides = array<i32>} : memref<8192xf32, #tpu.memory_space<vmem>>, vector<16xf32>,
      tpu.vector_store %arg22[%swap3A_323], %gather3A_322 {strides = array<i32>} : memref<8192xf32, #tpu.memory_space<vmem>>, vector<16xf32>,
      %gather3A_325 = tpu.vector_load_idx %arg13[%get3A_304] masked %lt3A_308 : memref<8192xf32, #tpu.memory_space<vmem>>[vector<16xi32>], vector<16xf32>, vector<16xi1>
      %swap3A_326 = arith.index_cast %add3A_313 : i32 to index
      %swap3A_327 = tpu.vector_load %arg23[%swap3A_326] {strides = array<i32>} : memref<8192xf32, #tpu.memory_space<vmem>>, vector<16xf32>,
      tpu.vector_store %arg23[%swap3A_326], %gather3A_325 {strides = array<i32>} : memref<8192xf32, #tpu.memory_space<vmem>>, vector<16xf32>,
      %get3A_328 = arith.constant 16 : index
      %get3A_329 = tpu.vector_load %arg17[%get3A_328] {strides = array<i32>} : memref<144xi32, #tpu.memory_space<vmem>>, vector<16xi32>,
      %add3A_330 = arith.constant 16 : i32
      %add3A_331 = vector.broadcast %add3A_330 : i32 to vector<16xi32>
      %add3A_332 = arith.addi %iota3A, %add3A_331 : vector<16xi32>
      %lt3A_333 = arith.cmpi slt, %add3A_332, %parallel_loop3A_302 : vector<16xi32>
      %gather3A_334 = tpu.vector_load_idx %arg15[%get3A_329] masked %lt3A_333 : memref<8192xf32, #tpu.memory_space<vmem>>[vector<16xi32>], vector<16xf32>, vector<16xi1>
      %mul3A_335 = arith.constant 128 : i32
      %mul3A_336 = arith.muli %add3A_292, %mul3A_335 : i32
      %add3A_337 = arith.constant 16 : i32
      %add3A_338 = arith.addi %mul3A_336, %add3A_337 : i32
      %jit3A_339 = arith.constant -3.000000e+00 : f32
      %broadcast_in_dim3A_340 = vector.broadcast %jit3A_339 : f32 to vector<16xf32>
      %select_n3A_341 = arith.select %lt3A_333, %gather3A_334, %broadcast_in_dim3A_340 : vector<16xi1>, vector<16xf32>
      %swap3A_342 = arith.index_cast %add3A_338 : i32 to index
      %swap3A_343 = tpu.vector_load %arg20[%swap3A_342] {strides = array<i32>} : memref<8192xf32, #tpu.memory_space<vmem>>, vector<16xf32>,
      tpu.vector_store %arg20[%swap3A_342], %select_n3A_341 {strides = array<i32>} : memref<8192xf32, #tpu.memory_space<vmem>>, vector<16xf32>,
      %gather3A_344 = tpu.vector_load_idx %arg11[%get3A_329] masked %lt3A_333 : memref<8192xf32, #tpu.memory_space<vmem>>[vector<16xi32>], vector<16xf32>, vector<16xi1>
      %swap3A_345 = arith.index_cast %add3A_338 : i32 to index
      %swap3A_346 = tpu.vector_load %arg21[%swap3A_345] {strides = array<i32>} : memref<8192xf32, #tpu.memory_space<vmem>>, vector<16xf32>,
      tpu.vector_store %arg21[%swap3A_345], %gather3A_344 {strides = array<i32>} : memref<8192xf32, #tpu.memory_space<vmem>>, vector<16xf32>,
      %gather3A_347 = tpu.vector_load_idx %arg12[%get3A_329] masked %lt3A_333 : memref<8192xf32, #tpu.memory_space<vmem>>[vector<16xi32>], vector<16xf32>, vector<16xi1>
      %swap3A_348 = arith.index_cast %add3A_338 : i32 to index
      %swap3A_349 = tpu.vector_load %arg22[%swap3A_348] {strides = array<i32>} : memref<8192xf32, #tpu.memory_space<vmem>>, vector<16xf32>,
      tpu.vector_store %arg22[%swap3A_348], %gather3A_347 {strides = array<i32>} : memref<8192xf32, #tpu.memory_space<vmem>>, vector<16xf32>,
      %gather3A_350 = tpu.vector_load_idx %arg13[%get3A_329] masked %lt3A_333 : memref<8192xf32, #tpu.memory_space<vmem>>[vector<16xi32>], vector<16xf32>, vector<16xi1>
      %swap3A_351 = arith.index_cast %add3A_338 : i32 to index
      %swap3A_352 = tpu.vector_load %arg23[%swap3A_351] {strides = array<i32>} : memref<8192xf32, #tpu.memory_space<vmem>>, vector<16xf32>,
      tpu.vector_store %arg23[%swap3A_351], %gather3A_350 {strides = array<i32>} : memref<8192xf32, #tpu.memory_space<vmem>>, vector<16xf32>,
      %get3A_353 = arith.constant 32 : index
      %get3A_354 = tpu.vector_load %arg17[%get3A_353] {strides = array<i32>} : memref<144xi32, #tpu.memory_space<vmem>>, vector<16xi32>,
      %add3A_355 = arith.constant 32 : i32
      %add3A_356 = vector.broadcast %add3A_355 : i32 to vector<16xi32>
      %add3A_357 = arith.addi %iota3A, %add3A_356 : vector<16xi32>
      %lt3A_358 = arith.cmpi slt, %add3A_357, %parallel_loop3A_302 : vector<16xi32>
      %gather3A_359 = tpu.vector_load_idx %arg15[%get3A_354] masked %lt3A_358 : memref<8192xf32, #tpu.memory_space<vmem>>[vector<16xi32>], vector<16xf32>, vector<16xi1>
      %mul3A_360 = arith.constant 128 : i32
      %mul3A_361 = arith.muli %add3A_292, %mul3A_360 : i32
      %add3A_362 = arith.constant 32 : i32
      %add3A_363 = arith.addi %mul3A_361, %add3A_362 : i32
      %jit3A_364 = arith.constant -3.000000e+00 : f32
      %broadcast_in_dim3A_365 = vector.broadcast %jit3A_364 : f32 to vector<16xf32>
      %select_n3A_366 = arith.select %lt3A_358, %gather3A_359, %broadcast_in_dim3A_365 : vector<16xi1>, vector<16xf32>
      %swap3A_367 = arith.index_cast %add3A_363 : i32 to index
      %swap3A_368 = tpu.vector_load %arg20[%swap3A_367] {strides = array<i32>} : memref<8192xf32, #tpu.memory_space<vmem>>, vector<16xf32>,
      tpu.vector_store %arg20[%swap3A_367], %select_n3A_366 {strides = array<i32>} : memref<8192xf32, #tpu.memory_space<vmem>>, vector<16xf32>,
      %gather3A_369 = tpu.vector_load_idx %arg11[%get3A_354] masked %lt3A_358 : memref<8192xf32, #tpu.memory_space<vmem>>[vector<16xi32>], vector<16xf32>, vector<16xi1>
      %swap3A_370 = arith.index_cast %add3A_363 : i32 to index
      %swap3A_371 = tpu.vector_load %arg21[%swap3A_370] {strides = array<i32>} : memref<8192xf32, #tpu.memory_space<vmem>>, vector<16xf32>,
      tpu.vector_store %arg21[%swap3A_370], %gather3A_369 {strides = array<i32>} : memref<8192xf32, #tpu.memory_space<vmem>>, vector<16xf32>,
      %gather3A_372 = tpu.vector_load_idx %arg12[%get3A_354] masked %lt3A_358 : memref<8192xf32, #tpu.memory_space<vmem>>[vector<16xi32>], vector<16xf32>, vector<16xi1>
      %swap3A_373 = arith.index_cast %add3A_363 : i32 to index
      %swap3A_374 = tpu.vector_load %arg22[%swap3A_373] {strides = array<i32>} : memref<8192xf32, #tpu.memory_space<vmem>>, vector<16xf32>,
      tpu.vector_store %arg22[%swap3A_373], %gather3A_372 {strides = array<i32>} : memref<8192xf32, #tpu.memory_space<vmem>>, vector<16xf32>,
      %gather3A_375 = tpu.vector_load_idx %arg13[%get3A_354] masked %lt3A_358 : memref<8192xf32, #tpu.memory_space<vmem>>[vector<16xi32>], vector<16xf32>, vector<16xi1>
      %swap3A_376 = arith.index_cast %add3A_363 : i32 to index
      %swap3A_377 = tpu.vector_load %arg23[%swap3A_376] {strides = array<i32>} : memref<8192xf32, #tpu.memory_space<vmem>>, vector<16xf32>,
      tpu.vector_store %arg23[%swap3A_376], %gather3A_375 {strides = array<i32>} : memref<8192xf32, #tpu.memory_space<vmem>>, vector<16xf32>,
      %get3A_378 = arith.constant 48 : index
      %get3A_379 = tpu.vector_load %arg17[%get3A_378] {strides = array<i32>} : memref<144xi32, #tpu.memory_space<vmem>>, vector<16xi32>,
      %add3A_380 = arith.constant 48 : i32
      %add3A_381 = vector.broadcast %add3A_380 : i32 to vector<16xi32>
      %add3A_382 = arith.addi %iota3A, %add3A_381 : vector<16xi32>
      %lt3A_383 = arith.cmpi slt, %add3A_382, %parallel_loop3A_302 : vector<16xi32>
      %gather3A_384 = tpu.vector_load_idx %arg15[%get3A_379] masked %lt3A_383 : memref<8192xf32, #tpu.memory_space<vmem>>[vector<16xi32>], vector<16xf32>, vector<16xi1>
      %mul3A_385 = arith.constant 128 : i32
      %mul3A_386 = arith.muli %add3A_292, %mul3A_385 : i32
      %add3A_387 = arith.constant 48 : i32
      %add3A_388 = arith.addi %mul3A_386, %add3A_387 : i32
      %jit3A_389 = arith.constant -3.000000e+00 : f32
      %broadcast_in_dim3A_390 = vector.broadcast %jit3A_389 : f32 to vector<16xf32>
      %select_n3A_391 = arith.select %lt3A_383, %gather3A_384, %broadcast_in_dim3A_390 : vector<16xi1>, vector<16xf32>
      %swap3A_392 = arith.index_cast %add3A_388 : i32 to index
      %swap3A_393 = tpu.vector_load %arg20[%swap3A_392] {strides = array<i32>} : memref<8192xf32, #tpu.memory_space<vmem>>, vector<16xf32>,
      tpu.vector_store %arg20[%swap3A_392], %select_n3A_391 {strides = array<i32>} : memref<8192xf32, #tpu.memory_space<vmem>>, vector<16xf32>,
      %gather3A_394 = tpu.vector_load_idx %arg11[%get3A_379] masked %lt3A_383 : memref<8192xf32, #tpu.memory_space<vmem>>[vector<16xi32>], vector<16xf32>, vector<16xi1>
      %swap3A_395 = arith.index_cast %add3A_388 : i32 to index
      %swap3A_396 = tpu.vector_load %arg21[%swap3A_395] {strides = array<i32>} : memref<8192xf32, #tpu.memory_space<vmem>>, vector<16xf32>,
      tpu.vector_store %arg21[%swap3A_395], %gather3A_394 {strides = array<i32>} : memref<8192xf32, #tpu.memory_space<vmem>>, vector<16xf32>,
      %gather3A_397 = tpu.vector_load_idx %arg12[%get3A_379] masked %lt3A_383 : memref<8192xf32, #tpu.memory_space<vmem>>[vector<16xi32>], vector<16xf32>, vector<16xi1>
      %swap3A_398 = arith.index_cast %add3A_388 : i32 to index
      %swap3A_399 = tpu.vector_load %arg22[%swap3A_398] {strides = array<i32>} : memref<8192xf32, #tpu.memory_space<vmem>>, vector<16xf32>,
      tpu.vector_store %arg22[%swap3A_398], %gather3A_397 {strides = array<i32>} : memref<8192xf32, #tpu.memory_space<vmem>>, vector<16xf32>,
      %gather3A_400 = tpu.vector_load_idx %arg13[%get3A_379] masked %lt3A_383 : memref<8192xf32, #tpu.memory_space<vmem>>[vector<16xi32>], vector<16xf32>, vector<16xi1>
      %swap3A_401 = arith.index_cast %add3A_388 : i32 to index
      %swap3A_402 = tpu.vector_load %arg23[%swap3A_401] {strides = array<i32>} : memref<8192xf32, #tpu.memory_space<vmem>>, vector<16xf32>,
      tpu.vector_store %arg23[%swap3A_401], %gather3A_400 {strides = array<i32>} : memref<8192xf32, #tpu.memory_space<vmem>>, vector<16xf32>,
      %get3A_403 = arith.constant 64 : index
      %get3A_404 = tpu.vector_load %arg17[%get3A_403] {strides = array<i32>} : memref<144xi32, #tpu.memory_space<vmem>>, vector<16xi32>,
      %add3A_405 = arith.constant 64 : i32
      %add3A_406 = vector.broadcast %add3A_405 : i32 to vector<16xi32>
      %add3A_407 = arith.addi %iota3A, %add3A_406 : vector<16xi32>
      %lt3A_408 = arith.cmpi slt, %add3A_407, %parallel_loop3A_302 : vector<16xi32>
      %gather3A_409 = tpu.vector_load_idx %arg15[%get3A_404] masked %lt3A_408 : memref<8192xf32, #tpu.memory_space<vmem>>[vector<16xi32>], vector<16xf32>, vector<16xi1>
      %mul3A_410 = arith.constant 128 : i32
      %mul3A_411 = arith.muli %add3A_292, %mul3A_410 : i32
      %add3A_412 = arith.constant 64 : i32
      %add3A_413 = arith.addi %mul3A_411, %add3A_412 : i32
      %jit3A_414 = arith.constant -3.000000e+00 : f32
      %broadcast_in_dim3A_415 = vector.broadcast %jit3A_414 : f32 to vector<16xf32>
      %select_n3A_416 = arith.select %lt3A_408, %gather3A_409, %broadcast_in_dim3A_415 : vector<16xi1>, vector<16xf32>
      %swap3A_417 = arith.index_cast %add3A_413 : i32 to index
      %swap3A_418 = tpu.vector_load %arg20[%swap3A_417] {strides = array<i32>} : memref<8192xf32, #tpu.memory_space<vmem>>, vector<16xf32>,
      tpu.vector_store %arg20[%swap3A_417], %select_n3A_416 {strides = array<i32>} : memref<8192xf32, #tpu.memory_space<vmem>>, vector<16xf32>,
      %gather3A_419 = tpu.vector_load_idx %arg11[%get3A_404] masked %lt3A_408 : memref<8192xf32, #tpu.memory_space<vmem>>[vector<16xi32>], vector<16xf32>, vector<16xi1>
      %swap3A_420 = arith.index_cast %add3A_413 : i32 to index
      %swap3A_421 = tpu.vector_load %arg21[%swap3A_420] {strides = array<i32>} : memref<8192xf32, #tpu.memory_space<vmem>>, vector<16xf32>,
      tpu.vector_store %arg21[%swap3A_420], %gather3A_419 {strides = array<i32>} : memref<8192xf32, #tpu.memory_space<vmem>>, vector<16xf32>,
      %gather3A_422 = tpu.vector_load_idx %arg12[%get3A_404] masked %lt3A_408 : memref<8192xf32, #tpu.memory_space<vmem>>[vector<16xi32>], vector<16xf32>, vector<16xi1>
      %swap3A_423 = arith.index_cast %add3A_413 : i32 to index
      %swap3A_424 = tpu.vector_load %arg22[%swap3A_423] {strides = array<i32>} : memref<8192xf32, #tpu.memory_space<vmem>>, vector<16xf32>,
      tpu.vector_store %arg22[%swap3A_423], %gather3A_422 {strides = array<i32>} : memref<8192xf32, #tpu.memory_space<vmem>>, vector<16xf32>,
      %gather3A_425 = tpu.vector_load_idx %arg13[%get3A_404] masked %lt3A_408 : memref<8192xf32, #tpu.memory_space<vmem>>[vector<16xi32>], vector<16xf32>, vector<16xi1>
      %swap3A_426 = arith.index_cast %add3A_413 : i32 to index
      %swap3A_427 = tpu.vector_load %arg23[%swap3A_426] {strides = array<i32>} : memref<8192xf32, #tpu.memory_space<vmem>>, vector<16xf32>,
      tpu.vector_store %arg23[%swap3A_426], %gather3A_425 {strides = array<i32>} : memref<8192xf32, #tpu.memory_space<vmem>>, vector<16xf32>,
      %get3A_428 = arith.constant 80 : index
      %get3A_429 = tpu.vector_load %arg17[%get3A_428] {strides = array<i32>} : memref<144xi32, #tpu.memory_space<vmem>>, vector<16xi32>,
      %add3A_430 = arith.constant 80 : i32
      %add3A_431 = vector.broadcast %add3A_430 : i32 to vector<16xi32>
      %add3A_432 = arith.addi %iota3A, %add3A_431 : vector<16xi32>
      %lt3A_433 = arith.cmpi slt, %add3A_432, %parallel_loop3A_302 : vector<16xi32>
      %gather3A_434 = tpu.vector_load_idx %arg15[%get3A_429] masked %lt3A_433 : memref<8192xf32, #tpu.memory_space<vmem>>[vector<16xi32>], vector<16xf32>, vector<16xi1>
      %mul3A_435 = arith.constant 128 : i32
      %mul3A_436 = arith.muli %add3A_292, %mul3A_435 : i32
      %add3A_437 = arith.constant 80 : i32
      %add3A_438 = arith.addi %mul3A_436, %add3A_437 : i32
      %jit3A_439 = arith.constant -3.000000e+00 : f32
      %broadcast_in_dim3A_440 = vector.broadcast %jit3A_439 : f32 to vector<16xf32>
      %select_n3A_441 = arith.select %lt3A_433, %gather3A_434, %broadcast_in_dim3A_440 : vector<16xi1>, vector<16xf32>
      %swap3A_442 = arith.index_cast %add3A_438 : i32 to index
      %swap3A_443 = tpu.vector_load %arg20[%swap3A_442] {strides = array<i32>} : memref<8192xf32, #tpu.memory_space<vmem>>, vector<16xf32>,
      tpu.vector_store %arg20[%swap3A_442], %select_n3A_441 {strides = array<i32>} : memref<8192xf32, #tpu.memory_space<vmem>>, vector<16xf32>,
      %gather3A_444 = tpu.vector_load_idx %arg11[%get3A_429] masked %lt3A_433 : memref<8192xf32, #tpu.memory_space<vmem>>[vector<16xi32>], vector<16xf32>, vector<16xi1>
      %swap3A_445 = arith.index_cast %add3A_438 : i32 to index
      %swap3A_446 = tpu.vector_load %arg21[%swap3A_445] {strides = array<i32>} : memref<8192xf32, #tpu.memory_space<vmem>>, vector<16xf32>,
      tpu.vector_store %arg21[%swap3A_445], %gather3A_444 {strides = array<i32>} : memref<8192xf32, #tpu.memory_space<vmem>>, vector<16xf32>,
      %gather3A_447 = tpu.vector_load_idx %arg12[%get3A_429] masked %lt3A_433 : memref<8192xf32, #tpu.memory_space<vmem>>[vector<16xi32>], vector<16xf32>, vector<16xi1>
      %swap3A_448 = arith.index_cast %add3A_438 : i32 to index
      %swap3A_449 = tpu.vector_load %arg22[%swap3A_448] {strides = array<i32>} : memref<8192xf32, #tpu.memory_space<vmem>>, vector<16xf32>,
      tpu.vector_store %arg22[%swap3A_448], %gather3A_447 {strides = array<i32>} : memref<8192xf32, #tpu.memory_space<vmem>>, vector<16xf32>,
      %gather3A_450 = tpu.vector_load_idx %arg13[%get3A_429] masked %lt3A_433 : memref<8192xf32, #tpu.memory_space<vmem>>[vector<16xi32>], vector<16xf32>, vector<16xi1>
      %swap3A_451 = arith.index_cast %add3A_438 : i32 to index
      %swap3A_452 = tpu.vector_load %arg23[%swap3A_451] {strides = array<i32>} : memref<8192xf32, #tpu.memory_space<vmem>>, vector<16xf32>,
      tpu.vector_store %arg23[%swap3A_451], %gather3A_450 {strides = array<i32>} : memref<8192xf32, #tpu.memory_space<vmem>>, vector<16xf32>,
      %get3A_453 = arith.constant 96 : index
      %get3A_454 = tpu.vector_load %arg17[%get3A_453] {strides = array<i32>} : memref<144xi32, #tpu.memory_space<vmem>>, vector<16xi32>,
      %add3A_455 = arith.constant 96 : i32
      %add3A_456 = vector.broadcast %add3A_455 : i32 to vector<16xi32>
      %add3A_457 = arith.addi %iota3A, %add3A_456 : vector<16xi32>
      %lt3A_458 = arith.cmpi slt, %add3A_457, %parallel_loop3A_302 : vector<16xi32>
      %gather3A_459 = tpu.vector_load_idx %arg15[%get3A_454] masked %lt3A_458 : memref<8192xf32, #tpu.memory_space<vmem>>[vector<16xi32>], vector<16xf32>, vector<16xi1>
      %mul3A_460 = arith.constant 128 : i32
      %mul3A_461 = arith.muli %add3A_292, %mul3A_460 : i32
      %add3A_462 = arith.constant 96 : i32
      %add3A_463 = arith.addi %mul3A_461, %add3A_462 : i32
      %jit3A_464 = arith.constant -3.000000e+00 : f32
      %broadcast_in_dim3A_465 = vector.broadcast %jit3A_464 : f32 to vector<16xf32>
      %select_n3A_466 = arith.select %lt3A_458, %gather3A_459, %broadcast_in_dim3A_465 : vector<16xi1>, vector<16xf32>
      %swap3A_467 = arith.index_cast %add3A_463 : i32 to index
      %swap3A_468 = tpu.vector_load %arg20[%swap3A_467] {strides = array<i32>} : memref<8192xf32, #tpu.memory_space<vmem>>, vector<16xf32>,
      tpu.vector_store %arg20[%swap3A_467], %select_n3A_466 {strides = array<i32>} : memref<8192xf32, #tpu.memory_space<vmem>>, vector<16xf32>,
      %gather3A_469 = tpu.vector_load_idx %arg11[%get3A_454] masked %lt3A_458 : memref<8192xf32, #tpu.memory_space<vmem>>[vector<16xi32>], vector<16xf32>, vector<16xi1>
      %swap3A_470 = arith.index_cast %add3A_463 : i32 to index
      %swap3A_471 = tpu.vector_load %arg21[%swap3A_470] {strides = array<i32>} : memref<8192xf32, #tpu.memory_space<vmem>>, vector<16xf32>,
      tpu.vector_store %arg21[%swap3A_470], %gather3A_469 {strides = array<i32>} : memref<8192xf32, #tpu.memory_space<vmem>>, vector<16xf32>,
      %gather3A_472 = tpu.vector_load_idx %arg12[%get3A_454] masked %lt3A_458 : memref<8192xf32, #tpu.memory_space<vmem>>[vector<16xi32>], vector<16xf32>, vector<16xi1>
      %swap3A_473 = arith.index_cast %add3A_463 : i32 to index
      %swap3A_474 = tpu.vector_load %arg22[%swap3A_473] {strides = array<i32>} : memref<8192xf32, #tpu.memory_space<vmem>>, vector<16xf32>,
      tpu.vector_store %arg22[%swap3A_473], %gather3A_472 {strides = array<i32>} : memref<8192xf32, #tpu.memory_space<vmem>>, vector<16xf32>,
      %gather3A_475 = tpu.vector_load_idx %arg13[%get3A_454] masked %lt3A_458 : memref<8192xf32, #tpu.memory_space<vmem>>[vector<16xi32>], vector<16xf32>, vector<16xi1>
      %swap3A_476 = arith.index_cast %add3A_463 : i32 to index
      %swap3A_477 = tpu.vector_load %arg23[%swap3A_476] {strides = array<i32>} : memref<8192xf32, #tpu.memory_space<vmem>>, vector<16xf32>,
      tpu.vector_store %arg23[%swap3A_476], %gather3A_475 {strides = array<i32>} : memref<8192xf32, #tpu.memory_space<vmem>>, vector<16xf32>,
      %get3A_478 = arith.constant 112 : index
      %get3A_479 = tpu.vector_load %arg17[%get3A_478] {strides = array<i32>} : memref<144xi32, #tpu.memory_space<vmem>>, vector<16xi32>,
      %add3A_480 = arith.constant 112 : i32
      %add3A_481 = vector.broadcast %add3A_480 : i32 to vector<16xi32>
      %add3A_482 = arith.addi %iota3A, %add3A_481 : vector<16xi32>
      %lt3A_483 = arith.cmpi slt, %add3A_482, %parallel_loop3A_302 : vector<16xi32>
      %gather3A_484 = tpu.vector_load_idx %arg15[%get3A_479] masked %lt3A_483 : memref<8192xf32, #tpu.memory_space<vmem>>[vector<16xi32>], vector<16xf32>, vector<16xi1>
      %mul3A_485 = arith.constant 128 : i32
      %mul3A_486 = arith.muli %add3A_292, %mul3A_485 : i32
      %add3A_487 = arith.constant 112 : i32
      %add3A_488 = arith.addi %mul3A_486, %add3A_487 : i32
      %jit3A_489 = arith.constant -3.000000e+00 : f32
      %broadcast_in_dim3A_490 = vector.broadcast %jit3A_489 : f32 to vector<16xf32>
      %select_n3A_491 = arith.select %lt3A_483, %gather3A_484, %broadcast_in_dim3A_490 : vector<16xi1>, vector<16xf32>
      %swap3A_492 = arith.index_cast %add3A_488 : i32 to index
      %swap3A_493 = tpu.vector_load %arg20[%swap3A_492] {strides = array<i32>} : memref<8192xf32, #tpu.memory_space<vmem>>, vector<16xf32>,
      tpu.vector_store %arg20[%swap3A_492], %select_n3A_491 {strides = array<i32>} : memref<8192xf32, #tpu.memory_space<vmem>>, vector<16xf32>,
      %gather3A_494 = tpu.vector_load_idx %arg11[%get3A_479] masked %lt3A_483 : memref<8192xf32, #tpu.memory_space<vmem>>[vector<16xi32>], vector<16xf32>, vector<16xi1>
      %swap3A_495 = arith.index_cast %add3A_488 : i32 to index
      %swap3A_496 = tpu.vector_load %arg21[%swap3A_495] {strides = array<i32>} : memref<8192xf32, #tpu.memory_space<vmem>>, vector<16xf32>,
      tpu.vector_store %arg21[%swap3A_495], %gather3A_494 {strides = array<i32>} : memref<8192xf32, #tpu.memory_space<vmem>>, vector<16xf32>,
      %gather3A_497 = tpu.vector_load_idx %arg12[%get3A_479] masked %lt3A_483 : memref<8192xf32, #tpu.memory_space<vmem>>[vector<16xi32>], vector<16xf32>, vector<16xi1>
      %swap3A_498 = arith.index_cast %add3A_488 : i32 to index
      %swap3A_499 = tpu.vector_load %arg22[%swap3A_498] {strides = array<i32>} : memref<8192xf32, #tpu.memory_space<vmem>>, vector<16xf32>,
      tpu.vector_store %arg22[%swap3A_498], %gather3A_497 {strides = array<i32>} : memref<8192xf32, #tpu.memory_space<vmem>>, vector<16xf32>,
      %gather3A_500 = tpu.vector_load_idx %arg13[%get3A_479] masked %lt3A_483 : memref<8192xf32, #tpu.memory_space<vmem>>[vector<16xi32>], vector<16xf32>, vector<16xi1>
      %swap3A_501 = arith.index_cast %add3A_488 : i32 to index
      %swap3A_502 = tpu.vector_load %arg23[%swap3A_501] {strides = array<i32>} : memref<8192xf32, #tpu.memory_space<vmem>>, vector<16xf32>,
      tpu.vector_store %arg23[%swap3A_501], %gather3A_500 {strides = array<i32>} : memref<8192xf32, #tpu.memory_space<vmem>>, vector<16xf32>,
      %scan3A_503 = arith.constant 0 : i32
      scf.yield %scan3A_503 : i32
    }
    %scan3A_18 = arith.constant 32 : i32
    %dma_wait3A = arith.constant 0 : i32
    %dma_wait3A_19 = arith.constant 0 : i32
    %dma_wait3A_20 = tpu.memref_slice %arg2[%dma_wait3A, %dma_wait3A_19] : memref<4096x8192xf32, #tpu.memory_space<hbm>> -> memref<1x8192xf32, #tpu.memory_space<hbm>>
    %dma_wait3A_21 = tpu.memref_squeeze %dma_wait3A_20 : memref<1x8192xf32, #tpu.memory_space<hbm>> -> memref<8192xf32, #tpu.memory_space<hbm>>
    %dma_wait3A_22 = arith.constant 0 : i32
    %dma_wait3A_23 = tpu.memref_slice %arg2[%dma_wait3A, %dma_wait3A_22] : memref<4096x8192xf32, #tpu.memory_space<hbm>> -> memref<1x8192xf32, #tpu.memory_space<hbm>>
    %dma_wait3A_24 = tpu.memref_squeeze %dma_wait3A_23 : memref<1x8192xf32, #tpu.memory_space<hbm>> -> memref<8192xf32, #tpu.memory_space<hbm>>
    tpu.wait_dma2 semaphore(%arg18 : memref<!tpu.dma_semaphore, #tpu.memory_space<semaphore_mem>>) src(%dma_wait3A_24 : memref<8192xf32, #tpu.memory_space<hbm>>) dst(%arg14 : memref<8192xf32, #tpu.memory_space<vmem>>)
    %mul3A_25 = arith.constant 128 : i32
    %mul3A_26 = arith.muli %add3A_7, %mul3A_25 : i32
    "tpu.region"() ({
      %run_scoped3A = tpu.sem_alloc : memref<!tpu.dma_semaphore, #tpu.memory_space<semaphore_mem>>
      %dma_start3A_51 = tpu.memref_slice %arg7[%mul3A_26] : memref<524288xf32, #tpu.memory_space<hbm>> -> memref<8192xf32, #tpu.memory_space<hbm>>
      %dma_start3A_52 = tpu.memref_slice %arg7[%mul3A_26] : memref<524288xf32, #tpu.memory_space<hbm>> -> memref<8192xf32, #tpu.memory_space<hbm>>
      tpu.enqueue_dma source(%arg20 : memref<8192xf32, #tpu.memory_space<vmem>>) target(%dma_start3A_52 : memref<8192xf32, #tpu.memory_space<hbm>>) target_semaphore(%run_scoped3A : memref<!tpu.dma_semaphore, #tpu.memory_space<semaphore_mem>>)
      %dma_wait3A_53 = tpu.memref_slice %arg7[%mul3A_26] : memref<524288xf32, #tpu.memory_space<hbm>> -> memref<8192xf32, #tpu.memory_space<hbm>>
      %dma_wait3A_54 = tpu.memref_slice %arg7[%mul3A_26] : memref<524288xf32, #tpu.memory_space<hbm>> -> memref<8192xf32, #tpu.memory_space<hbm>>
      tpu.wait_dma2 semaphore(%run_scoped3A : memref<!tpu.dma_semaphore, #tpu.memory_space<semaphore_mem>>) src(%arg20 : memref<8192xf32, #tpu.memory_space<vmem>>) dst(%dma_wait3A_54 : memref<8192xf32, #tpu.memory_space<hbm>>)
      tpu.yield
    }) : () -> ()
    "tpu.region"() ({
      %run_scoped3A = tpu.sem_alloc : memref<!tpu.dma_semaphore, #tpu.memory_space<semaphore_mem>>
      %dma_start3A_51 = tpu.memref_slice %arg8[%mul3A_26] : memref<524288xf32, #tpu.memory_space<hbm>> -> memref<8192xf32, #tpu.memory_space<hbm>>
      %dma_start3A_52 = tpu.memref_slice %arg8[%mul3A_26] : memref<524288xf32, #tpu.memory_space<hbm>> -> memref<8192xf32, #tpu.memory_space<hbm>>
      tpu.enqueue_dma source(%arg21 : memref<8192xf32, #tpu.memory_space<vmem>>) target(%dma_start3A_52 : memref<8192xf32, #tpu.memory_space<hbm>>) target_semaphore(%run_scoped3A : memref<!tpu.dma_semaphore, #tpu.memory_space<semaphore_mem>>)
      %dma_wait3A_53 = tpu.memref_slice %arg8[%mul3A_26] : memref<524288xf32, #tpu.memory_space<hbm>> -> memref<8192xf32, #tpu.memory_space<hbm>>
      %dma_wait3A_54 = tpu.memref_slice %arg8[%mul3A_26] : memref<524288xf32, #tpu.memory_space<hbm>> -> memref<8192xf32, #tpu.memory_space<hbm>>
      tpu.wait_dma2 semaphore(%run_scoped3A : memref<!tpu.dma_semaphore, #tpu.memory_space<semaphore_mem>>) src(%arg21 : memref<8192xf32, #tpu.memory_space<vmem>>) dst(%dma_wait3A_54 : memref<8192xf32, #tpu.memory_space<hbm>>)
      tpu.yield
    }) : () -> ()
    "tpu.region"() ({
      %run_scoped3A = tpu.sem_alloc : memref<!tpu.dma_semaphore, #tpu.memory_space<semaphore_mem>>
      %dma_start3A_51 = tpu.memref_slice %arg9[%mul3A_26] : memref<524288xf32, #tpu.memory_space<hbm>> -> memref<8192xf32, #tpu.memory_space<hbm>>
      %dma_start3A_52 = tpu.memref_slice %arg9[%mul3A_26] : memref<524288xf32, #tpu.memory_space<hbm>> -> memref<8192xf32, #tpu.memory_space<hbm>>
      tpu.enqueue_dma source(%arg22 : memref<8192xf32, #tpu.memory_space<vmem>>) target(%dma_start3A_52 : memref<8192xf32, #tpu.memory_space<hbm>>) target_semaphore(%run_scoped3A : memref<!tpu.dma_semaphore, #tpu.memory_space<semaphore_mem>>)
      %dma_wait3A_53 = tpu.memref_slice %arg9[%mul3A_26] : memref<524288xf32, #tpu.memory_space<hbm>> -> memref<8192xf32, #tpu.memory_space<hbm>>
      %dma_wait3A_54 = tpu.memref_slice %arg9[%mul3A_26] : memref<524288xf32, #tpu.memory_space<hbm>> -> memref<8192xf32, #tpu.memory_space<hbm>>
      tpu.wait_dma2 semaphore(%run_scoped3A : memref<!tpu.dma_semaphore, #tpu.memory_space<semaphore_mem>>) src(%arg22 : memref<8192xf32, #tpu.memory_space<vmem>>) dst(%dma_wait3A_54 : memref<8192xf32, #tpu.memory_space<hbm>>)
      tpu.yield
    }) : () -> ()
    "tpu.region"() ({
      %run_scoped3A = tpu.sem_alloc : memref<!tpu.dma_semaphore, #tpu.memory_space<semaphore_mem>>
      %dma_start3A_51 = tpu.memref_slice %arg10[%mul3A_26] : memref<524288xf32, #tpu.memory_space<hbm>> -> memref<8192xf32, #tpu.memory_space<hbm>>
      %dma_start3A_52 = tpu.memref_slice %arg10[%mul3A_26] : memref<524288xf32, #tpu.memory_space<hbm>> -> memref<8192xf32, #tpu.memory_space<hbm>>
      tpu.enqueue_dma source(%arg23 : memref<8192xf32, #tpu.memory_space<vmem>>) target(%dma_start3A_52 : memref<8192xf32, #tpu.memory_space<hbm>>) target_semaphore(%run_scoped3A : memref<!tpu.dma_semaphore, #tpu.memory_space<semaphore_mem>>)
      %dma_wait3A_53 = tpu.memref_slice %arg10[%mul3A_26] : memref<524288xf32, #tpu.memory_space<hbm>> -> memref<8192xf32, #tpu.memory_space<hbm>>
      %dma_wait3A_54 = tpu.memref_slice %arg10[%mul3A_26] : memref<524288xf32, #tpu.memory_space<hbm>> -> memref<8192xf32, #tpu.memory_space<hbm>>
      tpu.wait_dma2 semaphore(%run_scoped3A : memref<!tpu.dma_semaphore, #tpu.memory_space<semaphore_mem>>) src(%arg23 : memref<8192xf32, #tpu.memory_space<vmem>>) dst(%dma_wait3A_54 : memref<8192xf32, #tpu.memory_space<hbm>>)
      tpu.yield
    }) : () -> ()
    %add3A_27 = arith.constant 64 : i32
    %add3A_28 = arith.addi %mul3A_2, %add3A_27 : i32
    %dma_start3A_29 = arith.constant 0 : i32
    %dma_start3A_30 = tpu.memref_slice %arg2[%add3A_28, %dma_start3A_29] : memref<4096x8192xf32, #tpu.memory_space<hbm>> -> memref<1x8192xf32, #tpu.memory_space<hbm>>
    %dma_start3A_31 = tpu.memref_squeeze %dma_start3A_30 : memref<1x8192xf32, #tpu.memory_space<hbm>> -> memref<8192xf32, #tpu.memory_space<hbm>>
    %dma_start3A_32 = arith.constant 0 : i32
    %dma_start3A_33 = tpu.memref_slice %arg2[%add3A_28, %dma_start3A_32] : memref<4096x8192xf32, #tpu.memory_space<hbm>> -> memref<1x8192xf32, #tpu.memory_space<hbm>>
    %dma_start3A_34 = tpu.memref_squeeze %dma_start3A_33 : memref<1x8192xf32, #tpu.memory_space<hbm>> -> memref<8192xf32, #tpu.memory_space<hbm>>
    tpu.enqueue_dma source(%dma_start3A_34 : memref<8192xf32, #tpu.memory_space<hbm>>) target(%arg14 : memref<8192xf32, #tpu.memory_space<vmem>>) target_semaphore(%arg18 : memref<!tpu.dma_semaphore, #tpu.memory_space<semaphore_mem>>)
    %scan3A_35 = arith.constant 0 : i32
    %scan3A_36 = arith.constant 0 : i32
    %scan3A_37 = arith.constant 32 : i32
    %scan3A_38 = arith.addi %scan3A_36, %scan3A_37 : i32
    %scan3A_39 = arith.constant 1 : i32
    %scan3A_40 = scf.for %scan3A_51 = %scan3A_36 to %scan3A_38 step %scan3A_39 iter_args(%scan3A_52 = %scan3A_35) -> (i32)  : i32 {
      %mul3A_53 = arith.constant 2 : i32
      %mul3A_54 = arith.muli %mul3A_53, %scan3A_51 : i32
      %dma_wait3A_55 = arith.constant 0 : i32
      %dma_wait3A_56 = arith.constant 0 : i32
      %dma_wait3A_57 = tpu.memref_slice %arg2[%dma_wait3A_55, %dma_wait3A_56] : memref<4096x8192xf32, #tpu.memory_space<hbm>> -> memref<1x8192xf32, #tpu.memory_space<hbm>>
      %dma_wait3A_58 = tpu.memref_squeeze %dma_wait3A_57 : memref<1x8192xf32, #tpu.memory_space<hbm>> -> memref<8192xf32, #tpu.memory_space<hbm>>
      %dma_wait3A_59 = arith.constant 0 : i32
      %dma_wait3A_60 = tpu.memref_slice %arg2[%dma_wait3A_55, %dma_wait3A_59] : memref<4096x8192xf32, #tpu.memory_space<hbm>> -> memref<1x8192xf32, #tpu.memory_space<hbm>>
      %dma_wait3A_61 = tpu.memref_squeeze %dma_wait3A_60 : memref<1x8192xf32, #tpu.memory_space<hbm>> -> memref<8192xf32, #tpu.memory_space<hbm>>
      tpu.wait_dma2 semaphore(%arg18 : memref<!tpu.dma_semaphore, #tpu.memory_space<semaphore_mem>>) src(%dma_wait3A_61 : memref<8192xf32, #tpu.memory_space<hbm>>) dst(%arg14 : memref<8192xf32, #tpu.memory_space<vmem>>)
      %add3A_62 = arith.addi %add3A_28, %mul3A_54 : i32
      %add3A_63 = arith.constant 1 : i32
      %add3A_64 = arith.addi %add3A_62, %add3A_63 : i32
      %dma_start3A_65 = arith.constant 0 : i32
      %dma_start3A_66 = tpu.memref_slice %arg2[%add3A_64, %dma_start3A_65] : memref<4096x8192xf32, #tpu.memory_space<hbm>> -> memref<1x8192xf32, #tpu.memory_space<hbm>>
      %dma_start3A_67 = tpu.memref_squeeze %dma_start3A_66 : memref<1x8192xf32, #tpu.memory_space<hbm>> -> memref<8192xf32, #tpu.memory_space<hbm>>
      %dma_start3A_68 = arith.constant 0 : i32
      %dma_start3A_69 = tpu.memref_slice %arg2[%add3A_64, %dma_start3A_68] : memref<4096x8192xf32, #tpu.memory_space<hbm>> -> memref<1x8192xf32, #tpu.memory_space<hbm>>
      %dma_start3A_70 = tpu.memref_squeeze %dma_start3A_69 : memref<1x8192xf32, #tpu.memory_space<hbm>> -> memref<8192xf32, #tpu.memory_space<hbm>>
      tpu.enqueue_dma source(%dma_start3A_70 : memref<8192xf32, #tpu.memory_space<hbm>>) target(%arg15 : memref<8192xf32, #tpu.memory_space<vmem>>) target_semaphore(%arg19 : memref<!tpu.dma_semaphore, #tpu.memory_space<semaphore_mem>>)
      %add3A_71 = arith.constant 64 : i32
      %add3A_72 = arith.addi %add3A_71, %mul3A_54 : i32
      %mul3A_73 = arith.constant 16 : i32
      %mul3A_74 = arith.muli %add3A_72, %mul3A_73 : i32
      %get3A = arith.index_cast %mul3A_74 : i32 to index
      %get3A_75 = tpu.vector_load %arg16[%get3A] {strides = array<i32>} : memref<2048xf32, #tpu.memory_space<vmem>>, vector<16xf32>,
      %parallel_loop3A = arith.constant 0 : i32
      %parallel_loop3A_76 = arith.constant 512 : i32
      %parallel_loop3A_77 = arith.constant 1 : i32
      %parallel_loop3A_78 = scf.for %parallel_loop3A_504 = %parallel_loop3A to %parallel_loop3A_76 step %parallel_loop3A_77 iter_args(%parallel_loop3A_505 = %broadcast_in_dim3A_5) -> (vector<16xi32>)  : i32 {
        %parallel_loop3A_506 = arith.constant 16 : i32
        %parallel_loop3A_507 = arith.muli %parallel_loop3A_504, %parallel_loop3A_506 : i32
        %parallel_loop3A_508 = arith.index_cast %parallel_loop3A_507 : i32 to index
        %parallel_loop3A_509 = tpu.vector_load %arg14[%parallel_loop3A_508] {strides = array<i32>} : memref<8192xf32, #tpu.memory_space<vmem>>, vector<16xf32>,
        %parallel_loop3A_510 = arith.cmpf oge, %parallel_loop3A_509, %get3A_75 : vector<16xf32>
        %parallel_loop3A_511 = arith.extui %parallel_loop3A_510 : vector<16xi1> to vector<16xi32>
        %parallel_loop3A_512 = arith.constant true
        %parallel_loop3A_513 = vector.broadcast %parallel_loop3A_512 : i1 to vector<16xi1>
        %parallel_loop3A_514 = tpu.scan <sum>, %parallel_loop3A_511 masked %parallel_loop3A_513 : vector<16xi32>, vector<16xi1> -> vector<16xi32>
        %parallel_loop3A_515 = arith.addi %parallel_loop3A_505, %parallel_loop3A_514 : vector<16xi32>
        %parallel_loop3A_516 = arith.constant 1 : i32
        %parallel_loop3A_517 = vector.broadcast %parallel_loop3A_516 : i32 to vector<16xi32>
        %parallel_loop3A_518 = arith.subi %parallel_loop3A_515, %parallel_loop3A_517 : vector<16xi32>
        %parallel_loop3A_519 = arith.constant 136 : i32
        %parallel_loop3A_520 = vector.broadcast %parallel_loop3A_519 : i32 to vector<16xi32>
        %parallel_loop3A_521 = arith.minsi %parallel_loop3A_518, %parallel_loop3A_520 : vector<16xi32>
        %parallel_loop3A_522 = vector.broadcast %parallel_loop3A_507 : i32 to vector<16xi32>
        %parallel_loop3A_523 = arith.addi %iota3A, %parallel_loop3A_522 : vector<16xi32>
        tpu.vector_store_idx %arg17[%parallel_loop3A_521], %parallel_loop3A_523 masked %parallel_loop3A_510 : memref<144xi32, #tpu.memory_space<vmem>>[vector<16xi32>], vector<16xi32>, vector<16xi1>
        %parallel_loop3A_524 = tpu.all_reduce %parallel_loop3A_510 {dim = 0 : i64, kind = #tpu.reduction_kind<sum>} : vector<16xi1> -> vector<16xi32>
        %parallel_loop3A_525 = arith.addi %parallel_loop3A_505, %parallel_loop3A_524 : vector<16xi32>
        scf.yield %parallel_loop3A_525 : vector<16xi32>
      } {sc.loop_unroll_factor = 8 : i64, sc.parallel_access}
      %get3A_79 = arith.constant 0 : index
      %get3A_80 = tpu.vector_load %arg17[%get3A_79] {strides = array<i32>} : memref<144xi32, #tpu.memory_space<vmem>>, vector<16xi32>,
      %add3A_81 = arith.constant 0 : i32
      %add3A_82 = vector.broadcast %add3A_81 : i32 to vector<16xi32>
      %add3A_83 = arith.addi %iota3A, %add3A_82 : vector<16xi32>
      %lt3A = arith.cmpi slt, %add3A_83, %parallel_loop3A_78 : vector<16xi32>
      %gather3A = tpu.vector_load_idx %arg14[%get3A_80] masked %lt3A : memref<8192xf32, #tpu.memory_space<vmem>>[vector<16xi32>], vector<16xf32>, vector<16xi1>
      %mul3A_84 = arith.constant 128 : i32
      %mul3A_85 = arith.muli %mul3A_54, %mul3A_84 : i32
      %add3A_86 = arith.constant 0 : i32
      %add3A_87 = arith.addi %mul3A_85, %add3A_86 : i32
      %jit3A = arith.constant -3.000000e+00 : f32
      %broadcast_in_dim3A_88 = vector.broadcast %jit3A : f32 to vector<16xf32>
      %select_n3A = arith.select %lt3A, %gather3A, %broadcast_in_dim3A_88 : vector<16xi1>, vector<16xf32>
      %swap3A = arith.index_cast %add3A_87 : i32 to index
      %swap3A_89 = tpu.vector_load %arg20[%swap3A] {strides = array<i32>} : memref<8192xf32, #tpu.memory_space<vmem>>, vector<16xf32>,
      tpu.vector_store %arg20[%swap3A], %select_n3A {strides = array<i32>} : memref<8192xf32, #tpu.memory_space<vmem>>, vector<16xf32>,
      %gather3A_90 = tpu.vector_load_idx %arg11[%get3A_80] masked %lt3A : memref<8192xf32, #tpu.memory_space<vmem>>[vector<16xi32>], vector<16xf32>, vector<16xi1>
      %swap3A_91 = arith.index_cast %add3A_87 : i32 to index
      %swap3A_92 = tpu.vector_load %arg21[%swap3A_91] {strides = array<i32>} : memref<8192xf32, #tpu.memory_space<vmem>>, vector<16xf32>,
      tpu.vector_store %arg21[%swap3A_91], %gather3A_90 {strides = array<i32>} : memref<8192xf32, #tpu.memory_space<vmem>>, vector<16xf32>,
      %gather3A_93 = tpu.vector_load_idx %arg12[%get3A_80] masked %lt3A : memref<8192xf32, #tpu.memory_space<vmem>>[vector<16xi32>], vector<16xf32>, vector<16xi1>
      %swap3A_94 = arith.index_cast %add3A_87 : i32 to index
      %swap3A_95 = tpu.vector_load %arg22[%swap3A_94] {strides = array<i32>} : memref<8192xf32, #tpu.memory_space<vmem>>, vector<16xf32>,
      tpu.vector_store %arg22[%swap3A_94], %gather3A_93 {strides = array<i32>} : memref<8192xf32, #tpu.memory_space<vmem>>, vector<16xf32>,
      %gather3A_96 = tpu.vector_load_idx %arg13[%get3A_80] masked %lt3A : memref<8192xf32, #tpu.memory_space<vmem>>[vector<16xi32>], vector<16xf32>, vector<16xi1>
      %swap3A_97 = arith.index_cast %add3A_87 : i32 to index
      %swap3A_98 = tpu.vector_load %arg23[%swap3A_97] {strides = array<i32>} : memref<8192xf32, #tpu.memory_space<vmem>>, vector<16xf32>,
      tpu.vector_store %arg23[%swap3A_97], %gather3A_96 {strides = array<i32>} : memref<8192xf32, #tpu.memory_space<vmem>>, vector<16xf32>,
      %get3A_99 = arith.constant 16 : index
      %get3A_100 = tpu.vector_load %arg17[%get3A_99] {strides = array<i32>} : memref<144xi32, #tpu.memory_space<vmem>>, vector<16xi32>,
      %add3A_101 = arith.constant 16 : i32
      %add3A_102 = vector.broadcast %add3A_101 : i32 to vector<16xi32>
      %add3A_103 = arith.addi %iota3A, %add3A_102 : vector<16xi32>
      %lt3A_104 = arith.cmpi slt, %add3A_103, %parallel_loop3A_78 : vector<16xi32>
      %gather3A_105 = tpu.vector_load_idx %arg14[%get3A_100] masked %lt3A_104 : memref<8192xf32, #tpu.memory_space<vmem>>[vector<16xi32>], vector<16xf32>, vector<16xi1>
      %mul3A_106 = arith.constant 128 : i32
      %mul3A_107 = arith.muli %mul3A_54, %mul3A_106 : i32
      %add3A_108 = arith.constant 16 : i32
      %add3A_109 = arith.addi %mul3A_107, %add3A_108 : i32
      %jit3A_110 = arith.constant -3.000000e+00 : f32
      %broadcast_in_dim3A_111 = vector.broadcast %jit3A_110 : f32 to vector<16xf32>
      %select_n3A_112 = arith.select %lt3A_104, %gather3A_105, %broadcast_in_dim3A_111 : vector<16xi1>, vector<16xf32>
      %swap3A_113 = arith.index_cast %add3A_109 : i32 to index
      %swap3A_114 = tpu.vector_load %arg20[%swap3A_113] {strides = array<i32>} : memref<8192xf32, #tpu.memory_space<vmem>>, vector<16xf32>,
      tpu.vector_store %arg20[%swap3A_113], %select_n3A_112 {strides = array<i32>} : memref<8192xf32, #tpu.memory_space<vmem>>, vector<16xf32>,
      %gather3A_115 = tpu.vector_load_idx %arg11[%get3A_100] masked %lt3A_104 : memref<8192xf32, #tpu.memory_space<vmem>>[vector<16xi32>], vector<16xf32>, vector<16xi1>
      %swap3A_116 = arith.index_cast %add3A_109 : i32 to index
      %swap3A_117 = tpu.vector_load %arg21[%swap3A_116] {strides = array<i32>} : memref<8192xf32, #tpu.memory_space<vmem>>, vector<16xf32>,
      tpu.vector_store %arg21[%swap3A_116], %gather3A_115 {strides = array<i32>} : memref<8192xf32, #tpu.memory_space<vmem>>, vector<16xf32>,
      %gather3A_118 = tpu.vector_load_idx %arg12[%get3A_100] masked %lt3A_104 : memref<8192xf32, #tpu.memory_space<vmem>>[vector<16xi32>], vector<16xf32>, vector<16xi1>
      %swap3A_119 = arith.index_cast %add3A_109 : i32 to index
      %swap3A_120 = tpu.vector_load %arg22[%swap3A_119] {strides = array<i32>} : memref<8192xf32, #tpu.memory_space<vmem>>, vector<16xf32>,
      tpu.vector_store %arg22[%swap3A_119], %gather3A_118 {strides = array<i32>} : memref<8192xf32, #tpu.memory_space<vmem>>, vector<16xf32>,
      %gather3A_121 = tpu.vector_load_idx %arg13[%get3A_100] masked %lt3A_104 : memref<8192xf32, #tpu.memory_space<vmem>>[vector<16xi32>], vector<16xf32>, vector<16xi1>
      %swap3A_122 = arith.index_cast %add3A_109 : i32 to index
      %swap3A_123 = tpu.vector_load %arg23[%swap3A_122] {strides = array<i32>} : memref<8192xf32, #tpu.memory_space<vmem>>, vector<16xf32>,
      tpu.vector_store %arg23[%swap3A_122], %gather3A_121 {strides = array<i32>} : memref<8192xf32, #tpu.memory_space<vmem>>, vector<16xf32>,
      %get3A_124 = arith.constant 32 : index
      %get3A_125 = tpu.vector_load %arg17[%get3A_124] {strides = array<i32>} : memref<144xi32, #tpu.memory_space<vmem>>, vector<16xi32>,
      %add3A_126 = arith.constant 32 : i32
      %add3A_127 = vector.broadcast %add3A_126 : i32 to vector<16xi32>
      %add3A_128 = arith.addi %iota3A, %add3A_127 : vector<16xi32>
      %lt3A_129 = arith.cmpi slt, %add3A_128, %parallel_loop3A_78 : vector<16xi32>
      %gather3A_130 = tpu.vector_load_idx %arg14[%get3A_125] masked %lt3A_129 : memref<8192xf32, #tpu.memory_space<vmem>>[vector<16xi32>], vector<16xf32>, vector<16xi1>
      %mul3A_131 = arith.constant 128 : i32
      %mul3A_132 = arith.muli %mul3A_54, %mul3A_131 : i32
      %add3A_133 = arith.constant 32 : i32
      %add3A_134 = arith.addi %mul3A_132, %add3A_133 : i32
      %jit3A_135 = arith.constant -3.000000e+00 : f32
      %broadcast_in_dim3A_136 = vector.broadcast %jit3A_135 : f32 to vector<16xf32>
      %select_n3A_137 = arith.select %lt3A_129, %gather3A_130, %broadcast_in_dim3A_136 : vector<16xi1>, vector<16xf32>
      %swap3A_138 = arith.index_cast %add3A_134 : i32 to index
      %swap3A_139 = tpu.vector_load %arg20[%swap3A_138] {strides = array<i32>} : memref<8192xf32, #tpu.memory_space<vmem>>, vector<16xf32>,
      tpu.vector_store %arg20[%swap3A_138], %select_n3A_137 {strides = array<i32>} : memref<8192xf32, #tpu.memory_space<vmem>>, vector<16xf32>,
      %gather3A_140 = tpu.vector_load_idx %arg11[%get3A_125] masked %lt3A_129 : memref<8192xf32, #tpu.memory_space<vmem>>[vector<16xi32>], vector<16xf32>, vector<16xi1>
      %swap3A_141 = arith.index_cast %add3A_134 : i32 to index
      %swap3A_142 = tpu.vector_load %arg21[%swap3A_141] {strides = array<i32>} : memref<8192xf32, #tpu.memory_space<vmem>>, vector<16xf32>,
      tpu.vector_store %arg21[%swap3A_141], %gather3A_140 {strides = array<i32>} : memref<8192xf32, #tpu.memory_space<vmem>>, vector<16xf32>,
      %gather3A_143 = tpu.vector_load_idx %arg12[%get3A_125] masked %lt3A_129 : memref<8192xf32, #tpu.memory_space<vmem>>[vector<16xi32>], vector<16xf32>, vector<16xi1>
      %swap3A_144 = arith.index_cast %add3A_134 : i32 to index
      %swap3A_145 = tpu.vector_load %arg22[%swap3A_144] {strides = array<i32>} : memref<8192xf32, #tpu.memory_space<vmem>>, vector<16xf32>,
      tpu.vector_store %arg22[%swap3A_144], %gather3A_143 {strides = array<i32>} : memref<8192xf32, #tpu.memory_space<vmem>>, vector<16xf32>,
      %gather3A_146 = tpu.vector_load_idx %arg13[%get3A_125] masked %lt3A_129 : memref<8192xf32, #tpu.memory_space<vmem>>[vector<16xi32>], vector<16xf32>, vector<16xi1>
      %swap3A_147 = arith.index_cast %add3A_134 : i32 to index
      %swap3A_148 = tpu.vector_load %arg23[%swap3A_147] {strides = array<i32>} : memref<8192xf32, #tpu.memory_space<vmem>>, vector<16xf32>,
      tpu.vector_store %arg23[%swap3A_147], %gather3A_146 {strides = array<i32>} : memref<8192xf32, #tpu.memory_space<vmem>>, vector<16xf32>,
      %get3A_149 = arith.constant 48 : index
      %get3A_150 = tpu.vector_load %arg17[%get3A_149] {strides = array<i32>} : memref<144xi32, #tpu.memory_space<vmem>>, vector<16xi32>,
      %add3A_151 = arith.constant 48 : i32
      %add3A_152 = vector.broadcast %add3A_151 : i32 to vector<16xi32>
      %add3A_153 = arith.addi %iota3A, %add3A_152 : vector<16xi32>
      %lt3A_154 = arith.cmpi slt, %add3A_153, %parallel_loop3A_78 : vector<16xi32>
      %gather3A_155 = tpu.vector_load_idx %arg14[%get3A_150] masked %lt3A_154 : memref<8192xf32, #tpu.memory_space<vmem>>[vector<16xi32>], vector<16xf32>, vector<16xi1>
      %mul3A_156 = arith.constant 128 : i32
      %mul3A_157 = arith.muli %mul3A_54, %mul3A_156 : i32
      %add3A_158 = arith.constant 48 : i32
      %add3A_159 = arith.addi %mul3A_157, %add3A_158 : i32
      %jit3A_160 = arith.constant -3.000000e+00 : f32
      %broadcast_in_dim3A_161 = vector.broadcast %jit3A_160 : f32 to vector<16xf32>
      %select_n3A_162 = arith.select %lt3A_154, %gather3A_155, %broadcast_in_dim3A_161 : vector<16xi1>, vector<16xf32>
      %swap3A_163 = arith.index_cast %add3A_159 : i32 to index
      %swap3A_164 = tpu.vector_load %arg20[%swap3A_163] {strides = array<i32>} : memref<8192xf32, #tpu.memory_space<vmem>>, vector<16xf32>,
      tpu.vector_store %arg20[%swap3A_163], %select_n3A_162 {strides = array<i32>} : memref<8192xf32, #tpu.memory_space<vmem>>, vector<16xf32>,
      %gather3A_165 = tpu.vector_load_idx %arg11[%get3A_150] masked %lt3A_154 : memref<8192xf32, #tpu.memory_space<vmem>>[vector<16xi32>], vector<16xf32>, vector<16xi1>
      %swap3A_166 = arith.index_cast %add3A_159 : i32 to index
      %swap3A_167 = tpu.vector_load %arg21[%swap3A_166] {strides = array<i32>} : memref<8192xf32, #tpu.memory_space<vmem>>, vector<16xf32>,
      tpu.vector_store %arg21[%swap3A_166], %gather3A_165 {strides = array<i32>} : memref<8192xf32, #tpu.memory_space<vmem>>, vector<16xf32>,
      %gather3A_168 = tpu.vector_load_idx %arg12[%get3A_150] masked %lt3A_154 : memref<8192xf32, #tpu.memory_space<vmem>>[vector<16xi32>], vector<16xf32>, vector<16xi1>
      %swap3A_169 = arith.index_cast %add3A_159 : i32 to index
      %swap3A_170 = tpu.vector_load %arg22[%swap3A_169] {strides = array<i32>} : memref<8192xf32, #tpu.memory_space<vmem>>, vector<16xf32>,
      tpu.vector_store %arg22[%swap3A_169], %gather3A_168 {strides = array<i32>} : memref<8192xf32, #tpu.memory_space<vmem>>, vector<16xf32>,
      %gather3A_171 = tpu.vector_load_idx %arg13[%get3A_150] masked %lt3A_154 : memref<8192xf32, #tpu.memory_space<vmem>>[vector<16xi32>], vector<16xf32>, vector<16xi1>
      %swap3A_172 = arith.index_cast %add3A_159 : i32 to index
      %swap3A_173 = tpu.vector_load %arg23[%swap3A_172] {strides = array<i32>} : memref<8192xf32, #tpu.memory_space<vmem>>, vector<16xf32>,
      tpu.vector_store %arg23[%swap3A_172], %gather3A_171 {strides = array<i32>} : memref<8192xf32, #tpu.memory_space<vmem>>, vector<16xf32>,
      %get3A_174 = arith.constant 64 : index
      %get3A_175 = tpu.vector_load %arg17[%get3A_174] {strides = array<i32>} : memref<144xi32, #tpu.memory_space<vmem>>, vector<16xi32>,
      %add3A_176 = arith.constant 64 : i32
      %add3A_177 = vector.broadcast %add3A_176 : i32 to vector<16xi32>
      %add3A_178 = arith.addi %iota3A, %add3A_177 : vector<16xi32>
      %lt3A_179 = arith.cmpi slt, %add3A_178, %parallel_loop3A_78 : vector<16xi32>
      %gather3A_180 = tpu.vector_load_idx %arg14[%get3A_175] masked %lt3A_179 : memref<8192xf32, #tpu.memory_space<vmem>>[vector<16xi32>], vector<16xf32>, vector<16xi1>
      %mul3A_181 = arith.constant 128 : i32
      %mul3A_182 = arith.muli %mul3A_54, %mul3A_181 : i32
      %add3A_183 = arith.constant 64 : i32
      %add3A_184 = arith.addi %mul3A_182, %add3A_183 : i32
      %jit3A_185 = arith.constant -3.000000e+00 : f32
      %broadcast_in_dim3A_186 = vector.broadcast %jit3A_185 : f32 to vector<16xf32>
      %select_n3A_187 = arith.select %lt3A_179, %gather3A_180, %broadcast_in_dim3A_186 : vector<16xi1>, vector<16xf32>
      %swap3A_188 = arith.index_cast %add3A_184 : i32 to index
      %swap3A_189 = tpu.vector_load %arg20[%swap3A_188] {strides = array<i32>} : memref<8192xf32, #tpu.memory_space<vmem>>, vector<16xf32>,
      tpu.vector_store %arg20[%swap3A_188], %select_n3A_187 {strides = array<i32>} : memref<8192xf32, #tpu.memory_space<vmem>>, vector<16xf32>,
      %gather3A_190 = tpu.vector_load_idx %arg11[%get3A_175] masked %lt3A_179 : memref<8192xf32, #tpu.memory_space<vmem>>[vector<16xi32>], vector<16xf32>, vector<16xi1>
      %swap3A_191 = arith.index_cast %add3A_184 : i32 to index
      %swap3A_192 = tpu.vector_load %arg21[%swap3A_191] {strides = array<i32>} : memref<8192xf32, #tpu.memory_space<vmem>>, vector<16xf32>,
      tpu.vector_store %arg21[%swap3A_191], %gather3A_190 {strides = array<i32>} : memref<8192xf32, #tpu.memory_space<vmem>>, vector<16xf32>,
      %gather3A_193 = tpu.vector_load_idx %arg12[%get3A_175] masked %lt3A_179 : memref<8192xf32, #tpu.memory_space<vmem>>[vector<16xi32>], vector<16xf32>, vector<16xi1>
      %swap3A_194 = arith.index_cast %add3A_184 : i32 to index
      %swap3A_195 = tpu.vector_load %arg22[%swap3A_194] {strides = array<i32>} : memref<8192xf32, #tpu.memory_space<vmem>>, vector<16xf32>,
      tpu.vector_store %arg22[%swap3A_194], %gather3A_193 {strides = array<i32>} : memref<8192xf32, #tpu.memory_space<vmem>>, vector<16xf32>,
      %gather3A_196 = tpu.vector_load_idx %arg13[%get3A_175] masked %lt3A_179 : memref<8192xf32, #tpu.memory_space<vmem>>[vector<16xi32>], vector<16xf32>, vector<16xi1>
      %swap3A_197 = arith.index_cast %add3A_184 : i32 to index
      %swap3A_198 = tpu.vector_load %arg23[%swap3A_197] {strides = array<i32>} : memref<8192xf32, #tpu.memory_space<vmem>>, vector<16xf32>,
      tpu.vector_store %arg23[%swap3A_197], %gather3A_196 {strides = array<i32>} : memref<8192xf32, #tpu.memory_space<vmem>>, vector<16xf32>,
      %get3A_199 = arith.constant 80 : index
      %get3A_200 = tpu.vector_load %arg17[%get3A_199] {strides = array<i32>} : memref<144xi32, #tpu.memory_space<vmem>>, vector<16xi32>,
      %add3A_201 = arith.constant 80 : i32
      %add3A_202 = vector.broadcast %add3A_201 : i32 to vector<16xi32>
      %add3A_203 = arith.addi %iota3A, %add3A_202 : vector<16xi32>
      %lt3A_204 = arith.cmpi slt, %add3A_203, %parallel_loop3A_78 : vector<16xi32>
      %gather3A_205 = tpu.vector_load_idx %arg14[%get3A_200] masked %lt3A_204 : memref<8192xf32, #tpu.memory_space<vmem>>[vector<16xi32>], vector<16xf32>, vector<16xi1>
      %mul3A_206 = arith.constant 128 : i32
      %mul3A_207 = arith.muli %mul3A_54, %mul3A_206 : i32
      %add3A_208 = arith.constant 80 : i32
      %add3A_209 = arith.addi %mul3A_207, %add3A_208 : i32
      %jit3A_210 = arith.constant -3.000000e+00 : f32
      %broadcast_in_dim3A_211 = vector.broadcast %jit3A_210 : f32 to vector<16xf32>
      %select_n3A_212 = arith.select %lt3A_204, %gather3A_205, %broadcast_in_dim3A_211 : vector<16xi1>, vector<16xf32>
      %swap3A_213 = arith.index_cast %add3A_209 : i32 to index
      %swap3A_214 = tpu.vector_load %arg20[%swap3A_213] {strides = array<i32>} : memref<8192xf32, #tpu.memory_space<vmem>>, vector<16xf32>,
      tpu.vector_store %arg20[%swap3A_213], %select_n3A_212 {strides = array<i32>} : memref<8192xf32, #tpu.memory_space<vmem>>, vector<16xf32>,
      %gather3A_215 = tpu.vector_load_idx %arg11[%get3A_200] masked %lt3A_204 : memref<8192xf32, #tpu.memory_space<vmem>>[vector<16xi32>], vector<16xf32>, vector<16xi1>
      %swap3A_216 = arith.index_cast %add3A_209 : i32 to index
      %swap3A_217 = tpu.vector_load %arg21[%swap3A_216] {strides = array<i32>} : memref<8192xf32, #tpu.memory_space<vmem>>, vector<16xf32>,
      tpu.vector_store %arg21[%swap3A_216], %gather3A_215 {strides = array<i32>} : memref<8192xf32, #tpu.memory_space<vmem>>, vector<16xf32>,
      %gather3A_218 = tpu.vector_load_idx %arg12[%get3A_200] masked %lt3A_204 : memref<8192xf32, #tpu.memory_space<vmem>>[vector<16xi32>], vector<16xf32>, vector<16xi1>
      %swap3A_219 = arith.index_cast %add3A_209 : i32 to index
      %swap3A_220 = tpu.vector_load %arg22[%swap3A_219] {strides = array<i32>} : memref<8192xf32, #tpu.memory_space<vmem>>, vector<16xf32>,
      tpu.vector_store %arg22[%swap3A_219], %gather3A_218 {strides = array<i32>} : memref<8192xf32, #tpu.memory_space<vmem>>, vector<16xf32>,
      %gather3A_221 = tpu.vector_load_idx %arg13[%get3A_200] masked %lt3A_204 : memref<8192xf32, #tpu.memory_space<vmem>>[vector<16xi32>], vector<16xf32>, vector<16xi1>
      %swap3A_222 = arith.index_cast %add3A_209 : i32 to index
      %swap3A_223 = tpu.vector_load %arg23[%swap3A_222] {strides = array<i32>} : memref<8192xf32, #tpu.memory_space<vmem>>, vector<16xf32>,
      tpu.vector_store %arg23[%swap3A_222], %gather3A_221 {strides = array<i32>} : memref<8192xf32, #tpu.memory_space<vmem>>, vector<16xf32>,
      %get3A_224 = arith.constant 96 : index
      %get3A_225 = tpu.vector_load %arg17[%get3A_224] {strides = array<i32>} : memref<144xi32, #tpu.memory_space<vmem>>, vector<16xi32>,
      %add3A_226 = arith.constant 96 : i32
      %add3A_227 = vector.broadcast %add3A_226 : i32 to vector<16xi32>
      %add3A_228 = arith.addi %iota3A, %add3A_227 : vector<16xi32>
      %lt3A_229 = arith.cmpi slt, %add3A_228, %parallel_loop3A_78 : vector<16xi32>
      %gather3A_230 = tpu.vector_load_idx %arg14[%get3A_225] masked %lt3A_229 : memref<8192xf32, #tpu.memory_space<vmem>>[vector<16xi32>], vector<16xf32>, vector<16xi1>
      %mul3A_231 = arith.constant 128 : i32
      %mul3A_232 = arith.muli %mul3A_54, %mul3A_231 : i32
      %add3A_233 = arith.constant 96 : i32
      %add3A_234 = arith.addi %mul3A_232, %add3A_233 : i32
      %jit3A_235 = arith.constant -3.000000e+00 : f32
      %broadcast_in_dim3A_236 = vector.broadcast %jit3A_235 : f32 to vector<16xf32>
      %select_n3A_237 = arith.select %lt3A_229, %gather3A_230, %broadcast_in_dim3A_236 : vector<16xi1>, vector<16xf32>
      %swap3A_238 = arith.index_cast %add3A_234 : i32 to index
      %swap3A_239 = tpu.vector_load %arg20[%swap3A_238] {strides = array<i32>} : memref<8192xf32, #tpu.memory_space<vmem>>, vector<16xf32>,
      tpu.vector_store %arg20[%swap3A_238], %select_n3A_237 {strides = array<i32>} : memref<8192xf32, #tpu.memory_space<vmem>>, vector<16xf32>,
      %gather3A_240 = tpu.vector_load_idx %arg11[%get3A_225] masked %lt3A_229 : memref<8192xf32, #tpu.memory_space<vmem>>[vector<16xi32>], vector<16xf32>, vector<16xi1>
      %swap3A_241 = arith.index_cast %add3A_234 : i32 to index
      %swap3A_242 = tpu.vector_load %arg21[%swap3A_241] {strides = array<i32>} : memref<8192xf32, #tpu.memory_space<vmem>>, vector<16xf32>,
      tpu.vector_store %arg21[%swap3A_241], %gather3A_240 {strides = array<i32>} : memref<8192xf32, #tpu.memory_space<vmem>>, vector<16xf32>,
      %gather3A_243 = tpu.vector_load_idx %arg12[%get3A_225] masked %lt3A_229 : memref<8192xf32, #tpu.memory_space<vmem>>[vector<16xi32>], vector<16xf32>, vector<16xi1>
      %swap3A_244 = arith.index_cast %add3A_234 : i32 to index
      %swap3A_245 = tpu.vector_load %arg22[%swap3A_244] {strides = array<i32>} : memref<8192xf32, #tpu.memory_space<vmem>>, vector<16xf32>,
      tpu.vector_store %arg22[%swap3A_244], %gather3A_243 {strides = array<i32>} : memref<8192xf32, #tpu.memory_space<vmem>>, vector<16xf32>,
      %gather3A_246 = tpu.vector_load_idx %arg13[%get3A_225] masked %lt3A_229 : memref<8192xf32, #tpu.memory_space<vmem>>[vector<16xi32>], vector<16xf32>, vector<16xi1>
      %swap3A_247 = arith.index_cast %add3A_234 : i32 to index
      %swap3A_248 = tpu.vector_load %arg23[%swap3A_247] {strides = array<i32>} : memref<8192xf32, #tpu.memory_space<vmem>>, vector<16xf32>,
      tpu.vector_store %arg23[%swap3A_247], %gather3A_246 {strides = array<i32>} : memref<8192xf32, #tpu.memory_space<vmem>>, vector<16xf32>,
      %get3A_249 = arith.constant 112 : index
      %get3A_250 = tpu.vector_load %arg17[%get3A_249] {strides = array<i32>} : memref<144xi32, #tpu.memory_space<vmem>>, vector<16xi32>,
      %add3A_251 = arith.constant 112 : i32
      %add3A_252 = vector.broadcast %add3A_251 : i32 to vector<16xi32>
      %add3A_253 = arith.addi %iota3A, %add3A_252 : vector<16xi32>
      %lt3A_254 = arith.cmpi slt, %add3A_253, %parallel_loop3A_78 : vector<16xi32>
      %gather3A_255 = tpu.vector_load_idx %arg14[%get3A_250] masked %lt3A_254 : memref<8192xf32, #tpu.memory_space<vmem>>[vector<16xi32>], vector<16xf32>, vector<16xi1>
      %mul3A_256 = arith.constant 128 : i32
      %mul3A_257 = arith.muli %mul3A_54, %mul3A_256 : i32
      %add3A_258 = arith.constant 112 : i32
      %add3A_259 = arith.addi %mul3A_257, %add3A_258 : i32
      %jit3A_260 = arith.constant -3.000000e+00 : f32
      %broadcast_in_dim3A_261 = vector.broadcast %jit3A_260 : f32 to vector<16xf32>
      %select_n3A_262 = arith.select %lt3A_254, %gather3A_255, %broadcast_in_dim3A_261 : vector<16xi1>, vector<16xf32>
      %swap3A_263 = arith.index_cast %add3A_259 : i32 to index
      %swap3A_264 = tpu.vector_load %arg20[%swap3A_263] {strides = array<i32>} : memref<8192xf32, #tpu.memory_space<vmem>>, vector<16xf32>,
      tpu.vector_store %arg20[%swap3A_263], %select_n3A_262 {strides = array<i32>} : memref<8192xf32, #tpu.memory_space<vmem>>, vector<16xf32>,
      %gather3A_265 = tpu.vector_load_idx %arg11[%get3A_250] masked %lt3A_254 : memref<8192xf32, #tpu.memory_space<vmem>>[vector<16xi32>], vector<16xf32>, vector<16xi1>
      %swap3A_266 = arith.index_cast %add3A_259 : i32 to index
      %swap3A_267 = tpu.vector_load %arg21[%swap3A_266] {strides = array<i32>} : memref<8192xf32, #tpu.memory_space<vmem>>, vector<16xf32>,
      tpu.vector_store %arg21[%swap3A_266], %gather3A_265 {strides = array<i32>} : memref<8192xf32, #tpu.memory_space<vmem>>, vector<16xf32>,
      %gather3A_268 = tpu.vector_load_idx %arg12[%get3A_250] masked %lt3A_254 : memref<8192xf32, #tpu.memory_space<vmem>>[vector<16xi32>], vector<16xf32>, vector<16xi1>
      %swap3A_269 = arith.index_cast %add3A_259 : i32 to index
      %swap3A_270 = tpu.vector_load %arg22[%swap3A_269] {strides = array<i32>} : memref<8192xf32, #tpu.memory_space<vmem>>, vector<16xf32>,
      tpu.vector_store %arg22[%swap3A_269], %gather3A_268 {strides = array<i32>} : memref<8192xf32, #tpu.memory_space<vmem>>, vector<16xf32>,
      %gather3A_271 = tpu.vector_load_idx %arg13[%get3A_250] masked %lt3A_254 : memref<8192xf32, #tpu.memory_space<vmem>>[vector<16xi32>], vector<16xf32>, vector<16xi1>
      %swap3A_272 = arith.index_cast %add3A_259 : i32 to index
      %swap3A_273 = tpu.vector_load %arg23[%swap3A_272] {strides = array<i32>} : memref<8192xf32, #tpu.memory_space<vmem>>, vector<16xf32>,
      tpu.vector_store %arg23[%swap3A_272], %gather3A_271 {strides = array<i32>} : memref<8192xf32, #tpu.memory_space<vmem>>, vector<16xf32>,
      %dma_wait3A_274 = arith.constant 0 : i32
      %dma_wait3A_275 = arith.constant 0 : i32
      %dma_wait3A_276 = tpu.memref_slice %arg2[%dma_wait3A_274, %dma_wait3A_275] : memref<4096x8192xf32, #tpu.memory_space<hbm>> -> memref<1x8192xf32, #tpu.memory_space<hbm>>
      %dma_wait3A_277 = tpu.memref_squeeze %dma_wait3A_276 : memref<1x8192xf32, #tpu.memory_space<hbm>> -> memref<8192xf32, #tpu.memory_space<hbm>>
      %dma_wait3A_278 = arith.constant 0 : i32
      %dma_wait3A_279 = tpu.memref_slice %arg2[%dma_wait3A_274, %dma_wait3A_278] : memref<4096x8192xf32, #tpu.memory_space<hbm>> -> memref<1x8192xf32, #tpu.memory_space<hbm>>
      %dma_wait3A_280 = tpu.memref_squeeze %dma_wait3A_279 : memref<1x8192xf32, #tpu.memory_space<hbm>> -> memref<8192xf32, #tpu.memory_space<hbm>>
      tpu.wait_dma2 semaphore(%arg19 : memref<!tpu.dma_semaphore, #tpu.memory_space<semaphore_mem>>) src(%dma_wait3A_280 : memref<8192xf32, #tpu.memory_space<hbm>>) dst(%arg15 : memref<8192xf32, #tpu.memory_space<vmem>>)
      %add3A_281 = arith.constant 2 : i32
      %add3A_282 = arith.addi %mul3A_54, %add3A_281 : i32
      %min3A = arith.constant 63 : i32
      %min3A_283 = arith.minsi %add3A_282, %min3A : i32
      %add3A_284 = arith.addi %add3A_28, %min3A_283 : i32
      %dma_start3A_285 = arith.constant 0 : i32
      %dma_start3A_286 = tpu.memref_slice %arg2[%add3A_284, %dma_start3A_285] : memref<4096x8192xf32, #tpu.memory_space<hbm>> -> memref<1x8192xf32, #tpu.memory_space<hbm>>
      %dma_start3A_287 = tpu.memref_squeeze %dma_start3A_286 : memref<1x8192xf32, #tpu.memory_space<hbm>> -> memref<8192xf32, #tpu.memory_space<hbm>>
      %dma_start3A_288 = arith.constant 0 : i32
      %dma_start3A_289 = tpu.memref_slice %arg2[%add3A_284, %dma_start3A_288] : memref<4096x8192xf32, #tpu.memory_space<hbm>> -> memref<1x8192xf32, #tpu.memory_space<hbm>>
      %dma_start3A_290 = tpu.memref_squeeze %dma_start3A_289 : memref<1x8192xf32, #tpu.memory_space<hbm>> -> memref<8192xf32, #tpu.memory_space<hbm>>
      tpu.enqueue_dma source(%dma_start3A_290 : memref<8192xf32, #tpu.memory_space<hbm>>) target(%arg14 : memref<8192xf32, #tpu.memory_space<vmem>>) target_semaphore(%arg18 : memref<!tpu.dma_semaphore, #tpu.memory_space<semaphore_mem>>)
      %add3A_291 = arith.constant 1 : i32
      %add3A_292 = arith.addi %mul3A_54, %add3A_291 : i32
      %add3A_293 = arith.constant 64 : i32
      %add3A_294 = arith.addi %add3A_293, %add3A_292 : i32
      %mul3A_295 = arith.constant 16 : i32
      %mul3A_296 = arith.muli %add3A_294, %mul3A_295 : i32
      %get3A_297 = arith.index_cast %mul3A_296 : i32 to index
      %get3A_298 = tpu.vector_load %arg16[%get3A_297] {strides = array<i32>} : memref<2048xf32, #tpu.memory_space<vmem>>, vector<16xf32>,
      %parallel_loop3A_299 = arith.constant 0 : i32
      %parallel_loop3A_300 = arith.constant 512 : i32
      %parallel_loop3A_301 = arith.constant 1 : i32
      %parallel_loop3A_302 = scf.for %parallel_loop3A_504 = %parallel_loop3A_299 to %parallel_loop3A_300 step %parallel_loop3A_301 iter_args(%parallel_loop3A_505 = %broadcast_in_dim3A_5) -> (vector<16xi32>)  : i32 {
        %parallel_loop3A_506 = arith.constant 16 : i32
        %parallel_loop3A_507 = arith.muli %parallel_loop3A_504, %parallel_loop3A_506 : i32
        %parallel_loop3A_508 = arith.index_cast %parallel_loop3A_507 : i32 to index
        %parallel_loop3A_509 = tpu.vector_load %arg15[%parallel_loop3A_508] {strides = array<i32>} : memref<8192xf32, #tpu.memory_space<vmem>>, vector<16xf32>,
        %parallel_loop3A_510 = arith.cmpf oge, %parallel_loop3A_509, %get3A_298 : vector<16xf32>
        %parallel_loop3A_511 = arith.extui %parallel_loop3A_510 : vector<16xi1> to vector<16xi32>
        %parallel_loop3A_512 = arith.constant true
        %parallel_loop3A_513 = vector.broadcast %parallel_loop3A_512 : i1 to vector<16xi1>
        %parallel_loop3A_514 = tpu.scan <sum>, %parallel_loop3A_511 masked %parallel_loop3A_513 : vector<16xi32>, vector<16xi1> -> vector<16xi32>
        %parallel_loop3A_515 = arith.addi %parallel_loop3A_505, %parallel_loop3A_514 : vector<16xi32>
        %parallel_loop3A_516 = arith.constant 1 : i32
        %parallel_loop3A_517 = vector.broadcast %parallel_loop3A_516 : i32 to vector<16xi32>
        %parallel_loop3A_518 = arith.subi %parallel_loop3A_515, %parallel_loop3A_517 : vector<16xi32>
        %parallel_loop3A_519 = arith.constant 136 : i32
        %parallel_loop3A_520 = vector.broadcast %parallel_loop3A_519 : i32 to vector<16xi32>
        %parallel_loop3A_521 = arith.minsi %parallel_loop3A_518, %parallel_loop3A_520 : vector<16xi32>
        %parallel_loop3A_522 = vector.broadcast %parallel_loop3A_507 : i32 to vector<16xi32>
        %parallel_loop3A_523 = arith.addi %iota3A, %parallel_loop3A_522 : vector<16xi32>
        tpu.vector_store_idx %arg17[%parallel_loop3A_521], %parallel_loop3A_523 masked %parallel_loop3A_510 : memref<144xi32, #tpu.memory_space<vmem>>[vector<16xi32>], vector<16xi32>, vector<16xi1>
        %parallel_loop3A_524 = tpu.all_reduce %parallel_loop3A_510 {dim = 0 : i64, kind = #tpu.reduction_kind<sum>} : vector<16xi1> -> vector<16xi32>
        %parallel_loop3A_525 = arith.addi %parallel_loop3A_505, %parallel_loop3A_524 : vector<16xi32>
        scf.yield %parallel_loop3A_525 : vector<16xi32>
      } {sc.loop_unroll_factor = 8 : i64, sc.parallel_access}
      %get3A_303 = arith.constant 0 : index
      %get3A_304 = tpu.vector_load %arg17[%get3A_303] {strides = array<i32>} : memref<144xi32, #tpu.memory_space<vmem>>, vector<16xi32>,
      %add3A_305 = arith.constant 0 : i32
      %add3A_306 = vector.broadcast %add3A_305 : i32 to vector<16xi32>
      %add3A_307 = arith.addi %iota3A, %add3A_306 : vector<16xi32>
      %lt3A_308 = arith.cmpi slt, %add3A_307, %parallel_loop3A_302 : vector<16xi32>
      %gather3A_309 = tpu.vector_load_idx %arg15[%get3A_304] masked %lt3A_308 : memref<8192xf32, #tpu.memory_space<vmem>>[vector<16xi32>], vector<16xf32>, vector<16xi1>
      %mul3A_310 = arith.constant 128 : i32
      %mul3A_311 = arith.muli %add3A_292, %mul3A_310 : i32
      %add3A_312 = arith.constant 0 : i32
      %add3A_313 = arith.addi %mul3A_311, %add3A_312 : i32
      %jit3A_314 = arith.constant -3.000000e+00 : f32
      %broadcast_in_dim3A_315 = vector.broadcast %jit3A_314 : f32 to vector<16xf32>
      %select_n3A_316 = arith.select %lt3A_308, %gather3A_309, %broadcast_in_dim3A_315 : vector<16xi1>, vector<16xf32>
      %swap3A_317 = arith.index_cast %add3A_313 : i32 to index
      %swap3A_318 = tpu.vector_load %arg20[%swap3A_317] {strides = array<i32>} : memref<8192xf32, #tpu.memory_space<vmem>>, vector<16xf32>,
      tpu.vector_store %arg20[%swap3A_317], %select_n3A_316 {strides = array<i32>} : memref<8192xf32, #tpu.memory_space<vmem>>, vector<16xf32>,
      %gather3A_319 = tpu.vector_load_idx %arg11[%get3A_304] masked %lt3A_308 : memref<8192xf32, #tpu.memory_space<vmem>>[vector<16xi32>], vector<16xf32>, vector<16xi1>
      %swap3A_320 = arith.index_cast %add3A_313 : i32 to index
      %swap3A_321 = tpu.vector_load %arg21[%swap3A_320] {strides = array<i32>} : memref<8192xf32, #tpu.memory_space<vmem>>, vector<16xf32>,
      tpu.vector_store %arg21[%swap3A_320], %gather3A_319 {strides = array<i32>} : memref<8192xf32, #tpu.memory_space<vmem>>, vector<16xf32>,
      %gather3A_322 = tpu.vector_load_idx %arg12[%get3A_304] masked %lt3A_308 : memref<8192xf32, #tpu.memory_space<vmem>>[vector<16xi32>], vector<16xf32>, vector<16xi1>
      %swap3A_323 = arith.index_cast %add3A_313 : i32 to index
      %swap3A_324 = tpu.vector_load %arg22[%swap3A_323] {strides = array<i32>} : memref<8192xf32, #tpu.memory_space<vmem>>, vector<16xf32>,
      tpu.vector_store %arg22[%swap3A_323], %gather3A_322 {strides = array<i32>} : memref<8192xf32, #tpu.memory_space<vmem>>, vector<16xf32>,
      %gather3A_325 = tpu.vector_load_idx %arg13[%get3A_304] masked %lt3A_308 : memref<8192xf32, #tpu.memory_space<vmem>>[vector<16xi32>], vector<16xf32>, vector<16xi1>
      %swap3A_326 = arith.index_cast %add3A_313 : i32 to index
      %swap3A_327 = tpu.vector_load %arg23[%swap3A_326] {strides = array<i32>} : memref<8192xf32, #tpu.memory_space<vmem>>, vector<16xf32>,
      tpu.vector_store %arg23[%swap3A_326], %gather3A_325 {strides = array<i32>} : memref<8192xf32, #tpu.memory_space<vmem>>, vector<16xf32>,
      %get3A_328 = arith.constant 16 : index
      %get3A_329 = tpu.vector_load %arg17[%get3A_328] {strides = array<i32>} : memref<144xi32, #tpu.memory_space<vmem>>, vector<16xi32>,
      %add3A_330 = arith.constant 16 : i32
      %add3A_331 = vector.broadcast %add3A_330 : i32 to vector<16xi32>
      %add3A_332 = arith.addi %iota3A, %add3A_331 : vector<16xi32>
      %lt3A_333 = arith.cmpi slt, %add3A_332, %parallel_loop3A_302 : vector<16xi32>
      %gather3A_334 = tpu.vector_load_idx %arg15[%get3A_329] masked %lt3A_333 : memref<8192xf32, #tpu.memory_space<vmem>>[vector<16xi32>], vector<16xf32>, vector<16xi1>
      %mul3A_335 = arith.constant 128 : i32
      %mul3A_336 = arith.muli %add3A_292, %mul3A_335 : i32
      %add3A_337 = arith.constant 16 : i32
      %add3A_338 = arith.addi %mul3A_336, %add3A_337 : i32
      %jit3A_339 = arith.constant -3.000000e+00 : f32
      %broadcast_in_dim3A_340 = vector.broadcast %jit3A_339 : f32 to vector<16xf32>
      %select_n3A_341 = arith.select %lt3A_333, %gather3A_334, %broadcast_in_dim3A_340 : vector<16xi1>, vector<16xf32>
      %swap3A_342 = arith.index_cast %add3A_338 : i32 to index
      %swap3A_343 = tpu.vector_load %arg20[%swap3A_342] {strides = array<i32>} : memref<8192xf32, #tpu.memory_space<vmem>>, vector<16xf32>,
      tpu.vector_store %arg20[%swap3A_342], %select_n3A_341 {strides = array<i32>} : memref<8192xf32, #tpu.memory_space<vmem>>, vector<16xf32>,
      %gather3A_344 = tpu.vector_load_idx %arg11[%get3A_329] masked %lt3A_333 : memref<8192xf32, #tpu.memory_space<vmem>>[vector<16xi32>], vector<16xf32>, vector<16xi1>
      %swap3A_345 = arith.index_cast %add3A_338 : i32 to index
      %swap3A_346 = tpu.vector_load %arg21[%swap3A_345] {strides = array<i32>} : memref<8192xf32, #tpu.memory_space<vmem>>, vector<16xf32>,
      tpu.vector_store %arg21[%swap3A_345], %gather3A_344 {strides = array<i32>} : memref<8192xf32, #tpu.memory_space<vmem>>, vector<16xf32>,
      %gather3A_347 = tpu.vector_load_idx %arg12[%get3A_329] masked %lt3A_333 : memref<8192xf32, #tpu.memory_space<vmem>>[vector<16xi32>], vector<16xf32>, vector<16xi1>
      %swap3A_348 = arith.index_cast %add3A_338 : i32 to index
      %swap3A_349 = tpu.vector_load %arg22[%swap3A_348] {strides = array<i32>} : memref<8192xf32, #tpu.memory_space<vmem>>, vector<16xf32>,
      tpu.vector_store %arg22[%swap3A_348], %gather3A_347 {strides = array<i32>} : memref<8192xf32, #tpu.memory_space<vmem>>, vector<16xf32>,
      %gather3A_350 = tpu.vector_load_idx %arg13[%get3A_329] masked %lt3A_333 : memref<8192xf32, #tpu.memory_space<vmem>>[vector<16xi32>], vector<16xf32>, vector<16xi1>
      %swap3A_351 = arith.index_cast %add3A_338 : i32 to index
      %swap3A_352 = tpu.vector_load %arg23[%swap3A_351] {strides = array<i32>} : memref<8192xf32, #tpu.memory_space<vmem>>, vector<16xf32>,
      tpu.vector_store %arg23[%swap3A_351], %gather3A_350 {strides = array<i32>} : memref<8192xf32, #tpu.memory_space<vmem>>, vector<16xf32>,
      %get3A_353 = arith.constant 32 : index
      %get3A_354 = tpu.vector_load %arg17[%get3A_353] {strides = array<i32>} : memref<144xi32, #tpu.memory_space<vmem>>, vector<16xi32>,
      %add3A_355 = arith.constant 32 : i32
      %add3A_356 = vector.broadcast %add3A_355 : i32 to vector<16xi32>
      %add3A_357 = arith.addi %iota3A, %add3A_356 : vector<16xi32>
      %lt3A_358 = arith.cmpi slt, %add3A_357, %parallel_loop3A_302 : vector<16xi32>
      %gather3A_359 = tpu.vector_load_idx %arg15[%get3A_354] masked %lt3A_358 : memref<8192xf32, #tpu.memory_space<vmem>>[vector<16xi32>], vector<16xf32>, vector<16xi1>
      %mul3A_360 = arith.constant 128 : i32
      %mul3A_361 = arith.muli %add3A_292, %mul3A_360 : i32
      %add3A_362 = arith.constant 32 : i32
      %add3A_363 = arith.addi %mul3A_361, %add3A_362 : i32
      %jit3A_364 = arith.constant -3.000000e+00 : f32
      %broadcast_in_dim3A_365 = vector.broadcast %jit3A_364 : f32 to vector<16xf32>
      %select_n3A_366 = arith.select %lt3A_358, %gather3A_359, %broadcast_in_dim3A_365 : vector<16xi1>, vector<16xf32>
      %swap3A_367 = arith.index_cast %add3A_363 : i32 to index
      %swap3A_368 = tpu.vector_load %arg20[%swap3A_367] {strides = array<i32>} : memref<8192xf32, #tpu.memory_space<vmem>>, vector<16xf32>,
      tpu.vector_store %arg20[%swap3A_367], %select_n3A_366 {strides = array<i32>} : memref<8192xf32, #tpu.memory_space<vmem>>, vector<16xf32>,
      %gather3A_369 = tpu.vector_load_idx %arg11[%get3A_354] masked %lt3A_358 : memref<8192xf32, #tpu.memory_space<vmem>>[vector<16xi32>], vector<16xf32>, vector<16xi1>
      %swap3A_370 = arith.index_cast %add3A_363 : i32 to index
      %swap3A_371 = tpu.vector_load %arg21[%swap3A_370] {strides = array<i32>} : memref<8192xf32, #tpu.memory_space<vmem>>, vector<16xf32>,
      tpu.vector_store %arg21[%swap3A_370], %gather3A_369 {strides = array<i32>} : memref<8192xf32, #tpu.memory_space<vmem>>, vector<16xf32>,
      %gather3A_372 = tpu.vector_load_idx %arg12[%get3A_354] masked %lt3A_358 : memref<8192xf32, #tpu.memory_space<vmem>>[vector<16xi32>], vector<16xf32>, vector<16xi1>
      %swap3A_373 = arith.index_cast %add3A_363 : i32 to index
      %swap3A_374 = tpu.vector_load %arg22[%swap3A_373] {strides = array<i32>} : memref<8192xf32, #tpu.memory_space<vmem>>, vector<16xf32>,
      tpu.vector_store %arg22[%swap3A_373], %gather3A_372 {strides = array<i32>} : memref<8192xf32, #tpu.memory_space<vmem>>, vector<16xf32>,
      %gather3A_375 = tpu.vector_load_idx %arg13[%get3A_354] masked %lt3A_358 : memref<8192xf32, #tpu.memory_space<vmem>>[vector<16xi32>], vector<16xf32>, vector<16xi1>
      %swap3A_376 = arith.index_cast %add3A_363 : i32 to index
      %swap3A_377 = tpu.vector_load %arg23[%swap3A_376] {strides = array<i32>} : memref<8192xf32, #tpu.memory_space<vmem>>, vector<16xf32>,
      tpu.vector_store %arg23[%swap3A_376], %gather3A_375 {strides = array<i32>} : memref<8192xf32, #tpu.memory_space<vmem>>, vector<16xf32>,
      %get3A_378 = arith.constant 48 : index
      %get3A_379 = tpu.vector_load %arg17[%get3A_378] {strides = array<i32>} : memref<144xi32, #tpu.memory_space<vmem>>, vector<16xi32>,
      %add3A_380 = arith.constant 48 : i32
      %add3A_381 = vector.broadcast %add3A_380 : i32 to vector<16xi32>
      %add3A_382 = arith.addi %iota3A, %add3A_381 : vector<16xi32>
      %lt3A_383 = arith.cmpi slt, %add3A_382, %parallel_loop3A_302 : vector<16xi32>
      %gather3A_384 = tpu.vector_load_idx %arg15[%get3A_379] masked %lt3A_383 : memref<8192xf32, #tpu.memory_space<vmem>>[vector<16xi32>], vector<16xf32>, vector<16xi1>
      %mul3A_385 = arith.constant 128 : i32
      %mul3A_386 = arith.muli %add3A_292, %mul3A_385 : i32
      %add3A_387 = arith.constant 48 : i32
      %add3A_388 = arith.addi %mul3A_386, %add3A_387 : i32
      %jit3A_389 = arith.constant -3.000000e+00 : f32
      %broadcast_in_dim3A_390 = vector.broadcast %jit3A_389 : f32 to vector<16xf32>
      %select_n3A_391 = arith.select %lt3A_383, %gather3A_384, %broadcast_in_dim3A_390 : vector<16xi1>, vector<16xf32>
      %swap3A_392 = arith.index_cast %add3A_388 : i32 to index
      %swap3A_393 = tpu.vector_load %arg20[%swap3A_392] {strides = array<i32>} : memref<8192xf32, #tpu.memory_space<vmem>>, vector<16xf32>,
      tpu.vector_store %arg20[%swap3A_392], %select_n3A_391 {strides = array<i32>} : memref<8192xf32, #tpu.memory_space<vmem>>, vector<16xf32>,
      %gather3A_394 = tpu.vector_load_idx %arg11[%get3A_379] masked %lt3A_383 : memref<8192xf32, #tpu.memory_space<vmem>>[vector<16xi32>], vector<16xf32>, vector<16xi1>
      %swap3A_395 = arith.index_cast %add3A_388 : i32 to index
      %swap3A_396 = tpu.vector_load %arg21[%swap3A_395] {strides = array<i32>} : memref<8192xf32, #tpu.memory_space<vmem>>, vector<16xf32>,
      tpu.vector_store %arg21[%swap3A_395], %gather3A_394 {strides = array<i32>} : memref<8192xf32, #tpu.memory_space<vmem>>, vector<16xf32>,
      %gather3A_397 = tpu.vector_load_idx %arg12[%get3A_379] masked %lt3A_383 : memref<8192xf32, #tpu.memory_space<vmem>>[vector<16xi32>], vector<16xf32>, vector<16xi1>
      %swap3A_398 = arith.index_cast %add3A_388 : i32 to index
      %swap3A_399 = tpu.vector_load %arg22[%swap3A_398] {strides = array<i32>} : memref<8192xf32, #tpu.memory_space<vmem>>, vector<16xf32>,
      tpu.vector_store %arg22[%swap3A_398], %gather3A_397 {strides = array<i32>} : memref<8192xf32, #tpu.memory_space<vmem>>, vector<16xf32>,
      %gather3A_400 = tpu.vector_load_idx %arg13[%get3A_379] masked %lt3A_383 : memref<8192xf32, #tpu.memory_space<vmem>>[vector<16xi32>], vector<16xf32>, vector<16xi1>
      %swap3A_401 = arith.index_cast %add3A_388 : i32 to index
      %swap3A_402 = tpu.vector_load %arg23[%swap3A_401] {strides = array<i32>} : memref<8192xf32, #tpu.memory_space<vmem>>, vector<16xf32>,
      tpu.vector_store %arg23[%swap3A_401], %gather3A_400 {strides = array<i32>} : memref<8192xf32, #tpu.memory_space<vmem>>, vector<16xf32>,
      %get3A_403 = arith.constant 64 : index
      %get3A_404 = tpu.vector_load %arg17[%get3A_403] {strides = array<i32>} : memref<144xi32, #tpu.memory_space<vmem>>, vector<16xi32>,
      %add3A_405 = arith.constant 64 : i32
      %add3A_406 = vector.broadcast %add3A_405 : i32 to vector<16xi32>
      %add3A_407 = arith.addi %iota3A, %add3A_406 : vector<16xi32>
      %lt3A_408 = arith.cmpi slt, %add3A_407, %parallel_loop3A_302 : vector<16xi32>
      %gather3A_409 = tpu.vector_load_idx %arg15[%get3A_404] masked %lt3A_408 : memref<8192xf32, #tpu.memory_space<vmem>>[vector<16xi32>], vector<16xf32>, vector<16xi1>
      %mul3A_410 = arith.constant 128 : i32
      %mul3A_411 = arith.muli %add3A_292, %mul3A_410 : i32
      %add3A_412 = arith.constant 64 : i32
      %add3A_413 = arith.addi %mul3A_411, %add3A_412 : i32
      %jit3A_414 = arith.constant -3.000000e+00 : f32
      %broadcast_in_dim3A_415 = vector.broadcast %jit3A_414 : f32 to vector<16xf32>
      %select_n3A_416 = arith.select %lt3A_408, %gather3A_409, %broadcast_in_dim3A_415 : vector<16xi1>, vector<16xf32>
      %swap3A_417 = arith.index_cast %add3A_413 : i32 to index
      %swap3A_418 = tpu.vector_load %arg20[%swap3A_417] {strides = array<i32>} : memref<8192xf32, #tpu.memory_space<vmem>>, vector<16xf32>,
      tpu.vector_store %arg20[%swap3A_417], %select_n3A_416 {strides = array<i32>} : memref<8192xf32, #tpu.memory_space<vmem>>, vector<16xf32>,
      %gather3A_419 = tpu.vector_load_idx %arg11[%get3A_404] masked %lt3A_408 : memref<8192xf32, #tpu.memory_space<vmem>>[vector<16xi32>], vector<16xf32>, vector<16xi1>
      %swap3A_420 = arith.index_cast %add3A_413 : i32 to index
      %swap3A_421 = tpu.vector_load %arg21[%swap3A_420] {strides = array<i32>} : memref<8192xf32, #tpu.memory_space<vmem>>, vector<16xf32>,
      tpu.vector_store %arg21[%swap3A_420], %gather3A_419 {strides = array<i32>} : memref<8192xf32, #tpu.memory_space<vmem>>, vector<16xf32>,
      %gather3A_422 = tpu.vector_load_idx %arg12[%get3A_404] masked %lt3A_408 : memref<8192xf32, #tpu.memory_space<vmem>>[vector<16xi32>], vector<16xf32>, vector<16xi1>
      %swap3A_423 = arith.index_cast %add3A_413 : i32 to index
      %swap3A_424 = tpu.vector_load %arg22[%swap3A_423] {strides = array<i32>} : memref<8192xf32, #tpu.memory_space<vmem>>, vector<16xf32>,
      tpu.vector_store %arg22[%swap3A_423], %gather3A_422 {strides = array<i32>} : memref<8192xf32, #tpu.memory_space<vmem>>, vector<16xf32>,
      %gather3A_425 = tpu.vector_load_idx %arg13[%get3A_404] masked %lt3A_408 : memref<8192xf32, #tpu.memory_space<vmem>>[vector<16xi32>], vector<16xf32>, vector<16xi1>
      %swap3A_426 = arith.index_cast %add3A_413 : i32 to index
      %swap3A_427 = tpu.vector_load %arg23[%swap3A_426] {strides = array<i32>} : memref<8192xf32, #tpu.memory_space<vmem>>, vector<16xf32>,
      tpu.vector_store %arg23[%swap3A_426], %gather3A_425 {strides = array<i32>} : memref<8192xf32, #tpu.memory_space<vmem>>, vector<16xf32>,
      %get3A_428 = arith.constant 80 : index
      %get3A_429 = tpu.vector_load %arg17[%get3A_428] {strides = array<i32>} : memref<144xi32, #tpu.memory_space<vmem>>, vector<16xi32>,
      %add3A_430 = arith.constant 80 : i32
      %add3A_431 = vector.broadcast %add3A_430 : i32 to vector<16xi32>
      %add3A_432 = arith.addi %iota3A, %add3A_431 : vector<16xi32>
      %lt3A_433 = arith.cmpi slt, %add3A_432, %parallel_loop3A_302 : vector<16xi32>
      %gather3A_434 = tpu.vector_load_idx %arg15[%get3A_429] masked %lt3A_433 : memref<8192xf32, #tpu.memory_space<vmem>>[vector<16xi32>], vector<16xf32>, vector<16xi1>
      %mul3A_435 = arith.constant 128 : i32
      %mul3A_436 = arith.muli %add3A_292, %mul3A_435 : i32
      %add3A_437 = arith.constant 80 : i32
      %add3A_438 = arith.addi %mul3A_436, %add3A_437 : i32
      %jit3A_439 = arith.constant -3.000000e+00 : f32
      %broadcast_in_dim3A_440 = vector.broadcast %jit3A_439 : f32 to vector<16xf32>
      %select_n3A_441 = arith.select %lt3A_433, %gather3A_434, %broadcast_in_dim3A_440 : vector<16xi1>, vector<16xf32>
      %swap3A_442 = arith.index_cast %add3A_438 : i32 to index
      %swap3A_443 = tpu.vector_load %arg20[%swap3A_442] {strides = array<i32>} : memref<8192xf32, #tpu.memory_space<vmem>>, vector<16xf32>,
      tpu.vector_store %arg20[%swap3A_442], %select_n3A_441 {strides = array<i32>} : memref<8192xf32, #tpu.memory_space<vmem>>, vector<16xf32>,
      %gather3A_444 = tpu.vector_load_idx %arg11[%get3A_429] masked %lt3A_433 : memref<8192xf32, #tpu.memory_space<vmem>>[vector<16xi32>], vector<16xf32>, vector<16xi1>
      %swap3A_445 = arith.index_cast %add3A_438 : i32 to index
      %swap3A_446 = tpu.vector_load %arg21[%swap3A_445] {strides = array<i32>} : memref<8192xf32, #tpu.memory_space<vmem>>, vector<16xf32>,
      tpu.vector_store %arg21[%swap3A_445], %gather3A_444 {strides = array<i32>} : memref<8192xf32, #tpu.memory_space<vmem>>, vector<16xf32>,
      %gather3A_447 = tpu.vector_load_idx %arg12[%get3A_429] masked %lt3A_433 : memref<8192xf32, #tpu.memory_space<vmem>>[vector<16xi32>], vector<16xf32>, vector<16xi1>
      %swap3A_448 = arith.index_cast %add3A_438 : i32 to index
      %swap3A_449 = tpu.vector_load %arg22[%swap3A_448] {strides = array<i32>} : memref<8192xf32, #tpu.memory_space<vmem>>, vector<16xf32>,
      tpu.vector_store %arg22[%swap3A_448], %gather3A_447 {strides = array<i32>} : memref<8192xf32, #tpu.memory_space<vmem>>, vector<16xf32>,
      %gather3A_450 = tpu.vector_load_idx %arg13[%get3A_429] masked %lt3A_433 : memref<8192xf32, #tpu.memory_space<vmem>>[vector<16xi32>], vector<16xf32>, vector<16xi1>
      %swap3A_451 = arith.index_cast %add3A_438 : i32 to index
      %swap3A_452 = tpu.vector_load %arg23[%swap3A_451] {strides = array<i32>} : memref<8192xf32, #tpu.memory_space<vmem>>, vector<16xf32>,
      tpu.vector_store %arg23[%swap3A_451], %gather3A_450 {strides = array<i32>} : memref<8192xf32, #tpu.memory_space<vmem>>, vector<16xf32>,
      %get3A_453 = arith.constant 96 : index
      %get3A_454 = tpu.vector_load %arg17[%get3A_453] {strides = array<i32>} : memref<144xi32, #tpu.memory_space<vmem>>, vector<16xi32>,
      %add3A_455 = arith.constant 96 : i32
      %add3A_456 = vector.broadcast %add3A_455 : i32 to vector<16xi32>
      %add3A_457 = arith.addi %iota3A, %add3A_456 : vector<16xi32>
      %lt3A_458 = arith.cmpi slt, %add3A_457, %parallel_loop3A_302 : vector<16xi32>
      %gather3A_459 = tpu.vector_load_idx %arg15[%get3A_454] masked %lt3A_458 : memref<8192xf32, #tpu.memory_space<vmem>>[vector<16xi32>], vector<16xf32>, vector<16xi1>
      %mul3A_460 = arith.constant 128 : i32
      %mul3A_461 = arith.muli %add3A_292, %mul3A_460 : i32
      %add3A_462 = arith.constant 96 : i32
      %add3A_463 = arith.addi %mul3A_461, %add3A_462 : i32
      %jit3A_464 = arith.constant -3.000000e+00 : f32
      %broadcast_in_dim3A_465 = vector.broadcast %jit3A_464 : f32 to vector<16xf32>
      %select_n3A_466 = arith.select %lt3A_458, %gather3A_459, %broadcast_in_dim3A_465 : vector<16xi1>, vector<16xf32>
      %swap3A_467 = arith.index_cast %add3A_463 : i32 to index
      %swap3A_468 = tpu.vector_load %arg20[%swap3A_467] {strides = array<i32>} : memref<8192xf32, #tpu.memory_space<vmem>>, vector<16xf32>,
      tpu.vector_store %arg20[%swap3A_467], %select_n3A_466 {strides = array<i32>} : memref<8192xf32, #tpu.memory_space<vmem>>, vector<16xf32>,
      %gather3A_469 = tpu.vector_load_idx %arg11[%get3A_454] masked %lt3A_458 : memref<8192xf32, #tpu.memory_space<vmem>>[vector<16xi32>], vector<16xf32>, vector<16xi1>
      %swap3A_470 = arith.index_cast %add3A_463 : i32 to index
      %swap3A_471 = tpu.vector_load %arg21[%swap3A_470] {strides = array<i32>} : memref<8192xf32, #tpu.memory_space<vmem>>, vector<16xf32>,
      tpu.vector_store %arg21[%swap3A_470], %gather3A_469 {strides = array<i32>} : memref<8192xf32, #tpu.memory_space<vmem>>, vector<16xf32>,
      %gather3A_472 = tpu.vector_load_idx %arg12[%get3A_454] masked %lt3A_458 : memref<8192xf32, #tpu.memory_space<vmem>>[vector<16xi32>], vector<16xf32>, vector<16xi1>
      %swap3A_473 = arith.index_cast %add3A_463 : i32 to index
      %swap3A_474 = tpu.vector_load %arg22[%swap3A_473] {strides = array<i32>} : memref<8192xf32, #tpu.memory_space<vmem>>, vector<16xf32>,
      tpu.vector_store %arg22[%swap3A_473], %gather3A_472 {strides = array<i32>} : memref<8192xf32, #tpu.memory_space<vmem>>, vector<16xf32>,
      %gather3A_475 = tpu.vector_load_idx %arg13[%get3A_454] masked %lt3A_458 : memref<8192xf32, #tpu.memory_space<vmem>>[vector<16xi32>], vector<16xf32>, vector<16xi1>
      %swap3A_476 = arith.index_cast %add3A_463 : i32 to index
      %swap3A_477 = tpu.vector_load %arg23[%swap3A_476] {strides = array<i32>} : memref<8192xf32, #tpu.memory_space<vmem>>, vector<16xf32>,
      tpu.vector_store %arg23[%swap3A_476], %gather3A_475 {strides = array<i32>} : memref<8192xf32, #tpu.memory_space<vmem>>, vector<16xf32>,
      %get3A_478 = arith.constant 112 : index
      %get3A_479 = tpu.vector_load %arg17[%get3A_478] {strides = array<i32>} : memref<144xi32, #tpu.memory_space<vmem>>, vector<16xi32>,
      %add3A_480 = arith.constant 112 : i32
      %add3A_481 = vector.broadcast %add3A_480 : i32 to vector<16xi32>
      %add3A_482 = arith.addi %iota3A, %add3A_481 : vector<16xi32>
      %lt3A_483 = arith.cmpi slt, %add3A_482, %parallel_loop3A_302 : vector<16xi32>
      %gather3A_484 = tpu.vector_load_idx %arg15[%get3A_479] masked %lt3A_483 : memref<8192xf32, #tpu.memory_space<vmem>>[vector<16xi32>], vector<16xf32>, vector<16xi1>
      %mul3A_485 = arith.constant 128 : i32
      %mul3A_486 = arith.muli %add3A_292, %mul3A_485 : i32
      %add3A_487 = arith.constant 112 : i32
      %add3A_488 = arith.addi %mul3A_486, %add3A_487 : i32
      %jit3A_489 = arith.constant -3.000000e+00 : f32
      %broadcast_in_dim3A_490 = vector.broadcast %jit3A_489 : f32 to vector<16xf32>
      %select_n3A_491 = arith.select %lt3A_483, %gather3A_484, %broadcast_in_dim3A_490 : vector<16xi1>, vector<16xf32>
      %swap3A_492 = arith.index_cast %add3A_488 : i32 to index
      %swap3A_493 = tpu.vector_load %arg20[%swap3A_492] {strides = array<i32>} : memref<8192xf32, #tpu.memory_space<vmem>>, vector<16xf32>,
      tpu.vector_store %arg20[%swap3A_492], %select_n3A_491 {strides = array<i32>} : memref<8192xf32, #tpu.memory_space<vmem>>, vector<16xf32>,
      %gather3A_494 = tpu.vector_load_idx %arg11[%get3A_479] masked %lt3A_483 : memref<8192xf32, #tpu.memory_space<vmem>>[vector<16xi32>], vector<16xf32>, vector<16xi1>
      %swap3A_495 = arith.index_cast %add3A_488 : i32 to index
      %swap3A_496 = tpu.vector_load %arg21[%swap3A_495] {strides = array<i32>} : memref<8192xf32, #tpu.memory_space<vmem>>, vector<16xf32>,
      tpu.vector_store %arg21[%swap3A_495], %gather3A_494 {strides = array<i32>} : memref<8192xf32, #tpu.memory_space<vmem>>, vector<16xf32>,
      %gather3A_497 = tpu.vector_load_idx %arg12[%get3A_479] masked %lt3A_483 : memref<8192xf32, #tpu.memory_space<vmem>>[vector<16xi32>], vector<16xf32>, vector<16xi1>
      %swap3A_498 = arith.index_cast %add3A_488 : i32 to index
      %swap3A_499 = tpu.vector_load %arg22[%swap3A_498] {strides = array<i32>} : memref<8192xf32, #tpu.memory_space<vmem>>, vector<16xf32>,
      tpu.vector_store %arg22[%swap3A_498], %gather3A_497 {strides = array<i32>} : memref<8192xf32, #tpu.memory_space<vmem>>, vector<16xf32>,
      %gather3A_500 = tpu.vector_load_idx %arg13[%get3A_479] masked %lt3A_483 : memref<8192xf32, #tpu.memory_space<vmem>>[vector<16xi32>], vector<16xf32>, vector<16xi1>
      %swap3A_501 = arith.index_cast %add3A_488 : i32 to index
      %swap3A_502 = tpu.vector_load %arg23[%swap3A_501] {strides = array<i32>} : memref<8192xf32, #tpu.memory_space<vmem>>, vector<16xf32>,
      tpu.vector_store %arg23[%swap3A_501], %gather3A_500 {strides = array<i32>} : memref<8192xf32, #tpu.memory_space<vmem>>, vector<16xf32>,
      %scan3A_503 = arith.constant 0 : i32
      scf.yield %scan3A_503 : i32
    }
    %scan3A_41 = arith.constant 32 : i32
    %dma_wait3A_42 = arith.constant 0 : i32
    %dma_wait3A_43 = arith.constant 0 : i32
    %dma_wait3A_44 = tpu.memref_slice %arg2[%dma_wait3A_42, %dma_wait3A_43] : memref<4096x8192xf32, #tpu.memory_space<hbm>> -> memref<1x8192xf32, #tpu.memory_space<hbm>>
    %dma_wait3A_45 = tpu.memref_squeeze %dma_wait3A_44 : memref<1x8192xf32, #tpu.memory_space<hbm>> -> memref<8192xf32, #tpu.memory_space<hbm>>
    %dma_wait3A_46 = arith.constant 0 : i32
    %dma_wait3A_47 = tpu.memref_slice %arg2[%dma_wait3A_42, %dma_wait3A_46] : memref<4096x8192xf32, #tpu.memory_space<hbm>> -> memref<1x8192xf32, #tpu.memory_space<hbm>>
    %dma_wait3A_48 = tpu.memref_squeeze %dma_wait3A_47 : memref<1x8192xf32, #tpu.memory_space<hbm>> -> memref<8192xf32, #tpu.memory_space<hbm>>
    tpu.wait_dma2 semaphore(%arg18 : memref<!tpu.dma_semaphore, #tpu.memory_space<semaphore_mem>>) src(%dma_wait3A_48 : memref<8192xf32, #tpu.memory_space<hbm>>) dst(%arg14 : memref<8192xf32, #tpu.memory_space<vmem>>)
    %mul3A_49 = arith.constant 128 : i32
    %mul3A_50 = arith.muli %add3A_28, %mul3A_49 : i32
    "tpu.region"() ({
      %run_scoped3A = tpu.sem_alloc : memref<!tpu.dma_semaphore, #tpu.memory_space<semaphore_mem>>
      %dma_start3A_51 = tpu.memref_slice %arg7[%mul3A_50] : memref<524288xf32, #tpu.memory_space<hbm>> -> memref<8192xf32, #tpu.memory_space<hbm>>
      %dma_start3A_52 = tpu.memref_slice %arg7[%mul3A_50] : memref<524288xf32, #tpu.memory_space<hbm>> -> memref<8192xf32, #tpu.memory_space<hbm>>
      tpu.enqueue_dma source(%arg20 : memref<8192xf32, #tpu.memory_space<vmem>>) target(%dma_start3A_52 : memref<8192xf32, #tpu.memory_space<hbm>>) target_semaphore(%run_scoped3A : memref<!tpu.dma_semaphore, #tpu.memory_space<semaphore_mem>>)
      %dma_wait3A_53 = tpu.memref_slice %arg7[%mul3A_50] : memref<524288xf32, #tpu.memory_space<hbm>> -> memref<8192xf32, #tpu.memory_space<hbm>>
      %dma_wait3A_54 = tpu.memref_slice %arg7[%mul3A_50] : memref<524288xf32, #tpu.memory_space<hbm>> -> memref<8192xf32, #tpu.memory_space<hbm>>
      tpu.wait_dma2 semaphore(%run_scoped3A : memref<!tpu.dma_semaphore, #tpu.memory_space<semaphore_mem>>) src(%arg20 : memref<8192xf32, #tpu.memory_space<vmem>>) dst(%dma_wait3A_54 : memref<8192xf32, #tpu.memory_space<hbm>>)
      tpu.yield
    }) : () -> ()
    "tpu.region"() ({
      %run_scoped3A = tpu.sem_alloc : memref<!tpu.dma_semaphore, #tpu.memory_space<semaphore_mem>>
      %dma_start3A_51 = tpu.memref_slice %arg8[%mul3A_50] : memref<524288xf32, #tpu.memory_space<hbm>> -> memref<8192xf32, #tpu.memory_space<hbm>>
      %dma_start3A_52 = tpu.memref_slice %arg8[%mul3A_50] : memref<524288xf32, #tpu.memory_space<hbm>> -> memref<8192xf32, #tpu.memory_space<hbm>>
      tpu.enqueue_dma source(%arg21 : memref<8192xf32, #tpu.memory_space<vmem>>) target(%dma_start3A_52 : memref<8192xf32, #tpu.memory_space<hbm>>) target_semaphore(%run_scoped3A : memref<!tpu.dma_semaphore, #tpu.memory_space<semaphore_mem>>)
      %dma_wait3A_53 = tpu.memref_slice %arg8[%mul3A_50] : memref<524288xf32, #tpu.memory_space<hbm>> -> memref<8192xf32, #tpu.memory_space<hbm>>
      %dma_wait3A_54 = tpu.memref_slice %arg8[%mul3A_50] : memref<524288xf32, #tpu.memory_space<hbm>> -> memref<8192xf32, #tpu.memory_space<hbm>>
      tpu.wait_dma2 semaphore(%run_scoped3A : memref<!tpu.dma_semaphore, #tpu.memory_space<semaphore_mem>>) src(%arg21 : memref<8192xf32, #tpu.memory_space<vmem>>) dst(%dma_wait3A_54 : memref<8192xf32, #tpu.memory_space<hbm>>)
      tpu.yield
    }) : () -> ()
    "tpu.region"() ({
      %run_scoped3A = tpu.sem_alloc : memref<!tpu.dma_semaphore, #tpu.memory_space<semaphore_mem>>
      %dma_start3A_51 = tpu.memref_slice %arg9[%mul3A_50] : memref<524288xf32, #tpu.memory_space<hbm>> -> memref<8192xf32, #tpu.memory_space<hbm>>
      %dma_start3A_52 = tpu.memref_slice %arg9[%mul3A_50] : memref<524288xf32, #tpu.memory_space<hbm>> -> memref<8192xf32, #tpu.memory_space<hbm>>
      tpu.enqueue_dma source(%arg22 : memref<8192xf32, #tpu.memory_space<vmem>>) target(%dma_start3A_52 : memref<8192xf32, #tpu.memory_space<hbm>>) target_semaphore(%run_scoped3A : memref<!tpu.dma_semaphore, #tpu.memory_space<semaphore_mem>>)
      %dma_wait3A_53 = tpu.memref_slice %arg9[%mul3A_50] : memref<524288xf32, #tpu.memory_space<hbm>> -> memref<8192xf32, #tpu.memory_space<hbm>>
      %dma_wait3A_54 = tpu.memref_slice %arg9[%mul3A_50] : memref<524288xf32, #tpu.memory_space<hbm>> -> memref<8192xf32, #tpu.memory_space<hbm>>
      tpu.wait_dma2 semaphore(%run_scoped3A : memref<!tpu.dma_semaphore, #tpu.memory_space<semaphore_mem>>) src(%arg22 : memref<8192xf32, #tpu.memory_space<vmem>>) dst(%dma_wait3A_54 : memref<8192xf32, #tpu.memory_space<hbm>>)
      tpu.yield
    }) : () -> ()
    "tpu.region"() ({
      %run_scoped3A = tpu.sem_alloc : memref<!tpu.dma_semaphore, #tpu.memory_space<semaphore_mem>>
      %dma_start3A_51 = tpu.memref_slice %arg10[%mul3A_50] : memref<524288xf32, #tpu.memory_space<hbm>> -> memref<8192xf32, #tpu.memory_space<hbm>>
      %dma_start3A_52 = tpu.memref_slice %arg10[%mul3A_50] : memref<524288xf32, #tpu.memory_space<hbm>> -> memref<8192xf32, #tpu.memory_space<hbm>>
      tpu.enqueue_dma source(%arg23 : memref<8192xf32, #tpu.memory_space<vmem>>) target(%dma_start3A_52 : memref<8192xf32, #tpu.memory_space<hbm>>) target_semaphore(%run_scoped3A : memref<!tpu.dma_semaphore, #tpu.memory_space<semaphore_mem>>)
      %dma_wait3A_53 = tpu.memref_slice %arg10[%mul3A_50] : memref<524288xf32, #tpu.memory_space<hbm>> -> memref<8192xf32, #tpu.memory_space<hbm>>
      %dma_wait3A_54 = tpu.memref_slice %arg10[%mul3A_50] : memref<524288xf32, #tpu.memory_space<hbm>> -> memref<8192xf32, #tpu.memory_space<hbm>>
      tpu.wait_dma2 semaphore(%run_scoped3A : memref<!tpu.dma_semaphore, #tpu.memory_space<semaphore_mem>>) src(%arg23 : memref<8192xf32, #tpu.memory_space<vmem>>) dst(%dma_wait3A_54 : memref<8192xf32, #tpu.memory_space<hbm>>)
      tpu.yield
    }) : () -> ()
    return
  }
}

#map = affine_map<(d0, d1) -> (0, 0)>
#map1 = affine_map<(d0, d1) -> (0)>
module attributes {stable_mosaic.version = 14 : i64} {
  func.func @sc_compact(%arg0: i32, %arg1: i32, %arg2: memref<4096x8192xf32, #tpu.memory_space<hbm>>, %arg3: memref<65536xf32, #tpu.memory_space<hbm>>, %arg4: memref<8192xf32, #tpu.memory_space<hbm>>, %arg5: memref<8192xf32, #tpu.memory_space<hbm>>, %arg6: memref<8192xf32, #tpu.memory_space<hbm>>, %arg7: memref<524288xf32, #tpu.memory_space<hbm>>, %arg8: memref<524288xf32, #tpu.memory_space<hbm>>, %arg9: memref<524288xf32, #tpu.memory_space<hbm>>, %arg10: memref<524288xf32, #tpu.memory_space<hbm>>, %arg11: memref<8192xf32, #tpu.memory_space<vmem>>, %arg12: memref<8192xf32, #tpu.memory_space<vmem>>, %arg13: memref<8192xf32, #tpu.memory_space<vmem>>, %arg14: memref<8192xf32, #tpu.memory_space<vmem>>, %arg15: memref<8192xf32, #tpu.memory_space<vmem>>, %arg16: memref<2048xf32, #tpu.memory_space<vmem>>, %arg17: memref<144xi32, #tpu.memory_space<vmem>>, %arg18: memref<!tpu.dma_semaphore, #tpu.memory_space<semaphore_mem>>, %arg19: memref<!tpu.dma_semaphore, #tpu.memory_space<semaphore_mem>>, %arg20: memref<8192xf32, #tpu.memory_space<vmem>>, %arg21: memref<8192xf32, #tpu.memory_space<vmem>>, %arg22: memref<8192xf32, #tpu.memory_space<vmem>>, %arg23: memref<8192xf32, #tpu.memory_space<vmem>>) attributes {dimension_semantics = [#tpu.dimension_semantics<core_parallel>, #tpu.dimension_semantics<subcore_parallel>], iteration_bounds = array<i64: 2, 16>, scalar_prefetch = 0 : i64, scratch_operands = 13 : i64, tpu.core_type = #tpu.core_type<sc_vector_subcore>, window_params = [{transform_indices = #map}, {transform_indices = #map1}, {transform_indices = #map1}, {transform_indices = #map1}, {transform_indices = #map1}, {transform_indices = #map1}, {transform_indices = #map1}, {transform_indices = #map1}, {transform_indices = #map1}]} {
    %mul3A = arith.constant 2 : i32
    %mul3A_0 = arith.muli %arg1, %mul3A : i32
    %add3A = arith.addi %mul3A_0, %arg0 : i32
    %mul3A_1 = arith.constant 128 : i32
    %mul3A_2 = arith.muli %add3A, %mul3A_1 : i32
    "tpu.region"() ({
      %run_scoped3A = tpu.sem_alloc : memref<!tpu.dma_semaphore, #tpu.memory_space<semaphore_mem>>
      tpu.enqueue_dma source(%arg4 : memref<8192xf32, #tpu.memory_space<hbm>>) target(%arg11 : memref<8192xf32, #tpu.memory_space<vmem>>) target_semaphore(%run_scoped3A : memref<!tpu.dma_semaphore, #tpu.memory_space<semaphore_mem>>)
      tpu.wait_dma2 semaphore(%run_scoped3A : memref<!tpu.dma_semaphore, #tpu.memory_space<semaphore_mem>>) src(%arg4 : memref<8192xf32, #tpu.memory_space<hbm>>) dst(%arg11 : memref<8192xf32, #tpu.memory_space<vmem>>)
      tpu.yield
    }) : () -> ()
    "tpu.region"() ({
      %run_scoped3A = tpu.sem_alloc : memref<!tpu.dma_semaphore, #tpu.memory_space<semaphore_mem>>
      tpu.enqueue_dma source(%arg5 : memref<8192xf32, #tpu.memory_space<hbm>>) target(%arg12 : memref<8192xf32, #tpu.memory_space<vmem>>) target_semaphore(%run_scoped3A : memref<!tpu.dma_semaphore, #tpu.memory_space<semaphore_mem>>)
      tpu.wait_dma2 semaphore(%run_scoped3A : memref<!tpu.dma_semaphore, #tpu.memory_space<semaphore_mem>>) src(%arg5 : memref<8192xf32, #tpu.memory_space<hbm>>) dst(%arg12 : memref<8192xf32, #tpu.memory_space<vmem>>)
      tpu.yield
    }) : () -> ()
    "tpu.region"() ({
      %run_scoped3A = tpu.sem_alloc : memref<!tpu.dma_semaphore, #tpu.memory_space<semaphore_mem>>
      tpu.enqueue_dma source(%arg6 : memref<8192xf32, #tpu.memory_space<hbm>>) target(%arg13 : memref<8192xf32, #tpu.memory_space<vmem>>) target_semaphore(%run_scoped3A : memref<!tpu.dma_semaphore, #tpu.memory_space<semaphore_mem>>)
      tpu.wait_dma2 semaphore(%run_scoped3A : memref<!tpu.dma_semaphore, #tpu.memory_space<semaphore_mem>>) src(%arg6 : memref<8192xf32, #tpu.memory_space<hbm>>) dst(%arg13 : memref<8192xf32, #tpu.memory_space<vmem>>)
      tpu.yield
    }) : () -> ()
    %mul3A_3 = arith.constant 16 : i32
    %mul3A_4 = arith.muli %mul3A_2, %mul3A_3 : i32
    "tpu.region"() ({
      %run_scoped3A = tpu.sem_alloc : memref<!tpu.dma_semaphore, #tpu.memory_space<semaphore_mem>>
      %dma_start3A_51 = tpu.memref_slice %arg3[%mul3A_4] : memref<65536xf32, #tpu.memory_space<hbm>> -> memref<2048xf32, #tpu.memory_space<hbm>>
      %dma_start3A_52 = tpu.memref_slice %arg3[%mul3A_4] : memref<65536xf32, #tpu.memory_space<hbm>> -> memref<2048xf32, #tpu.memory_space<hbm>>
      tpu.enqueue_dma source(%dma_start3A_52 : memref<2048xf32, #tpu.memory_space<hbm>>) target(%arg16 : memref<2048xf32, #tpu.memory_space<vmem>>) target_semaphore(%run_scoped3A : memref<!tpu.dma_semaphore, #tpu.memory_space<semaphore_mem>>)
      %dma_wait3A_53 = tpu.memref_slice %arg3[%mul3A_4] : memref<65536xf32, #tpu.memory_space<hbm>> -> memref<2048xf32, #tpu.memory_space<hbm>>
      %dma_wait3A_54 = tpu.memref_slice %arg3[%mul3A_4] : memref<65536xf32, #tpu.memory_space<hbm>> -> memref<2048xf32, #tpu.memory_space<hbm>>
      tpu.wait_dma2 semaphore(%run_scoped3A : memref<!tpu.dma_semaphore, #tpu.memory_space<semaphore_mem>>) src(%dma_wait3A_54 : memref<2048xf32, #tpu.memory_space<hbm>>) dst(%arg16 : memref<2048xf32, #tpu.memory_space<vmem>>)
      tpu.yield
    }) : () -> ()
    %iota3A = tpu.iota {dimensions = array<i32: 0>} : vector<16xi32>
    %broadcast_in_dim3A = arith.constant 0 : i32
    %broadcast_in_dim3A_5 = vector.broadcast %broadcast_in_dim3A : i32 to vector<16xi32>
    %add3A_6 = arith.constant 0 : i32
    %add3A_7 = arith.addi %mul3A_2, %add3A_6 : i32
    %dma_start3A = arith.constant 0 : i32
    %dma_start3A_8 = tpu.memref_slice %arg2[%add3A_7, %dma_start3A] : memref<4096x8192xf32, #tpu.memory_space<hbm>> -> memref<1x8192xf32, #tpu.memory_space<hbm>>
    %dma_start3A_9 = tpu.memref_squeeze %dma_start3A_8 : memref<1x8192xf32, #tpu.memory_space<hbm>> -> memref<8192xf32, #tpu.memory_space<hbm>>
    %dma_start3A_10 = arith.constant 0 : i32
    %dma_start3A_11 = tpu.memref_slice %arg2[%add3A_7, %dma_start3A_10] : memref<4096x8192xf32, #tpu.memory_space<hbm>> -> memref<1x8192xf32, #tpu.memory_space<hbm>>
    %dma_start3A_12 = tpu.memref_squeeze %dma_start3A_11 : memref<1x8192xf32, #tpu.memory_space<hbm>> -> memref<8192xf32, #tpu.memory_space<hbm>>
    tpu.enqueue_dma source(%dma_start3A_12 : memref<8192xf32, #tpu.memory_space<hbm>>) target(%arg14 : memref<8192xf32, #tpu.memory_space<vmem>>) target_semaphore(%arg18 : memref<!tpu.dma_semaphore, #tpu.memory_space<semaphore_mem>>)
    %scan3A = arith.constant 0 : i32
    %scan3A_13 = arith.constant 0 : i32
    %scan3A_14 = arith.constant 32 : i32
    %scan3A_15 = arith.addi %scan3A_13, %scan3A_14 : i32
    %scan3A_16 = arith.constant 1 : i32
    %scan3A_17 = scf.for %scan3A_51 = %scan3A_13 to %scan3A_15 step %scan3A_16 iter_args(%scan3A_52 = %scan3A) -> (i32)  : i32 {
      %mul3A_53 = arith.constant 2 : i32
      %mul3A_54 = arith.muli %mul3A_53, %scan3A_51 : i32
      %dma_wait3A_55 = arith.constant 0 : i32
      %dma_wait3A_56 = arith.constant 0 : i32
      %dma_wait3A_57 = tpu.memref_slice %arg2[%dma_wait3A_55, %dma_wait3A_56] : memref<4096x8192xf32, #tpu.memory_space<hbm>> -> memref<1x8192xf32, #tpu.memory_space<hbm>>
      %dma_wait3A_58 = tpu.memref_squeeze %dma_wait3A_57 : memref<1x8192xf32, #tpu.memory_space<hbm>> -> memref<8192xf32, #tpu.memory_space<hbm>>
      %dma_wait3A_59 = arith.constant 0 : i32
      %dma_wait3A_60 = tpu.memref_slice %arg2[%dma_wait3A_55, %dma_wait3A_59] : memref<4096x8192xf32, #tpu.memory_space<hbm>> -> memref<1x8192xf32, #tpu.memory_space<hbm>>
      %dma_wait3A_61 = tpu.memref_squeeze %dma_wait3A_60 : memref<1x8192xf32, #tpu.memory_space<hbm>> -> memref<8192xf32, #tpu.memory_space<hbm>>
      tpu.wait_dma2 semaphore(%arg18 : memref<!tpu.dma_semaphore, #tpu.memory_space<semaphore_mem>>) src(%dma_wait3A_61 : memref<8192xf32, #tpu.memory_space<hbm>>) dst(%arg14 : memref<8192xf32, #tpu.memory_space<vmem>>)
      %add3A_62 = arith.addi %add3A_7, %mul3A_54 : i32
      %add3A_63 = arith.constant 1 : i32
      %add3A_64 = arith.addi %add3A_62, %add3A_63 : i32
      %dma_start3A_65 = arith.constant 0 : i32
      %dma_start3A_66 = tpu.memref_slice %arg2[%add3A_64, %dma_start3A_65] : memref<4096x8192xf32, #tpu.memory_space<hbm>> -> memref<1x8192xf32, #tpu.memory_space<hbm>>
      %dma_start3A_67 = tpu.memref_squeeze %dma_start3A_66 : memref<1x8192xf32, #tpu.memory_space<hbm>> -> memref<8192xf32, #tpu.memory_space<hbm>>
      %dma_start3A_68 = arith.constant 0 : i32
      %dma_start3A_69 = tpu.memref_slice %arg2[%add3A_64, %dma_start3A_68] : memref<4096x8192xf32, #tpu.memory_space<hbm>> -> memref<1x8192xf32, #tpu.memory_space<hbm>>
      %dma_start3A_70 = tpu.memref_squeeze %dma_start3A_69 : memref<1x8192xf32, #tpu.memory_space<hbm>> -> memref<8192xf32, #tpu.memory_space<hbm>>
      tpu.enqueue_dma source(%dma_start3A_70 : memref<8192xf32, #tpu.memory_space<hbm>>) target(%arg15 : memref<8192xf32, #tpu.memory_space<vmem>>) target_semaphore(%arg19 : memref<!tpu.dma_semaphore, #tpu.memory_space<semaphore_mem>>)
      %add3A_71 = arith.constant 0 : i32
      %add3A_72 = arith.addi %add3A_71, %mul3A_54 : i32
      %mul3A_73 = arith.constant 16 : i32
      %mul3A_74 = arith.muli %add3A_72, %mul3A_73 : i32
      %get3A = arith.index_cast %mul3A_74 : i32 to index
      %get3A_75 = tpu.vector_load %arg16[%get3A] {strides = array<i32>} : memref<2048xf32, #tpu.memory_space<vmem>>, vector<16xf32>,
      %parallel_loop3A = arith.constant 0 : i32
      %parallel_loop3A_76 = arith.constant 512 : i32
      %parallel_loop3A_77 = arith.constant 1 : i32
      %parallel_loop3A_78 = scf.for %parallel_loop3A_504 = %parallel_loop3A to %parallel_loop3A_76 step %parallel_loop3A_77 iter_args(%parallel_loop3A_505 = %broadcast_in_dim3A_5) -> (vector<16xi32>)  : i32 {
        %parallel_loop3A_506 = arith.constant 16 : i32
        %parallel_loop3A_507 = arith.muli %parallel_loop3A_504, %parallel_loop3A_506 : i32
        %parallel_loop3A_508 = arith.index_cast %parallel_loop3A_507 : i32 to index
        %parallel_loop3A_509 = tpu.vector_load %arg14[%parallel_loop3A_508] {strides = array<i32>} : memref<8192xf32, #tpu.memory_space<vmem>>, vector<16xf32>,
        %parallel_loop3A_510 = arith.cmpf oge, %parallel_loop3A_509, %get3A_75 : vector<16xf32>
        %parallel_loop3A_511 = arith.extui %parallel_loop3A_510 : vector<16xi1> to vector<16xi32>
        %parallel_loop3A_512 = arith.constant true
        %parallel_loop3A_513 = vector.broadcast %parallel_loop3A_512 : i1 to vector<16xi1>
        %parallel_loop3A_514 = tpu.scan <sum>, %parallel_loop3A_511 masked %parallel_loop3A_513 : vector<16xi32>, vector<16xi1> -> vector<16xi32>
        %parallel_loop3A_515 = arith.addi %parallel_loop3A_505, %parallel_loop3A_514 : vector<16xi32>
        %parallel_loop3A_516 = arith.constant 1 : i32
        %parallel_loop3A_517 = vector.broadcast %parallel_loop3A_516 : i32 to vector<16xi32>
        %parallel_loop3A_518 = arith.subi %parallel_loop3A_515, %parallel_loop3A_517 : vector<16xi32>
        %parallel_loop3A_519 = arith.constant 136 : i32
        %parallel_loop3A_520 = vector.broadcast %parallel_loop3A_519 : i32 to vector<16xi32>
        %parallel_loop3A_521 = arith.minsi %parallel_loop3A_518, %parallel_loop3A_520 : vector<16xi32>
        %parallel_loop3A_522 = vector.broadcast %parallel_loop3A_507 : i32 to vector<16xi32>
        %parallel_loop3A_523 = arith.addi %iota3A, %parallel_loop3A_522 : vector<16xi32>
        tpu.vector_store_idx %arg17[%parallel_loop3A_521], %parallel_loop3A_523 masked %parallel_loop3A_510 : memref<144xi32, #tpu.memory_space<vmem>>[vector<16xi32>], vector<16xi32>, vector<16xi1>
        %parallel_loop3A_524 = tpu.all_reduce %parallel_loop3A_510 {dim = 0 : i64, kind = #tpu.reduction_kind<sum>} : vector<16xi1> -> vector<16xi32>
        %parallel_loop3A_525 = arith.addi %parallel_loop3A_505, %parallel_loop3A_524 : vector<16xi32>
        scf.yield %parallel_loop3A_525 : vector<16xi32>
      } {sc.loop_unroll_factor = 8 : i64, sc.parallel_access}
      %get3A_79 = arith.constant 0 : index
      %get3A_80 = tpu.vector_load %arg17[%get3A_79] {strides = array<i32>} : memref<144xi32, #tpu.memory_space<vmem>>, vector<16xi32>,
      %add3A_81 = arith.constant 0 : i32
      %add3A_82 = vector.broadcast %add3A_81 : i32 to vector<16xi32>
      %add3A_83 = arith.addi %iota3A, %add3A_82 : vector<16xi32>
      %lt3A = arith.cmpi slt, %add3A_83, %parallel_loop3A_78 : vector<16xi32>
      %gather3A = tpu.vector_load_idx %arg14[%get3A_80] masked %lt3A : memref<8192xf32, #tpu.memory_space<vmem>>[vector<16xi32>], vector<16xf32>, vector<16xi1>
      %mul3A_84 = arith.constant 128 : i32
      %mul3A_85 = arith.muli %mul3A_54, %mul3A_84 : i32
      %add3A_86 = arith.constant 0 : i32
      %add3A_87 = arith.addi %mul3A_85, %add3A_86 : i32
      %jit3A = arith.constant -3.000000e+00 : f32
      %broadcast_in_dim3A_88 = vector.broadcast %jit3A : f32 to vector<16xf32>
      %select_n3A = arith.select %lt3A, %gather3A, %broadcast_in_dim3A_88 : vector<16xi1>, vector<16xf32>
      %swap3A = arith.index_cast %add3A_87 : i32 to index
      %swap3A_89 = tpu.vector_load %arg20[%swap3A] {strides = array<i32>} : memref<8192xf32, #tpu.memory_space<vmem>>, vector<16xf32>,
      tpu.vector_store %arg20[%swap3A], %select_n3A {strides = array<i32>} : memref<8192xf32, #tpu.memory_space<vmem>>, vector<16xf32>,
      %gather3A_90 = tpu.vector_load_idx %arg11[%get3A_80] masked %lt3A : memref<8192xf32, #tpu.memory_space<vmem>>[vector<16xi32>], vector<16xf32>, vector<16xi1>
      %swap3A_91 = arith.index_cast %add3A_87 : i32 to index
      %swap3A_92 = tpu.vector_load %arg21[%swap3A_91] {strides = array<i32>} : memref<8192xf32, #tpu.memory_space<vmem>>, vector<16xf32>,
      tpu.vector_store %arg21[%swap3A_91], %gather3A_90 {strides = array<i32>} : memref<8192xf32, #tpu.memory_space<vmem>>, vector<16xf32>,
      %gather3A_93 = tpu.vector_load_idx %arg12[%get3A_80] masked %lt3A : memref<8192xf32, #tpu.memory_space<vmem>>[vector<16xi32>], vector<16xf32>, vector<16xi1>
      %swap3A_94 = arith.index_cast %add3A_87 : i32 to index
      %swap3A_95 = tpu.vector_load %arg22[%swap3A_94] {strides = array<i32>} : memref<8192xf32, #tpu.memory_space<vmem>>, vector<16xf32>,
      tpu.vector_store %arg22[%swap3A_94], %gather3A_93 {strides = array<i32>} : memref<8192xf32, #tpu.memory_space<vmem>>, vector<16xf32>,
      %gather3A_96 = tpu.vector_load_idx %arg13[%get3A_80] masked %lt3A : memref<8192xf32, #tpu.memory_space<vmem>>[vector<16xi32>], vector<16xf32>, vector<16xi1>
      %swap3A_97 = arith.index_cast %add3A_87 : i32 to index
      %swap3A_98 = tpu.vector_load %arg23[%swap3A_97] {strides = array<i32>} : memref<8192xf32, #tpu.memory_space<vmem>>, vector<16xf32>,
      tpu.vector_store %arg23[%swap3A_97], %gather3A_96 {strides = array<i32>} : memref<8192xf32, #tpu.memory_space<vmem>>, vector<16xf32>,
      %get3A_99 = arith.constant 16 : index
      %get3A_100 = tpu.vector_load %arg17[%get3A_99] {strides = array<i32>} : memref<144xi32, #tpu.memory_space<vmem>>, vector<16xi32>,
      %add3A_101 = arith.constant 16 : i32
      %add3A_102 = vector.broadcast %add3A_101 : i32 to vector<16xi32>
      %add3A_103 = arith.addi %iota3A, %add3A_102 : vector<16xi32>
      %lt3A_104 = arith.cmpi slt, %add3A_103, %parallel_loop3A_78 : vector<16xi32>
      %gather3A_105 = tpu.vector_load_idx %arg14[%get3A_100] masked %lt3A_104 : memref<8192xf32, #tpu.memory_space<vmem>>[vector<16xi32>], vector<16xf32>, vector<16xi1>
      %mul3A_106 = arith.constant 128 : i32
      %mul3A_107 = arith.muli %mul3A_54, %mul3A_106 : i32
      %add3A_108 = arith.constant 16 : i32
      %add3A_109 = arith.addi %mul3A_107, %add3A_108 : i32
      %jit3A_110 = arith.constant -3.000000e+00 : f32
      %broadcast_in_dim3A_111 = vector.broadcast %jit3A_110 : f32 to vector<16xf32>
      %select_n3A_112 = arith.select %lt3A_104, %gather3A_105, %broadcast_in_dim3A_111 : vector<16xi1>, vector<16xf32>
      %swap3A_113 = arith.index_cast %add3A_109 : i32 to index
      %swap3A_114 = tpu.vector_load %arg20[%swap3A_113] {strides = array<i32>} : memref<8192xf32, #tpu.memory_space<vmem>>, vector<16xf32>,
      tpu.vector_store %arg20[%swap3A_113], %select_n3A_112 {strides = array<i32>} : memref<8192xf32, #tpu.memory_space<vmem>>, vector<16xf32>,
      %gather3A_115 = tpu.vector_load_idx %arg11[%get3A_100] masked %lt3A_104 : memref<8192xf32, #tpu.memory_space<vmem>>[vector<16xi32>], vector<16xf32>, vector<16xi1>
      %swap3A_116 = arith.index_cast %add3A_109 : i32 to index
      %swap3A_117 = tpu.vector_load %arg21[%swap3A_116] {strides = array<i32>} : memref<8192xf32, #tpu.memory_space<vmem>>, vector<16xf32>,
      tpu.vector_store %arg21[%swap3A_116], %gather3A_115 {strides = array<i32>} : memref<8192xf32, #tpu.memory_space<vmem>>, vector<16xf32>,
      %gather3A_118 = tpu.vector_load_idx %arg12[%get3A_100] masked %lt3A_104 : memref<8192xf32, #tpu.memory_space<vmem>>[vector<16xi32>], vector<16xf32>, vector<16xi1>
      %swap3A_119 = arith.index_cast %add3A_109 : i32 to index
      %swap3A_120 = tpu.vector_load %arg22[%swap3A_119] {strides = array<i32>} : memref<8192xf32, #tpu.memory_space<vmem>>, vector<16xf32>,
      tpu.vector_store %arg22[%swap3A_119], %gather3A_118 {strides = array<i32>} : memref<8192xf32, #tpu.memory_space<vmem>>, vector<16xf32>,
      %gather3A_121 = tpu.vector_load_idx %arg13[%get3A_100] masked %lt3A_104 : memref<8192xf32, #tpu.memory_space<vmem>>[vector<16xi32>], vector<16xf32>, vector<16xi1>
      %swap3A_122 = arith.index_cast %add3A_109 : i32 to index
      %swap3A_123 = tpu.vector_load %arg23[%swap3A_122] {strides = array<i32>} : memref<8192xf32, #tpu.memory_space<vmem>>, vector<16xf32>,
      tpu.vector_store %arg23[%swap3A_122], %gather3A_121 {strides = array<i32>} : memref<8192xf32, #tpu.memory_space<vmem>>, vector<16xf32>,
      %get3A_124 = arith.constant 32 : index
      %get3A_125 = tpu.vector_load %arg17[%get3A_124] {strides = array<i32>} : memref<144xi32, #tpu.memory_space<vmem>>, vector<16xi32>,
      %add3A_126 = arith.constant 32 : i32
      %add3A_127 = vector.broadcast %add3A_126 : i32 to vector<16xi32>
      %add3A_128 = arith.addi %iota3A, %add3A_127 : vector<16xi32>
      %lt3A_129 = arith.cmpi slt, %add3A_128, %parallel_loop3A_78 : vector<16xi32>
      %gather3A_130 = tpu.vector_load_idx %arg14[%get3A_125] masked %lt3A_129 : memref<8192xf32, #tpu.memory_space<vmem>>[vector<16xi32>], vector<16xf32>, vector<16xi1>
      %mul3A_131 = arith.constant 128 : i32
      %mul3A_132 = arith.muli %mul3A_54, %mul3A_131 : i32
      %add3A_133 = arith.constant 32 : i32
      %add3A_134 = arith.addi %mul3A_132, %add3A_133 : i32
      %jit3A_135 = arith.constant -3.000000e+00 : f32
      %broadcast_in_dim3A_136 = vector.broadcast %jit3A_135 : f32 to vector<16xf32>
      %select_n3A_137 = arith.select %lt3A_129, %gather3A_130, %broadcast_in_dim3A_136 : vector<16xi1>, vector<16xf32>
      %swap3A_138 = arith.index_cast %add3A_134 : i32 to index
      %swap3A_139 = tpu.vector_load %arg20[%swap3A_138] {strides = array<i32>} : memref<8192xf32, #tpu.memory_space<vmem>>, vector<16xf32>,
      tpu.vector_store %arg20[%swap3A_138], %select_n3A_137 {strides = array<i32>} : memref<8192xf32, #tpu.memory_space<vmem>>, vector<16xf32>,
      %gather3A_140 = tpu.vector_load_idx %arg11[%get3A_125] masked %lt3A_129 : memref<8192xf32, #tpu.memory_space<vmem>>[vector<16xi32>], vector<16xf32>, vector<16xi1>
      %swap3A_141 = arith.index_cast %add3A_134 : i32 to index
      %swap3A_142 = tpu.vector_load %arg21[%swap3A_141] {strides = array<i32>} : memref<8192xf32, #tpu.memory_space<vmem>>, vector<16xf32>,
      tpu.vector_store %arg21[%swap3A_141], %gather3A_140 {strides = array<i32>} : memref<8192xf32, #tpu.memory_space<vmem>>, vector<16xf32>,
      %gather3A_143 = tpu.vector_load_idx %arg12[%get3A_125] masked %lt3A_129 : memref<8192xf32, #tpu.memory_space<vmem>>[vector<16xi32>], vector<16xf32>, vector<16xi1>
      %swap3A_144 = arith.index_cast %add3A_134 : i32 to index
      %swap3A_145 = tpu.vector_load %arg22[%swap3A_144] {strides = array<i32>} : memref<8192xf32, #tpu.memory_space<vmem>>, vector<16xf32>,
      tpu.vector_store %arg22[%swap3A_144], %gather3A_143 {strides = array<i32>} : memref<8192xf32, #tpu.memory_space<vmem>>, vector<16xf32>,
      %gather3A_146 = tpu.vector_load_idx %arg13[%get3A_125] masked %lt3A_129 : memref<8192xf32, #tpu.memory_space<vmem>>[vector<16xi32>], vector<16xf32>, vector<16xi1>
      %swap3A_147 = arith.index_cast %add3A_134 : i32 to index
      %swap3A_148 = tpu.vector_load %arg23[%swap3A_147] {strides = array<i32>} : memref<8192xf32, #tpu.memory_space<vmem>>, vector<16xf32>,
      tpu.vector_store %arg23[%swap3A_147], %gather3A_146 {strides = array<i32>} : memref<8192xf32, #tpu.memory_space<vmem>>, vector<16xf32>,
      %get3A_149 = arith.constant 48 : index
      %get3A_150 = tpu.vector_load %arg17[%get3A_149] {strides = array<i32>} : memref<144xi32, #tpu.memory_space<vmem>>, vector<16xi32>,
      %add3A_151 = arith.constant 48 : i32
      %add3A_152 = vector.broadcast %add3A_151 : i32 to vector<16xi32>
      %add3A_153 = arith.addi %iota3A, %add3A_152 : vector<16xi32>
      %lt3A_154 = arith.cmpi slt, %add3A_153, %parallel_loop3A_78 : vector<16xi32>
      %gather3A_155 = tpu.vector_load_idx %arg14[%get3A_150] masked %lt3A_154 : memref<8192xf32, #tpu.memory_space<vmem>>[vector<16xi32>], vector<16xf32>, vector<16xi1>
      %mul3A_156 = arith.constant 128 : i32
      %mul3A_157 = arith.muli %mul3A_54, %mul3A_156 : i32
      %add3A_158 = arith.constant 48 : i32
      %add3A_159 = arith.addi %mul3A_157, %add3A_158 : i32
      %jit3A_160 = arith.constant -3.000000e+00 : f32
      %broadcast_in_dim3A_161 = vector.broadcast %jit3A_160 : f32 to vector<16xf32>
      %select_n3A_162 = arith.select %lt3A_154, %gather3A_155, %broadcast_in_dim3A_161 : vector<16xi1>, vector<16xf32>
      %swap3A_163 = arith.index_cast %add3A_159 : i32 to index
      %swap3A_164 = tpu.vector_load %arg20[%swap3A_163] {strides = array<i32>} : memref<8192xf32, #tpu.memory_space<vmem>>, vector<16xf32>,
      tpu.vector_store %arg20[%swap3A_163], %select_n3A_162 {strides = array<i32>} : memref<8192xf32, #tpu.memory_space<vmem>>, vector<16xf32>,
      %gather3A_165 = tpu.vector_load_idx %arg11[%get3A_150] masked %lt3A_154 : memref<8192xf32, #tpu.memory_space<vmem>>[vector<16xi32>], vector<16xf32>, vector<16xi1>
      %swap3A_166 = arith.index_cast %add3A_159 : i32 to index
      %swap3A_167 = tpu.vector_load %arg21[%swap3A_166] {strides = array<i32>} : memref<8192xf32, #tpu.memory_space<vmem>>, vector<16xf32>,
      tpu.vector_store %arg21[%swap3A_166], %gather3A_165 {strides = array<i32>} : memref<8192xf32, #tpu.memory_space<vmem>>, vector<16xf32>,
      %gather3A_168 = tpu.vector_load_idx %arg12[%get3A_150] masked %lt3A_154 : memref<8192xf32, #tpu.memory_space<vmem>>[vector<16xi32>], vector<16xf32>, vector<16xi1>
      %swap3A_169 = arith.index_cast %add3A_159 : i32 to index
      %swap3A_170 = tpu.vector_load %arg22[%swap3A_169] {strides = array<i32>} : memref<8192xf32, #tpu.memory_space<vmem>>, vector<16xf32>,
      tpu.vector_store %arg22[%swap3A_169], %gather3A_168 {strides = array<i32>} : memref<8192xf32, #tpu.memory_space<vmem>>, vector<16xf32>,
      %gather3A_171 = tpu.vector_load_idx %arg13[%get3A_150] masked %lt3A_154 : memref<8192xf32, #tpu.memory_space<vmem>>[vector<16xi32>], vector<16xf32>, vector<16xi1>
      %swap3A_172 = arith.index_cast %add3A_159 : i32 to index
      %swap3A_173 = tpu.vector_load %arg23[%swap3A_172] {strides = array<i32>} : memref<8192xf32, #tpu.memory_space<vmem>>, vector<16xf32>,
      tpu.vector_store %arg23[%swap3A_172], %gather3A_171 {strides = array<i32>} : memref<8192xf32, #tpu.memory_space<vmem>>, vector<16xf32>,
      %get3A_174 = arith.constant 64 : index
      %get3A_175 = tpu.vector_load %arg17[%get3A_174] {strides = array<i32>} : memref<144xi32, #tpu.memory_space<vmem>>, vector<16xi32>,
      %add3A_176 = arith.constant 64 : i32
      %add3A_177 = vector.broadcast %add3A_176 : i32 to vector<16xi32>
      %add3A_178 = arith.addi %iota3A, %add3A_177 : vector<16xi32>
      %lt3A_179 = arith.cmpi slt, %add3A_178, %parallel_loop3A_78 : vector<16xi32>
      %gather3A_180 = tpu.vector_load_idx %arg14[%get3A_175] masked %lt3A_179 : memref<8192xf32, #tpu.memory_space<vmem>>[vector<16xi32>], vector<16xf32>, vector<16xi1>
      %mul3A_181 = arith.constant 128 : i32
      %mul3A_182 = arith.muli %mul3A_54, %mul3A_181 : i32
      %add3A_183 = arith.constant 64 : i32
      %add3A_184 = arith.addi %mul3A_182, %add3A_183 : i32
      %jit3A_185 = arith.constant -3.000000e+00 : f32
      %broadcast_in_dim3A_186 = vector.broadcast %jit3A_185 : f32 to vector<16xf32>
      %select_n3A_187 = arith.select %lt3A_179, %gather3A_180, %broadcast_in_dim3A_186 : vector<16xi1>, vector<16xf32>
      %swap3A_188 = arith.index_cast %add3A_184 : i32 to index
      %swap3A_189 = tpu.vector_load %arg20[%swap3A_188] {strides = array<i32>} : memref<8192xf32, #tpu.memory_space<vmem>>, vector<16xf32>,
      tpu.vector_store %arg20[%swap3A_188], %select_n3A_187 {strides = array<i32>} : memref<8192xf32, #tpu.memory_space<vmem>>, vector<16xf32>,
      %gather3A_190 = tpu.vector_load_idx %arg11[%get3A_175] masked %lt3A_179 : memref<8192xf32, #tpu.memory_space<vmem>>[vector<16xi32>], vector<16xf32>, vector<16xi1>
      %swap3A_191 = arith.index_cast %add3A_184 : i32 to index
      %swap3A_192 = tpu.vector_load %arg21[%swap3A_191] {strides = array<i32>} : memref<8192xf32, #tpu.memory_space<vmem>>, vector<16xf32>,
      tpu.vector_store %arg21[%swap3A_191], %gather3A_190 {strides = array<i32>} : memref<8192xf32, #tpu.memory_space<vmem>>, vector<16xf32>,
      %gather3A_193 = tpu.vector_load_idx %arg12[%get3A_175] masked %lt3A_179 : memref<8192xf32, #tpu.memory_space<vmem>>[vector<16xi32>], vector<16xf32>, vector<16xi1>
      %swap3A_194 = arith.index_cast %add3A_184 : i32 to index
      %swap3A_195 = tpu.vector_load %arg22[%swap3A_194] {strides = array<i32>} : memref<8192xf32, #tpu.memory_space<vmem>>, vector<16xf32>,
      tpu.vector_store %arg22[%swap3A_194], %gather3A_193 {strides = array<i32>} : memref<8192xf32, #tpu.memory_space<vmem>>, vector<16xf32>,
      %gather3A_196 = tpu.vector_load_idx %arg13[%get3A_175] masked %lt3A_179 : memref<8192xf32, #tpu.memory_space<vmem>>[vector<16xi32>], vector<16xf32>, vector<16xi1>
      %swap3A_197 = arith.index_cast %add3A_184 : i32 to index
      %swap3A_198 = tpu.vector_load %arg23[%swap3A_197] {strides = array<i32>} : memref<8192xf32, #tpu.memory_space<vmem>>, vector<16xf32>,
      tpu.vector_store %arg23[%swap3A_197], %gather3A_196 {strides = array<i32>} : memref<8192xf32, #tpu.memory_space<vmem>>, vector<16xf32>,
      %get3A_199 = arith.constant 80 : index
      %get3A_200 = tpu.vector_load %arg17[%get3A_199] {strides = array<i32>} : memref<144xi32, #tpu.memory_space<vmem>>, vector<16xi32>,
      %add3A_201 = arith.constant 80 : i32
      %add3A_202 = vector.broadcast %add3A_201 : i32 to vector<16xi32>
      %add3A_203 = arith.addi %iota3A, %add3A_202 : vector<16xi32>
      %lt3A_204 = arith.cmpi slt, %add3A_203, %parallel_loop3A_78 : vector<16xi32>
      %gather3A_205 = tpu.vector_load_idx %arg14[%get3A_200] masked %lt3A_204 : memref<8192xf32, #tpu.memory_space<vmem>>[vector<16xi32>], vector<16xf32>, vector<16xi1>
      %mul3A_206 = arith.constant 128 : i32
      %mul3A_207 = arith.muli %mul3A_54, %mul3A_206 : i32
      %add3A_208 = arith.constant 80 : i32
      %add3A_209 = arith.addi %mul3A_207, %add3A_208 : i32
      %jit3A_210 = arith.constant -3.000000e+00 : f32
      %broadcast_in_dim3A_211 = vector.broadcast %jit3A_210 : f32 to vector<16xf32>
      %select_n3A_212 = arith.select %lt3A_204, %gather3A_205, %broadcast_in_dim3A_211 : vector<16xi1>, vector<16xf32>
      %swap3A_213 = arith.index_cast %add3A_209 : i32 to index
      %swap3A_214 = tpu.vector_load %arg20[%swap3A_213] {strides = array<i32>} : memref<8192xf32, #tpu.memory_space<vmem>>, vector<16xf32>,
      tpu.vector_store %arg20[%swap3A_213], %select_n3A_212 {strides = array<i32>} : memref<8192xf32, #tpu.memory_space<vmem>>, vector<16xf32>,
      %gather3A_215 = tpu.vector_load_idx %arg11[%get3A_200] masked %lt3A_204 : memref<8192xf32, #tpu.memory_space<vmem>>[vector<16xi32>], vector<16xf32>, vector<16xi1>
      %swap3A_216 = arith.index_cast %add3A_209 : i32 to index
      %swap3A_217 = tpu.vector_load %arg21[%swap3A_216] {strides = array<i32>} : memref<8192xf32, #tpu.memory_space<vmem>>, vector<16xf32>,
      tpu.vector_store %arg21[%swap3A_216], %gather3A_215 {strides = array<i32>} : memref<8192xf32, #tpu.memory_space<vmem>>, vector<16xf32>,
      %gather3A_218 = tpu.vector_load_idx %arg12[%get3A_200] masked %lt3A_204 : memref<8192xf32, #tpu.memory_space<vmem>>[vector<16xi32>], vector<16xf32>, vector<16xi1>
      %swap3A_219 = arith.index_cast %add3A_209 : i32 to index
      %swap3A_220 = tpu.vector_load %arg22[%swap3A_219] {strides = array<i32>} : memref<8192xf32, #tpu.memory_space<vmem>>, vector<16xf32>,
      tpu.vector_store %arg22[%swap3A_219], %gather3A_218 {strides = array<i32>} : memref<8192xf32, #tpu.memory_space<vmem>>, vector<16xf32>,
      %gather3A_221 = tpu.vector_load_idx %arg13[%get3A_200] masked %lt3A_204 : memref<8192xf32, #tpu.memory_space<vmem>>[vector<16xi32>], vector<16xf32>, vector<16xi1>
      %swap3A_222 = arith.index_cast %add3A_209 : i32 to index
      %swap3A_223 = tpu.vector_load %arg23[%swap3A_222] {strides = array<i32>} : memref<8192xf32, #tpu.memory_space<vmem>>, vector<16xf32>,
      tpu.vector_store %arg23[%swap3A_222], %gather3A_221 {strides = array<i32>} : memref<8192xf32, #tpu.memory_space<vmem>>, vector<16xf32>,
      %get3A_224 = arith.constant 96 : index
      %get3A_225 = tpu.vector_load %arg17[%get3A_224] {strides = array<i32>} : memref<144xi32, #tpu.memory_space<vmem>>, vector<16xi32>,
      %add3A_226 = arith.constant 96 : i32
      %add3A_227 = vector.broadcast %add3A_226 : i32 to vector<16xi32>
      %add3A_228 = arith.addi %iota3A, %add3A_227 : vector<16xi32>
      %lt3A_229 = arith.cmpi slt, %add3A_228, %parallel_loop3A_78 : vector<16xi32>
      %gather3A_230 = tpu.vector_load_idx %arg14[%get3A_225] masked %lt3A_229 : memref<8192xf32, #tpu.memory_space<vmem>>[vector<16xi32>], vector<16xf32>, vector<16xi1>
      %mul3A_231 = arith.constant 128 : i32
      %mul3A_232 = arith.muli %mul3A_54, %mul3A_231 : i32
      %add3A_233 = arith.constant 96 : i32
      %add3A_234 = arith.addi %mul3A_232, %add3A_233 : i32
      %jit3A_235 = arith.constant -3.000000e+00 : f32
      %broadcast_in_dim3A_236 = vector.broadcast %jit3A_235 : f32 to vector<16xf32>
      %select_n3A_237 = arith.select %lt3A_229, %gather3A_230, %broadcast_in_dim3A_236 : vector<16xi1>, vector<16xf32>
      %swap3A_238 = arith.index_cast %add3A_234 : i32 to index
      %swap3A_239 = tpu.vector_load %arg20[%swap3A_238] {strides = array<i32>} : memref<8192xf32, #tpu.memory_space<vmem>>, vector<16xf32>,
      tpu.vector_store %arg20[%swap3A_238], %select_n3A_237 {strides = array<i32>} : memref<8192xf32, #tpu.memory_space<vmem>>, vector<16xf32>,
      %gather3A_240 = tpu.vector_load_idx %arg11[%get3A_225] masked %lt3A_229 : memref<8192xf32, #tpu.memory_space<vmem>>[vector<16xi32>], vector<16xf32>, vector<16xi1>
      %swap3A_241 = arith.index_cast %add3A_234 : i32 to index
      %swap3A_242 = tpu.vector_load %arg21[%swap3A_241] {strides = array<i32>} : memref<8192xf32, #tpu.memory_space<vmem>>, vector<16xf32>,
      tpu.vector_store %arg21[%swap3A_241], %gather3A_240 {strides = array<i32>} : memref<8192xf32, #tpu.memory_space<vmem>>, vector<16xf32>,
      %gather3A_243 = tpu.vector_load_idx %arg12[%get3A_225] masked %lt3A_229 : memref<8192xf32, #tpu.memory_space<vmem>>[vector<16xi32>], vector<16xf32>, vector<16xi1>
      %swap3A_244 = arith.index_cast %add3A_234 : i32 to index
      %swap3A_245 = tpu.vector_load %arg22[%swap3A_244] {strides = array<i32>} : memref<8192xf32, #tpu.memory_space<vmem>>, vector<16xf32>,
      tpu.vector_store %arg22[%swap3A_244], %gather3A_243 {strides = array<i32>} : memref<8192xf32, #tpu.memory_space<vmem>>, vector<16xf32>,
      %gather3A_246 = tpu.vector_load_idx %arg13[%get3A_225] masked %lt3A_229 : memref<8192xf32, #tpu.memory_space<vmem>>[vector<16xi32>], vector<16xf32>, vector<16xi1>
      %swap3A_247 = arith.index_cast %add3A_234 : i32 to index
      %swap3A_248 = tpu.vector_load %arg23[%swap3A_247] {strides = array<i32>} : memref<8192xf32, #tpu.memory_space<vmem>>, vector<16xf32>,
      tpu.vector_store %arg23[%swap3A_247], %gather3A_246 {strides = array<i32>} : memref<8192xf32, #tpu.memory_space<vmem>>, vector<16xf32>,
      %get3A_249 = arith.constant 112 : index
      %get3A_250 = tpu.vector_load %arg17[%get3A_249] {strides = array<i32>} : memref<144xi32, #tpu.memory_space<vmem>>, vector<16xi32>,
      %add3A_251 = arith.constant 112 : i32
      %add3A_252 = vector.broadcast %add3A_251 : i32 to vector<16xi32>
      %add3A_253 = arith.addi %iota3A, %add3A_252 : vector<16xi32>
      %lt3A_254 = arith.cmpi slt, %add3A_253, %parallel_loop3A_78 : vector<16xi32>
      %gather3A_255 = tpu.vector_load_idx %arg14[%get3A_250] masked %lt3A_254 : memref<8192xf32, #tpu.memory_space<vmem>>[vector<16xi32>], vector<16xf32>, vector<16xi1>
      %mul3A_256 = arith.constant 128 : i32
      %mul3A_257 = arith.muli %mul3A_54, %mul3A_256 : i32
      %add3A_258 = arith.constant 112 : i32
      %add3A_259 = arith.addi %mul3A_257, %add3A_258 : i32
      %jit3A_260 = arith.constant -3.000000e+00 : f32
      %broadcast_in_dim3A_261 = vector.broadcast %jit3A_260 : f32 to vector<16xf32>
      %select_n3A_262 = arith.select %lt3A_254, %gather3A_255, %broadcast_in_dim3A_261 : vector<16xi1>, vector<16xf32>
      %swap3A_263 = arith.index_cast %add3A_259 : i32 to index
      %swap3A_264 = tpu.vector_load %arg20[%swap3A_263] {strides = array<i32>} : memref<8192xf32, #tpu.memory_space<vmem>>, vector<16xf32>,
      tpu.vector_store %arg20[%swap3A_263], %select_n3A_262 {strides = array<i32>} : memref<8192xf32, #tpu.memory_space<vmem>>, vector<16xf32>,
      %gather3A_265 = tpu.vector_load_idx %arg11[%get3A_250] masked %lt3A_254 : memref<8192xf32, #tpu.memory_space<vmem>>[vector<16xi32>], vector<16xf32>, vector<16xi1>
      %swap3A_266 = arith.index_cast %add3A_259 : i32 to index
      %swap3A_267 = tpu.vector_load %arg21[%swap3A_266] {strides = array<i32>} : memref<8192xf32, #tpu.memory_space<vmem>>, vector<16xf32>,
      tpu.vector_store %arg21[%swap3A_266], %gather3A_265 {strides = array<i32>} : memref<8192xf32, #tpu.memory_space<vmem>>, vector<16xf32>,
      %gather3A_268 = tpu.vector_load_idx %arg12[%get3A_250] masked %lt3A_254 : memref<8192xf32, #tpu.memory_space<vmem>>[vector<16xi32>], vector<16xf32>, vector<16xi1>
      %swap3A_269 = arith.index_cast %add3A_259 : i32 to index
      %swap3A_270 = tpu.vector_load %arg22[%swap3A_269] {strides = array<i32>} : memref<8192xf32, #tpu.memory_space<vmem>>, vector<16xf32>,
      tpu.vector_store %arg22[%swap3A_269], %gather3A_268 {strides = array<i32>} : memref<8192xf32, #tpu.memory_space<vmem>>, vector<16xf32>,
      %gather3A_271 = tpu.vector_load_idx %arg13[%get3A_250] masked %lt3A_254 : memref<8192xf32, #tpu.memory_space<vmem>>[vector<16xi32>], vector<16xf32>, vector<16xi1>
      %swap3A_272 = arith.index_cast %add3A_259 : i32 to index
      %swap3A_273 = tpu.vector_load %arg23[%swap3A_272] {strides = array<i32>} : memref<8192xf32, #tpu.memory_space<vmem>>, vector<16xf32>,
      tpu.vector_store %arg23[%swap3A_272], %gather3A_271 {strides = array<i32>} : memref<8192xf32, #tpu.memory_space<vmem>>, vector<16xf32>,
      %dma_wait3A_274 = arith.constant 0 : i32
      %dma_wait3A_275 = arith.constant 0 : i32
      %dma_wait3A_276 = tpu.memref_slice %arg2[%dma_wait3A_274, %dma_wait3A_275] : memref<4096x8192xf32, #tpu.memory_space<hbm>> -> memref<1x8192xf32, #tpu.memory_space<hbm>>
      %dma_wait3A_277 = tpu.memref_squeeze %dma_wait3A_276 : memref<1x8192xf32, #tpu.memory_space<hbm>> -> memref<8192xf32, #tpu.memory_space<hbm>>
      %dma_wait3A_278 = arith.constant 0 : i32
      %dma_wait3A_279 = tpu.memref_slice %arg2[%dma_wait3A_274, %dma_wait3A_278] : memref<4096x8192xf32, #tpu.memory_space<hbm>> -> memref<1x8192xf32, #tpu.memory_space<hbm>>
      %dma_wait3A_280 = tpu.memref_squeeze %dma_wait3A_279 : memref<1x8192xf32, #tpu.memory_space<hbm>> -> memref<8192xf32, #tpu.memory_space<hbm>>
      tpu.wait_dma2 semaphore(%arg19 : memref<!tpu.dma_semaphore, #tpu.memory_space<semaphore_mem>>) src(%dma_wait3A_280 : memref<8192xf32, #tpu.memory_space<hbm>>) dst(%arg15 : memref<8192xf32, #tpu.memory_space<vmem>>)
      %add3A_281 = arith.constant 2 : i32
      %add3A_282 = arith.addi %mul3A_54, %add3A_281 : i32
      %min3A = arith.constant 63 : i32
      %min3A_283 = arith.minsi %add3A_282, %min3A : i32
      %add3A_284 = arith.addi %add3A_7, %min3A_283 : i32
      %dma_start3A_285 = arith.constant 0 : i32
      %dma_start3A_286 = tpu.memref_slice %arg2[%add3A_284, %dma_start3A_285] : memref<4096x8192xf32, #tpu.memory_space<hbm>> -> memref<1x8192xf32, #tpu.memory_space<hbm>>
      %dma_start3A_287 = tpu.memref_squeeze %dma_start3A_286 : memref<1x8192xf32, #tpu.memory_space<hbm>> -> memref<8192xf32, #tpu.memory_space<hbm>>
      %dma_start3A_288 = arith.constant 0 : i32
      %dma_start3A_289 = tpu.memref_slice %arg2[%add3A_284, %dma_start3A_288] : memref<4096x8192xf32, #tpu.memory_space<hbm>> -> memref<1x8192xf32, #tpu.memory_space<hbm>>
      %dma_start3A_290 = tpu.memref_squeeze %dma_start3A_289 : memref<1x8192xf32, #tpu.memory_space<hbm>> -> memref<8192xf32, #tpu.memory_space<hbm>>
      tpu.enqueue_dma source(%dma_start3A_290 : memref<8192xf32, #tpu.memory_space<hbm>>) target(%arg14 : memref<8192xf32, #tpu.memory_space<vmem>>) target_semaphore(%arg18 : memref<!tpu.dma_semaphore, #tpu.memory_space<semaphore_mem>>)
      %add3A_291 = arith.constant 1 : i32
      %add3A_292 = arith.addi %mul3A_54, %add3A_291 : i32
      %add3A_293 = arith.constant 0 : i32
      %add3A_294 = arith.addi %add3A_293, %add3A_292 : i32
      %mul3A_295 = arith.constant 16 : i32
      %mul3A_296 = arith.muli %add3A_294, %mul3A_295 : i32
      %get3A_297 = arith.index_cast %mul3A_296 : i32 to index
      %get3A_298 = tpu.vector_load %arg16[%get3A_297] {strides = array<i32>} : memref<2048xf32, #tpu.memory_space<vmem>>, vector<16xf32>,
      %parallel_loop3A_299 = arith.constant 0 : i32
      %parallel_loop3A_300 = arith.constant 512 : i32
      %parallel_loop3A_301 = arith.constant 1 : i32
      %parallel_loop3A_302 = scf.for %parallel_loop3A_504 = %parallel_loop3A_299 to %parallel_loop3A_300 step %parallel_loop3A_301 iter_args(%parallel_loop3A_505 = %broadcast_in_dim3A_5) -> (vector<16xi32>)  : i32 {
        %parallel_loop3A_506 = arith.constant 16 : i32
        %parallel_loop3A_507 = arith.muli %parallel_loop3A_504, %parallel_loop3A_506 : i32
        %parallel_loop3A_508 = arith.index_cast %parallel_loop3A_507 : i32 to index
        %parallel_loop3A_509 = tpu.vector_load %arg15[%parallel_loop3A_508] {strides = array<i32>} : memref<8192xf32, #tpu.memory_space<vmem>>, vector<16xf32>,
        %parallel_loop3A_510 = arith.cmpf oge, %parallel_loop3A_509, %get3A_298 : vector<16xf32>
        %parallel_loop3A_511 = arith.extui %parallel_loop3A_510 : vector<16xi1> to vector<16xi32>
        %parallel_loop3A_512 = arith.constant true
        %parallel_loop3A_513 = vector.broadcast %parallel_loop3A_512 : i1 to vector<16xi1>
        %parallel_loop3A_514 = tpu.scan <sum>, %parallel_loop3A_511 masked %parallel_loop3A_513 : vector<16xi32>, vector<16xi1> -> vector<16xi32>
        %parallel_loop3A_515 = arith.addi %parallel_loop3A_505, %parallel_loop3A_514 : vector<16xi32>
        %parallel_loop3A_516 = arith.constant 1 : i32
        %parallel_loop3A_517 = vector.broadcast %parallel_loop3A_516 : i32 to vector<16xi32>
        %parallel_loop3A_518 = arith.subi %parallel_loop3A_515, %parallel_loop3A_517 : vector<16xi32>
        %parallel_loop3A_519 = arith.constant 136 : i32
        %parallel_loop3A_520 = vector.broadcast %parallel_loop3A_519 : i32 to vector<16xi32>
        %parallel_loop3A_521 = arith.minsi %parallel_loop3A_518, %parallel_loop3A_520 : vector<16xi32>
        %parallel_loop3A_522 = vector.broadcast %parallel_loop3A_507 : i32 to vector<16xi32>
        %parallel_loop3A_523 = arith.addi %iota3A, %parallel_loop3A_522 : vector<16xi32>
        tpu.vector_store_idx %arg17[%parallel_loop3A_521], %parallel_loop3A_523 masked %parallel_loop3A_510 : memref<144xi32, #tpu.memory_space<vmem>>[vector<16xi32>], vector<16xi32>, vector<16xi1>
        %parallel_loop3A_524 = tpu.all_reduce %parallel_loop3A_510 {dim = 0 : i64, kind = #tpu.reduction_kind<sum>} : vector<16xi1> -> vector<16xi32>
        %parallel_loop3A_525 = arith.addi %parallel_loop3A_505, %parallel_loop3A_524 : vector<16xi32>
        scf.yield %parallel_loop3A_525 : vector<16xi32>
      } {sc.loop_unroll_factor = 8 : i64, sc.parallel_access}
      %get3A_303 = arith.constant 0 : index
      %get3A_304 = tpu.vector_load %arg17[%get3A_303] {strides = array<i32>} : memref<144xi32, #tpu.memory_space<vmem>>, vector<16xi32>,
      %add3A_305 = arith.constant 0 : i32
      %add3A_306 = vector.broadcast %add3A_305 : i32 to vector<16xi32>
      %add3A_307 = arith.addi %iota3A, %add3A_306 : vector<16xi32>
      %lt3A_308 = arith.cmpi slt, %add3A_307, %parallel_loop3A_302 : vector<16xi32>
      %gather3A_309 = tpu.vector_load_idx %arg15[%get3A_304] masked %lt3A_308 : memref<8192xf32, #tpu.memory_space<vmem>>[vector<16xi32>], vector<16xf32>, vector<16xi1>
      %mul3A_310 = arith.constant 128 : i32
      %mul3A_311 = arith.muli %add3A_292, %mul3A_310 : i32
      %add3A_312 = arith.constant 0 : i32
      %add3A_313 = arith.addi %mul3A_311, %add3A_312 : i32
      %jit3A_314 = arith.constant -3.000000e+00 : f32
      %broadcast_in_dim3A_315 = vector.broadcast %jit3A_314 : f32 to vector<16xf32>
      %select_n3A_316 = arith.select %lt3A_308, %gather3A_309, %broadcast_in_dim3A_315 : vector<16xi1>, vector<16xf32>
      %swap3A_317 = arith.index_cast %add3A_313 : i32 to index
      %swap3A_318 = tpu.vector_load %arg20[%swap3A_317] {strides = array<i32>} : memref<8192xf32, #tpu.memory_space<vmem>>, vector<16xf32>,
      tpu.vector_store %arg20[%swap3A_317], %select_n3A_316 {strides = array<i32>} : memref<8192xf32, #tpu.memory_space<vmem>>, vector<16xf32>,
      %gather3A_319 = tpu.vector_load_idx %arg11[%get3A_304] masked %lt3A_308 : memref<8192xf32, #tpu.memory_space<vmem>>[vector<16xi32>], vector<16xf32>, vector<16xi1>
      %swap3A_320 = arith.index_cast %add3A_313 : i32 to index
      %swap3A_321 = tpu.vector_load %arg21[%swap3A_320] {strides = array<i32>} : memref<8192xf32, #tpu.memory_space<vmem>>, vector<16xf32>,
      tpu.vector_store %arg21[%swap3A_320], %gather3A_319 {strides = array<i32>} : memref<8192xf32, #tpu.memory_space<vmem>>, vector<16xf32>,
      %gather3A_322 = tpu.vector_load_idx %arg12[%get3A_304] masked %lt3A_308 : memref<8192xf32, #tpu.memory_space<vmem>>[vector<16xi32>], vector<16xf32>, vector<16xi1>
      %swap3A_323 = arith.index_cast %add3A_313 : i32 to index
      %swap3A_324 = tpu.vector_load %arg22[%swap3A_323] {strides = array<i32>} : memref<8192xf32, #tpu.memory_space<vmem>>, vector<16xf32>,
      tpu.vector_store %arg22[%swap3A_323], %gather3A_322 {strides = array<i32>} : memref<8192xf32, #tpu.memory_space<vmem>>, vector<16xf32>,
      %gather3A_325 = tpu.vector_load_idx %arg13[%get3A_304] masked %lt3A_308 : memref<8192xf32, #tpu.memory_space<vmem>>[vector<16xi32>], vector<16xf32>, vector<16xi1>
      %swap3A_326 = arith.index_cast %add3A_313 : i32 to index
      %swap3A_327 = tpu.vector_load %arg23[%swap3A_326] {strides = array<i32>} : memref<8192xf32, #tpu.memory_space<vmem>>, vector<16xf32>,
      tpu.vector_store %arg23[%swap3A_326], %gather3A_325 {strides = array<i32>} : memref<8192xf32, #tpu.memory_space<vmem>>, vector<16xf32>,
      %get3A_328 = arith.constant 16 : index
      %get3A_329 = tpu.vector_load %arg17[%get3A_328] {strides = array<i32>} : memref<144xi32, #tpu.memory_space<vmem>>, vector<16xi32>,
      %add3A_330 = arith.constant 16 : i32
      %add3A_331 = vector.broadcast %add3A_330 : i32 to vector<16xi32>
      %add3A_332 = arith.addi %iota3A, %add3A_331 : vector<16xi32>
      %lt3A_333 = arith.cmpi slt, %add3A_332, %parallel_loop3A_302 : vector<16xi32>
      %gather3A_334 = tpu.vector_load_idx %arg15[%get3A_329] masked %lt3A_333 : memref<8192xf32, #tpu.memory_space<vmem>>[vector<16xi32>], vector<16xf32>, vector<16xi1>
      %mul3A_335 = arith.constant 128 : i32
      %mul3A_336 = arith.muli %add3A_292, %mul3A_335 : i32
      %add3A_337 = arith.constant 16 : i32
      %add3A_338 = arith.addi %mul3A_336, %add3A_337 : i32
      %jit3A_339 = arith.constant -3.000000e+00 : f32
      %broadcast_in_dim3A_340 = vector.broadcast %jit3A_339 : f32 to vector<16xf32>
      %select_n3A_341 = arith.select %lt3A_333, %gather3A_334, %broadcast_in_dim3A_340 : vector<16xi1>, vector<16xf32>
      %swap3A_342 = arith.index_cast %add3A_338 : i32 to index
      %swap3A_343 = tpu.vector_load %arg20[%swap3A_342] {strides = array<i32>} : memref<8192xf32, #tpu.memory_space<vmem>>, vector<16xf32>,
      tpu.vector_store %arg20[%swap3A_342], %select_n3A_341 {strides = array<i32>} : memref<8192xf32, #tpu.memory_space<vmem>>, vector<16xf32>,
      %gather3A_344 = tpu.vector_load_idx %arg11[%get3A_329] masked %lt3A_333 : memref<8192xf32, #tpu.memory_space<vmem>>[vector<16xi32>], vector<16xf32>, vector<16xi1>
      %swap3A_345 = arith.index_cast %add3A_338 : i32 to index
      %swap3A_346 = tpu.vector_load %arg21[%swap3A_345] {strides = array<i32>} : memref<8192xf32, #tpu.memory_space<vmem>>, vector<16xf32>,
      tpu.vector_store %arg21[%swap3A_345], %gather3A_344 {strides = array<i32>} : memref<8192xf32, #tpu.memory_space<vmem>>, vector<16xf32>,
      %gather3A_347 = tpu.vector_load_idx %arg12[%get3A_329] masked %lt3A_333 : memref<8192xf32, #tpu.memory_space<vmem>>[vector<16xi32>], vector<16xf32>, vector<16xi1>
      %swap3A_348 = arith.index_cast %add3A_338 : i32 to index
      %swap3A_349 = tpu.vector_load %arg22[%swap3A_348] {strides = array<i32>} : memref<8192xf32, #tpu.memory_space<vmem>>, vector<16xf32>,
      tpu.vector_store %arg22[%swap3A_348], %gather3A_347 {strides = array<i32>} : memref<8192xf32, #tpu.memory_space<vmem>>, vector<16xf32>,
      %gather3A_350 = tpu.vector_load_idx %arg13[%get3A_329] masked %lt3A_333 : memref<8192xf32, #tpu.memory_space<vmem>>[vector<16xi32>], vector<16xf32>, vector<16xi1>
      %swap3A_351 = arith.index_cast %add3A_338 : i32 to index
      %swap3A_352 = tpu.vector_load %arg23[%swap3A_351] {strides = array<i32>} : memref<8192xf32, #tpu.memory_space<vmem>>, vector<16xf32>,
      tpu.vector_store %arg23[%swap3A_351], %gather3A_350 {strides = array<i32>} : memref<8192xf32, #tpu.memory_space<vmem>>, vector<16xf32>,
      %get3A_353 = arith.constant 32 : index
      %get3A_354 = tpu.vector_load %arg17[%get3A_353] {strides = array<i32>} : memref<144xi32, #tpu.memory_space<vmem>>, vector<16xi32>,
      %add3A_355 = arith.constant 32 : i32
      %add3A_356 = vector.broadcast %add3A_355 : i32 to vector<16xi32>
      %add3A_357 = arith.addi %iota3A, %add3A_356 : vector<16xi32>
      %lt3A_358 = arith.cmpi slt, %add3A_357, %parallel_loop3A_302 : vector<16xi32>
      %gather3A_359 = tpu.vector_load_idx %arg15[%get3A_354] masked %lt3A_358 : memref<8192xf32, #tpu.memory_space<vmem>>[vector<16xi32>], vector<16xf32>, vector<16xi1>
      %mul3A_360 = arith.constant 128 : i32
      %mul3A_361 = arith.muli %add3A_292, %mul3A_360 : i32
      %add3A_362 = arith.constant 32 : i32
      %add3A_363 = arith.addi %mul3A_361, %add3A_362 : i32
      %jit3A_364 = arith.constant -3.000000e+00 : f32
      %broadcast_in_dim3A_365 = vector.broadcast %jit3A_364 : f32 to vector<16xf32>
      %select_n3A_366 = arith.select %lt3A_358, %gather3A_359, %broadcast_in_dim3A_365 : vector<16xi1>, vector<16xf32>
      %swap3A_367 = arith.index_cast %add3A_363 : i32 to index
      %swap3A_368 = tpu.vector_load %arg20[%swap3A_367] {strides = array<i32>} : memref<8192xf32, #tpu.memory_space<vmem>>, vector<16xf32>,
      tpu.vector_store %arg20[%swap3A_367], %select_n3A_366 {strides = array<i32>} : memref<8192xf32, #tpu.memory_space<vmem>>, vector<16xf32>,
      %gather3A_369 = tpu.vector_load_idx %arg11[%get3A_354] masked %lt3A_358 : memref<8192xf32, #tpu.memory_space<vmem>>[vector<16xi32>], vector<16xf32>, vector<16xi1>
      %swap3A_370 = arith.index_cast %add3A_363 : i32 to index
      %swap3A_371 = tpu.vector_load %arg21[%swap3A_370] {strides = array<i32>} : memref<8192xf32, #tpu.memory_space<vmem>>, vector<16xf32>,
      tpu.vector_store %arg21[%swap3A_370], %gather3A_369 {strides = array<i32>} : memref<8192xf32, #tpu.memory_space<vmem>>, vector<16xf32>,
      %gather3A_372 = tpu.vector_load_idx %arg12[%get3A_354] masked %lt3A_358 : memref<8192xf32, #tpu.memory_space<vmem>>[vector<16xi32>], vector<16xf32>, vector<16xi1>
      %swap3A_373 = arith.index_cast %add3A_363 : i32 to index
      %swap3A_374 = tpu.vector_load %arg22[%swap3A_373] {strides = array<i32>} : memref<8192xf32, #tpu.memory_space<vmem>>, vector<16xf32>,
      tpu.vector_store %arg22[%swap3A_373], %gather3A_372 {strides = array<i32>} : memref<8192xf32, #tpu.memory_space<vmem>>, vector<16xf32>,
      %gather3A_375 = tpu.vector_load_idx %arg13[%get3A_354] masked %lt3A_358 : memref<8192xf32, #tpu.memory_space<vmem>>[vector<16xi32>], vector<16xf32>, vector<16xi1>
      %swap3A_376 = arith.index_cast %add3A_363 : i32 to index
      %swap3A_377 = tpu.vector_load %arg23[%swap3A_376] {strides = array<i32>} : memref<8192xf32, #tpu.memory_space<vmem>>, vector<16xf32>,
      tpu.vector_store %arg23[%swap3A_376], %gather3A_375 {strides = array<i32>} : memref<8192xf32, #tpu.memory_space<vmem>>, vector<16xf32>,
      %get3A_378 = arith.constant 48 : index
      %get3A_379 = tpu.vector_load %arg17[%get3A_378] {strides = array<i32>} : memref<144xi32, #tpu.memory_space<vmem>>, vector<16xi32>,
      %add3A_380 = arith.constant 48 : i32
      %add3A_381 = vector.broadcast %add3A_380 : i32 to vector<16xi32>
      %add3A_382 = arith.addi %iota3A, %add3A_381 : vector<16xi32>
      %lt3A_383 = arith.cmpi slt, %add3A_382, %parallel_loop3A_302 : vector<16xi32>
      %gather3A_384 = tpu.vector_load_idx %arg15[%get3A_379] masked %lt3A_383 : memref<8192xf32, #tpu.memory_space<vmem>>[vector<16xi32>], vector<16xf32>, vector<16xi1>
      %mul3A_385 = arith.constant 128 : i32
      %mul3A_386 = arith.muli %add3A_292, %mul3A_385 : i32
      %add3A_387 = arith.constant 48 : i32
      %add3A_388 = arith.addi %mul3A_386, %add3A_387 : i32
      %jit3A_389 = arith.constant -3.000000e+00 : f32
      %broadcast_in_dim3A_390 = vector.broadcast %jit3A_389 : f32 to vector<16xf32>
      %select_n3A_391 = arith.select %lt3A_383, %gather3A_384, %broadcast_in_dim3A_390 : vector<16xi1>, vector<16xf32>
      %swap3A_392 = arith.index_cast %add3A_388 : i32 to index
      %swap3A_393 = tpu.vector_load %arg20[%swap3A_392] {strides = array<i32>} : memref<8192xf32, #tpu.memory_space<vmem>>, vector<16xf32>,
      tpu.vector_store %arg20[%swap3A_392], %select_n3A_391 {strides = array<i32>} : memref<8192xf32, #tpu.memory_space<vmem>>, vector<16xf32>,
      %gather3A_394 = tpu.vector_load_idx %arg11[%get3A_379] masked %lt3A_383 : memref<8192xf32, #tpu.memory_space<vmem>>[vector<16xi32>], vector<16xf32>, vector<16xi1>
      %swap3A_395 = arith.index_cast %add3A_388 : i32 to index
      %swap3A_396 = tpu.vector_load %arg21[%swap3A_395] {strides = array<i32>} : memref<8192xf32, #tpu.memory_space<vmem>>, vector<16xf32>,
      tpu.vector_store %arg21[%swap3A_395], %gather3A_394 {strides = array<i32>} : memref<8192xf32, #tpu.memory_space<vmem>>, vector<16xf32>,
      %gather3A_397 = tpu.vector_load_idx %arg12[%get3A_379] masked %lt3A_383 : memref<8192xf32, #tpu.memory_space<vmem>>[vector<16xi32>], vector<16xf32>, vector<16xi1>
      %swap3A_398 = arith.index_cast %add3A_388 : i32 to index
      %swap3A_399 = tpu.vector_load %arg22[%swap3A_398] {strides = array<i32>} : memref<8192xf32, #tpu.memory_space<vmem>>, vector<16xf32>,
      tpu.vector_store %arg22[%swap3A_398], %gather3A_397 {strides = array<i32>} : memref<8192xf32, #tpu.memory_space<vmem>>, vector<16xf32>,
      %gather3A_400 = tpu.vector_load_idx %arg13[%get3A_379] masked %lt3A_383 : memref<8192xf32, #tpu.memory_space<vmem>>[vector<16xi32>], vector<16xf32>, vector<16xi1>
      %swap3A_401 = arith.index_cast %add3A_388 : i32 to index
      %swap3A_402 = tpu.vector_load %arg23[%swap3A_401] {strides = array<i32>} : memref<8192xf32, #tpu.memory_space<vmem>>, vector<16xf32>,
      tpu.vector_store %arg23[%swap3A_401], %gather3A_400 {strides = array<i32>} : memref<8192xf32, #tpu.memory_space<vmem>>, vector<16xf32>,
      %get3A_403 = arith.constant 64 : index
      %get3A_404 = tpu.vector_load %arg17[%get3A_403] {strides = array<i32>} : memref<144xi32, #tpu.memory_space<vmem>>, vector<16xi32>,
      %add3A_405 = arith.constant 64 : i32
      %add3A_406 = vector.broadcast %add3A_405 : i32 to vector<16xi32>
      %add3A_407 = arith.addi %iota3A, %add3A_406 : vector<16xi32>
      %lt3A_408 = arith.cmpi slt, %add3A_407, %parallel_loop3A_302 : vector<16xi32>
      %gather3A_409 = tpu.vector_load_idx %arg15[%get3A_404] masked %lt3A_408 : memref<8192xf32, #tpu.memory_space<vmem>>[vector<16xi32>], vector<16xf32>, vector<16xi1>
      %mul3A_410 = arith.constant 128 : i32
      %mul3A_411 = arith.muli %add3A_292, %mul3A_410 : i32
      %add3A_412 = arith.constant 64 : i32
      %add3A_413 = arith.addi %mul3A_411, %add3A_412 : i32
      %jit3A_414 = arith.constant -3.000000e+00 : f32
      %broadcast_in_dim3A_415 = vector.broadcast %jit3A_414 : f32 to vector<16xf32>
      %select_n3A_416 = arith.select %lt3A_408, %gather3A_409, %broadcast_in_dim3A_415 : vector<16xi1>, vector<16xf32>
      %swap3A_417 = arith.index_cast %add3A_413 : i32 to index
      %swap3A_418 = tpu.vector_load %arg20[%swap3A_417] {strides = array<i32>} : memref<8192xf32, #tpu.memory_space<vmem>>, vector<16xf32>,
      tpu.vector_store %arg20[%swap3A_417], %select_n3A_416 {strides = array<i32>} : memref<8192xf32, #tpu.memory_space<vmem>>, vector<16xf32>,
      %gather3A_419 = tpu.vector_load_idx %arg11[%get3A_404] masked %lt3A_408 : memref<8192xf32, #tpu.memory_space<vmem>>[vector<16xi32>], vector<16xf32>, vector<16xi1>
      %swap3A_420 = arith.index_cast %add3A_413 : i32 to index
      %swap3A_421 = tpu.vector_load %arg21[%swap3A_420] {strides = array<i32>} : memref<8192xf32, #tpu.memory_space<vmem>>, vector<16xf32>,
      tpu.vector_store %arg21[%swap3A_420], %gather3A_419 {strides = array<i32>} : memref<8192xf32, #tpu.memory_space<vmem>>, vector<16xf32>,
      %gather3A_422 = tpu.vector_load_idx %arg12[%get3A_404] masked %lt3A_408 : memref<8192xf32, #tpu.memory_space<vmem>>[vector<16xi32>], vector<16xf32>, vector<16xi1>
      %swap3A_423 = arith.index_cast %add3A_413 : i32 to index
      %swap3A_424 = tpu.vector_load %arg22[%swap3A_423] {strides = array<i32>} : memref<8192xf32, #tpu.memory_space<vmem>>, vector<16xf32>,
      tpu.vector_store %arg22[%swap3A_423], %gather3A_422 {strides = array<i32>} : memref<8192xf32, #tpu.memory_space<vmem>>, vector<16xf32>,
      %gather3A_425 = tpu.vector_load_idx %arg13[%get3A_404] masked %lt3A_408 : memref<8192xf32, #tpu.memory_space<vmem>>[vector<16xi32>], vector<16xf32>, vector<16xi1>
      %swap3A_426 = arith.index_cast %add3A_413 : i32 to index
      %swap3A_427 = tpu.vector_load %arg23[%swap3A_426] {strides = array<i32>} : memref<8192xf32, #tpu.memory_space<vmem>>, vector<16xf32>,
      tpu.vector_store %arg23[%swap3A_426], %gather3A_425 {strides = array<i32>} : memref<8192xf32, #tpu.memory_space<vmem>>, vector<16xf32>,
      %get3A_428 = arith.constant 80 : index
      %get3A_429 = tpu.vector_load %arg17[%get3A_428] {strides = array<i32>} : memref<144xi32, #tpu.memory_space<vmem>>, vector<16xi32>,
      %add3A_430 = arith.constant 80 : i32
      %add3A_431 = vector.broadcast %add3A_430 : i32 to vector<16xi32>
      %add3A_432 = arith.addi %iota3A, %add3A_431 : vector<16xi32>
      %lt3A_433 = arith.cmpi slt, %add3A_432, %parallel_loop3A_302 : vector<16xi32>
      %gather3A_434 = tpu.vector_load_idx %arg15[%get3A_429] masked %lt3A_433 : memref<8192xf32, #tpu.memory_space<vmem>>[vector<16xi32>], vector<16xf32>, vector<16xi1>
      %mul3A_435 = arith.constant 128 : i32
      %mul3A_436 = arith.muli %add3A_292, %mul3A_435 : i32
      %add3A_437 = arith.constant 80 : i32
      %add3A_438 = arith.addi %mul3A_436, %add3A_437 : i32
      %jit3A_439 = arith.constant -3.000000e+00 : f32
      %broadcast_in_dim3A_440 = vector.broadcast %jit3A_439 : f32 to vector<16xf32>
      %select_n3A_441 = arith.select %lt3A_433, %gather3A_434, %broadcast_in_dim3A_440 : vector<16xi1>, vector<16xf32>
      %swap3A_442 = arith.index_cast %add3A_438 : i32 to index
      %swap3A_443 = tpu.vector_load %arg20[%swap3A_442] {strides = array<i32>} : memref<8192xf32, #tpu.memory_space<vmem>>, vector<16xf32>,
      tpu.vector_store %arg20[%swap3A_442], %select_n3A_441 {strides = array<i32>} : memref<8192xf32, #tpu.memory_space<vmem>>, vector<16xf32>,
      %gather3A_444 = tpu.vector_load_idx %arg11[%get3A_429] masked %lt3A_433 : memref<8192xf32, #tpu.memory_space<vmem>>[vector<16xi32>], vector<16xf32>, vector<16xi1>
      %swap3A_445 = arith.index_cast %add3A_438 : i32 to index
      %swap3A_446 = tpu.vector_load %arg21[%swap3A_445] {strides = array<i32>} : memref<8192xf32, #tpu.memory_space<vmem>>, vector<16xf32>,
      tpu.vector_store %arg21[%swap3A_445], %gather3A_444 {strides = array<i32>} : memref<8192xf32, #tpu.memory_space<vmem>>, vector<16xf32>,
      %gather3A_447 = tpu.vector_load_idx %arg12[%get3A_429] masked %lt3A_433 : memref<8192xf32, #tpu.memory_space<vmem>>[vector<16xi32>], vector<16xf32>, vector<16xi1>
      %swap3A_448 = arith.index_cast %add3A_438 : i32 to index
      %swap3A_449 = tpu.vector_load %arg22[%swap3A_448] {strides = array<i32>} : memref<8192xf32, #tpu.memory_space<vmem>>, vector<16xf32>,
      tpu.vector_store %arg22[%swap3A_448], %gather3A_447 {strides = array<i32>} : memref<8192xf32, #tpu.memory_space<vmem>>, vector<16xf32>,
      %gather3A_450 = tpu.vector_load_idx %arg13[%get3A_429] masked %lt3A_433 : memref<8192xf32, #tpu.memory_space<vmem>>[vector<16xi32>], vector<16xf32>, vector<16xi1>
      %swap3A_451 = arith.index_cast %add3A_438 : i32 to index
      %swap3A_452 = tpu.vector_load %arg23[%swap3A_451] {strides = array<i32>} : memref<8192xf32, #tpu.memory_space<vmem>>, vector<16xf32>,
      tpu.vector_store %arg23[%swap3A_451], %gather3A_450 {strides = array<i32>} : memref<8192xf32, #tpu.memory_space<vmem>>, vector<16xf32>,
      %get3A_453 = arith.constant 96 : index
      %get3A_454 = tpu.vector_load %arg17[%get3A_453] {strides = array<i32>} : memref<144xi32, #tpu.memory_space<vmem>>, vector<16xi32>,
      %add3A_455 = arith.constant 96 : i32
      %add3A_456 = vector.broadcast %add3A_455 : i32 to vector<16xi32>
      %add3A_457 = arith.addi %iota3A, %add3A_456 : vector<16xi32>
      %lt3A_458 = arith.cmpi slt, %add3A_457, %parallel_loop3A_302 : vector<16xi32>
      %gather3A_459 = tpu.vector_load_idx %arg15[%get3A_454] masked %lt3A_458 : memref<8192xf32, #tpu.memory_space<vmem>>[vector<16xi32>], vector<16xf32>, vector<16xi1>
      %mul3A_460 = arith.constant 128 : i32
      %mul3A_461 = arith.muli %add3A_292, %mul3A_460 : i32
      %add3A_462 = arith.constant 96 : i32
      %add3A_463 = arith.addi %mul3A_461, %add3A_462 : i32
      %jit3A_464 = arith.constant -3.000000e+00 : f32
      %broadcast_in_dim3A_465 = vector.broadcast %jit3A_464 : f32 to vector<16xf32>
      %select_n3A_466 = arith.select %lt3A_458, %gather3A_459, %broadcast_in_dim3A_465 : vector<16xi1>, vector<16xf32>
      %swap3A_467 = arith.index_cast %add3A_463 : i32 to index
      %swap3A_468 = tpu.vector_load %arg20[%swap3A_467] {strides = array<i32>} : memref<8192xf32, #tpu.memory_space<vmem>>, vector<16xf32>,
      tpu.vector_store %arg20[%swap3A_467], %select_n3A_466 {strides = array<i32>} : memref<8192xf32, #tpu.memory_space<vmem>>, vector<16xf32>,
      %gather3A_469 = tpu.vector_load_idx %arg11[%get3A_454] masked %lt3A_458 : memref<8192xf32, #tpu.memory_space<vmem>>[vector<16xi32>], vector<16xf32>, vector<16xi1>
      %swap3A_470 = arith.index_cast %add3A_463 : i32 to index
      %swap3A_471 = tpu.vector_load %arg21[%swap3A_470] {strides = array<i32>} : memref<8192xf32, #tpu.memory_space<vmem>>, vector<16xf32>,
      tpu.vector_store %arg21[%swap3A_470], %gather3A_469 {strides = array<i32>} : memref<8192xf32, #tpu.memory_space<vmem>>, vector<16xf32>,
      %gather3A_472 = tpu.vector_load_idx %arg12[%get3A_454] masked %lt3A_458 : memref<8192xf32, #tpu.memory_space<vmem>>[vector<16xi32>], vector<16xf32>, vector<16xi1>
      %swap3A_473 = arith.index_cast %add3A_463 : i32 to index
      %swap3A_474 = tpu.vector_load %arg22[%swap3A_473] {strides = array<i32>} : memref<8192xf32, #tpu.memory_space<vmem>>, vector<16xf32>,
      tpu.vector_store %arg22[%swap3A_473], %gather3A_472 {strides = array<i32>} : memref<8192xf32, #tpu.memory_space<vmem>>, vector<16xf32>,
      %gather3A_475 = tpu.vector_load_idx %arg13[%get3A_454] masked %lt3A_458 : memref<8192xf32, #tpu.memory_space<vmem>>[vector<16xi32>], vector<16xf32>, vector<16xi1>
      %swap3A_476 = arith.index_cast %add3A_463 : i32 to index
      %swap3A_477 = tpu.vector_load %arg23[%swap3A_476] {strides = array<i32>} : memref<8192xf32, #tpu.memory_space<vmem>>, vector<16xf32>,
      tpu.vector_store %arg23[%swap3A_476], %gather3A_475 {strides = array<i32>} : memref<8192xf32, #tpu.memory_space<vmem>>, vector<16xf32>,
      %get3A_478 = arith.constant 112 : index
      %get3A_479 = tpu.vector_load %arg17[%get3A_478] {strides = array<i32>} : memref<144xi32, #tpu.memory_space<vmem>>, vector<16xi32>,
      %add3A_480 = arith.constant 112 : i32
      %add3A_481 = vector.broadcast %add3A_480 : i32 to vector<16xi32>
      %add3A_482 = arith.addi %iota3A, %add3A_481 : vector<16xi32>
      %lt3A_483 = arith.cmpi slt, %add3A_482, %parallel_loop3A_302 : vector<16xi32>
      %gather3A_484 = tpu.vector_load_idx %arg15[%get3A_479] masked %lt3A_483 : memref<8192xf32, #tpu.memory_space<vmem>>[vector<16xi32>], vector<16xf32>, vector<16xi1>
      %mul3A_485 = arith.constant 128 : i32
      %mul3A_486 = arith.muli %add3A_292, %mul3A_485 : i32
      %add3A_487 = arith.constant 112 : i32
      %add3A_488 = arith.addi %mul3A_486, %add3A_487 : i32
      %jit3A_489 = arith.constant -3.000000e+00 : f32
      %broadcast_in_dim3A_490 = vector.broadcast %jit3A_489 : f32 to vector<16xf32>
      %select_n3A_491 = arith.select %lt3A_483, %gather3A_484, %broadcast_in_dim3A_490 : vector<16xi1>, vector<16xf32>
      %swap3A_492 = arith.index_cast %add3A_488 : i32 to index
      %swap3A_493 = tpu.vector_load %arg20[%swap3A_492] {strides = array<i32>} : memref<8192xf32, #tpu.memory_space<vmem>>, vector<16xf32>,
      tpu.vector_store %arg20[%swap3A_492], %select_n3A_491 {strides = array<i32>} : memref<8192xf32, #tpu.memory_space<vmem>>, vector<16xf32>,
      %gather3A_494 = tpu.vector_load_idx %arg11[%get3A_479] masked %lt3A_483 : memref<8192xf32, #tpu.memory_space<vmem>>[vector<16xi32>], vector<16xf32>, vector<16xi1>
      %swap3A_495 = arith.index_cast %add3A_488 : i32 to index
      %swap3A_496 = tpu.vector_load %arg21[%swap3A_495] {strides = array<i32>} : memref<8192xf32, #tpu.memory_space<vmem>>, vector<16xf32>,
      tpu.vector_store %arg21[%swap3A_495], %gather3A_494 {strides = array<i32>} : memref<8192xf32, #tpu.memory_space<vmem>>, vector<16xf32>,
      %gather3A_497 = tpu.vector_load_idx %arg12[%get3A_479] masked %lt3A_483 : memref<8192xf32, #tpu.memory_space<vmem>>[vector<16xi32>], vector<16xf32>, vector<16xi1>
      %swap3A_498 = arith.index_cast %add3A_488 : i32 to index
      %swap3A_499 = tpu.vector_load %arg22[%swap3A_498] {strides = array<i32>} : memref<8192xf32, #tpu.memory_space<vmem>>, vector<16xf32>,
      tpu.vector_store %arg22[%swap3A_498], %gather3A_497 {strides = array<i32>} : memref<8192xf32, #tpu.memory_space<vmem>>, vector<16xf32>,
      %gather3A_500 = tpu.vector_load_idx %arg13[%get3A_479] masked %lt3A_483 : memref<8192xf32, #tpu.memory_space<vmem>>[vector<16xi32>], vector<16xf32>, vector<16xi1>
      %swap3A_501 = arith.index_cast %add3A_488 : i32 to index
      %swap3A_502 = tpu.vector_load %arg23[%swap3A_501] {strides = array<i32>} : memref<8192xf32, #tpu.memory_space<vmem>>, vector<16xf32>,
      tpu.vector_store %arg23[%swap3A_501], %gather3A_500 {strides = array<i32>} : memref<8192xf32, #tpu.memory_space<vmem>>, vector<16xf32>,
      %scan3A_503 = arith.constant 0 : i32
      scf.yield %scan3A_503 : i32
    }
    %scan3A_18 = arith.constant 32 : i32
    %dma_wait3A = arith.constant 0 : i32
    %dma_wait3A_19 = arith.constant 0 : i32
    %dma_wait3A_20 = tpu.memref_slice %arg2[%dma_wait3A, %dma_wait3A_19] : memref<4096x8192xf32, #tpu.memory_space<hbm>> -> memref<1x8192xf32, #tpu.memory_space<hbm>>
    %dma_wait3A_21 = tpu.memref_squeeze %dma_wait3A_20 : memref<1x8192xf32, #tpu.memory_space<hbm>> -> memref<8192xf32, #tpu.memory_space<hbm>>
    %dma_wait3A_22 = arith.constant 0 : i32
    %dma_wait3A_23 = tpu.memref_slice %arg2[%dma_wait3A, %dma_wait3A_22] : memref<4096x8192xf32, #tpu.memory_space<hbm>> -> memref<1x8192xf32, #tpu.memory_space<hbm>>
    %dma_wait3A_24 = tpu.memref_squeeze %dma_wait3A_23 : memref<1x8192xf32, #tpu.memory_space<hbm>> -> memref<8192xf32, #tpu.memory_space<hbm>>
    tpu.wait_dma2 semaphore(%arg18 : memref<!tpu.dma_semaphore, #tpu.memory_space<semaphore_mem>>) src(%dma_wait3A_24 : memref<8192xf32, #tpu.memory_space<hbm>>) dst(%arg14 : memref<8192xf32, #tpu.memory_space<vmem>>)
    %mul3A_25 = arith.constant 128 : i32
    %mul3A_26 = arith.muli %add3A_7, %mul3A_25 : i32
    "tpu.region"() ({
      %run_scoped3A = tpu.sem_alloc : memref<!tpu.dma_semaphore, #tpu.memory_space<semaphore_mem>>
      %dma_start3A_51 = tpu.memref_slice %arg7[%mul3A_26] : memref<524288xf32, #tpu.memory_space<hbm>> -> memref<8192xf32, #tpu.memory_space<hbm>>
      %dma_start3A_52 = tpu.memref_slice %arg7[%mul3A_26] : memref<524288xf32, #tpu.memory_space<hbm>> -> memref<8192xf32, #tpu.memory_space<hbm>>
      tpu.enqueue_dma source(%arg20 : memref<8192xf32, #tpu.memory_space<vmem>>) target(%dma_start3A_52 : memref<8192xf32, #tpu.memory_space<hbm>>) target_semaphore(%run_scoped3A : memref<!tpu.dma_semaphore, #tpu.memory_space<semaphore_mem>>)
      %dma_wait3A_53 = tpu.memref_slice %arg7[%mul3A_26] : memref<524288xf32, #tpu.memory_space<hbm>> -> memref<8192xf32, #tpu.memory_space<hbm>>
      %dma_wait3A_54 = tpu.memref_slice %arg7[%mul3A_26] : memref<524288xf32, #tpu.memory_space<hbm>> -> memref<8192xf32, #tpu.memory_space<hbm>>
      tpu.wait_dma2 semaphore(%run_scoped3A : memref<!tpu.dma_semaphore, #tpu.memory_space<semaphore_mem>>) src(%arg20 : memref<8192xf32, #tpu.memory_space<vmem>>) dst(%dma_wait3A_54 : memref<8192xf32, #tpu.memory_space<hbm>>)
      tpu.yield
    }) : () -> ()
    "tpu.region"() ({
      %run_scoped3A = tpu.sem_alloc : memref<!tpu.dma_semaphore, #tpu.memory_space<semaphore_mem>>
      %dma_start3A_51 = tpu.memref_slice %arg8[%mul3A_26] : memref<524288xf32, #tpu.memory_space<hbm>> -> memref<8192xf32, #tpu.memory_space<hbm>>
      %dma_start3A_52 = tpu.memref_slice %arg8[%mul3A_26] : memref<524288xf32, #tpu.memory_space<hbm>> -> memref<8192xf32, #tpu.memory_space<hbm>>
      tpu.enqueue_dma source(%arg21 : memref<8192xf32, #tpu.memory_space<vmem>>) target(%dma_start3A_52 : memref<8192xf32, #tpu.memory_space<hbm>>) target_semaphore(%run_scoped3A : memref<!tpu.dma_semaphore, #tpu.memory_space<semaphore_mem>>)
      %dma_wait3A_53 = tpu.memref_slice %arg8[%mul3A_26] : memref<524288xf32, #tpu.memory_space<hbm>> -> memref<8192xf32, #tpu.memory_space<hbm>>
      %dma_wait3A_54 = tpu.memref_slice %arg8[%mul3A_26] : memref<524288xf32, #tpu.memory_space<hbm>> -> memref<8192xf32, #tpu.memory_space<hbm>>
      tpu.wait_dma2 semaphore(%run_scoped3A : memref<!tpu.dma_semaphore, #tpu.memory_space<semaphore_mem>>) src(%arg21 : memref<8192xf32, #tpu.memory_space<vmem>>) dst(%dma_wait3A_54 : memref<8192xf32, #tpu.memory_space<hbm>>)
      tpu.yield
    }) : () -> ()
    "tpu.region"() ({
      %run_scoped3A = tpu.sem_alloc : memref<!tpu.dma_semaphore, #tpu.memory_space<semaphore_mem>>
      %dma_start3A_51 = tpu.memref_slice %arg9[%mul3A_26] : memref<524288xf32, #tpu.memory_space<hbm>> -> memref<8192xf32, #tpu.memory_space<hbm>>
      %dma_start3A_52 = tpu.memref_slice %arg9[%mul3A_26] : memref<524288xf32, #tpu.memory_space<hbm>> -> memref<8192xf32, #tpu.memory_space<hbm>>
      tpu.enqueue_dma source(%arg22 : memref<8192xf32, #tpu.memory_space<vmem>>) target(%dma_start3A_52 : memref<8192xf32, #tpu.memory_space<hbm>>) target_semaphore(%run_scoped3A : memref<!tpu.dma_semaphore, #tpu.memory_space<semaphore_mem>>)
      %dma_wait3A_53 = tpu.memref_slice %arg9[%mul3A_26] : memref<524288xf32, #tpu.memory_space<hbm>> -> memref<8192xf32, #tpu.memory_space<hbm>>
      %dma_wait3A_54 = tpu.memref_slice %arg9[%mul3A_26] : memref<524288xf32, #tpu.memory_space<hbm>> -> memref<8192xf32, #tpu.memory_space<hbm>>
      tpu.wait_dma2 semaphore(%run_scoped3A : memref<!tpu.dma_semaphore, #tpu.memory_space<semaphore_mem>>) src(%arg22 : memref<8192xf32, #tpu.memory_space<vmem>>) dst(%dma_wait3A_54 : memref<8192xf32, #tpu.memory_space<hbm>>)
      tpu.yield
    }) : () -> ()
    "tpu.region"() ({
      %run_scoped3A = tpu.sem_alloc : memref<!tpu.dma_semaphore, #tpu.memory_space<semaphore_mem>>
      %dma_start3A_51 = tpu.memref_slice %arg10[%mul3A_26] : memref<524288xf32, #tpu.memory_space<hbm>> -> memref<8192xf32, #tpu.memory_space<hbm>>
      %dma_start3A_52 = tpu.memref_slice %arg10[%mul3A_26] : memref<524288xf32, #tpu.memory_space<hbm>> -> memref<8192xf32, #tpu.memory_space<hbm>>
      tpu.enqueue_dma source(%arg23 : memref<8192xf32, #tpu.memory_space<vmem>>) target(%dma_start3A_52 : memref<8192xf32, #tpu.memory_space<hbm>>) target_semaphore(%run_scoped3A : memref<!tpu.dma_semaphore, #tpu.memory_space<semaphore_mem>>)
      %dma_wait3A_53 = tpu.memref_slice %arg10[%mul3A_26] : memref<524288xf32, #tpu.memory_space<hbm>> -> memref<8192xf32, #tpu.memory_space<hbm>>
      %dma_wait3A_54 = tpu.memref_slice %arg10[%mul3A_26] : memref<524288xf32, #tpu.memory_space<hbm>> -> memref<8192xf32, #tpu.memory_space<hbm>>
      tpu.wait_dma2 semaphore(%run_scoped3A : memref<!tpu.dma_semaphore, #tpu.memory_space<semaphore_mem>>) src(%arg23 : memref<8192xf32, #tpu.memory_space<vmem>>) dst(%dma_wait3A_54 : memref<8192xf32, #tpu.memory_space<hbm>>)
      tpu.yield
    }) : () -> ()
    %add3A_27 = arith.constant 64 : i32
    %add3A_28 = arith.addi %mul3A_2, %add3A_27 : i32
    %dma_start3A_29 = arith.constant 0 : i32
    %dma_start3A_30 = tpu.memref_slice %arg2[%add3A_28, %dma_start3A_29] : memref<4096x8192xf32, #tpu.memory_space<hbm>> -> memref<1x8192xf32, #tpu.memory_space<hbm>>
    %dma_start3A_31 = tpu.memref_squeeze %dma_start3A_30 : memref<1x8192xf32, #tpu.memory_space<hbm>> -> memref<8192xf32, #tpu.memory_space<hbm>>
    %dma_start3A_32 = arith.constant 0 : i32
    %dma_start3A_33 = tpu.memref_slice %arg2[%add3A_28, %dma_start3A_32] : memref<4096x8192xf32, #tpu.memory_space<hbm>> -> memref<1x8192xf32, #tpu.memory_space<hbm>>
    %dma_start3A_34 = tpu.memref_squeeze %dma_start3A_33 : memref<1x8192xf32, #tpu.memory_space<hbm>> -> memref<8192xf32, #tpu.memory_space<hbm>>
    tpu.enqueue_dma source(%dma_start3A_34 : memref<8192xf32, #tpu.memory_space<hbm>>) target(%arg14 : memref<8192xf32, #tpu.memory_space<vmem>>) target_semaphore(%arg18 : memref<!tpu.dma_semaphore, #tpu.memory_space<semaphore_mem>>)
    %scan3A_35 = arith.constant 0 : i32
    %scan3A_36 = arith.constant 0 : i32
    %scan3A_37 = arith.constant 32 : i32
    %scan3A_38 = arith.addi %scan3A_36, %scan3A_37 : i32
    %scan3A_39 = arith.constant 1 : i32
    %scan3A_40 = scf.for %scan3A_51 = %scan3A_36 to %scan3A_38 step %scan3A_39 iter_args(%scan3A_52 = %scan3A_35) -> (i32)  : i32 {
      %mul3A_53 = arith.constant 2 : i32
      %mul3A_54 = arith.muli %mul3A_53, %scan3A_51 : i32
      %dma_wait3A_55 = arith.constant 0 : i32
      %dma_wait3A_56 = arith.constant 0 : i32
      %dma_wait3A_57 = tpu.memref_slice %arg2[%dma_wait3A_55, %dma_wait3A_56] : memref<4096x8192xf32, #tpu.memory_space<hbm>> -> memref<1x8192xf32, #tpu.memory_space<hbm>>
      %dma_wait3A_58 = tpu.memref_squeeze %dma_wait3A_57 : memref<1x8192xf32, #tpu.memory_space<hbm>> -> memref<8192xf32, #tpu.memory_space<hbm>>
      %dma_wait3A_59 = arith.constant 0 : i32
      %dma_wait3A_60 = tpu.memref_slice %arg2[%dma_wait3A_55, %dma_wait3A_59] : memref<4096x8192xf32, #tpu.memory_space<hbm>> -> memref<1x8192xf32, #tpu.memory_space<hbm>>
      %dma_wait3A_61 = tpu.memref_squeeze %dma_wait3A_60 : memref<1x8192xf32, #tpu.memory_space<hbm>> -> memref<8192xf32, #tpu.memory_space<hbm>>
      tpu.wait_dma2 semaphore(%arg18 : memref<!tpu.dma_semaphore, #tpu.memory_space<semaphore_mem>>) src(%dma_wait3A_61 : memref<8192xf32, #tpu.memory_space<hbm>>) dst(%arg14 : memref<8192xf32, #tpu.memory_space<vmem>>)
      %add3A_62 = arith.addi %add3A_28, %mul3A_54 : i32
      %add3A_63 = arith.constant 1 : i32
      %add3A_64 = arith.addi %add3A_62, %add3A_63 : i32
      %dma_start3A_65 = arith.constant 0 : i32
      %dma_start3A_66 = tpu.memref_slice %arg2[%add3A_64, %dma_start3A_65] : memref<4096x8192xf32, #tpu.memory_space<hbm>> -> memref<1x8192xf32, #tpu.memory_space<hbm>>
      %dma_start3A_67 = tpu.memref_squeeze %dma_start3A_66 : memref<1x8192xf32, #tpu.memory_space<hbm>> -> memref<8192xf32, #tpu.memory_space<hbm>>
      %dma_start3A_68 = arith.constant 0 : i32
      %dma_start3A_69 = tpu.memref_slice %arg2[%add3A_64, %dma_start3A_68] : memref<4096x8192xf32, #tpu.memory_space<hbm>> -> memref<1x8192xf32, #tpu.memory_space<hbm>>
      %dma_start3A_70 = tpu.memref_squeeze %dma_start3A_69 : memref<1x8192xf32, #tpu.memory_space<hbm>> -> memref<8192xf32, #tpu.memory_space<hbm>>
      tpu.enqueue_dma source(%dma_start3A_70 : memref<8192xf32, #tpu.memory_space<hbm>>) target(%arg15 : memref<8192xf32, #tpu.memory_space<vmem>>) target_semaphore(%arg19 : memref<!tpu.dma_semaphore, #tpu.memory_space<semaphore_mem>>)
      %add3A_71 = arith.constant 64 : i32
      %add3A_72 = arith.addi %add3A_71, %mul3A_54 : i32
      %mul3A_73 = arith.constant 16 : i32
      %mul3A_74 = arith.muli %add3A_72, %mul3A_73 : i32
      %get3A = arith.index_cast %mul3A_74 : i32 to index
      %get3A_75 = tpu.vector_load %arg16[%get3A] {strides = array<i32>} : memref<2048xf32, #tpu.memory_space<vmem>>, vector<16xf32>,
      %parallel_loop3A = arith.constant 0 : i32
      %parallel_loop3A_76 = arith.constant 512 : i32
      %parallel_loop3A_77 = arith.constant 1 : i32
      %parallel_loop3A_78 = scf.for %parallel_loop3A_504 = %parallel_loop3A to %parallel_loop3A_76 step %parallel_loop3A_77 iter_args(%parallel_loop3A_505 = %broadcast_in_dim3A_5) -> (vector<16xi32>)  : i32 {
        %parallel_loop3A_506 = arith.constant 16 : i32
        %parallel_loop3A_507 = arith.muli %parallel_loop3A_504, %parallel_loop3A_506 : i32
        %parallel_loop3A_508 = arith.index_cast %parallel_loop3A_507 : i32 to index
        %parallel_loop3A_509 = tpu.vector_load %arg14[%parallel_loop3A_508] {strides = array<i32>} : memref<8192xf32, #tpu.memory_space<vmem>>, vector<16xf32>,
        %parallel_loop3A_510 = arith.cmpf oge, %parallel_loop3A_509, %get3A_75 : vector<16xf32>
        %parallel_loop3A_511 = arith.extui %parallel_loop3A_510 : vector<16xi1> to vector<16xi32>
        %parallel_loop3A_512 = arith.constant true
        %parallel_loop3A_513 = vector.broadcast %parallel_loop3A_512 : i1 to vector<16xi1>
        %parallel_loop3A_514 = tpu.scan <sum>, %parallel_loop3A_511 masked %parallel_loop3A_513 : vector<16xi32>, vector<16xi1> -> vector<16xi32>
        %parallel_loop3A_515 = arith.addi %parallel_loop3A_505, %parallel_loop3A_514 : vector<16xi32>
        %parallel_loop3A_516 = arith.constant 1 : i32
        %parallel_loop3A_517 = vector.broadcast %parallel_loop3A_516 : i32 to vector<16xi32>
        %parallel_loop3A_518 = arith.subi %parallel_loop3A_515, %parallel_loop3A_517 : vector<16xi32>
        %parallel_loop3A_519 = arith.constant 136 : i32
        %parallel_loop3A_520 = vector.broadcast %parallel_loop3A_519 : i32 to vector<16xi32>
        %parallel_loop3A_521 = arith.minsi %parallel_loop3A_518, %parallel_loop3A_520 : vector<16xi32>
        %parallel_loop3A_522 = vector.broadcast %parallel_loop3A_507 : i32 to vector<16xi32>
        %parallel_loop3A_523 = arith.addi %iota3A, %parallel_loop3A_522 : vector<16xi32>
        tpu.vector_store_idx %arg17[%parallel_loop3A_521], %parallel_loop3A_523 masked %parallel_loop3A_510 : memref<144xi32, #tpu.memory_space<vmem>>[vector<16xi32>], vector<16xi32>, vector<16xi1>
        %parallel_loop3A_524 = tpu.all_reduce %parallel_loop3A_510 {dim = 0 : i64, kind = #tpu.reduction_kind<sum>} : vector<16xi1> -> vector<16xi32>
        %parallel_loop3A_525 = arith.addi %parallel_loop3A_505, %parallel_loop3A_524 : vector<16xi32>
        scf.yield %parallel_loop3A_525 : vector<16xi32>
      } {sc.loop_unroll_factor = 8 : i64, sc.parallel_access}
      %get3A_79 = arith.constant 0 : index
      %get3A_80 = tpu.vector_load %arg17[%get3A_79] {strides = array<i32>} : memref<144xi32, #tpu.memory_space<vmem>>, vector<16xi32>,
      %add3A_81 = arith.constant 0 : i32
      %add3A_82 = vector.broadcast %add3A_81 : i32 to vector<16xi32>
      %add3A_83 = arith.addi %iota3A, %add3A_82 : vector<16xi32>
      %lt3A = arith.cmpi slt, %add3A_83, %parallel_loop3A_78 : vector<16xi32>
      %gather3A = tpu.vector_load_idx %arg14[%get3A_80] masked %lt3A : memref<8192xf32, #tpu.memory_space<vmem>>[vector<16xi32>], vector<16xf32>, vector<16xi1>
      %mul3A_84 = arith.constant 128 : i32
      %mul3A_85 = arith.muli %mul3A_54, %mul3A_84 : i32
      %add3A_86 = arith.constant 0 : i32
      %add3A_87 = arith.addi %mul3A_85, %add3A_86 : i32
      %jit3A = arith.constant -3.000000e+00 : f32
      %broadcast_in_dim3A_88 = vector.broadcast %jit3A : f32 to vector<16xf32>
      %select_n3A = arith.select %lt3A, %gather3A, %broadcast_in_dim3A_88 : vector<16xi1>, vector<16xf32>
      %swap3A = arith.index_cast %add3A_87 : i32 to index
      %swap3A_89 = tpu.vector_load %arg20[%swap3A] {strides = array<i32>} : memref<8192xf32, #tpu.memory_space<vmem>>, vector<16xf32>,
      tpu.vector_store %arg20[%swap3A], %select_n3A {strides = array<i32>} : memref<8192xf32, #tpu.memory_space<vmem>>, vector<16xf32>,
      %gather3A_90 = tpu.vector_load_idx %arg11[%get3A_80] masked %lt3A : memref<8192xf32, #tpu.memory_space<vmem>>[vector<16xi32>], vector<16xf32>, vector<16xi1>
      %swap3A_91 = arith.index_cast %add3A_87 : i32 to index
      %swap3A_92 = tpu.vector_load %arg21[%swap3A_91] {strides = array<i32>} : memref<8192xf32, #tpu.memory_space<vmem>>, vector<16xf32>,
      tpu.vector_store %arg21[%swap3A_91], %gather3A_90 {strides = array<i32>} : memref<8192xf32, #tpu.memory_space<vmem>>, vector<16xf32>,
      %gather3A_93 = tpu.vector_load_idx %arg12[%get3A_80] masked %lt3A : memref<8192xf32, #tpu.memory_space<vmem>>[vector<16xi32>], vector<16xf32>, vector<16xi1>
      %swap3A_94 = arith.index_cast %add3A_87 : i32 to index
      %swap3A_95 = tpu.vector_load %arg22[%swap3A_94] {strides = array<i32>} : memref<8192xf32, #tpu.memory_space<vmem>>, vector<16xf32>,
      tpu.vector_store %arg22[%swap3A_94], %gather3A_93 {strides = array<i32>} : memref<8192xf32, #tpu.memory_space<vmem>>, vector<16xf32>,
      %gather3A_96 = tpu.vector_load_idx %arg13[%get3A_80] masked %lt3A : memref<8192xf32, #tpu.memory_space<vmem>>[vector<16xi32>], vector<16xf32>, vector<16xi1>
      %swap3A_97 = arith.index_cast %add3A_87 : i32 to index
      %swap3A_98 = tpu.vector_load %arg23[%swap3A_97] {strides = array<i32>} : memref<8192xf32, #tpu.memory_space<vmem>>, vector<16xf32>,
      tpu.vector_store %arg23[%swap3A_97], %gather3A_96 {strides = array<i32>} : memref<8192xf32, #tpu.memory_space<vmem>>, vector<16xf32>,
      %get3A_99 = arith.constant 16 : index
      %get3A_100 = tpu.vector_load %arg17[%get3A_99] {strides = array<i32>} : memref<144xi32, #tpu.memory_space<vmem>>, vector<16xi32>,
      %add3A_101 = arith.constant 16 : i32
      %add3A_102 = vector.broadcast %add3A_101 : i32 to vector<16xi32>
      %add3A_103 = arith.addi %iota3A, %add3A_102 : vector<16xi32>
      %lt3A_104 = arith.cmpi slt, %add3A_103, %parallel_loop3A_78 : vector<16xi32>
      %gather3A_105 = tpu.vector_load_idx %arg14[%get3A_100] masked %lt3A_104 : memref<8192xf32, #tpu.memory_space<vmem>>[vector<16xi32>], vector<16xf32>, vector<16xi1>
      %mul3A_106 = arith.constant 128 : i32
      %mul3A_107 = arith.muli %mul3A_54, %mul3A_106 : i32
      %add3A_108 = arith.constant 16 : i32
      %add3A_109 = arith.addi %mul3A_107, %add3A_108 : i32
      %jit3A_110 = arith.constant -3.000000e+00 : f32
      %broadcast_in_dim3A_111 = vector.broadcast %jit3A_110 : f32 to vector<16xf32>
      %select_n3A_112 = arith.select %lt3A_104, %gather3A_105, %broadcast_in_dim3A_111 : vector<16xi1>, vector<16xf32>
      %swap3A_113 = arith.index_cast %add3A_109 : i32 to index
      %swap3A_114 = tpu.vector_load %arg20[%swap3A_113] {strides = array<i32>} : memref<8192xf32, #tpu.memory_space<vmem>>, vector<16xf32>,
      tpu.vector_store %arg20[%swap3A_113], %select_n3A_112 {strides = array<i32>} : memref<8192xf32, #tpu.memory_space<vmem>>, vector<16xf32>,
      %gather3A_115 = tpu.vector_load_idx %arg11[%get3A_100] masked %lt3A_104 : memref<8192xf32, #tpu.memory_space<vmem>>[vector<16xi32>], vector<16xf32>, vector<16xi1>
      %swap3A_116 = arith.index_cast %add3A_109 : i32 to index
      %swap3A_117 = tpu.vector_load %arg21[%swap3A_116] {strides = array<i32>} : memref<8192xf32, #tpu.memory_space<vmem>>, vector<16xf32>,
      tpu.vector_store %arg21[%swap3A_116], %gather3A_115 {strides = array<i32>} : memref<8192xf32, #tpu.memory_space<vmem>>, vector<16xf32>,
      %gather3A_118 = tpu.vector_load_idx %arg12[%get3A_100] masked %lt3A_104 : memref<8192xf32, #tpu.memory_space<vmem>>[vector<16xi32>], vector<16xf32>, vector<16xi1>
      %swap3A_119 = arith.index_cast %add3A_109 : i32 to index
      %swap3A_120 = tpu.vector_load %arg22[%swap3A_119] {strides = array<i32>} : memref<8192xf32, #tpu.memory_space<vmem>>, vector<16xf32>,
      tpu.vector_store %arg22[%swap3A_119], %gather3A_118 {strides = array<i32>} : memref<8192xf32, #tpu.memory_space<vmem>>, vector<16xf32>,
      %gather3A_121 = tpu.vector_load_idx %arg13[%get3A_100] masked %lt3A_104 : memref<8192xf32, #tpu.memory_space<vmem>>[vector<16xi32>], vector<16xf32>, vector<16xi1>
      %swap3A_122 = arith.index_cast %add3A_109 : i32 to index
      %swap3A_123 = tpu.vector_load %arg23[%swap3A_122] {strides = array<i32>} : memref<8192xf32, #tpu.memory_space<vmem>>, vector<16xf32>,
      tpu.vector_store %arg23[%swap3A_122], %gather3A_121 {strides = array<i32>} : memref<8192xf32, #tpu.memory_space<vmem>>, vector<16xf32>,
      %get3A_124 = arith.constant 32 : index
      %get3A_125 = tpu.vector_load %arg17[%get3A_124] {strides = array<i32>} : memref<144xi32, #tpu.memory_space<vmem>>, vector<16xi32>,
      %add3A_126 = arith.constant 32 : i32
      %add3A_127 = vector.broadcast %add3A_126 : i32 to vector<16xi32>
      %add3A_128 = arith.addi %iota3A, %add3A_127 : vector<16xi32>
      %lt3A_129 = arith.cmpi slt, %add3A_128, %parallel_loop3A_78 : vector<16xi32>
      %gather3A_130 = tpu.vector_load_idx %arg14[%get3A_125] masked %lt3A_129 : memref<8192xf32, #tpu.memory_space<vmem>>[vector<16xi32>], vector<16xf32>, vector<16xi1>
      %mul3A_131 = arith.constant 128 : i32
      %mul3A_132 = arith.muli %mul3A_54, %mul3A_131 : i32
      %add3A_133 = arith.constant 32 : i32
      %add3A_134 = arith.addi %mul3A_132, %add3A_133 : i32
      %jit3A_135 = arith.constant -3.000000e+00 : f32
      %broadcast_in_dim3A_136 = vector.broadcast %jit3A_135 : f32 to vector<16xf32>
      %select_n3A_137 = arith.select %lt3A_129, %gather3A_130, %broadcast_in_dim3A_136 : vector<16xi1>, vector<16xf32>
      %swap3A_138 = arith.index_cast %add3A_134 : i32 to index
      %swap3A_139 = tpu.vector_load %arg20[%swap3A_138] {strides = array<i32>} : memref<8192xf32, #tpu.memory_space<vmem>>, vector<16xf32>,
      tpu.vector_store %arg20[%swap3A_138], %select_n3A_137 {strides = array<i32>} : memref<8192xf32, #tpu.memory_space<vmem>>, vector<16xf32>,
      %gather3A_140 = tpu.vector_load_idx %arg11[%get3A_125] masked %lt3A_129 : memref<8192xf32, #tpu.memory_space<vmem>>[vector<16xi32>], vector<16xf32>, vector<16xi1>
      %swap3A_141 = arith.index_cast %add3A_134 : i32 to index
      %swap3A_142 = tpu.vector_load %arg21[%swap3A_141] {strides = array<i32>} : memref<8192xf32, #tpu.memory_space<vmem>>, vector<16xf32>,
      tpu.vector_store %arg21[%swap3A_141], %gather3A_140 {strides = array<i32>} : memref<8192xf32, #tpu.memory_space<vmem>>, vector<16xf32>,
      %gather3A_143 = tpu.vector_load_idx %arg12[%get3A_125] masked %lt3A_129 : memref<8192xf32, #tpu.memory_space<vmem>>[vector<16xi32>], vector<16xf32>, vector<16xi1>
      %swap3A_144 = arith.index_cast %add3A_134 : i32 to index
      %swap3A_145 = tpu.vector_load %arg22[%swap3A_144] {strides = array<i32>} : memref<8192xf32, #tpu.memory_space<vmem>>, vector<16xf32>,
      tpu.vector_store %arg22[%swap3A_144], %gather3A_143 {strides = array<i32>} : memref<8192xf32, #tpu.memory_space<vmem>>, vector<16xf32>,
      %gather3A_146 = tpu.vector_load_idx %arg13[%get3A_125] masked %lt3A_129 : memref<8192xf32, #tpu.memory_space<vmem>>[vector<16xi32>], vector<16xf32>, vector<16xi1>
      %swap3A_147 = arith.index_cast %add3A_134 : i32 to index
      %swap3A_148 = tpu.vector_load %arg23[%swap3A_147] {strides = array<i32>} : memref<8192xf32, #tpu.memory_space<vmem>>, vector<16xf32>,
      tpu.vector_store %arg23[%swap3A_147], %gather3A_146 {strides = array<i32>} : memref<8192xf32, #tpu.memory_space<vmem>>, vector<16xf32>,
      %get3A_149 = arith.constant 48 : index
      %get3A_150 = tpu.vector_load %arg17[%get3A_149] {strides = array<i32>} : memref<144xi32, #tpu.memory_space<vmem>>, vector<16xi32>,
      %add3A_151 = arith.constant 48 : i32
      %add3A_152 = vector.broadcast %add3A_151 : i32 to vector<16xi32>
      %add3A_153 = arith.addi %iota3A, %add3A_152 : vector<16xi32>
      %lt3A_154 = arith.cmpi slt, %add3A_153, %parallel_loop3A_78 : vector<16xi32>
      %gather3A_155 = tpu.vector_load_idx %arg14[%get3A_150] masked %lt3A_154 : memref<8192xf32, #tpu.memory_space<vmem>>[vector<16xi32>], vector<16xf32>, vector<16xi1>
      %mul3A_156 = arith.constant 128 : i32
      %mul3A_157 = arith.muli %mul3A_54, %mul3A_156 : i32
      %add3A_158 = arith.constant 48 : i32
      %add3A_159 = arith.addi %mul3A_157, %add3A_158 : i32
      %jit3A_160 = arith.constant -3.000000e+00 : f32
      %broadcast_in_dim3A_161 = vector.broadcast %jit3A_160 : f32 to vector<16xf32>
      %select_n3A_162 = arith.select %lt3A_154, %gather3A_155, %broadcast_in_dim3A_161 : vector<16xi1>, vector<16xf32>
      %swap3A_163 = arith.index_cast %add3A_159 : i32 to index
      %swap3A_164 = tpu.vector_load %arg20[%swap3A_163] {strides = array<i32>} : memref<8192xf32, #tpu.memory_space<vmem>>, vector<16xf32>,
      tpu.vector_store %arg20[%swap3A_163], %select_n3A_162 {strides = array<i32>} : memref<8192xf32, #tpu.memory_space<vmem>>, vector<16xf32>,
      %gather3A_165 = tpu.vector_load_idx %arg11[%get3A_150] masked %lt3A_154 : memref<8192xf32, #tpu.memory_space<vmem>>[vector<16xi32>], vector<16xf32>, vector<16xi1>
      %swap3A_166 = arith.index_cast %add3A_159 : i32 to index
      %swap3A_167 = tpu.vector_load %arg21[%swap3A_166] {strides = array<i32>} : memref<8192xf32, #tpu.memory_space<vmem>>, vector<16xf32>,
      tpu.vector_store %arg21[%swap3A_166], %gather3A_165 {strides = array<i32>} : memref<8192xf32, #tpu.memory_space<vmem>>, vector<16xf32>,
      %gather3A_168 = tpu.vector_load_idx %arg12[%get3A_150] masked %lt3A_154 : memref<8192xf32, #tpu.memory_space<vmem>>[vector<16xi32>], vector<16xf32>, vector<16xi1>
      %swap3A_169 = arith.index_cast %add3A_159 : i32 to index
      %swap3A_170 = tpu.vector_load %arg22[%swap3A_169] {strides = array<i32>} : memref<8192xf32, #tpu.memory_space<vmem>>, vector<16xf32>,
      tpu.vector_store %arg22[%swap3A_169], %gather3A_168 {strides = array<i32>} : memref<8192xf32, #tpu.memory_space<vmem>>, vector<16xf32>,
      %gather3A_171 = tpu.vector_load_idx %arg13[%get3A_150] masked %lt3A_154 : memref<8192xf32, #tpu.memory_space<vmem>>[vector<16xi32>], vector<16xf32>, vector<16xi1>
      %swap3A_172 = arith.index_cast %add3A_159 : i32 to index
      %swap3A_173 = tpu.vector_load %arg23[%swap3A_172] {strides = array<i32>} : memref<8192xf32, #tpu.memory_space<vmem>>, vector<16xf32>,
      tpu.vector_store %arg23[%swap3A_172], %gather3A_171 {strides = array<i32>} : memref<8192xf32, #tpu.memory_space<vmem>>, vector<16xf32>,
      %get3A_174 = arith.constant 64 : index
      %get3A_175 = tpu.vector_load %arg17[%get3A_174] {strides = array<i32>} : memref<144xi32, #tpu.memory_space<vmem>>, vector<16xi32>,
      %add3A_176 = arith.constant 64 : i32
      %add3A_177 = vector.broadcast %add3A_176 : i32 to vector<16xi32>
      %add3A_178 = arith.addi %iota3A, %add3A_177 : vector<16xi32>
      %lt3A_179 = arith.cmpi slt, %add3A_178, %parallel_loop3A_78 : vector<16xi32>
      %gather3A_180 = tpu.vector_load_idx %arg14[%get3A_175] masked %lt3A_179 : memref<8192xf32, #tpu.memory_space<vmem>>[vector<16xi32>], vector<16xf32>, vector<16xi1>
      %mul3A_181 = arith.constant 128 : i32
      %mul3A_182 = arith.muli %mul3A_54, %mul3A_181 : i32
      %add3A_183 = arith.constant 64 : i32
      %add3A_184 = arith.addi %mul3A_182, %add3A_183 : i32
      %jit3A_185 = arith.constant -3.000000e+00 : f32
      %broadcast_in_dim3A_186 = vector.broadcast %jit3A_185 : f32 to vector<16xf32>
      %select_n3A_187 = arith.select %lt3A_179, %gather3A_180, %broadcast_in_dim3A_186 : vector<16xi1>, vector<16xf32>
      %swap3A_188 = arith.index_cast %add3A_184 : i32 to index
      %swap3A_189 = tpu.vector_load %arg20[%swap3A_188] {strides = array<i32>} : memref<8192xf32, #tpu.memory_space<vmem>>, vector<16xf32>,
      tpu.vector_store %arg20[%swap3A_188], %select_n3A_187 {strides = array<i32>} : memref<8192xf32, #tpu.memory_space<vmem>>, vector<16xf32>,
      %gather3A_190 = tpu.vector_load_idx %arg11[%get3A_175] masked %lt3A_179 : memref<8192xf32, #tpu.memory_space<vmem>>[vector<16xi32>], vector<16xf32>, vector<16xi1>
      %swap3A_191 = arith.index_cast %add3A_184 : i32 to index
      %swap3A_192 = tpu.vector_load %arg21[%swap3A_191] {strides = array<i32>} : memref<8192xf32, #tpu.memory_space<vmem>>, vector<16xf32>,
      tpu.vector_store %arg21[%swap3A_191], %gather3A_190 {strides = array<i32>} : memref<8192xf32, #tpu.memory_space<vmem>>, vector<16xf32>,
      %gather3A_193 = tpu.vector_load_idx %arg12[%get3A_175] masked %lt3A_179 : memref<8192xf32, #tpu.memory_space<vmem>>[vector<16xi32>], vector<16xf32>, vector<16xi1>
      %swap3A_194 = arith.index_cast %add3A_184 : i32 to index
      %swap3A_195 = tpu.vector_load %arg22[%swap3A_194] {strides = array<i32>} : memref<8192xf32, #tpu.memory_space<vmem>>, vector<16xf32>,
      tpu.vector_store %arg22[%swap3A_194], %gather3A_193 {strides = array<i32>} : memref<8192xf32, #tpu.memory_space<vmem>>, vector<16xf32>,
      %gather3A_196 = tpu.vector_load_idx %arg13[%get3A_175] masked %lt3A_179 : memref<8192xf32, #tpu.memory_space<vmem>>[vector<16xi32>], vector<16xf32>, vector<16xi1>
      %swap3A_197 = arith.index_cast %add3A_184 : i32 to index
      %swap3A_198 = tpu.vector_load %arg23[%swap3A_197] {strides = array<i32>} : memref<8192xf32, #tpu.memory_space<vmem>>, vector<16xf32>,
      tpu.vector_store %arg23[%swap3A_197], %gather3A_196 {strides = array<i32>} : memref<8192xf32, #tpu.memory_space<vmem>>, vector<16xf32>,
      %get3A_199 = arith.constant 80 : index
      %get3A_200 = tpu.vector_load %arg17[%get3A_199] {strides = array<i32>} : memref<144xi32, #tpu.memory_space<vmem>>, vector<16xi32>,
      %add3A_201 = arith.constant 80 : i32
      %add3A_202 = vector.broadcast %add3A_201 : i32 to vector<16xi32>
      %add3A_203 = arith.addi %iota3A, %add3A_202 : vector<16xi32>
      %lt3A_204 = arith.cmpi slt, %add3A_203, %parallel_loop3A_78 : vector<16xi32>
      %gather3A_205 = tpu.vector_load_idx %arg14[%get3A_200] masked %lt3A_204 : memref<8192xf32, #tpu.memory_space<vmem>>[vector<16xi32>], vector<16xf32>, vector<16xi1>
      %mul3A_206 = arith.constant 128 : i32
      %mul3A_207 = arith.muli %mul3A_54, %mul3A_206 : i32
      %add3A_208 = arith.constant 80 : i32
      %add3A_209 = arith.addi %mul3A_207, %add3A_208 : i32
      %jit3A_210 = arith.constant -3.000000e+00 : f32
      %broadcast_in_dim3A_211 = vector.broadcast %jit3A_210 : f32 to vector<16xf32>
      %select_n3A_212 = arith.select %lt3A_204, %gather3A_205, %broadcast_in_dim3A_211 : vector<16xi1>, vector<16xf32>
      %swap3A_213 = arith.index_cast %add3A_209 : i32 to index
      %swap3A_214 = tpu.vector_load %arg20[%swap3A_213] {strides = array<i32>} : memref<8192xf32, #tpu.memory_space<vmem>>, vector<16xf32>,
      tpu.vector_store %arg20[%swap3A_213], %select_n3A_212 {strides = array<i32>} : memref<8192xf32, #tpu.memory_space<vmem>>, vector<16xf32>,
      %gather3A_215 = tpu.vector_load_idx %arg11[%get3A_200] masked %lt3A_204 : memref<8192xf32, #tpu.memory_space<vmem>>[vector<16xi32>], vector<16xf32>, vector<16xi1>
      %swap3A_216 = arith.index_cast %add3A_209 : i32 to index
      %swap3A_217 = tpu.vector_load %arg21[%swap3A_216] {strides = array<i32>} : memref<8192xf32, #tpu.memory_space<vmem>>, vector<16xf32>,
      tpu.vector_store %arg21[%swap3A_216], %gather3A_215 {strides = array<i32>} : memref<8192xf32, #tpu.memory_space<vmem>>, vector<16xf32>,
      %gather3A_218 = tpu.vector_load_idx %arg12[%get3A_200] masked %lt3A_204 : memref<8192xf32, #tpu.memory_space<vmem>>[vector<16xi32>], vector<16xf32>, vector<16xi1>
      %swap3A_219 = arith.index_cast %add3A_209 : i32 to index
      %swap3A_220 = tpu.vector_load %arg22[%swap3A_219] {strides = array<i32>} : memref<8192xf32, #tpu.memory_space<vmem>>, vector<16xf32>,
      tpu.vector_store %arg22[%swap3A_219], %gather3A_218 {strides = array<i32>} : memref<8192xf32, #tpu.memory_space<vmem>>, vector<16xf32>,
      %gather3A_221 = tpu.vector_load_idx %arg13[%get3A_200] masked %lt3A_204 : memref<8192xf32, #tpu.memory_space<vmem>>[vector<16xi32>], vector<16xf32>, vector<16xi1>
      %swap3A_222 = arith.index_cast %add3A_209 : i32 to index
      %swap3A_223 = tpu.vector_load %arg23[%swap3A_222] {strides = array<i32>} : memref<8192xf32, #tpu.memory_space<vmem>>, vector<16xf32>,
      tpu.vector_store %arg23[%swap3A_222], %gather3A_221 {strides = array<i32>} : memref<8192xf32, #tpu.memory_space<vmem>>, vector<16xf32>,
      %get3A_224 = arith.constant 96 : index
      %get3A_225 = tpu.vector_load %arg17[%get3A_224] {strides = array<i32>} : memref<144xi32, #tpu.memory_space<vmem>>, vector<16xi32>,
      %add3A_226 = arith.constant 96 : i32
      %add3A_227 = vector.broadcast %add3A_226 : i32 to vector<16xi32>
      %add3A_228 = arith.addi %iota3A, %add3A_227 : vector<16xi32>
      %lt3A_229 = arith.cmpi slt, %add3A_228, %parallel_loop3A_78 : vector<16xi32>
      %gather3A_230 = tpu.vector_load_idx %arg14[%get3A_225] masked %lt3A_229 : memref<8192xf32, #tpu.memory_space<vmem>>[vector<16xi32>], vector<16xf32>, vector<16xi1>
      %mul3A_231 = arith.constant 128 : i32
      %mul3A_232 = arith.muli %mul3A_54, %mul3A_231 : i32
      %add3A_233 = arith.constant 96 : i32
      %add3A_234 = arith.addi %mul3A_232, %add3A_233 : i32
      %jit3A_235 = arith.constant -3.000000e+00 : f32
      %broadcast_in_dim3A_236 = vector.broadcast %jit3A_235 : f32 to vector<16xf32>
      %select_n3A_237 = arith.select %lt3A_229, %gather3A_230, %broadcast_in_dim3A_236 : vector<16xi1>, vector<16xf32>
      %swap3A_238 = arith.index_cast %add3A_234 : i32 to index
      %swap3A_239 = tpu.vector_load %arg20[%swap3A_238] {strides = array<i32>} : memref<8192xf32, #tpu.memory_space<vmem>>, vector<16xf32>,
      tpu.vector_store %arg20[%swap3A_238], %select_n3A_237 {strides = array<i32>} : memref<8192xf32, #tpu.memory_space<vmem>>, vector<16xf32>,
      %gather3A_240 = tpu.vector_load_idx %arg11[%get3A_225] masked %lt3A_229 : memref<8192xf32, #tpu.memory_space<vmem>>[vector<16xi32>], vector<16xf32>, vector<16xi1>
      %swap3A_241 = arith.index_cast %add3A_234 : i32 to index
      %swap3A_242 = tpu.vector_load %arg21[%swap3A_241] {strides = array<i32>} : memref<8192xf32, #tpu.memory_space<vmem>>, vector<16xf32>,
      tpu.vector_store %arg21[%swap3A_241], %gather3A_240 {strides = array<i32>} : memref<8192xf32, #tpu.memory_space<vmem>>, vector<16xf32>,
      %gather3A_243 = tpu.vector_load_idx %arg12[%get3A_225] masked %lt3A_229 : memref<8192xf32, #tpu.memory_space<vmem>>[vector<16xi32>], vector<16xf32>, vector<16xi1>
      %swap3A_244 = arith.index_cast %add3A_234 : i32 to index
      %swap3A_245 = tpu.vector_load %arg22[%swap3A_244] {strides = array<i32>} : memref<8192xf32, #tpu.memory_space<vmem>>, vector<16xf32>,
      tpu.vector_store %arg22[%swap3A_244], %gather3A_243 {strides = array<i32>} : memref<8192xf32, #tpu.memory_space<vmem>>, vector<16xf32>,
      %gather3A_246 = tpu.vector_load_idx %arg13[%get3A_225] masked %lt3A_229 : memref<8192xf32, #tpu.memory_space<vmem>>[vector<16xi32>], vector<16xf32>, vector<16xi1>
      %swap3A_247 = arith.index_cast %add3A_234 : i32 to index
      %swap3A_248 = tpu.vector_load %arg23[%swap3A_247] {strides = array<i32>} : memref<8192xf32, #tpu.memory_space<vmem>>, vector<16xf32>,
      tpu.vector_store %arg23[%swap3A_247], %gather3A_246 {strides = array<i32>} : memref<8192xf32, #tpu.memory_space<vmem>>, vector<16xf32>,
      %get3A_249 = arith.constant 112 : index
      %get3A_250 = tpu.vector_load %arg17[%get3A_249] {strides = array<i32>} : memref<144xi32, #tpu.memory_space<vmem>>, vector<16xi32>,
      %add3A_251 = arith.constant 112 : i32
      %add3A_252 = vector.broadcast %add3A_251 : i32 to vector<16xi32>
      %add3A_253 = arith.addi %iota3A, %add3A_252 : vector<16xi32>
      %lt3A_254 = arith.cmpi slt, %add3A_253, %parallel_loop3A_78 : vector<16xi32>
      %gather3A_255 = tpu.vector_load_idx %arg14[%get3A_250] masked %lt3A_254 : memref<8192xf32, #tpu.memory_space<vmem>>[vector<16xi32>], vector<16xf32>, vector<16xi1>
      %mul3A_256 = arith.constant 128 : i32
      %mul3A_257 = arith.muli %mul3A_54, %mul3A_256 : i32
      %add3A_258 = arith.constant 112 : i32
      %add3A_259 = arith.addi %mul3A_257, %add3A_258 : i32
      %jit3A_260 = arith.constant -3.000000e+00 : f32
      %broadcast_in_dim3A_261 = vector.broadcast %jit3A_260 : f32 to vector<16xf32>
      %select_n3A_262 = arith.select %lt3A_254, %gather3A_255, %broadcast_in_dim3A_261 : vector<16xi1>, vector<16xf32>
      %swap3A_263 = arith.index_cast %add3A_259 : i32 to index
      %swap3A_264 = tpu.vector_load %arg20[%swap3A_263] {strides = array<i32>} : memref<8192xf32, #tpu.memory_space<vmem>>, vector<16xf32>,
      tpu.vector_store %arg20[%swap3A_263], %select_n3A_262 {strides = array<i32>} : memref<8192xf32, #tpu.memory_space<vmem>>, vector<16xf32>,
      %gather3A_265 = tpu.vector_load_idx %arg11[%get3A_250] masked %lt3A_254 : memref<8192xf32, #tpu.memory_space<vmem>>[vector<16xi32>], vector<16xf32>, vector<16xi1>
      %swap3A_266 = arith.index_cast %add3A_259 : i32 to index
      %swap3A_267 = tpu.vector_load %arg21[%swap3A_266] {strides = array<i32>} : memref<8192xf32, #tpu.memory_space<vmem>>, vector<16xf32>,
      tpu.vector_store %arg21[%swap3A_266], %gather3A_265 {strides = array<i32>} : memref<8192xf32, #tpu.memory_space<vmem>>, vector<16xf32>,
      %gather3A_268 = tpu.vector_load_idx %arg12[%get3A_250] masked %lt3A_254 : memref<8192xf32, #tpu.memory_space<vmem>>[vector<16xi32>], vector<16xf32>, vector<16xi1>
      %swap3A_269 = arith.index_cast %add3A_259 : i32 to index
      %swap3A_270 = tpu.vector_load %arg22[%swap3A_269] {strides = array<i32>} : memref<8192xf32, #tpu.memory_space<vmem>>, vector<16xf32>,
      tpu.vector_store %arg22[%swap3A_269], %gather3A_268 {strides = array<i32>} : memref<8192xf32, #tpu.memory_space<vmem>>, vector<16xf32>,
      %gather3A_271 = tpu.vector_load_idx %arg13[%get3A_250] masked %lt3A_254 : memref<8192xf32, #tpu.memory_space<vmem>>[vector<16xi32>], vector<16xf32>, vector<16xi1>
      %swap3A_272 = arith.index_cast %add3A_259 : i32 to index
      %swap3A_273 = tpu.vector_load %arg23[%swap3A_272] {strides = array<i32>} : memref<8192xf32, #tpu.memory_space<vmem>>, vector<16xf32>,
      tpu.vector_store %arg23[%swap3A_272], %gather3A_271 {strides = array<i32>} : memref<8192xf32, #tpu.memory_space<vmem>>, vector<16xf32>,
      %dma_wait3A_274 = arith.constant 0 : i32
      %dma_wait3A_275 = arith.constant 0 : i32
      %dma_wait3A_276 = tpu.memref_slice %arg2[%dma_wait3A_274, %dma_wait3A_275] : memref<4096x8192xf32, #tpu.memory_space<hbm>> -> memref<1x8192xf32, #tpu.memory_space<hbm>>
      %dma_wait3A_277 = tpu.memref_squeeze %dma_wait3A_276 : memref<1x8192xf32, #tpu.memory_space<hbm>> -> memref<8192xf32, #tpu.memory_space<hbm>>
      %dma_wait3A_278 = arith.constant 0 : i32
      %dma_wait3A_279 = tpu.memref_slice %arg2[%dma_wait3A_274, %dma_wait3A_278] : memref<4096x8192xf32, #tpu.memory_space<hbm>> -> memref<1x8192xf32, #tpu.memory_space<hbm>>
      %dma_wait3A_280 = tpu.memref_squeeze %dma_wait3A_279 : memref<1x8192xf32, #tpu.memory_space<hbm>> -> memref<8192xf32, #tpu.memory_space<hbm>>
      tpu.wait_dma2 semaphore(%arg19 : memref<!tpu.dma_semaphore, #tpu.memory_space<semaphore_mem>>) src(%dma_wait3A_280 : memref<8192xf32, #tpu.memory_space<hbm>>) dst(%arg15 : memref<8192xf32, #tpu.memory_space<vmem>>)
      %add3A_281 = arith.constant 2 : i32
      %add3A_282 = arith.addi %mul3A_54, %add3A_281 : i32
      %min3A = arith.constant 63 : i32
      %min3A_283 = arith.minsi %add3A_282, %min3A : i32
      %add3A_284 = arith.addi %add3A_28, %min3A_283 : i32
      %dma_start3A_285 = arith.constant 0 : i32
      %dma_start3A_286 = tpu.memref_slice %arg2[%add3A_284, %dma_start3A_285] : memref<4096x8192xf32, #tpu.memory_space<hbm>> -> memref<1x8192xf32, #tpu.memory_space<hbm>>
      %dma_start3A_287 = tpu.memref_squeeze %dma_start3A_286 : memref<1x8192xf32, #tpu.memory_space<hbm>> -> memref<8192xf32, #tpu.memory_space<hbm>>
      %dma_start3A_288 = arith.constant 0 : i32
      %dma_start3A_289 = tpu.memref_slice %arg2[%add3A_284, %dma_start3A_288] : memref<4096x8192xf32, #tpu.memory_space<hbm>> -> memref<1x8192xf32, #tpu.memory_space<hbm>>
      %dma_start3A_290 = tpu.memref_squeeze %dma_start3A_289 : memref<1x8192xf32, #tpu.memory_space<hbm>> -> memref<8192xf32, #tpu.memory_space<hbm>>
      tpu.enqueue_dma source(%dma_start3A_290 : memref<8192xf32, #tpu.memory_space<hbm>>) target(%arg14 : memref<8192xf32, #tpu.memory_space<vmem>>) target_semaphore(%arg18 : memref<!tpu.dma_semaphore, #tpu.memory_space<semaphore_mem>>)
      %add3A_291 = arith.constant 1 : i32
      %add3A_292 = arith.addi %mul3A_54, %add3A_291 : i32
      %add3A_293 = arith.constant 64 : i32
      %add3A_294 = arith.addi %add3A_293, %add3A_292 : i32
      %mul3A_295 = arith.constant 16 : i32
      %mul3A_296 = arith.muli %add3A_294, %mul3A_295 : i32
      %get3A_297 = arith.index_cast %mul3A_296 : i32 to index
      %get3A_298 = tpu.vector_load %arg16[%get3A_297] {strides = array<i32>} : memref<2048xf32, #tpu.memory_space<vmem>>, vector<16xf32>,
      %parallel_loop3A_299 = arith.constant 0 : i32
      %parallel_loop3A_300 = arith.constant 512 : i32
      %parallel_loop3A_301 = arith.constant 1 : i32
      %parallel_loop3A_302 = scf.for %parallel_loop3A_504 = %parallel_loop3A_299 to %parallel_loop3A_300 step %parallel_loop3A_301 iter_args(%parallel_loop3A_505 = %broadcast_in_dim3A_5) -> (vector<16xi32>)  : i32 {
        %parallel_loop3A_506 = arith.constant 16 : i32
        %parallel_loop3A_507 = arith.muli %parallel_loop3A_504, %parallel_loop3A_506 : i32
        %parallel_loop3A_508 = arith.index_cast %parallel_loop3A_507 : i32 to index
        %parallel_loop3A_509 = tpu.vector_load %arg15[%parallel_loop3A_508] {strides = array<i32>} : memref<8192xf32, #tpu.memory_space<vmem>>, vector<16xf32>,
        %parallel_loop3A_510 = arith.cmpf oge, %parallel_loop3A_509, %get3A_298 : vector<16xf32>
        %parallel_loop3A_511 = arith.extui %parallel_loop3A_510 : vector<16xi1> to vector<16xi32>
        %parallel_loop3A_512 = arith.constant true
        %parallel_loop3A_513 = vector.broadcast %parallel_loop3A_512 : i1 to vector<16xi1>
        %parallel_loop3A_514 = tpu.scan <sum>, %parallel_loop3A_511 masked %parallel_loop3A_513 : vector<16xi32>, vector<16xi1> -> vector<16xi32>
        %parallel_loop3A_515 = arith.addi %parallel_loop3A_505, %parallel_loop3A_514 : vector<16xi32>
        %parallel_loop3A_516 = arith.constant 1 : i32
        %parallel_loop3A_517 = vector.broadcast %parallel_loop3A_516 : i32 to vector<16xi32>
        %parallel_loop3A_518 = arith.subi %parallel_loop3A_515, %parallel_loop3A_517 : vector<16xi32>
        %parallel_loop3A_519 = arith.constant 136 : i32
        %parallel_loop3A_520 = vector.broadcast %parallel_loop3A_519 : i32 to vector<16xi32>
        %parallel_loop3A_521 = arith.minsi %parallel_loop3A_518, %parallel_loop3A_520 : vector<16xi32>
        %parallel_loop3A_522 = vector.broadcast %parallel_loop3A_507 : i32 to vector<16xi32>
        %parallel_loop3A_523 = arith.addi %iota3A, %parallel_loop3A_522 : vector<16xi32>
        tpu.vector_store_idx %arg17[%parallel_loop3A_521], %parallel_loop3A_523 masked %parallel_loop3A_510 : memref<144xi32, #tpu.memory_space<vmem>>[vector<16xi32>], vector<16xi32>, vector<16xi1>
        %parallel_loop3A_524 = tpu.all_reduce %parallel_loop3A_510 {dim = 0 : i64, kind = #tpu.reduction_kind<sum>} : vector<16xi1> -> vector<16xi32>
        %parallel_loop3A_525 = arith.addi %parallel_loop3A_505, %parallel_loop3A_524 : vector<16xi32>
        scf.yield %parallel_loop3A_525 : vector<16xi32>
      } {sc.loop_unroll_factor = 8 : i64, sc.parallel_access}
      %get3A_303 = arith.constant 0 : index
      %get3A_304 = tpu.vector_load %arg17[%get3A_303] {strides = array<i32>} : memref<144xi32, #tpu.memory_space<vmem>>, vector<16xi32>,
      %add3A_305 = arith.constant 0 : i32
      %add3A_306 = vector.broadcast %add3A_305 : i32 to vector<16xi32>
      %add3A_307 = arith.addi %iota3A, %add3A_306 : vector<16xi32>
      %lt3A_308 = arith.cmpi slt, %add3A_307, %parallel_loop3A_302 : vector<16xi32>
      %gather3A_309 = tpu.vector_load_idx %arg15[%get3A_304] masked %lt3A_308 : memref<8192xf32, #tpu.memory_space<vmem>>[vector<16xi32>], vector<16xf32>, vector<16xi1>
      %mul3A_310 = arith.constant 128 : i32
      %mul3A_311 = arith.muli %add3A_292, %mul3A_310 : i32
      %add3A_312 = arith.constant 0 : i32
      %add3A_313 = arith.addi %mul3A_311, %add3A_312 : i32
      %jit3A_314 = arith.constant -3.000000e+00 : f32
      %broadcast_in_dim3A_315 = vector.broadcast %jit3A_314 : f32 to vector<16xf32>
      %select_n3A_316 = arith.select %lt3A_308, %gather3A_309, %broadcast_in_dim3A_315 : vector<16xi1>, vector<16xf32>
      %swap3A_317 = arith.index_cast %add3A_313 : i32 to index
      %swap3A_318 = tpu.vector_load %arg20[%swap3A_317] {strides = array<i32>} : memref<8192xf32, #tpu.memory_space<vmem>>, vector<16xf32>,
      tpu.vector_store %arg20[%swap3A_317], %select_n3A_316 {strides = array<i32>} : memref<8192xf32, #tpu.memory_space<vmem>>, vector<16xf32>,
      %gather3A_319 = tpu.vector_load_idx %arg11[%get3A_304] masked %lt3A_308 : memref<8192xf32, #tpu.memory_space<vmem>>[vector<16xi32>], vector<16xf32>, vector<16xi1>
      %swap3A_320 = arith.index_cast %add3A_313 : i32 to index
      %swap3A_321 = tpu.vector_load %arg21[%swap3A_320] {strides = array<i32>} : memref<8192xf32, #tpu.memory_space<vmem>>, vector<16xf32>,
      tpu.vector_store %arg21[%swap3A_320], %gather3A_319 {strides = array<i32>} : memref<8192xf32, #tpu.memory_space<vmem>>, vector<16xf32>,
      %gather3A_322 = tpu.vector_load_idx %arg12[%get3A_304] masked %lt3A_308 : memref<8192xf32, #tpu.memory_space<vmem>>[vector<16xi32>], vector<16xf32>, vector<16xi1>
      %swap3A_323 = arith.index_cast %add3A_313 : i32 to index
      %swap3A_324 = tpu.vector_load %arg22[%swap3A_323] {strides = array<i32>} : memref<8192xf32, #tpu.memory_space<vmem>>, vector<16xf32>,
      tpu.vector_store %arg22[%swap3A_323], %gather3A_322 {strides = array<i32>} : memref<8192xf32, #tpu.memory_space<vmem>>, vector<16xf32>,
      %gather3A_325 = tpu.vector_load_idx %arg13[%get3A_304] masked %lt3A_308 : memref<8192xf32, #tpu.memory_space<vmem>>[vector<16xi32>], vector<16xf32>, vector<16xi1>
      %swap3A_326 = arith.index_cast %add3A_313 : i32 to index
      %swap3A_327 = tpu.vector_load %arg23[%swap3A_326] {strides = array<i32>} : memref<8192xf32, #tpu.memory_space<vmem>>, vector<16xf32>,
      tpu.vector_store %arg23[%swap3A_326], %gather3A_325 {strides = array<i32>} : memref<8192xf32, #tpu.memory_space<vmem>>, vector<16xf32>,
      %get3A_328 = arith.constant 16 : index
      %get3A_329 = tpu.vector_load %arg17[%get3A_328] {strides = array<i32>} : memref<144xi32, #tpu.memory_space<vmem>>, vector<16xi32>,
      %add3A_330 = arith.constant 16 : i32
      %add3A_331 = vector.broadcast %add3A_330 : i32 to vector<16xi32>
      %add3A_332 = arith.addi %iota3A, %add3A_331 : vector<16xi32>
      %lt3A_333 = arith.cmpi slt, %add3A_332, %parallel_loop3A_302 : vector<16xi32>
      %gather3A_334 = tpu.vector_load_idx %arg15[%get3A_329] masked %lt3A_333 : memref<8192xf32, #tpu.memory_space<vmem>>[vector<16xi32>], vector<16xf32>, vector<16xi1>
      %mul3A_335 = arith.constant 128 : i32
      %mul3A_336 = arith.muli %add3A_292, %mul3A_335 : i32
      %add3A_337 = arith.constant 16 : i32
      %add3A_338 = arith.addi %mul3A_336, %add3A_337 : i32
      %jit3A_339 = arith.constant -3.000000e+00 : f32
      %broadcast_in_dim3A_340 = vector.broadcast %jit3A_339 : f32 to vector<16xf32>
      %select_n3A_341 = arith.select %lt3A_333, %gather3A_334, %broadcast_in_dim3A_340 : vector<16xi1>, vector<16xf32>
      %swap3A_342 = arith.index_cast %add3A_338 : i32 to index
      %swap3A_343 = tpu.vector_load %arg20[%swap3A_342] {strides = array<i32>} : memref<8192xf32, #tpu.memory_space<vmem>>, vector<16xf32>,
      tpu.vector_store %arg20[%swap3A_342], %select_n3A_341 {strides = array<i32>} : memref<8192xf32, #tpu.memory_space<vmem>>, vector<16xf32>,
      %gather3A_344 = tpu.vector_load_idx %arg11[%get3A_329] masked %lt3A_333 : memref<8192xf32, #tpu.memory_space<vmem>>[vector<16xi32>], vector<16xf32>, vector<16xi1>
      %swap3A_345 = arith.index_cast %add3A_338 : i32 to index
      %swap3A_346 = tpu.vector_load %arg21[%swap3A_345] {strides = array<i32>} : memref<8192xf32, #tpu.memory_space<vmem>>, vector<16xf32>,
      tpu.vector_store %arg21[%swap3A_345], %gather3A_344 {strides = array<i32>} : memref<8192xf32, #tpu.memory_space<vmem>>, vector<16xf32>,
      %gather3A_347 = tpu.vector_load_idx %arg12[%get3A_329] masked %lt3A_333 : memref<8192xf32, #tpu.memory_space<vmem>>[vector<16xi32>], vector<16xf32>, vector<16xi1>
      %swap3A_348 = arith.index_cast %add3A_338 : i32 to index
      %swap3A_349 = tpu.vector_load %arg22[%swap3A_348] {strides = array<i32>} : memref<8192xf32, #tpu.memory_space<vmem>>, vector<16xf32>,
      tpu.vector_store %arg22[%swap3A_348], %gather3A_347 {strides = array<i32>} : memref<8192xf32, #tpu.memory_space<vmem>>, vector<16xf32>,
      %gather3A_350 = tpu.vector_load_idx %arg13[%get3A_329] masked %lt3A_333 : memref<8192xf32, #tpu.memory_space<vmem>>[vector<16xi32>], vector<16xf32>, vector<16xi1>
      %swap3A_351 = arith.index_cast %add3A_338 : i32 to index
      %swap3A_352 = tpu.vector_load %arg23[%swap3A_351] {strides = array<i32>} : memref<8192xf32, #tpu.memory_space<vmem>>, vector<16xf32>,
      tpu.vector_store %arg23[%swap3A_351], %gather3A_350 {strides = array<i32>} : memref<8192xf32, #tpu.memory_space<vmem>>, vector<16xf32>,
      %get3A_353 = arith.constant 32 : index
      %get3A_354 = tpu.vector_load %arg17[%get3A_353] {strides = array<i32>} : memref<144xi32, #tpu.memory_space<vmem>>, vector<16xi32>,
      %add3A_355 = arith.constant 32 : i32
      %add3A_356 = vector.broadcast %add3A_355 : i32 to vector<16xi32>
      %add3A_357 = arith.addi %iota3A, %add3A_356 : vector<16xi32>
      %lt3A_358 = arith.cmpi slt, %add3A_357, %parallel_loop3A_302 : vector<16xi32>
      %gather3A_359 = tpu.vector_load_idx %arg15[%get3A_354] masked %lt3A_358 : memref<8192xf32, #tpu.memory_space<vmem>>[vector<16xi32>], vector<16xf32>, vector<16xi1>
      %mul3A_360 = arith.constant 128 : i32
      %mul3A_361 = arith.muli %add3A_292, %mul3A_360 : i32
      %add3A_362 = arith.constant 32 : i32
      %add3A_363 = arith.addi %mul3A_361, %add3A_362 : i32
      %jit3A_364 = arith.constant -3.000000e+00 : f32
      %broadcast_in_dim3A_365 = vector.broadcast %jit3A_364 : f32 to vector<16xf32>
      %select_n3A_366 = arith.select %lt3A_358, %gather3A_359, %broadcast_in_dim3A_365 : vector<16xi1>, vector<16xf32>
      %swap3A_367 = arith.index_cast %add3A_363 : i32 to index
      %swap3A_368 = tpu.vector_load %arg20[%swap3A_367] {strides = array<i32>} : memref<8192xf32, #tpu.memory_space<vmem>>, vector<16xf32>,
      tpu.vector_store %arg20[%swap3A_367], %select_n3A_366 {strides = array<i32>} : memref<8192xf32, #tpu.memory_space<vmem>>, vector<16xf32>,
      %gather3A_369 = tpu.vector_load_idx %arg11[%get3A_354] masked %lt3A_358 : memref<8192xf32, #tpu.memory_space<vmem>>[vector<16xi32>], vector<16xf32>, vector<16xi1>
      %swap3A_370 = arith.index_cast %add3A_363 : i32 to index
      %swap3A_371 = tpu.vector_load %arg21[%swap3A_370] {strides = array<i32>} : memref<8192xf32, #tpu.memory_space<vmem>>, vector<16xf32>,
      tpu.vector_store %arg21[%swap3A_370], %gather3A_369 {strides = array<i32>} : memref<8192xf32, #tpu.memory_space<vmem>>, vector<16xf32>,
      %gather3A_372 = tpu.vector_load_idx %arg12[%get3A_354] masked %lt3A_358 : memref<8192xf32, #tpu.memory_space<vmem>>[vector<16xi32>], vector<16xf32>, vector<16xi1>
      %swap3A_373 = arith.index_cast %add3A_363 : i32 to index
      %swap3A_374 = tpu.vector_load %arg22[%swap3A_373] {strides = array<i32>} : memref<8192xf32, #tpu.memory_space<vmem>>, vector<16xf32>,
      tpu.vector_store %arg22[%swap3A_373], %gather3A_372 {strides = array<i32>} : memref<8192xf32, #tpu.memory_space<vmem>>, vector<16xf32>,
      %gather3A_375 = tpu.vector_load_idx %arg13[%get3A_354] masked %lt3A_358 : memref<8192xf32, #tpu.memory_space<vmem>>[vector<16xi32>], vector<16xf32>, vector<16xi1>
      %swap3A_376 = arith.index_cast %add3A_363 : i32 to index
      %swap3A_377 = tpu.vector_load %arg23[%swap3A_376] {strides = array<i32>} : memref<8192xf32, #tpu.memory_space<vmem>>, vector<16xf32>,
      tpu.vector_store %arg23[%swap3A_376], %gather3A_375 {strides = array<i32>} : memref<8192xf32, #tpu.memory_space<vmem>>, vector<16xf32>,
      %get3A_378 = arith.constant 48 : index
      %get3A_379 = tpu.vector_load %arg17[%get3A_378] {strides = array<i32>} : memref<144xi32, #tpu.memory_space<vmem>>, vector<16xi32>,
      %add3A_380 = arith.constant 48 : i32
      %add3A_381 = vector.broadcast %add3A_380 : i32 to vector<16xi32>
      %add3A_382 = arith.addi %iota3A, %add3A_381 : vector<16xi32>
      %lt3A_383 = arith.cmpi slt, %add3A_382, %parallel_loop3A_302 : vector<16xi32>
      %gather3A_384 = tpu.vector_load_idx %arg15[%get3A_379] masked %lt3A_383 : memref<8192xf32, #tpu.memory_space<vmem>>[vector<16xi32>], vector<16xf32>, vector<16xi1>
      %mul3A_385 = arith.constant 128 : i32
      %mul3A_386 = arith.muli %add3A_292, %mul3A_385 : i32
      %add3A_387 = arith.constant 48 : i32
      %add3A_388 = arith.addi %mul3A_386, %add3A_387 : i32
      %jit3A_389 = arith.constant -3.000000e+00 : f32
      %broadcast_in_dim3A_390 = vector.broadcast %jit3A_389 : f32 to vector<16xf32>
      %select_n3A_391 = arith.select %lt3A_383, %gather3A_384, %broadcast_in_dim3A_390 : vector<16xi1>, vector<16xf32>
      %swap3A_392 = arith.index_cast %add3A_388 : i32 to index
      %swap3A_393 = tpu.vector_load %arg20[%swap3A_392] {strides = array<i32>} : memref<8192xf32, #tpu.memory_space<vmem>>, vector<16xf32>,
      tpu.vector_store %arg20[%swap3A_392], %select_n3A_391 {strides = array<i32>} : memref<8192xf32, #tpu.memory_space<vmem>>, vector<16xf32>,
      %gather3A_394 = tpu.vector_load_idx %arg11[%get3A_379] masked %lt3A_383 : memref<8192xf32, #tpu.memory_space<vmem>>[vector<16xi32>], vector<16xf32>, vector<16xi1>
      %swap3A_395 = arith.index_cast %add3A_388 : i32 to index
      %swap3A_396 = tpu.vector_load %arg21[%swap3A_395] {strides = array<i32>} : memref<8192xf32, #tpu.memory_space<vmem>>, vector<16xf32>,
      tpu.vector_store %arg21[%swap3A_395], %gather3A_394 {strides = array<i32>} : memref<8192xf32, #tpu.memory_space<vmem>>, vector<16xf32>,
      %gather3A_397 = tpu.vector_load_idx %arg12[%get3A_379] masked %lt3A_383 : memref<8192xf32, #tpu.memory_space<vmem>>[vector<16xi32>], vector<16xf32>, vector<16xi1>
      %swap3A_398 = arith.index_cast %add3A_388 : i32 to index
      %swap3A_399 = tpu.vector_load %arg22[%swap3A_398] {strides = array<i32>} : memref<8192xf32, #tpu.memory_space<vmem>>, vector<16xf32>,
      tpu.vector_store %arg22[%swap3A_398], %gather3A_397 {strides = array<i32>} : memref<8192xf32, #tpu.memory_space<vmem>>, vector<16xf32>,
      %gather3A_400 = tpu.vector_load_idx %arg13[%get3A_379] masked %lt3A_383 : memref<8192xf32, #tpu.memory_space<vmem>>[vector<16xi32>], vector<16xf32>, vector<16xi1>
      %swap3A_401 = arith.index_cast %add3A_388 : i32 to index
      %swap3A_402 = tpu.vector_load %arg23[%swap3A_401] {strides = array<i32>} : memref<8192xf32, #tpu.memory_space<vmem>>, vector<16xf32>,
      tpu.vector_store %arg23[%swap3A_401], %gather3A_400 {strides = array<i32>} : memref<8192xf32, #tpu.memory_space<vmem>>, vector<16xf32>,
      %get3A_403 = arith.constant 64 : index
      %get3A_404 = tpu.vector_load %arg17[%get3A_403] {strides = array<i32>} : memref<144xi32, #tpu.memory_space<vmem>>, vector<16xi32>,
      %add3A_405 = arith.constant 64 : i32
      %add3A_406 = vector.broadcast %add3A_405 : i32 to vector<16xi32>
      %add3A_407 = arith.addi %iota3A, %add3A_406 : vector<16xi32>
      %lt3A_408 = arith.cmpi slt, %add3A_407, %parallel_loop3A_302 : vector<16xi32>
      %gather3A_409 = tpu.vector_load_idx %arg15[%get3A_404] masked %lt3A_408 : memref<8192xf32, #tpu.memory_space<vmem>>[vector<16xi32>], vector<16xf32>, vector<16xi1>
      %mul3A_410 = arith.constant 128 : i32
      %mul3A_411 = arith.muli %add3A_292, %mul3A_410 : i32
      %add3A_412 = arith.constant 64 : i32
      %add3A_413 = arith.addi %mul3A_411, %add3A_412 : i32
      %jit3A_414 = arith.constant -3.000000e+00 : f32
      %broadcast_in_dim3A_415 = vector.broadcast %jit3A_414 : f32 to vector<16xf32>
      %select_n3A_416 = arith.select %lt3A_408, %gather3A_409, %broadcast_in_dim3A_415 : vector<16xi1>, vector<16xf32>
      %swap3A_417 = arith.index_cast %add3A_413 : i32 to index
      %swap3A_418 = tpu.vector_load %arg20[%swap3A_417] {strides = array<i32>} : memref<8192xf32, #tpu.memory_space<vmem>>, vector<16xf32>,
      tpu.vector_store %arg20[%swap3A_417], %select_n3A_416 {strides = array<i32>} : memref<8192xf32, #tpu.memory_space<vmem>>, vector<16xf32>,
      %gather3A_419 = tpu.vector_load_idx %arg11[%get3A_404] masked %lt3A_408 : memref<8192xf32, #tpu.memory_space<vmem>>[vector<16xi32>], vector<16xf32>, vector<16xi1>
      %swap3A_420 = arith.index_cast %add3A_413 : i32 to index
      %swap3A_421 = tpu.vector_load %arg21[%swap3A_420] {strides = array<i32>} : memref<8192xf32, #tpu.memory_space<vmem>>, vector<16xf32>,
      tpu.vector_store %arg21[%swap3A_420], %gather3A_419 {strides = array<i32>} : memref<8192xf32, #tpu.memory_space<vmem>>, vector<16xf32>,
      %gather3A_422 = tpu.vector_load_idx %arg12[%get3A_404] masked %lt3A_408 : memref<8192xf32, #tpu.memory_space<vmem>>[vector<16xi32>], vector<16xf32>, vector<16xi1>
      %swap3A_423 = arith.index_cast %add3A_413 : i32 to index
      %swap3A_424 = tpu.vector_load %arg22[%swap3A_423] {strides = array<i32>} : memref<8192xf32, #tpu.memory_space<vmem>>, vector<16xf32>,
      tpu.vector_store %arg22[%swap3A_423], %gather3A_422 {strides = array<i32>} : memref<8192xf32, #tpu.memory_space<vmem>>, vector<16xf32>,
      %gather3A_425 = tpu.vector_load_idx %arg13[%get3A_404] masked %lt3A_408 : memref<8192xf32, #tpu.memory_space<vmem>>[vector<16xi32>], vector<16xf32>, vector<16xi1>
      %swap3A_426 = arith.index_cast %add3A_413 : i32 to index
      %swap3A_427 = tpu.vector_load %arg23[%swap3A_426] {strides = array<i32>} : memref<8192xf32, #tpu.memory_space<vmem>>, vector<16xf32>,
      tpu.vector_store %arg23[%swap3A_426], %gather3A_425 {strides = array<i32>} : memref<8192xf32, #tpu.memory_space<vmem>>, vector<16xf32>,
      %get3A_428 = arith.constant 80 : index
      %get3A_429 = tpu.vector_load %arg17[%get3A_428] {strides = array<i32>} : memref<144xi32, #tpu.memory_space<vmem>>, vector<16xi32>,
      %add3A_430 = arith.constant 80 : i32
      %add3A_431 = vector.broadcast %add3A_430 : i32 to vector<16xi32>
      %add3A_432 = arith.addi %iota3A, %add3A_431 : vector<16xi32>
      %lt3A_433 = arith.cmpi slt, %add3A_432, %parallel_loop3A_302 : vector<16xi32>
      %gather3A_434 = tpu.vector_load_idx %arg15[%get3A_429] masked %lt3A_433 : memref<8192xf32, #tpu.memory_space<vmem>>[vector<16xi32>], vector<16xf32>, vector<16xi1>
      %mul3A_435 = arith.constant 128 : i32
      %mul3A_436 = arith.muli %add3A_292, %mul3A_435 : i32
      %add3A_437 = arith.constant 80 : i32
      %add3A_438 = arith.addi %mul3A_436, %add3A_437 : i32
      %jit3A_439 = arith.constant -3.000000e+00 : f32
      %broadcast_in_dim3A_440 = vector.broadcast %jit3A_439 : f32 to vector<16xf32>
      %select_n3A_441 = arith.select %lt3A_433, %gather3A_434, %broadcast_in_dim3A_440 : vector<16xi1>, vector<16xf32>
      %swap3A_442 = arith.index_cast %add3A_438 : i32 to index
      %swap3A_443 = tpu.vector_load %arg20[%swap3A_442] {strides = array<i32>} : memref<8192xf32, #tpu.memory_space<vmem>>, vector<16xf32>,
      tpu.vector_store %arg20[%swap3A_442], %select_n3A_441 {strides = array<i32>} : memref<8192xf32, #tpu.memory_space<vmem>>, vector<16xf32>,
      %gather3A_444 = tpu.vector_load_idx %arg11[%get3A_429] masked %lt3A_433 : memref<8192xf32, #tpu.memory_space<vmem>>[vector<16xi32>], vector<16xf32>, vector<16xi1>
      %swap3A_445 = arith.index_cast %add3A_438 : i32 to index
      %swap3A_446 = tpu.vector_load %arg21[%swap3A_445] {strides = array<i32>} : memref<8192xf32, #tpu.memory_space<vmem>>, vector<16xf32>,
      tpu.vector_store %arg21[%swap3A_445], %gather3A_444 {strides = array<i32>} : memref<8192xf32, #tpu.memory_space<vmem>>, vector<16xf32>,
      %gather3A_447 = tpu.vector_load_idx %arg12[%get3A_429] masked %lt3A_433 : memref<8192xf32, #tpu.memory_space<vmem>>[vector<16xi32>], vector<16xf32>, vector<16xi1>
      %swap3A_448 = arith.index_cast %add3A_438 : i32 to index
      %swap3A_449 = tpu.vector_load %arg22[%swap3A_448] {strides = array<i32>} : memref<8192xf32, #tpu.memory_space<vmem>>, vector<16xf32>,
      tpu.vector_store %arg22[%swap3A_448], %gather3A_447 {strides = array<i32>} : memref<8192xf32, #tpu.memory_space<vmem>>, vector<16xf32>,
      %gather3A_450 = tpu.vector_load_idx %arg13[%get3A_429] masked %lt3A_433 : memref<8192xf32, #tpu.memory_space<vmem>>[vector<16xi32>], vector<16xf32>, vector<16xi1>
      %swap3A_451 = arith.index_cast %add3A_438 : i32 to index
      %swap3A_452 = tpu.vector_load %arg23[%swap3A_451] {strides = array<i32>} : memref<8192xf32, #tpu.memory_space<vmem>>, vector<16xf32>,
      tpu.vector_store %arg23[%swap3A_451], %gather3A_450 {strides = array<i32>} : memref<8192xf32, #tpu.memory_space<vmem>>, vector<16xf32>,
      %get3A_453 = arith.constant 96 : index
      %get3A_454 = tpu.vector_load %arg17[%get3A_453] {strides = array<i32>} : memref<144xi32, #tpu.memory_space<vmem>>, vector<16xi32>,
      %add3A_455 = arith.constant 96 : i32
      %add3A_456 = vector.broadcast %add3A_455 : i32 to vector<16xi32>
      %add3A_457 = arith.addi %iota3A, %add3A_456 : vector<16xi32>
      %lt3A_458 = arith.cmpi slt, %add3A_457, %parallel_loop3A_302 : vector<16xi32>
      %gather3A_459 = tpu.vector_load_idx %arg15[%get3A_454] masked %lt3A_458 : memref<8192xf32, #tpu.memory_space<vmem>>[vector<16xi32>], vector<16xf32>, vector<16xi1>
      %mul3A_460 = arith.constant 128 : i32
      %mul3A_461 = arith.muli %add3A_292, %mul3A_460 : i32
      %add3A_462 = arith.constant 96 : i32
      %add3A_463 = arith.addi %mul3A_461, %add3A_462 : i32
      %jit3A_464 = arith.constant -3.000000e+00 : f32
      %broadcast_in_dim3A_465 = vector.broadcast %jit3A_464 : f32 to vector<16xf32>
      %select_n3A_466 = arith.select %lt3A_458, %gather3A_459, %broadcast_in_dim3A_465 : vector<16xi1>, vector<16xf32>
      %swap3A_467 = arith.index_cast %add3A_463 : i32 to index
      %swap3A_468 = tpu.vector_load %arg20[%swap3A_467] {strides = array<i32>} : memref<8192xf32, #tpu.memory_space<vmem>>, vector<16xf32>,
      tpu.vector_store %arg20[%swap3A_467], %select_n3A_466 {strides = array<i32>} : memref<8192xf32, #tpu.memory_space<vmem>>, vector<16xf32>,
      %gather3A_469 = tpu.vector_load_idx %arg11[%get3A_454] masked %lt3A_458 : memref<8192xf32, #tpu.memory_space<vmem>>[vector<16xi32>], vector<16xf32>, vector<16xi1>
      %swap3A_470 = arith.index_cast %add3A_463 : i32 to index
      %swap3A_471 = tpu.vector_load %arg21[%swap3A_470] {strides = array<i32>} : memref<8192xf32, #tpu.memory_space<vmem>>, vector<16xf32>,
      tpu.vector_store %arg21[%swap3A_470], %gather3A_469 {strides = array<i32>} : memref<8192xf32, #tpu.memory_space<vmem>>, vector<16xf32>,
      %gather3A_472 = tpu.vector_load_idx %arg12[%get3A_454] masked %lt3A_458 : memref<8192xf32, #tpu.memory_space<vmem>>[vector<16xi32>], vector<16xf32>, vector<16xi1>
      %swap3A_473 = arith.index_cast %add3A_463 : i32 to index
      %swap3A_474 = tpu.vector_load %arg22[%swap3A_473] {strides = array<i32>} : memref<8192xf32, #tpu.memory_space<vmem>>, vector<16xf32>,
      tpu.vector_store %arg22[%swap3A_473], %gather3A_472 {strides = array<i32>} : memref<8192xf32, #tpu.memory_space<vmem>>, vector<16xf32>,
      %gather3A_475 = tpu.vector_load_idx %arg13[%get3A_454] masked %lt3A_458 : memref<8192xf32, #tpu.memory_space<vmem>>[vector<16xi32>], vector<16xf32>, vector<16xi1>
      %swap3A_476 = arith.index_cast %add3A_463 : i32 to index
      %swap3A_477 = tpu.vector_load %arg23[%swap3A_476] {strides = array<i32>} : memref<8192xf32, #tpu.memory_space<vmem>>, vector<16xf32>,
      tpu.vector_store %arg23[%swap3A_476], %gather3A_475 {strides = array<i32>} : memref<8192xf32, #tpu.memory_space<vmem>>, vector<16xf32>,
      %get3A_478 = arith.constant 112 : index
      %get3A_479 = tpu.vector_load %arg17[%get3A_478] {strides = array<i32>} : memref<144xi32, #tpu.memory_space<vmem>>, vector<16xi32>,
      %add3A_480 = arith.constant 112 : i32
      %add3A_481 = vector.broadcast %add3A_480 : i32 to vector<16xi32>
      %add3A_482 = arith.addi %iota3A, %add3A_481 : vector<16xi32>
      %lt3A_483 = arith.cmpi slt, %add3A_482, %parallel_loop3A_302 : vector<16xi32>
      %gather3A_484 = tpu.vector_load_idx %arg15[%get3A_479] masked %lt3A_483 : memref<8192xf32, #tpu.memory_space<vmem>>[vector<16xi32>], vector<16xf32>, vector<16xi1>
      %mul3A_485 = arith.constant 128 : i32
      %mul3A_486 = arith.muli %add3A_292, %mul3A_485 : i32
      %add3A_487 = arith.constant 112 : i32
      %add3A_488 = arith.addi %mul3A_486, %add3A_487 : i32
      %jit3A_489 = arith.constant -3.000000e+00 : f32
      %broadcast_in_dim3A_490 = vector.broadcast %jit3A_489 : f32 to vector<16xf32>
      %select_n3A_491 = arith.select %lt3A_483, %gather3A_484, %broadcast_in_dim3A_490 : vector<16xi1>, vector<16xf32>
      %swap3A_492 = arith.index_cast %add3A_488 : i32 to index
      %swap3A_493 = tpu.vector_load %arg20[%swap3A_492] {strides = array<i32>} : memref<8192xf32, #tpu.memory_space<vmem>>, vector<16xf32>,
      tpu.vector_store %arg20[%swap3A_492], %select_n3A_491 {strides = array<i32>} : memref<8192xf32, #tpu.memory_space<vmem>>, vector<16xf32>,
      %gather3A_494 = tpu.vector_load_idx %arg11[%get3A_479] masked %lt3A_483 : memref<8192xf32, #tpu.memory_space<vmem>>[vector<16xi32>], vector<16xf32>, vector<16xi1>
      %swap3A_495 = arith.index_cast %add3A_488 : i32 to index
      %swap3A_496 = tpu.vector_load %arg21[%swap3A_495] {strides = array<i32>} : memref<8192xf32, #tpu.memory_space<vmem>>, vector<16xf32>,
      tpu.vector_store %arg21[%swap3A_495], %gather3A_494 {strides = array<i32>} : memref<8192xf32, #tpu.memory_space<vmem>>, vector<16xf32>,
      %gather3A_497 = tpu.vector_load_idx %arg12[%get3A_479] masked %lt3A_483 : memref<8192xf32, #tpu.memory_space<vmem>>[vector<16xi32>], vector<16xf32>, vector<16xi1>
      %swap3A_498 = arith.index_cast %add3A_488 : i32 to index
      %swap3A_499 = tpu.vector_load %arg22[%swap3A_498] {strides = array<i32>} : memref<8192xf32, #tpu.memory_space<vmem>>, vector<16xf32>,
      tpu.vector_store %arg22[%swap3A_498], %gather3A_497 {strides = array<i32>} : memref<8192xf32, #tpu.memory_space<vmem>>, vector<16xf32>,
      %gather3A_500 = tpu.vector_load_idx %arg13[%get3A_479] masked %lt3A_483 : memref<8192xf32, #tpu.memory_space<vmem>>[vector<16xi32>], vector<16xf32>, vector<16xi1>
      %swap3A_501 = arith.index_cast %add3A_488 : i32 to index
      %swap3A_502 = tpu.vector_load %arg23[%swap3A_501] {strides = array<i32>} : memref<8192xf32, #tpu.memory_space<vmem>>, vector<16xf32>,
      tpu.vector_store %arg23[%swap3A_501], %gather3A_500 {strides = array<i32>} : memref<8192xf32, #tpu.memory_space<vmem>>, vector<16xf32>,
      %scan3A_503 = arith.constant 0 : i32
      scf.yield %scan3A_503 : i32
    }
    %scan3A_41 = arith.constant 32 : i32
    %dma_wait3A_42 = arith.constant 0 : i32
    %dma_wait3A_43 = arith.constant 0 : i32
    %dma_wait3A_44 = tpu.memref_slice %arg2[%dma_wait3A_42, %dma_wait3A_43] : memref<4096x8192xf32, #tpu.memory_space<hbm>> -> memref<1x8192xf32, #tpu.memory_space<hbm>>
    %dma_wait3A_45 = tpu.memref_squeeze %dma_wait3A_44 : memref<1x8192xf32, #tpu.memory_space<hbm>> -> memref<8192xf32, #tpu.memory_space<hbm>>
    %dma_wait3A_46 = arith.constant 0 : i32
    %dma_wait3A_47 = tpu.memref_slice %arg2[%dma_wait3A_42, %dma_wait3A_46] : memref<4096x8192xf32, #tpu.memory_space<hbm>> -> memref<1x8192xf32, #tpu.memory_space<hbm>>
    %dma_wait3A_48 = tpu.memref_squeeze %dma_wait3A_47 : memref<1x8192xf32, #tpu.memory_space<hbm>> -> memref<8192xf32, #tpu.memory_space<hbm>>
    tpu.wait_dma2 semaphore(%arg18 : memref<!tpu.dma_semaphore, #tpu.memory_space<semaphore_mem>>) src(%dma_wait3A_48 : memref<8192xf32, #tpu.memory_space<hbm>>) dst(%arg14 : memref<8192xf32, #tpu.memory_space<vmem>>)
    %mul3A_49 = arith.constant 128 : i32
    %mul3A_50 = arith.muli %add3A_28, %mul3A_49 : i32
    "tpu.region"() ({
      %run_scoped3A = tpu.sem_alloc : memref<!tpu.dma_semaphore, #tpu.memory_space<semaphore_mem>>
      %dma_start3A_51 = tpu.memref_slice %arg7[%mul3A_50] : memref<524288xf32, #tpu.memory_space<hbm>> -> memref<8192xf32, #tpu.memory_space<hbm>>
      %dma_start3A_52 = tpu.memref_slice %arg7[%mul3A_50] : memref<524288xf32, #tpu.memory_space<hbm>> -> memref<8192xf32, #tpu.memory_space<hbm>>
      tpu.enqueue_dma source(%arg20 : memref<8192xf32, #tpu.memory_space<vmem>>) target(%dma_start3A_52 : memref<8192xf32, #tpu.memory_space<hbm>>) target_semaphore(%run_scoped3A : memref<!tpu.dma_semaphore, #tpu.memory_space<semaphore_mem>>)
      %dma_wait3A_53 = tpu.memref_slice %arg7[%mul3A_50] : memref<524288xf32, #tpu.memory_space<hbm>> -> memref<8192xf32, #tpu.memory_space<hbm>>
      %dma_wait3A_54 = tpu.memref_slice %arg7[%mul3A_50] : memref<524288xf32, #tpu.memory_space<hbm>> -> memref<8192xf32, #tpu.memory_space<hbm>>
      tpu.wait_dma2 semaphore(%run_scoped3A : memref<!tpu.dma_semaphore, #tpu.memory_space<semaphore_mem>>) src(%arg20 : memref<8192xf32, #tpu.memory_space<vmem>>) dst(%dma_wait3A_54 : memref<8192xf32, #tpu.memory_space<hbm>>)
      tpu.yield
    }) : () -> ()
    "tpu.region"() ({
      %run_scoped3A = tpu.sem_alloc : memref<!tpu.dma_semaphore, #tpu.memory_space<semaphore_mem>>
      %dma_start3A_51 = tpu.memref_slice %arg8[%mul3A_50] : memref<524288xf32, #tpu.memory_space<hbm>> -> memref<8192xf32, #tpu.memory_space<hbm>>
      %dma_start3A_52 = tpu.memref_slice %arg8[%mul3A_50] : memref<524288xf32, #tpu.memory_space<hbm>> -> memref<8192xf32, #tpu.memory_space<hbm>>
      tpu.enqueue_dma source(%arg21 : memref<8192xf32, #tpu.memory_space<vmem>>) target(%dma_start3A_52 : memref<8192xf32, #tpu.memory_space<hbm>>) target_semaphore(%run_scoped3A : memref<!tpu.dma_semaphore, #tpu.memory_space<semaphore_mem>>)
      %dma_wait3A_53 = tpu.memref_slice %arg8[%mul3A_50] : memref<524288xf32, #tpu.memory_space<hbm>> -> memref<8192xf32, #tpu.memory_space<hbm>>
      %dma_wait3A_54 = tpu.memref_slice %arg8[%mul3A_50] : memref<524288xf32, #tpu.memory_space<hbm>> -> memref<8192xf32, #tpu.memory_space<hbm>>
      tpu.wait_dma2 semaphore(%run_scoped3A : memref<!tpu.dma_semaphore, #tpu.memory_space<semaphore_mem>>) src(%arg21 : memref<8192xf32, #tpu.memory_space<vmem>>) dst(%dma_wait3A_54 : memref<8192xf32, #tpu.memory_space<hbm>>)
      tpu.yield
    }) : () -> ()
    "tpu.region"() ({
      %run_scoped3A = tpu.sem_alloc : memref<!tpu.dma_semaphore, #tpu.memory_space<semaphore_mem>>
      %dma_start3A_51 = tpu.memref_slice %arg9[%mul3A_50] : memref<524288xf32, #tpu.memory_space<hbm>> -> memref<8192xf32, #tpu.memory_space<hbm>>
      %dma_start3A_52 = tpu.memref_slice %arg9[%mul3A_50] : memref<524288xf32, #tpu.memory_space<hbm>> -> memref<8192xf32, #tpu.memory_space<hbm>>
      tpu.enqueue_dma source(%arg22 : memref<8192xf32, #tpu.memory_space<vmem>>) target(%dma_start3A_52 : memref<8192xf32, #tpu.memory_space<hbm>>) target_semaphore(%run_scoped3A : memref<!tpu.dma_semaphore, #tpu.memory_space<semaphore_mem>>)
      %dma_wait3A_53 = tpu.memref_slice %arg9[%mul3A_50] : memref<524288xf32, #tpu.memory_space<hbm>> -> memref<8192xf32, #tpu.memory_space<hbm>>
      %dma_wait3A_54 = tpu.memref_slice %arg9[%mul3A_50] : memref<524288xf32, #tpu.memory_space<hbm>> -> memref<8192xf32, #tpu.memory_space<hbm>>
      tpu.wait_dma2 semaphore(%run_scoped3A : memref<!tpu.dma_semaphore, #tpu.memory_space<semaphore_mem>>) src(%arg22 : memref<8192xf32, #tpu.memory_space<vmem>>) dst(%dma_wait3A_54 : memref<8192xf32, #tpu.memory_space<hbm>>)
      tpu.yield
    }) : () -> ()
    "tpu.region"() ({
      %run_scoped3A = tpu.sem_alloc : memref<!tpu.dma_semaphore, #tpu.memory_space<semaphore_mem>>
      %dma_start3A_51 = tpu.memref_slice %arg10[%mul3A_50] : memref<524288xf32, #tpu.memory_space<hbm>> -> memref<8192xf32, #tpu.memory_space<hbm>>
      %dma_start3A_52 = tpu.memref_slice %arg10[%mul3A_50] : memref<524288xf32, #tpu.memory_space<hbm>> -> memref<8192xf32, #tpu.memory_space<hbm>>
      tpu.enqueue_dma source(%arg23 : memref<8192xf32, #tpu.memory_space<vmem>>) target(%dma_start3A_52 : memref<8192xf32, #tpu.memory_space<hbm>>) target_semaphore(%run_scoped3A : memref<!tpu.dma_semaphore, #tpu.memory_space<semaphore_mem>>)
      %dma_wait3A_53 = tpu.memref_slice %arg10[%mul3A_50] : memref<524288xf32, #tpu.memory_space<hbm>> -> memref<8192xf32, #tpu.memory_space<hbm>>
      %dma_wait3A_54 = tpu.memref_slice %arg10[%mul3A_50] : memref<524288xf32, #tpu.memory_space<hbm>> -> memref<8192xf32, #tpu.memory_space<hbm>>
      tpu.wait_dma2 semaphore(%run_scoped3A : memref<!tpu.dma_semaphore, #tpu.memory_space<semaphore_mem>>) src(%arg23 : memref<8192xf32, #tpu.memory_space<vmem>>) dst(%dma_wait3A_54 : memref<8192xf32, #tpu.memory_space<hbm>>)
      tpu.yield
    }) : () -> ()
    return
  }
}

module attributes {stable_mosaic.version = 14 : i64} {
  func.func @_sim_thr_body(%arg0: i32, %arg1: memref<256x3xf32, #tpu.memory_space<vmem>>, %arg2: memref<3x8192xf32, #tpu.memory_space<vmem>>, %arg3: memref<256x8192xf32, #tpu.memory_space<vmem>>, %arg4: memref<256x16xf32, #tpu.memory_space<vmem>>) attributes {dimension_semantics = [#tpu.dimension_semantics<arbitrary>], iteration_bounds = array<i64: 16>, scalar_prefetch = 0 : i64, scratch_operands = 0 : i64, tpu.core_type = #tpu.core_type<tc>, window_params = [{transform_indices = @transform_0, window_bounds = array<i64: 256, 3>}, {pipeline_mode = #tpu.pipeline_mode<synchronous>, transform_indices = @transform_1, window_bounds = array<i64: 3, 8192>}, {transform_indices = @transform_2, window_bounds = array<i64: 256, 8192>}, {transform_indices = @transform_3, window_bounds = array<i64: 256, 16>}]} {
    %mul3A = arith.constant 256 : i32
    %mul3A_0 = arith.muli %arg0, %mul3A : i32
    %add3A = arith.constant 0 : i32
    %add3A_1 = arith.addi %add3A, %mul3A_0 : i32
    %iota3A = tpu.iota {dimensions = array<i32: 1>} : vector<256x8192xi32>
    %iota3A_2 = tpu.iota {dimensions = array<i32: 0>} : vector<256x8192xi32>
    %add3A_3 = vector.broadcast %add3A_1 : i32 to vector<256x8192xi32>
    %add3A_4 = arith.addi %add3A_3, %iota3A_2 : vector<256x8192xi32>
    %get3A = arith.constant 0 : index
    %get3A_5 = arith.constant 0 : index
    %get3A_6 = vector.load %arg1[%get3A, %get3A_5] : memref<256x3xf32, #tpu.memory_space<vmem>>, vector<256x3xf32>
    %convert_element_type3A = arith.truncf %get3A_6 : vector<256x3xf32> to vector<256x3xbf16>
    %get3A_7 = arith.constant 0 : index
    %get3A_8 = arith.constant 0 : index
    %get3A_9 = vector.load %arg2[%get3A_7, %get3A_8] : memref<3x8192xf32, #tpu.memory_space<vmem>>, vector<3x8192xf32>
    %convert_element_type3A_10 = arith.truncf %get3A_9 : vector<3x8192xf32> to vector<3x8192xbf16>
    %dot_general3A = arith.constant dense<0.000000e+00> : vector<256x8192xf32>
    %dot_general3A_11 = tpu.matmul %convert_element_type3A, %convert_element_type3A_10, %dot_general3A {dimension_numbers = #tpu.dot_dimension_numbers<[1], [0], [0], [1], [0, 0, 1, 1], [], []>, transpose_lhs_hint = false} : vector<256x3xbf16>, vector<3x8192xbf16>, vector<256x8192xf32> -> vector<256x8192xf32>
    %eq3A = arith.cmpi eq, %iota3A, %add3A_4 : vector<256x8192xi32>
    %jit3A = arith.constant 2.000000e+00 : f32
    %broadcast_in_dim3A = vector.broadcast %jit3A : f32 to vector<256x8192xf32>
    %select_n3A = arith.select %eq3A, %broadcast_in_dim3A, %dot_general3A_11 : vector<256x8192xi1>, vector<256x8192xf32>
    %swap3A = arith.constant 0 : index
    %swap3A_12 = arith.constant 0 : index
    %swap3A_13 = vector.load %arg3[%swap3A, %swap3A_12] : memref<256x8192xf32, #tpu.memory_space<vmem>>, vector<256x8192xf32>
    tpu.vector_store %arg3[%swap3A, %swap3A_12], %select_n3A {strides = array<i32>} : memref<256x8192xf32, #tpu.memory_space<vmem>>, vector<256x8192xf32>,
    %broadcast_in_dim3A_14 = arith.constant -1.000000e+00 : f32
    %broadcast_in_dim3A_15 = vector.broadcast %broadcast_in_dim3A_14 : f32 to vector<256x1xf32>
    %broadcast_in_dim3A_16 = arith.constant 1.000000e+00 : f32
    %broadcast_in_dim3A_17 = vector.broadcast %broadcast_in_dim3A_16 : f32 to vector<256x1xf32>
    %scan3A = arith.constant 0 : i32
    %scan3A_18 = arith.constant 11 : i32
    %scan3A_19 = arith.addi %scan3A, %scan3A_18 : i32
    %scan3A_20 = arith.constant 1 : i32
    %scan3A_21:2 = scf.for %scan3A_27 = %scan3A to %scan3A_19 step %scan3A_20 iter_args(%scan3A_28 = %broadcast_in_dim3A_15, %scan3A_29 = %broadcast_in_dim3A_17) -> (vector<256x1xf32>, vector<256x1xf32>)  : i32 {
      %add3A_30 = arith.addf %scan3A_28, %scan3A_29 : vector<256x1xf32>
      %mul3A_31 = arith.constant 5.000000e-01 : f32
      %mul3A_32 = vector.broadcast %mul3A_31 : f32 to vector<256x1xf32>
      %mul3A_33 = arith.mulf %mul3A_32, %add3A_30 : vector<256x1xf32>
      %get3A_34 = arith.constant 0 : index
      %get3A_35 = arith.constant 0 : index
      %get3A_36 = vector.load %arg3[%get3A_34, %get3A_35] : memref<256x8192xf32, #tpu.memory_space<vmem>>, vector<256x8192xf32>
      %ge3A = vector.broadcast %mul3A_33 : vector<256x1xf32> to vector<256x8192xf32>
      %ge3A_37 = arith.cmpf oge, %get3A_36, %ge3A : vector<256x8192xf32>
      %jit3A_38 = arith.constant 1.000000e+00 : f32
      %jit3A_39 = arith.constant 0.000000e+00 : f32
      %broadcast_in_dim3A_40 = vector.broadcast %jit3A_38 : f32 to vector<256x8192xf32>
      %broadcast_in_dim3A_41 = vector.broadcast %jit3A_39 : f32 to vector<256x8192xf32>
      %select_n3A_42 = arith.select %ge3A_37, %broadcast_in_dim3A_40, %broadcast_in_dim3A_41 : vector<256x8192xi1>, vector<256x8192xf32>
      %reduce_sum3A = arith.constant dense<0.000000e+00> : vector<256xf32>
      %reduce_sum3A_43 = vector.multi_reduction <add>, %select_n3A_42, %reduce_sum3A [1] : vector<256x8192xf32> to vector<256xf32>
      %broadcast_in_dim3A_44 = vector.shape_cast %reduce_sum3A_43 : vector<256xf32> to vector<256x1xf32>
      %ge3A_45 = arith.constant 8.100000e+01 : f32
      %ge3A_46 = vector.broadcast %ge3A_45 : f32 to vector<256x1xf32>
      %ge3A_47 = arith.cmpf oge, %broadcast_in_dim3A_44, %ge3A_46 : vector<256x1xf32>
      %select_n3A_48 = arith.select %ge3A_47, %mul3A_33, %scan3A_28 : vector<256x1xi1>, vector<256x1xf32>
      %select_n3A_49 = arith.select %ge3A_47, %scan3A_29, %mul3A_33 : vector<256x1xi1>, vector<256x1xf32>
      scf.yield %select_n3A_48, %select_n3A_49 : vector<256x1xf32>, vector<256x1xf32>
    }
    %broadcast_in_dim3A_22 = vector.shape_cast %scan3A_21#0 : vector<256x1xf32> to vector<256x1xf32>
    %broadcast_in_dim3A_23 = vector.broadcast %broadcast_in_dim3A_22 : vector<256x1xf32> to vector<256x16xf32>
    %swap3A_24 = arith.constant 0 : index
    %swap3A_25 = arith.constant 0 : index
    %swap3A_26 = vector.load %arg4[%swap3A_24, %swap3A_25] : memref<256x16xf32, #tpu.memory_space<vmem>>, vector<256x16xf32>
    tpu.vector_store %arg4[%swap3A_24, %swap3A_25], %broadcast_in_dim3A_23 {strides = array<i32>} : memref<256x16xf32, #tpu.memory_space<vmem>>, vector<256x16xf32>,
    return
  }
  func.func @transform_0(%arg0: i32) -> (i32, i32) {
    %c0_i32 = arith.constant 0 : i32
    %c0_i32_0 = arith.constant 0 : i32
    return %arg0, %c0_i32 : i32, i32
  }
  func.func @transform_1(%arg0: i32) -> (i32, i32) {
    %c0_i32 = arith.constant 0 : i32
    %c0_i32_0 = arith.constant 0 : i32
    %c0_i32_1 = arith.constant 0 : i32
    return %c0_i32, %c0_i32_0 : i32, i32
  }
  func.func @transform_2(%arg0: i32) -> (i32, i32) {
    %c0_i32 = arith.constant 0 : i32
    %c0_i32_0 = arith.constant 0 : i32
    return %arg0, %c0_i32 : i32, i32
  }
  func.func @transform_3(%arg0: i32) -> (i32, i32) {
    %c0_i32 = arith.constant 0 : i32
    %c0_i32_0 = arith.constant 0 : i32
    return %arg0, %c0_i32 : i32, i32
  }
}

module attributes {stable_mosaic.version = 14 : i64} {
  func.func @_sim_thr_body(%arg0: i32, %arg1: memref<256x3xf32, #tpu.memory_space<vmem>>, %arg2: memref<3x8192xf32, #tpu.memory_space<vmem>>, %arg3: memref<256x8192xf32, #tpu.memory_space<vmem>>, %arg4: memref<256x16xf32, #tpu.memory_space<vmem>>) attributes {dimension_semantics = [#tpu.dimension_semantics<arbitrary>], iteration_bounds = array<i64: 16>, scalar_prefetch = 0 : i64, scratch_operands = 0 : i64, tpu.core_type = #tpu.core_type<tc>, window_params = [{transform_indices = @transform_0, window_bounds = array<i64: 256, 3>}, {pipeline_mode = #tpu.pipeline_mode<synchronous>, transform_indices = @transform_1, window_bounds = array<i64: 3, 8192>}, {transform_indices = @transform_2, window_bounds = array<i64: 256, 8192>}, {transform_indices = @transform_3, window_bounds = array<i64: 256, 16>}]} {
    %mul3A = arith.constant 256 : i32
    %mul3A_0 = arith.muli %arg0, %mul3A : i32
    %add3A = arith.constant 4096 : i32
    %add3A_1 = arith.addi %add3A, %mul3A_0 : i32
    %iota3A = tpu.iota {dimensions = array<i32: 1>} : vector<256x8192xi32>
    %iota3A_2 = tpu.iota {dimensions = array<i32: 0>} : vector<256x8192xi32>
    %add3A_3 = vector.broadcast %add3A_1 : i32 to vector<256x8192xi32>
    %add3A_4 = arith.addi %add3A_3, %iota3A_2 : vector<256x8192xi32>
    %get3A = arith.constant 0 : index
    %get3A_5 = arith.constant 0 : index
    %get3A_6 = vector.load %arg1[%get3A, %get3A_5] : memref<256x3xf32, #tpu.memory_space<vmem>>, vector<256x3xf32>
    %convert_element_type3A = arith.truncf %get3A_6 : vector<256x3xf32> to vector<256x3xbf16>
    %get3A_7 = arith.constant 0 : index
    %get3A_8 = arith.constant 0 : index
    %get3A_9 = vector.load %arg2[%get3A_7, %get3A_8] : memref<3x8192xf32, #tpu.memory_space<vmem>>, vector<3x8192xf32>
    %convert_element_type3A_10 = arith.truncf %get3A_9 : vector<3x8192xf32> to vector<3x8192xbf16>
    %dot_general3A = arith.constant dense<0.000000e+00> : vector<256x8192xf32>
    %dot_general3A_11 = tpu.matmul %convert_element_type3A, %convert_element_type3A_10, %dot_general3A {dimension_numbers = #tpu.dot_dimension_numbers<[1], [0], [0], [1], [0, 0, 1, 1], [], []>, transpose_lhs_hint = false} : vector<256x3xbf16>, vector<3x8192xbf16>, vector<256x8192xf32> -> vector<256x8192xf32>
    %eq3A = arith.cmpi eq, %iota3A, %add3A_4 : vector<256x8192xi32>
    %jit3A = arith.constant 2.000000e+00 : f32
    %broadcast_in_dim3A = vector.broadcast %jit3A : f32 to vector<256x8192xf32>
    %select_n3A = arith.select %eq3A, %broadcast_in_dim3A, %dot_general3A_11 : vector<256x8192xi1>, vector<256x8192xf32>
    %swap3A = arith.constant 0 : index
    %swap3A_12 = arith.constant 0 : index
    %swap3A_13 = vector.load %arg3[%swap3A, %swap3A_12] : memref<256x8192xf32, #tpu.memory_space<vmem>>, vector<256x8192xf32>
    tpu.vector_store %arg3[%swap3A, %swap3A_12], %select_n3A {strides = array<i32>} : memref<256x8192xf32, #tpu.memory_space<vmem>>, vector<256x8192xf32>,
    %broadcast_in_dim3A_14 = arith.constant -1.000000e+00 : f32
    %broadcast_in_dim3A_15 = vector.broadcast %broadcast_in_dim3A_14 : f32 to vector<256x1xf32>
    %broadcast_in_dim3A_16 = arith.constant 1.000000e+00 : f32
    %broadcast_in_dim3A_17 = vector.broadcast %broadcast_in_dim3A_16 : f32 to vector<256x1xf32>
    %scan3A = arith.constant 0 : i32
    %scan3A_18 = arith.constant 11 : i32
    %scan3A_19 = arith.addi %scan3A, %scan3A_18 : i32
    %scan3A_20 = arith.constant 1 : i32
    %scan3A_21:2 = scf.for %scan3A_27 = %scan3A to %scan3A_19 step %scan3A_20 iter_args(%scan3A_28 = %broadcast_in_dim3A_15, %scan3A_29 = %broadcast_in_dim3A_17) -> (vector<256x1xf32>, vector<256x1xf32>)  : i32 {
      %add3A_30 = arith.addf %scan3A_28, %scan3A_29 : vector<256x1xf32>
      %mul3A_31 = arith.constant 5.000000e-01 : f32
      %mul3A_32 = vector.broadcast %mul3A_31 : f32 to vector<256x1xf32>
      %mul3A_33 = arith.mulf %mul3A_32, %add3A_30 : vector<256x1xf32>
      %get3A_34 = arith.constant 0 : index
      %get3A_35 = arith.constant 0 : index
      %get3A_36 = vector.load %arg3[%get3A_34, %get3A_35] : memref<256x8192xf32, #tpu.memory_space<vmem>>, vector<256x8192xf32>
      %ge3A = vector.broadcast %mul3A_33 : vector<256x1xf32> to vector<256x8192xf32>
      %ge3A_37 = arith.cmpf oge, %get3A_36, %ge3A : vector<256x8192xf32>
      %jit3A_38 = arith.constant 1.000000e+00 : f32
      %jit3A_39 = arith.constant 0.000000e+00 : f32
      %broadcast_in_dim3A_40 = vector.broadcast %jit3A_38 : f32 to vector<256x8192xf32>
      %broadcast_in_dim3A_41 = vector.broadcast %jit3A_39 : f32 to vector<256x8192xf32>
      %select_n3A_42 = arith.select %ge3A_37, %broadcast_in_dim3A_40, %broadcast_in_dim3A_41 : vector<256x8192xi1>, vector<256x8192xf32>
      %reduce_sum3A = arith.constant dense<0.000000e+00> : vector<256xf32>
      %reduce_sum3A_43 = vector.multi_reduction <add>, %select_n3A_42, %reduce_sum3A [1] : vector<256x8192xf32> to vector<256xf32>
      %broadcast_in_dim3A_44 = vector.shape_cast %reduce_sum3A_43 : vector<256xf32> to vector<256x1xf32>
      %ge3A_45 = arith.constant 8.100000e+01 : f32
      %ge3A_46 = vector.broadcast %ge3A_45 : f32 to vector<256x1xf32>
      %ge3A_47 = arith.cmpf oge, %broadcast_in_dim3A_44, %ge3A_46 : vector<256x1xf32>
      %select_n3A_48 = arith.select %ge3A_47, %mul3A_33, %scan3A_28 : vector<256x1xi1>, vector<256x1xf32>
      %select_n3A_49 = arith.select %ge3A_47, %scan3A_29, %mul3A_33 : vector<256x1xi1>, vector<256x1xf32>
      scf.yield %select_n3A_48, %select_n3A_49 : vector<256x1xf32>, vector<256x1xf32>
    }
    %broadcast_in_dim3A_22 = vector.shape_cast %scan3A_21#0 : vector<256x1xf32> to vector<256x1xf32>
    %broadcast_in_dim3A_23 = vector.broadcast %broadcast_in_dim3A_22 : vector<256x1xf32> to vector<256x16xf32>
    %swap3A_24 = arith.constant 0 : index
    %swap3A_25 = arith.constant 0 : index
    %swap3A_26 = vector.load %arg4[%swap3A_24, %swap3A_25] : memref<256x16xf32, #tpu.memory_space<vmem>>, vector<256x16xf32>
    tpu.vector_store %arg4[%swap3A_24, %swap3A_25], %broadcast_in_dim3A_23 {strides = array<i32>} : memref<256x16xf32, #tpu.memory_space<vmem>>, vector<256x16xf32>,
    return
  }
  func.func @transform_0(%arg0: i32) -> (i32, i32) {
    %c0_i32 = arith.constant 0 : i32
    %c0_i32_0 = arith.constant 0 : i32
    return %arg0, %c0_i32 : i32, i32
  }
  func.func @transform_1(%arg0: i32) -> (i32, i32) {
    %c0_i32 = arith.constant 0 : i32
    %c0_i32_0 = arith.constant 0 : i32
    %c0_i32_1 = arith.constant 0 : i32
    return %c0_i32, %c0_i32_0 : i32, i32
  }
  func.func @transform_2(%arg0: i32) -> (i32, i32) {
    %c0_i32 = arith.constant 0 : i32
    %c0_i32_0 = arith.constant 0 : i32
    return %arg0, %c0_i32 : i32, i32
  }
  func.func @transform_3(%arg0: i32) -> (i32, i32) {
    %c0_i32 = arith.constant 0 : i32
    %c0_i32_0 = arith.constant 0 : i32
    return %arg0, %c0_i32 : i32, i32
  }
}

module attributes {stable_mosaic.version = 14 : i64} {
  func.func @_rank_body(%arg0: i32, %arg1: memref<256x128xf32, #tpu.memory_space<vmem>>, %arg2: memref<256x128xf32, #tpu.memory_space<vmem>>, %arg3: memref<256x128xf32, #tpu.memory_space<vmem>>, %arg4: memref<256x128xf32, #tpu.memory_space<vmem>>, %arg5: memref<256x3xf32, #tpu.memory_space<vmem>>, %arg6: memref<4x81xf32, #tpu.memory_space<vmem>>, %arg7: memref<4x81x64xf32, #tpu.memory_space<vmem>>, %arg8: memref<1x64xf32, #tpu.memory_space<vmem>>, %arg9: memref<256x64xf32, #tpu.memory_space<vmem>>, %arg10: memref<256x128xf32, #tpu.memory_space<vmem>>, %arg11: memref<256x81xf32, #tpu.memory_space<vmem>>, %arg12: memref<256x81xf32, #tpu.memory_space<vmem>>, %arg13: memref<256x81xf32, #tpu.memory_space<vmem>>) attributes {dimension_semantics = [#tpu.dimension_semantics<arbitrary>], iteration_bounds = array<i64: 16>, scalar_prefetch = 0 : i64, scratch_operands = 4 : i64, tpu.core_type = #tpu.core_type<tc>, window_params = [{transform_indices = @transform_0, window_bounds = array<i64: 256, 128>}, {transform_indices = @transform_1, window_bounds = array<i64: 256, 128>}, {transform_indices = @transform_2, window_bounds = array<i64: 256, 128>}, {transform_indices = @transform_3, window_bounds = array<i64: 256, 128>}, {transform_indices = @transform_4, window_bounds = array<i64: 256, 3>}, {pipeline_mode = #tpu.pipeline_mode<synchronous>, transform_indices = @transform_5, window_bounds = array<i64: 4, 81>}, {pipeline_mode = #tpu.pipeline_mode<synchronous>, transform_indices = @transform_6, window_bounds = array<i64: 4, 81, 64>}, {pipeline_mode = #tpu.pipeline_mode<synchronous>, transform_indices = @transform_7, window_bounds = array<i64: 1, 64>}, {transform_indices = @transform_8, window_bounds = array<i64: 256, 64>}]} {
    %iota3A = tpu.iota {dimensions = array<i32: 1>} : vector<256x128xi32>
    %iota3A_0 = tpu.iota {dimensions = array<i32: 1>} : vector<256x81xi32>
    %get3A = arith.constant 0 : index
    %get3A_1 = arith.constant 0 : index
    %get3A_2 = vector.load %arg1[%get3A, %get3A_1] : memref<256x128xf32, #tpu.memory_space<vmem>>, vector<256x128xf32>
    %swap3A = arith.constant 0 : index
    %swap3A_3 = arith.constant 0 : index
    %swap3A_4 = vector.load %arg10[%swap3A, %swap3A_3] : memref<256x128xf32, #tpu.memory_space<vmem>>, vector<256x128xf32>
    tpu.vector_store %arg10[%swap3A, %swap3A_3], %get3A_2 {strides = array<i32>} : memref<256x128xf32, #tpu.memory_space<vmem>>, vector<256x128xf32>,
    %get3A_5 = arith.constant 0 : index
    %get3A_6 = arith.constant 0 : index
    %get3A_7 = vector.load %arg2[%get3A_5, %get3A_6] : memref<256x128xf32, #tpu.memory_space<vmem>>, vector<256x128xf32>
    %get3A_8 = arith.constant 0 : index
    %get3A_9 = arith.constant 0 : index
    %get3A_10 = vector.load %arg3[%get3A_8, %get3A_9] : memref<256x128xf32, #tpu.memory_space<vmem>>, vector<256x128xf32>
    %get3A_11 = arith.constant 0 : index
    %get3A_12 = arith.constant 0 : index
    %get3A_13 = vector.load %arg4[%get3A_11, %get3A_12] : memref<256x128xf32, #tpu.memory_space<vmem>>, vector<256x128xf32>
    %broadcast_in_dim3A = arith.constant 0.000000e+00 : f32
    %broadcast_in_dim3A_14 = vector.broadcast %broadcast_in_dim3A : f32 to vector<256x81xf32>
    %swap3A_15 = arith.constant 0 : index
    %swap3A_16 = arith.constant 0 : index
    %swap3A_17 = vector.load %arg11[%swap3A_15, %swap3A_16] : memref<256x81xf32, #tpu.memory_space<vmem>>, vector<256x81xf32>
    tpu.vector_store %arg11[%swap3A_15, %swap3A_16], %broadcast_in_dim3A_14 {strides = array<i32>} : memref<256x81xf32, #tpu.memory_space<vmem>>, vector<256x81xf32>,
    %broadcast_in_dim3A_18 = arith.constant 0.000000e+00 : f32
    %broadcast_in_dim3A_19 = vector.broadcast %broadcast_in_dim3A_18 : f32 to vector<256x81xf32>
    %swap3A_20 = arith.constant 0 : index
    %swap3A_21 = arith.constant 0 : index
    %swap3A_22 = vector.load %arg12[%swap3A_20, %swap3A_21] : memref<256x81xf32, #tpu.memory_space<vmem>>, vector<256x81xf32>
    tpu.vector_store %arg12[%swap3A_20, %swap3A_21], %broadcast_in_dim3A_19 {strides = array<i32>} : memref<256x81xf32, #tpu.memory_space<vmem>>, vector<256x81xf32>,
    %broadcast_in_dim3A_23 = arith.constant 0.000000e+00 : f32
    %broadcast_in_dim3A_24 = vector.broadcast %broadcast_in_dim3A_23 : f32 to vector<256x81xf32>
    %swap3A_25 = arith.constant 0 : index
    %swap3A_26 = arith.constant 0 : index
    %swap3A_27 = vector.load %arg13[%swap3A_25, %swap3A_26] : memref<256x81xf32, #tpu.memory_space<vmem>>, vector<256x81xf32>
    tpu.vector_store %arg13[%swap3A_25, %swap3A_26], %broadcast_in_dim3A_24 {strides = array<i32>} : memref<256x81xf32, #tpu.memory_space<vmem>>, vector<256x81xf32>,
    %scan3A = arith.constant 0 : i32
    %scan3A_28 = arith.constant 81 : i32
    %scan3A_29 = arith.addi %scan3A, %scan3A_28 : i32
    %scan3A_30 = arith.constant 1 : i32
    scf.for %scan3A_119 = %scan3A to %scan3A_29 step %scan3A_30  : i32 {
      %get3A_120 = arith.constant 0 : index
      %get3A_121 = arith.constant 0 : index
      %get3A_122 = vector.load %arg10[%get3A_120, %get3A_121] : memref<256x128xf32, #tpu.memory_space<vmem>>, vector<256x128xf32>
      %reduce_max3A = arith.constant dense<0xFF800000> : vector<256xf32>
      %reduce_max3A_123 = vector.multi_reduction <maximumf>, %get3A_122, %reduce_max3A [1] : vector<256x128xf32> to vector<256xf32>
      %broadcast_in_dim3A_124 = vector.shape_cast %reduce_max3A_123 : vector<256xf32> to vector<256x1xf32>
      %eq3A = vector.broadcast %broadcast_in_dim3A_124 : vector<256x1xf32> to vector<256x128xf32>
      %eq3A_125 = arith.cmpf oeq, %get3A_122, %eq3A : vector<256x128xf32>
      %jit3A = arith.constant 128 : i32
      %broadcast_in_dim3A_126 = vector.broadcast %jit3A : i32 to vector<256x128xi32>
      %select_n3A = arith.select %eq3A_125, %iota3A, %broadcast_in_dim3A_126 : vector<256x128xi1>, vector<256x128xi32>
      %reduce_min3A = arith.constant dense<2147483647> : vector<256xi32>
      %reduce_min3A_127 = vector.multi_reduction <minsi>, %select_n3A, %reduce_min3A [1] : vector<256x128xi32> to vector<256xi32>
      %broadcast_in_dim3A_128 = vector.shape_cast %reduce_min3A_127 : vector<256xi32> to vector<256x1xi32>
      %eq3A_129 = vector.broadcast %broadcast_in_dim3A_128 : vector<256x1xi32> to vector<256x128xi32>
      %eq3A_130 = arith.cmpi eq, %iota3A, %eq3A_129 : vector<256x128xi32>
      %jit3A_131 = arith.constant 0.000000e+00 : f32
      %broadcast_in_dim3A_132 = vector.broadcast %jit3A_131 : f32 to vector<256x128xf32>
      %select_n3A_133 = arith.select %eq3A_130, %get3A_7, %broadcast_in_dim3A_132 : vector<256x128xi1>, vector<256x128xf32>
      %reduce_sum3A = arith.constant dense<0.000000e+00> : vector<256xf32>
      %reduce_sum3A_134 = vector.multi_reduction <add>, %select_n3A_133, %reduce_sum3A [1] : vector<256x128xf32> to vector<256xf32>
      %broadcast_in_dim3A_135 = vector.shape_cast %reduce_sum3A_134 : vector<256xf32> to vector<256x1xf32>
      %jit3A_136 = arith.constant 0.000000e+00 : f32
      %broadcast_in_dim3A_137 = vector.broadcast %jit3A_136 : f32 to vector<256x128xf32>
      %select_n3A_138 = arith.select %eq3A_130, %get3A_10, %broadcast_in_dim3A_137 : vector<256x128xi1>, vector<256x128xf32>
      %reduce_sum3A_139 = arith.constant dense<0.000000e+00> : vector<256xf32>
      %reduce_sum3A_140 = vector.multi_reduction <add>, %select_n3A_138, %reduce_sum3A_139 [1] : vector<256x128xf32> to vector<256xf32>
      %broadcast_in_dim3A_141 = vector.shape_cast %reduce_sum3A_140 : vector<256xf32> to vector<256x1xf32>
      %jit3A_142 = arith.constant 0.000000e+00 : f32
      %broadcast_in_dim3A_143 = vector.broadcast %jit3A_142 : f32 to vector<256x128xf32>
      %select_n3A_144 = arith.select %eq3A_130, %get3A_13, %broadcast_in_dim3A_143 : vector<256x128xi1>, vector<256x128xf32>
      %reduce_sum3A_145 = arith.constant dense<0.000000e+00> : vector<256xf32>
      %reduce_sum3A_146 = vector.multi_reduction <add>, %select_n3A_144, %reduce_sum3A_145 [1] : vector<256x128xf32> to vector<256xf32>
      %broadcast_in_dim3A_147 = vector.shape_cast %reduce_sum3A_146 : vector<256xf32> to vector<256x1xf32>
      %jit3A_148 = arith.constant -3.000000e+00 : f32
      %broadcast_in_dim3A_149 = vector.broadcast %jit3A_148 : f32 to vector<256x128xf32>
      %select_n3A_150 = arith.select %eq3A_130, %broadcast_in_dim3A_149, %get3A_122 : vector<256x128xi1>, vector<256x128xf32>
      %swap3A_151 = arith.constant 0 : index
      %swap3A_152 = arith.constant 0 : index
      %swap3A_153 = vector.load %arg10[%swap3A_151, %swap3A_152] : memref<256x128xf32, #tpu.memory_space<vmem>>, vector<256x128xf32>
      tpu.vector_store %arg10[%swap3A_151, %swap3A_152], %select_n3A_150 {strides = array<i32>} : memref<256x128xf32, #tpu.memory_space<vmem>>, vector<256x128xf32>,
      %eq3A_154 = vector.broadcast %scan3A_119 : i32 to vector<256x81xi32>
      %eq3A_155 = arith.cmpi eq, %iota3A_0, %eq3A_154 : vector<256x81xi32>
      %get3A_156 = arith.constant 0 : index
      %get3A_157 = arith.constant 0 : index
      %get3A_158 = vector.load %arg11[%get3A_156, %get3A_157] : memref<256x81xf32, #tpu.memory_space<vmem>>, vector<256x81xf32>
      %broadcast_in_dim3A_159 = vector.shape_cast %broadcast_in_dim3A_135 : vector<256x1xf32> to vector<256x1xf32>
      %broadcast_in_dim3A_160 = vector.broadcast %broadcast_in_dim3A_159 : vector<256x1xf32> to vector<256x81xf32>
      %select_n3A_161 = arith.select %eq3A_155, %broadcast_in_dim3A_160, %get3A_158 : vector<256x81xi1>, vector<256x81xf32>
      %swap3A_162 = arith.constant 0 : index
      %swap3A_163 = arith.constant 0 : index
      %swap3A_164 = vector.load %arg11[%swap3A_162, %swap3A_163] : memref<256x81xf32, #tpu.memory_space<vmem>>, vector<256x81xf32>
      tpu.vector_store %arg11[%swap3A_162, %swap3A_163], %select_n3A_161 {strides = array<i32>} : memref<256x81xf32, #tpu.memory_space<vmem>>, vector<256x81xf32>,
      %get3A_165 = arith.constant 0 : index
      %get3A_166 = arith.constant 0 : index
      %get3A_167 = vector.load %arg12[%get3A_165, %get3A_166] : memref<256x81xf32, #tpu.memory_space<vmem>>, vector<256x81xf32>
      %broadcast_in_dim3A_168 = vector.shape_cast %broadcast_in_dim3A_141 : vector<256x1xf32> to vector<256x1xf32>
      %broadcast_in_dim3A_169 = vector.broadcast %broadcast_in_dim3A_168 : vector<256x1xf32> to vector<256x81xf32>
      %select_n3A_170 = arith.select %eq3A_155, %broadcast_in_dim3A_169, %get3A_167 : vector<256x81xi1>, vector<256x81xf32>
      %swap3A_171 = arith.constant 0 : index
      %swap3A_172 = arith.constant 0 : index
      %swap3A_173 = vector.load %arg12[%swap3A_171, %swap3A_172] : memref<256x81xf32, #tpu.memory_space<vmem>>, vector<256x81xf32>
      tpu.vector_store %arg12[%swap3A_171, %swap3A_172], %select_n3A_170 {strides = array<i32>} : memref<256x81xf32, #tpu.memory_space<vmem>>, vector<256x81xf32>,
      %get3A_174 = arith.constant 0 : index
      %get3A_175 = arith.constant 0 : index
      %get3A_176 = vector.load %arg13[%get3A_174, %get3A_175] : memref<256x81xf32, #tpu.memory_space<vmem>>, vector<256x81xf32>
      %broadcast_in_dim3A_177 = vector.shape_cast %broadcast_in_dim3A_147 : vector<256x1xf32> to vector<256x1xf32>
      %broadcast_in_dim3A_178 = vector.broadcast %broadcast_in_dim3A_177 : vector<256x1xf32> to vector<256x81xf32>
      %select_n3A_179 = arith.select %eq3A_155, %broadcast_in_dim3A_178, %get3A_176 : vector<256x81xi1>, vector<256x81xf32>
      %swap3A_180 = arith.constant 0 : index
      %swap3A_181 = arith.constant 0 : index
      %swap3A_182 = vector.load %arg13[%swap3A_180, %swap3A_181] : memref<256x81xf32, #tpu.memory_space<vmem>>, vector<256x81xf32>
      tpu.vector_store %arg13[%swap3A_180, %swap3A_181], %select_n3A_179 {strides = array<i32>} : memref<256x81xf32, #tpu.memory_space<vmem>>, vector<256x81xf32>,
    }
    %scan3A_31 = arith.constant 81 : i32
    %get3A_32 = arith.constant 0 : index
    %get3A_33 = arith.constant 0 : index
    %get3A_34 = vector.load %arg11[%get3A_32, %get3A_33] : memref<256x81xf32, #tpu.memory_space<vmem>>, vector<256x81xf32>
    %get3A_35 = arith.constant 0 : index
    %get3A_36 = arith.constant 0 : index
    %get3A_37 = vector.load %arg12[%get3A_35, %get3A_36] : memref<256x81xf32, #tpu.memory_space<vmem>>, vector<256x81xf32>
    %get3A_38 = arith.constant 0 : index
    %get3A_39 = arith.constant 0 : index
    %get3A_40 = vector.load %arg13[%get3A_38, %get3A_39] : memref<256x81xf32, #tpu.memory_space<vmem>>, vector<256x81xf32>
    %get3A_41 = arith.constant 0 : index
    %get3A_42 = arith.constant 0 : index
    %get3A_43 = vector.load %arg5[%get3A_41, %get3A_42] : memref<256x3xf32, #tpu.memory_space<vmem>>, vector<256x1xf32>
    %sub3A = vector.broadcast %get3A_43 : vector<256x1xf32> to vector<256x81xf32>
    %sub3A_44 = arith.subf %get3A_34, %sub3A : vector<256x81xf32>
    %get3A_45 = arith.constant 0 : index
    %get3A_46 = arith.constant 1 : index
    %get3A_47 = vector.load %arg5[%get3A_45, %get3A_46] : memref<256x3xf32, #tpu.memory_space<vmem>>, vector<256x1xf32>
    %sub3A_48 = vector.broadcast %get3A_47 : vector<256x1xf32> to vector<256x81xf32>
    %sub3A_49 = arith.subf %get3A_37, %sub3A_48 : vector<256x81xf32>
    %get3A_50 = arith.constant 0 : index
    %get3A_51 = arith.constant 2 : index
    %get3A_52 = vector.load %arg5[%get3A_50, %get3A_51] : memref<256x3xf32, #tpu.memory_space<vmem>>, vector<256x1xf32>
    %sub3A_53 = vector.broadcast %get3A_52 : vector<256x1xf32> to vector<256x81xf32>
    %sub3A_54 = arith.subf %get3A_40, %sub3A_53 : vector<256x81xf32>
    %mul3A = arith.mulf %sub3A_44, %sub3A_44 : vector<256x81xf32>
    %mul3A_55 = arith.mulf %sub3A_49, %sub3A_49 : vector<256x81xf32>
    %add3A = arith.addf %mul3A, %mul3A_55 : vector<256x81xf32>
    %mul3A_56 = arith.mulf %sub3A_54, %sub3A_54 : vector<256x81xf32>
    %add3A_57 = arith.addf %add3A, %mul3A_56 : vector<256x81xf32>
    %add3A_58 = arith.constant 1.000000e+00 : f32
    %add3A_59 = vector.broadcast %add3A_58 : f32 to vector<256x81xf32>
    %add3A_60 = arith.addf %add3A_57, %add3A_59 : vector<256x81xf32>
    %get3A_61 = arith.constant 0 : index
    %get3A_62 = arith.constant 0 : index
    %get3A_63 = vector.load %arg6[%get3A_61, %get3A_62] : memref<4x81xf32, #tpu.memory_space<vmem>>, vector<1x81xf32>
    %mul3A_64 = vector.broadcast %get3A_63 : vector<1x81xf32> to vector<256x81xf32>
    %mul3A_65 = arith.mulf %get3A_34, %mul3A_64 : vector<256x81xf32>
    %get3A_66 = arith.constant 0 : index
    %get3A_67 = arith.constant 0 : index
    %get3A_68 = arith.constant 0 : index
    %get3A_69 = vector.load %arg7[%get3A_66, %get3A_67, %get3A_68] : memref<4x81x64xf32, #tpu.memory_space<vmem>>, vector<1x81x64xf32>
    %get3A_70 = vector.shape_cast %get3A_69 : vector<1x81x64xf32> to vector<81x64xf32>
    %dot_general3A = arith.constant dense<0.000000e+00> : vector<256x64xf32>
    %dot_general3A_71 = tpu.matmul %mul3A_65, %get3A_70, %dot_general3A {dimension_numbers = #tpu.dot_dimension_numbers<[1], [0], [0], [1], [0, 0, 1, 1], [], []>, transpose_lhs_hint = false} : vector<256x81xf32>, vector<81x64xf32>, vector<256x64xf32> -> vector<256x64xf32>
    %get3A_72 = arith.constant 1 : index
    %get3A_73 = arith.constant 0 : index
    %get3A_74 = vector.load %arg6[%get3A_72, %get3A_73] : memref<4x81xf32, #tpu.memory_space<vmem>>, vector<1x81xf32>
    %mul3A_75 = vector.broadcast %get3A_74 : vector<1x81xf32> to vector<256x81xf32>
    %mul3A_76 = arith.mulf %get3A_37, %mul3A_75 : vector<256x81xf32>
    %get3A_77 = arith.constant 1 : index
    %get3A_78 = arith.constant 0 : index
    %get3A_79 = arith.constant 0 : index
    %get3A_80 = vector.load %arg7[%get3A_77, %get3A_78, %get3A_79] : memref<4x81x64xf32, #tpu.memory_space<vmem>>, vector<1x81x64xf32>
    %get3A_81 = vector.shape_cast %get3A_80 : vector<1x81x64xf32> to vector<81x64xf32>
    %dot_general3A_82 = arith.constant dense<0.000000e+00> : vector<256x64xf32>
    %dot_general3A_83 = tpu.matmul %mul3A_76, %get3A_81, %dot_general3A_82 {dimension_numbers = #tpu.dot_dimension_numbers<[1], [0], [0], [1], [0, 0, 1, 1], [], []>, transpose_lhs_hint = false} : vector<256x81xf32>, vector<81x64xf32>, vector<256x64xf32> -> vector<256x64xf32>
    %add3A_84 = arith.addf %dot_general3A_71, %dot_general3A_83 : vector<256x64xf32>
    %get3A_85 = arith.constant 2 : index
    %get3A_86 = arith.constant 0 : index
    %get3A_87 = vector.load %arg6[%get3A_85, %get3A_86] : memref<4x81xf32, #tpu.memory_space<vmem>>, vector<1x81xf32>
    %mul3A_88 = vector.broadcast %get3A_87 : vector<1x81xf32> to vector<256x81xf32>
    %mul3A_89 = arith.mulf %get3A_40, %mul3A_88 : vector<256x81xf32>
    %get3A_90 = arith.constant 2 : index
    %get3A_91 = arith.constant 0 : index
    %get3A_92 = arith.constant 0 : index
    %get3A_93 = vector.load %arg7[%get3A_90, %get3A_91, %get3A_92] : memref<4x81x64xf32, #tpu.memory_space<vmem>>, vector<1x81x64xf32>
    %get3A_94 = vector.shape_cast %get3A_93 : vector<1x81x64xf32> to vector<81x64xf32>
    %dot_general3A_95 = arith.constant dense<0.000000e+00> : vector<256x64xf32>
    %dot_general3A_96 = tpu.matmul %mul3A_89, %get3A_94, %dot_general3A_95 {dimension_numbers = #tpu.dot_dimension_numbers<[1], [0], [0], [1], [0, 0, 1, 1], [], []>, transpose_lhs_hint = false} : vector<256x81xf32>, vector<81x64xf32>, vector<256x64xf32> -> vector<256x64xf32>
    %add3A_97 = arith.addf %add3A_84, %dot_general3A_96 : vector<256x64xf32>
    %get3A_98 = arith.constant 3 : index
    %get3A_99 = arith.constant 0 : index
    %get3A_100 = vector.load %arg6[%get3A_98, %get3A_99] : memref<4x81xf32, #tpu.memory_space<vmem>>, vector<1x81xf32>
    %mul3A_101 = vector.broadcast %get3A_100 : vector<1x81xf32> to vector<256x81xf32>
    %mul3A_102 = arith.mulf %add3A_60, %mul3A_101 : vector<256x81xf32>
    %get3A_103 = arith.constant 3 : index
    %get3A_104 = arith.constant 0 : index
    %get3A_105 = arith.constant 0 : index
    %get3A_106 = vector.load %arg7[%get3A_103, %get3A_104, %get3A_105] : memref<4x81x64xf32, #tpu.memory_space<vmem>>, vector<1x81x64xf32>
    %get3A_107 = vector.shape_cast %get3A_106 : vector<1x81x64xf32> to vector<81x64xf32>
    %dot_general3A_108 = arith.constant dense<0.000000e+00> : vector<256x64xf32>
    %dot_general3A_109 = tpu.matmul %mul3A_102, %get3A_107, %dot_general3A_108 {dimension_numbers = #tpu.dot_dimension_numbers<[1], [0], [0], [1], [0, 0, 1, 1], [], []>, transpose_lhs_hint = false} : vector<256x81xf32>, vector<81x64xf32>, vector<256x64xf32> -> vector<256x64xf32>
    %add3A_110 = arith.addf %add3A_97, %dot_general3A_109 : vector<256x64xf32>
    %get3A_111 = arith.constant 0 : index
    %get3A_112 = arith.constant 0 : index
    %get3A_113 = vector.load %arg8[%get3A_111, %get3A_112] : memref<1x64xf32, #tpu.memory_space<vmem>>, vector<1x64xf32>
    %add3A_114 = vector.broadcast %get3A_113 : vector<1x64xf32> to vector<256x64xf32>
    %add3A_115 = arith.addf %add3A_110, %add3A_114 : vector<256x64xf32>
    %swap3A_116 = arith.constant 0 : index
    %swap3A_117 = arith.constant 0 : index
    %swap3A_118 = vector.load %arg9[%swap3A_116, %swap3A_117] : memref<256x64xf32, #tpu.memory_space<vmem>>, vector<256x64xf32>
    tpu.vector_store %arg9[%swap3A_116, %swap3A_117], %add3A_115 {strides = array<i32>} : memref<256x64xf32, #tpu.memory_space<vmem>>, vector<256x64xf32>,
    return
  }
  func.func @transform_0(%arg0: i32) -> (i32, i32) {
    %c0_i32 = arith.constant 0 : i32
    %c0_i32_0 = arith.constant 0 : i32
    return %arg0, %c0_i32 : i32, i32
  }
  func.func @transform_1(%arg0: i32) -> (i32, i32) {
    %c0_i32 = arith.constant 0 : i32
    %c0_i32_0 = arith.constant 0 : i32
    return %arg0, %c0_i32 : i32, i32
  }
  func.func @transform_2(%arg0: i32) -> (i32, i32) {
    %c0_i32 = arith.constant 0 : i32
    %c0_i32_0 = arith.constant 0 : i32
    return %arg0, %c0_i32 : i32, i32
  }
  func.func @transform_3(%arg0: i32) -> (i32, i32) {
    %c0_i32 = arith.constant 0 : i32
    %c0_i32_0 = arith.constant 0 : i32
    return %arg0, %c0_i32 : i32, i32
  }
  func.func @transform_4(%arg0: i32) -> (i32, i32) {
    %c0_i32 = arith.constant 0 : i32
    %c0_i32_0 = arith.constant 0 : i32
    return %arg0, %c0_i32 : i32, i32
  }
  func.func @transform_5(%arg0: i32) -> (i32, i32) {
    %c0_i32 = arith.constant 0 : i32
    %c0_i32_0 = arith.constant 0 : i32
    %c0_i32_1 = arith.constant 0 : i32
    return %c0_i32, %c0_i32_0 : i32, i32
  }
  func.func @transform_6(%arg0: i32) -> (i32, i32, i32) {
    %c0_i32 = arith.constant 0 : i32
    %c0_i32_0 = arith.constant 0 : i32
    %c0_i32_1 = arith.constant 0 : i32
    %c0_i32_2 = arith.constant 0 : i32
    return %c0_i32, %c0_i32_0, %c0_i32_1 : i32, i32, i32
  }
  func.func @transform_7(%arg0: i32) -> (i32, i32) {
    %c0_i32 = arith.constant 0 : i32
    %c0_i32_0 = arith.constant 0 : i32
    %c0_i32_1 = arith.constant 0 : i32
    return %c0_i32, %c0_i32_0 : i32, i32
  }
  func.func @transform_8(%arg0: i32) -> (i32, i32) {
    %c0_i32 = arith.constant 0 : i32
    %c0_i32_0 = arith.constant 0 : i32
    return %arg0, %c0_i32 : i32, i32
  }
}

</mosaic_0001>

<sc_bundles>
// kernel: kernel.11.cloned.1.call-start
scs
__scs_entry_jumppad:
0x0: {  	(pc) =	sbr.rel $0x88, $3  }
0x1: {  	(tag) =	ssettag $0x0;
	lr =	simm.s32 $0x1  }
0x2: {  	[smem:$0x3F9D] =	sst lr;
	_ =	strace $0xD0000000  }
0x3: {  	_ = 	snop  }
0x4: {  	_ = 	snop  }
0x5: {  	_ = 	snop  }
0x6: {  	_ = 	snop  }
0x7: {  	_ = 	snop  }
__scs_overlays_trampoline_lowered:
0x8: {  	[smem:$0x3FAC] =	sst s0  }
0x9: {  	[smem:$0x3FAD] =	sst s1  }
0xa: {  	[smem:$0x3FAE] =	sst s2  }
0xb: {  	[smem:$0x3FAF] =	sst s3  }
0xc: {  	[smem:$0x3FB0] =	sst s4  }
0xd: {  	[smem:$0x3FB1] =	sst s5  }
0xe: {  	[smem:$0x3FB2] =	sst s6  }
0xf: {  	[smem:$0x3FB3] =	sst s7  }
0x10: {  	[smem:$0x3FB4] =	sst s8  }
0x11: {  	[smem:$0x3FB5] =	sst s9;
	s0 =	simm.s32 @!p0 $0x0  }
0x12: {  	s1 =	sld [smem:$0x3F9B];
	s0 =	simm.s32 @p0 $0x1  }
0x13: {  	[smem:$0x3FB6] =	sst s0;
	s0 =	simm.s32 @!p1 $0x0  }
0x14: {  	s2 =	sld [smem:$0x3F9A];
	s0 =	simm.s32 @p1 $0x1  }
0x15: {  	[smem:$0x3FB7] =	sst s0;
	s0 =	simm.s32 @!p2 $0x0  }
0x16: {  	s3 =	sld [smem:$0x3FDB];
	s0 =	simm.s32 @p2 $0x1  }
0x17: {  	s4 =	simm.s32 $0x1BF5;
	[smem:$0x3FB9] =	sst s0  }
0x18: {  	s0 =	sld [smem:$0x3F9C];
	_ =	swait.ge [sflag:s4], $0x0  }
0x19: {  	s7 =	sld [smem:$0x3F9D]  }
0x1a: {  	s8 =	sadd.s32 $0xFFFFE003, lr  }
0x1b: {  	s9 =	sadd.s32 $0xFFFFFEF7, lr;
	s5 =	simm.s32 $0xFFFFFFFF;
	p2 =	slt.u32 s8, $0xFFFFF086  }
0x1c: {  	p1 =	slt.u32 s9, $0xF7A;
	s5 =	simm.s32 @!p2 $0x0  }
0x1d: {  	s5 =	simm.s32 @p1 $0x1;
	p0 =	seq.s32 s7, s2  }
0x1e: {  	s7 =	smul.u32 @!p0 $0xF7A, s2;
	p2 =	seq.s32 @!p0 s5, $0x0  }
0x1f: {  	s9 =	smul.u32 $0xF7A, s1;
	s8 =	simm.s32 @!p0 $0x1BF5;
	p2 =	por !p2, p0  }
0x20: {  	[sflag:s8] =	ssyncset.s32 @!p0 $0xFFFFF086;
	s6 =	sadd.s32 @!p0 s3, s7;
	s7 =	simm.s32 @!p0 $0x108  }
0x21: {  	s3 =	sadd.s32 s3, s9;
	s6 =	sadd.s32 @!p0 $0x88, s6;
	s7 =	simm.s32 @p2 $0x1082  }
0x22: {  	[simem:s7], [sflag:s8] =	dma.local @!p0 [hbm:s6], $0xF7A  }
0x23: {  	s9 =	sor.u32 $0xD0000000, s2;
	s6 =	simm.s32 $0x108;
	_ =	swait.ge @!p0 [sflag:s8], $0x0  }
0x24: {  	s3 =	sadd.s32 $0x88, s3;
	s6 =	simm.s32 @!p1 $0x1082;
	[sflag:s4] =	ssyncset.s32 $0xFFFFF086  }
0x25: {  	[simem:s6], [sflag:s4] =	dma.local [hbm:s3], $0xF7A  }
0x26: {  	[smem:$0x3F9D] =	sst s1;
	(tag) =	ssettag s2;
	_ =	strace s9  }
0x27: {  	s1 =	sld [smem:$0x3FAD]  }
0x28: {  	s2 =	sld [smem:$0x3FAE]  }
0x29: {  	s4 =	sld [smem:$0x3FB0]  }
0x2a: {  	p0 =	seq.s32 s5, $0x0;
	s5 =	sld [smem:$0x3FB1]  }
0x2b: {  	s6 =	sld [smem:$0x3FB2]  }
0x2c: {  	s7 =	sld [smem:$0x3FB3]  }
0x2d: {  	s3 =	simm.s32 $0x108;
	s8 =	sld [smem:$0x3FB4]  }
0x2e: {  	s3 =	simm.s32 @!p0 $0x1082;
	s9 =	sld [smem:$0x3FB5]  }
0x2f: {  	lr =	sadd.s32 s0, s3;
	s0 =	sld [smem:$0x3FAC]  }
0x30: {  	s3 =	sld [smem:$0x3FAF]  }
0x31: {  	[smem:$0x3FB8] =	sst s10  }
0x32: {  	s10 =	sld [smem:$0x3FB6];
	_ =	sdelay $0x3  }
0x33: {  	p0 =	seq.s32 s10, $0x1;
	s10 =	sld [smem:$0x3FB8];
	_ =	sdelay $0x3  }
0x34: {  	[smem:$0x3FB8] =	sst s10  }
0x35: {  	s10 =	sld [smem:$0x3FB7];
	_ =	sdelay $0x3  }
0x36: {  	p1 =	seq.s32 s10, $0x1;
	s10 =	sld [smem:$0x3FB8];
	_ =	sdelay $0x3  }
0x37: {  	[smem:$0x3FB8] =	sst s10  }
0x38: {  	s10 =	sld [smem:$0x3FB9]  }
0x39: {  	_ = 	snop;
	(pc) =	sbr.ind lr, $3  }
0x3a: {  	_ = 	snop  }
0x3b: {  	_ = 	snop  }
0x3c: {  	p2 =	seq.s32 s10, $0x1;
	s10 =	sld [smem:$0x3FB8]  }
0x3d: {  	_ =	shalt  }
0x3e: {  	_ =	shalt  }
0x3f: {  	_ =	shalt  }
0x40: {  	_ =	shalt  }
0x41: {  	_ =	shalt  }
0x42: {  	_ =	shalt  }
0x43: {  	_ =	shalt  }
0x44: {  	_ =	shalt  }
0x45: {  	_ =	shalt  }
0x46: {  	_ =	shalt  }
0x47: {  	_ =	shalt  }
0x48: {  	_ =	shalt  }
0x49: {  	_ =	shalt  }
0x4a: {  	_ =	shalt  }
0x4b: {  	_ =	shalt  }
0x4c: {  	_ =	shalt  }
0x4d: {  	_ =	shalt  }
0x4e: {  	_ =	shalt  }
0x4f: {  	_ =	shalt  }
0x50: {  	_ =	shalt  }
0x51: {  	_ =	shalt  }
0x52: {  	_ =	shalt  }
0x53: {  	_ =	shalt  }
0x54: {  	_ =	shalt  }
0x55: {  	_ =	shalt  }
0x56: {  	_ =	shalt  }
0x57: {  	_ =	shalt  }
0x58: {  	_ =	shalt  }
0x59: {  	_ =	shalt  }
0x5a: {  	_ =	shalt  }
0x5b: {  	_ =	shalt  }
0x5c: {  	_ =	shalt  }
0x5d: {  	_ =	shalt  }
0x5e: {  	_ =	shalt  }
0x5f: {  	_ =	shalt  }
0x60: {  	_ =	shalt  }
0x61: {  	_ =	shalt  }
0x62: {  	_ =	shalt  }
0x63: {  	_ =	shalt  }
0x64: {  	_ =	shalt  }
0x65: {  	_ =	shalt  }
0x66: {  	_ =	shalt  }
0x67: {  	_ =	shalt  }
0x68: {  	_ =	shalt  }
0x69: {  	_ =	shalt  }
0x6a: {  	_ =	shalt  }
0x6b: {  	_ =	shalt  }
0x6c: {  	_ =	shalt  }
0x6d: {  	_ =	shalt  }
0x6e: {  	_ =	shalt  }
0x6f: {  	_ =	shalt  }
0x70: {  	_ =	shalt  }
0x71: {  	_ =	shalt  }
0x72: {  	_ =	shalt  }
0x73: {  	_ =	shalt  }
0x74: {  	_ =	shalt  }
0x75: {  	_ =	shalt  }
0x76: {  	_ =	shalt  }
0x77: {  	_ =	shalt  }
0x78: {  	_ =	shalt  }
0x79: {  	_ =	shalt  }
0x7a: {  	_ =	shalt  }
0x7b: {  	_ =	shalt  }
0x7c: {  	_ =	shalt  }
0x7d: {  	_ =	shalt  }
0x7e: {  	_ =	shalt  }
0x7f: {  	_ =	shalt  }
0x80: {  	_ =	shalt  }
0x81: {  	_ =	shalt  }
0x82: {  	_ =	shalt  }
0x83: {  	_ =	shalt  }
0x84: {  	_ =	shalt  }
0x85: {  	_ =	shalt  }
0x86: {  	_ =	shalt  }
0x87: {  	_ =	shalt  }
.Lfunc_end0:
.L_simem_size_0:
called_computation.1_lowered:
.L_overlay_start_0:
0x88: {  	s2 =	sld [smem:$0x3FD9]  }
0x89: {  	s3 =	sld [smem:$0x3FFE];
	_ =	sdelay $0x1  }
0x8a: {  	s1 =	srdreg.scid  }
0x8b: {  	s0 =	sand.u32 $0x1, s1  }
0x8c: {  	s17 =	sshll.u32 s0, $0xA;
	s2 =	sadd.s32 s3, s2  }
0x8d: {  	s2 =	sadd.s32 s2, s17  }
0x8e: {  	[smem:$0x3FC4] =	sst s2  }
0x8f: {  	_ = 	snop  }
0x90: {  	s18 =	sld [smem:$0x3FD0];
	(tm) =	ssettm $0x1  }
0x91: {  	s19 =	sld [smem:$0x3FFB];
	_ =	sdelay $0x3  }
0x92: {  	_ =	strace s19  }
0x93: {  	s2 =	sld [smem:$0x3FFC];
	_ =	sdelay $0x3  }
0x94: {  	_ =	strace s2  }
0x95: {  	s2 =	sld [smem:$0x3FFD];
	_ =	sdelay $0x3  }
0x96: {  	_ =	strace s2  }
0x97: {  	_ =	strace $0x8FFFFFFF  }
0x98: {  	s20 =	sld [smem:$0x3FDB];
	_ =	sdelay $0x1  }
0x99: {  	s4 =	simm.s32 $_scs_section_size  }
0x9a: {  	s5 =	simm.s32 $_size__tile_overlayer_lowered;
	s6 =	simm.s32 $_tile_overlayer_lowered  }
0x9b: {  	s7 =	simm.s32 $0x1BFF;
	s21 =	sshll.u32 s6, $0x1;
	s4 =	sadd.s32 s4, s20  }
0x9c: {  	s22 =	simm.s32 $0x0;
	s5 =	sshll.u32 s5, $0x1;
	s6 =	sadd.s32 s21, s4  }
0x9d: {  	[timem:s22], [sflag:s7] =	dma.local [hbm:s6], s5  }
0x9e: {  	_ =	swait.ge [sflag:s7], s5  }
0x9f: {  	s5 =	ssub.s32 $0x0, s5;
	[sflag:s7] =	ssyncset.done $0x0  }
0xa0: {  	[sflag:s7] =	ssyncadd.s32 s5;
	_ =	sdelay $0x1  }
0xa1: {  	s23 =	simm.s32 $0x1B8B  }
0xa2: {  	_ =	swait.ge [sflag:s23], $0x1  }
0xa3: {  	[sflag:s23] =	ssyncset.done $0x0  }
0xa4: {  	[sflag:s23] =	ssyncadd.s32 $0xFFFFFFFF  }
0xa5: {  	s5 =	sld [smem:$0x0]  }
0xa6: {  	s6 =	sand.u32 $0xFFFFFFFE, s1  }
0xa7: {  	p0 =	sne.s32 s1, s6  }
0xa8: {  	s6 =	sshll.u32 @p0 s6, $0xE  }
0xa9: {  	s6 =	sadd.s32 @p0 $0x11B8D, s6;
	s7 =	sshll.u32 @p0 s5, $0x11  }
0xaa: {  	s6 =	sor.u32 @p0 s7, s6  }
0xab: {  	[sflag:s6] =	ssyncadd.remote.s32 @p0 $0x1;
	_ =	sdelay $0x1  }
0xac: {  	s6 =	simm.s32 @p0 $0x1B8D  }
0xad: {  	_ =	swait.eq @p0 [sflag:s6], $0x1  }
0xae: {  	[sflag:s6] =	ssyncadd.s32 @p0 $0xFFFFFFFF  }
0xaf: {  	s7 =	sshll.u32 @!p0 s1, $0xE  }
0xb0: {  	s7 =	sor.u32 @!p0 $0x4000, s7;
	s6 =	simm.s32 @!p0 $0x1B8D  }
0xb1: {  	s5 =	sshll.u32 @!p0 s5, $0x11;
	s7 =	sadd.s32 @!p0 $0x11B8D, s7;
	_ =	swait.eq @!p0 [sflag:s6], $0x1  }
0xb2: {  	s5 =	sor.u32 @!p0 s5, s7;
	[sflag:s6] =	ssyncadd.s32 @!p0 $0xFFFFFFFF  }
0xb3: {  	s25 =	simm.s32 $0x1B8E;
	s24 =	sld [smem:$0x3FFE];
	[sflag:s5] =	ssyncadd.remote.s32 @!p0 $0x1  }
0xb4: {  	s26 =	simm.s32 $execute0_lowered;
	[smem:$0x3FD2] =	sst s25  }
0xb5: {  	s6 =	sshll.u32 s26, $0x1;
	_ =	strace $0x80000049;
	[dreg:$0x1] =	wrdreg $0xFFFFFFFF  }
0xb6: {  	s28 =	simm.s32 $_size_execute0_lowered;
	s4 =	sadd.s32 s4, s6;
	[dreg:$0x0] =	wrdreg $0x0  }
0xb7: {  	s6 =	sshll.u32 s28, $0x1;
	[dreg:$0x2] =	wrdreg s4  }
0xb8: {  	[dreg:$0x3] =	wrdreg s6  }
0xb9: {  	[dreg:$0x4] =	wrdreg $0xC0  }
0xba: {  	_ =	task [dreg:s22], $0x5FFFF  }
0xbb: {  	[dreg:$0x1] =	wrdreg $0xFFFFFFFF  }
0xbc: {  	[dreg:$0x0] =	wrdreg $0x60  }
0xbd: {  	[dreg:$0x2] =	wrdreg s24  }
0xbe: {  	[dreg:$0x3] =	wrdreg s18  }
0xbf: {  	[dreg:$0x4] =	wrdreg $0xA  }
0xc0: {  	_ =	task.clear_ibuf [dreg:s22], $0x5FFFF;
	_ =	strace $0x90000049  }
0xc1: {  	s29 =	simm.s32 $0xA;
	_ =	strace $0x8000004B  }
0xc2: {  	_ =	swait.ge [sflag:s29], $0x1  }
0xc3: {  	[sflag:s29] =	ssyncadd.s32 $0xFFFFFFFF  }
0xc4: {  	_ =	strace $0x9000004B  }
0xc5: {  	_ =	sfence  }
0xc6: {  	s30 =	sld [smem:$0x0];
	_ =	sdelay $0x2  }
0xc7: {  	s31 =	sshll.u32 s1, $0xD;
	s1 =	sshrl.u32 s1, $0x2  }
0xc8: {  	s4 =	sand.u32 $0x4000, s31;
	s1 =	sadd.s32 s1, s30  }
0xc9: {  	s0 =	sor.u32 s4, s0;
	s1 =	sshll.u32 s1, $0x11  }
0xca: {  	s0 =	sor.u32 s1, s0  }
0xcb: {  	s0 =	sadd.s32 $0x8F2B, s0  }
0xcc: {  	[sflag:s0] =	ssyncadd.remote.s32 $0x1  }
0xcd: {  	_ =	sfence.sel $0xFFFF  }
0xce: {  	[dreg:$0x0] =	wrdreg $0xFFFFFFFF;
	(pc) =	sbr.abs _section_cstart, $3  }
0xcf: {  	[dreg:$0x1] =	wrdreg $0xFFFFFFFF  }
0xd0: {  	_ =	task.clear_ibuf [dreg:s22], $0x2FFFF;
	_ =	strace $0x9FFFFFFF  }
0xd1: {  	(tm) =	ssettm $0x7FFFFFFF  }
tec
execute0_lowered:
.L_overlay_start_1:
0x0: {  	(tag) =	ssettag $0x1  }
0x1: {  	s0 =	rddreg [dreg:$0x0]  }
0x2: {  	s1 =	rddreg [dreg:$0x1];
	s3 =	srdreg.scid  }
0x3: {  	s5 =	stileid.u32;
	s2 =	simm.s32 $0x0;
	s28 =	simm.s32 $0x6000  }
0x4: {  	s29 =	simm.s32 $0x1;
	s30 =	simm.s32 $0x8000;
	s31 =	simm.s32 $0xA800  }
0x5: {  	s4 =	sand.u32 $0x1, s3;
	s17 =	sshll.u32 s5, $0x1;
	[smem:$0x7FF] =	sst s2  }
0x6: {  	s3 =	sadd.s32 $0x445A00, s0;
	s7 =	sadd.s32 $0x3600, s0;
	s18 =	sadd.s32 $0x3200, s0  }
0x7: {  	s19 =	sadd.s32 $0x2E00, s0;
	_ =	strace $0x8000004A;
	[dreg:$0x3] =	wrdreg s7  }
0x8: {  	s8 =	sadd.s32 $0x847A00, s0;
	s9 =	sadd.s32 $0x857A00, s0;
	[dreg:$0x4] =	wrdreg s18  }
0x9: {  	s5 =	sor.u32 s4, s17;
	[dreg:$0x5] =	wrdreg s19;
	s4 =	ssub.s32 $0x2, s4  }
0xa: {  	s6 =	sshll.u32 s5, $0x8;
	s20 =	sshrl.u32 s4, $0x1;
	s7 =	sshll.u32 s5, $0x7  }
0xb: {  	s21 =	sshll.u32 s5, $0x11;
	s5 =	sshll.u32 s5, $0xB;
	s6 =	sadd.s32 s6, s0  }
0xc: {  	s0 =	sadd.s32 $0x867A00, s0;
	s4 =	ssub.s32 s4, s20;
	s22 =	sadd.s32 s1, s5  }
0xd: {  	s11 =	sor.u32 $0x40, s7;
	s23 =	sadd.s32 s8, s5;
	[dreg:$0x8] =	wrdreg s22  }
0xe: {  	s24 =	sadd.s32 s9, s5;
	s6 =	sadd.s32 $0x845A00, s6;
	[dreg:$0x9] =	wrdreg s23  }
0xf: {  	[dreg:$0xa] =	wrdreg s24;
	s25 =	sshll.u32 s11, $0xA;
	s14 =	sadd.s32 s0, s5  }
0x10: {  	s26 =	sshll.u32 s11, $0x4;
	s20 =	smax.u32 s4, $0x1;
	s22 =	simm.s32 $0x2000  }
0x11: {  	s23 =	simm.s32 $0x4000;
	s5 =	simm.s32 $0xA900;
	[dreg:$0x6] =	wrdreg s6  }
0x12: {  	v0 =	vlaneseq.u32;
	s6 =	sadd.s32 s3, s21;
	s15 =	sadd.s32 s3, s25;
	s16 =	sadd.s32 s1, s26  }
0x13: {  	v1 =	vimm.s32 $0x0;
	v2 =	vor.u32 $0x10, v0;
	s17 =	sadd.s32 s8, s26;
	s18 =	sadd.s32 s9, s26;
	s19 =	sadd.s32 s0, s26  }
0x14: {  	v3 =	vor.u32 $0x20, v0;
	v4 =	vor.u32 $0x30, v0;
	v5 =	vor.u32 $0x40, v0;
	s21 =	simm.s32 $0x3;
	s25 =	simm.s32 $0x80;
	s26 =	simm.s32 $0x400  }
0x15: {  	v6 =	vor.u32 $0x50, v0;
	v7 =	vor.u32 $0x60, v0;
	v8 =	vor.u32 $0x70, v0;
	s0 =	simm.s32 $0x2;
	[dreg:$0x7] =	wrdreg s6;
	s6 =	simm.s32 $0x0  }
.LBB2_1:
0x16: {  	s1 =	rddreg [dreg:$0x3]  }
0x17: {  	[tilespmem:s2], [sflag:$0x3] =	stream.linear.gather [hbm4b:s1+s2], $0x2000, $0x38;
	[tilespmem:$0x12900] =	vst v63  }
0x18: {  	_ =	swait.ge [sflag:s21], $0x2000  }
0x19: {  	[sflag:s21] =	ssyncset.done $0x0  }
0x1a: {  	s10 =	rddreg [dreg:$0x4];
	[sflag:s21] =	ssyncadd.s32 $0xFFFFE000  }
0x1b: {  	[tilespmem:s22], [sflag:$0x3] =	stream.linear.gather [hbm4b:s10+s2], $0x2000, $0x38;
	[tilespmem:$0x12900] =	vst v63  }
0x1c: {  	_ =	swait.ge [sflag:s21], $0x2000  }
0x1d: {  	[sflag:s21] =	ssyncset.done $0x0  }
0x1e: {  	s12 =	rddreg [dreg:$0x5];
	[sflag:s21] =	ssyncadd.s32 $0xFFFFE000  }
0x1f: {  	[tilespmem:s23], [sflag:$0x3] =	stream.linear.gather [hbm4b:s12+s2], $0x2000, $0x38;
	[tilespmem:$0x12900] =	vst v63  }
0x20: {  	_ =	swait.ge [sflag:s21], $0x2000  }
0x21: {  	[sflag:s21] =	ssyncset.done $0x0  }
0x22: {  	s4 =	simm.s32 $0xA000;
	s13 =	rddreg [dreg:$0x6];
	[sflag:s21] =	ssyncadd.s32 $0xFFFFE000  }
0x23: {  	[tilespmem:s4], [sflag:$0x3] =	stream.linear.gather [hbm4b:s13+s2], $0x800, $0x38;
	[tilespmem:$0x12900] =	vst v63  }
0x24: {  	_ =	swait.ge [sflag:s21], $0x800  }
0x25: {  	[sflag:s21] =	ssyncset.done $0x0  }
0x26: {  	s8 =	simm.s32 $0x0;
	s24 =	rddreg [dreg:$0x7];
	[sflag:s21] =	ssyncadd.s32 $0xFFFFF800  }
0x27: {  	[tilespmem:s28], [sflag:$0x1] =	stream.strided.gather [hbm4b:s24+s25], $0x2000, s26, s25, $0x38;
	[tilespmem:$0x12900] =	vst v63  }
.LBB2_2:
0x28: {  	s1 =	sshll.u32 s8, $0x1  }
0x29: {  	s10 =	sshll.u32 s8, $0x5;
	s9 =	sadd.s32 s7, s1  }
0x2a: {  	s12 =	sand.u32 $0x60, s10;
	s9 =	sshll.u32 s9, $0xA  }
0x2b: {  	_ =	swait.ge [sflag:s29], $0x2000;
	s12 =	sadd.s32 s12, s3;
	s9 =	sand.u32 $0xFFEE000, s9  }
0x2c: {  	[sflag:s29] =	ssyncset.done $0x0;
	s9 =	sadd.s32 s9, s12  }
0x2d: {  	[sflag:s29] =	ssyncadd.s32 $0xFFFFE000;
	s12 =	sand.u32 $0x3FFFFFE0, s10;
	s9 =	sadd.s32 $0x10, s9  }
0x2e: {  	[tilespmem:s30], [sflag:$0x2] =	stream.strided.gather [hbm4b:s9+s25], $0x2000, s26, s25, $0x38;
	[tilespmem:$0x12900] =	vst v63  }
0x2f: {  	s13 =	simm.s32 $0x6040;
	v9 =	vld [tilespmem:s12+$0xA000]  }
0x30: {  	v10 =	vld [tilespmem:s13+$0xFFFFFFC0]  }
0x31: {  	v11 =	vld [tilespmem:s13+$0xFFFFFFD0]  }
0x32: {  	v12 =	vld [tilespmem:s13+$0xFFFFFFE0]  }
0x33: {  	v13 =	vld [tilespmem:s13+$0xFFFFFFF0]  }
0x34: {  	v14 =	vld [tilespmem:s13+$0x0];
	_ =	sdelay $0x2  }
0x35: {  	v15 =	vimm.s32 $0x0  }
0x36: {  	vm2 =	vge.f32 v10, v9;
	v10 =	vld [tilespmem:s13+$0x10];
	vm1 =	vge.f32 v11, v9;
	vm0 =	vge.f32 v12, v9  }
0x37: {  	v12 =	vld [tilespmem:s13+$0x30];
	vm5 =	vge.f32 v13, v9;
	vm6 =	vge.f32 v14, v9;
	v16 =	vsel vm2, $0x1, v1  }
0x38: {  	v11 =	vld [tilespmem:s13+$0x20];
	s13 =	simm.s32 $0x40;
	v17 =	vmpcnt.ones.xlane vm2;
	v18 =	vsel vm1, $0x1, v1;
	v19 =	vmpcnt.ones.xlane vm1  }
0x39: {  	v20 =	vmpcnt.ones.xlane vm0;
	v21 =	vsel vm6, $0x1, v1;
	v27 =	vor.u32 s13, v0;
	s13 =	simm.s32 $0x60;
	(xrf0) =	vadd.scan.msk.s32 $0xffff, v16  }
0x3a: {  	v16 =	vmpcnt.ones.xlane vm5;
	v28 =	vor.u32 s13, v0;
	v17 =	vadd.s32 v15, v17;
	(xrf0) =	vadd.scan.msk.s32 $0xffff, v18  }
0x3b: {  	v18 =	vmpcnt.ones.xlane vm6;
	vm6 =	vmmov vm6;
	v13 =	vadd.s32 v17, v19  }
0x3c: {  	v14 =	vadd.s32 v13, v20;
	vm4 =	vge.f32 v12, v9;
	v12 =	vsel vm0, $0x1, v1  }
0x3d: {  	vm3 =	vge.f32 v10, v9;
	vm7 =	vge.f32 v11, v9;
	v20 =	vsel vm5, $0x1, v1  }
0x3e: {  	vm5 =	vmmov vm5;
	v10 =	vadd.s32 v14, v16;
	v16 =	vmpcnt.ones.xlane vm3;
	(xrf0) =	vadd.scan.msk.s32 $0xffff, v12  }
0x3f: {  	v19 =	vmpcnt.ones.xlane vm4;
	v22 =	vsel vm3, $0x1, v1;
	v11 =	vadd.s32 v10, v18;
	v12, _, _ =	vpop (xrf0)  }
0x40: {  	v23 =	vsel vm7, $0x1, v1;
	v18 =	vmpcnt.ones.xlane vm7;
	v16 =	vadd.s32 v11, v16;
	(xrf0) =	vadd.scan.msk.s32 $0xffff, v20;
	v20, _, _ =	vpop (xrf0)  }
0x41: {  	s24 =	simm.s32 $0x0;
	v12 =	vadd.s32 v12, v15;
	(xrf0) =	vadd.scan.msk.s32 $0xffff, v21;
	v15 =	vadd.s32 v20, v17;
	v17 =	vsel vm4, $0x1, v1  }
0x42: {  	vm11 =	vmmov vm3;
	v18 =	vadd.s32 v16, v18;
	(xrf0) =	vadd.scan.msk.s32 $0xffff, v22;
	v20 =	vor.u32 s24, v0;
	s24 =	simm.s32 $0x60C0  }
0x43: {  	s4 =	simm.s32 $0x10;
	vm7 =	vmmov vm7;
	v19 =	vadd.s32 v18, v19;
	v12 =	vadd.s32 $0xFFFFFFFF, v12;
	(xrf0) =	vadd.scan.msk.s32 $0xffff, v23;
	v25 =	vld [tilespmem:s24+$0x0]  }
0x44: {  	v22 =	vor.u32 s4, v0;
	v15 =	vadd.s32 $0xFFFFFFFF, v15;
	vm8 =	vlt.s32 v12, $0x88;
	(xrf0) =	vadd.scan.msk.s32 $0xffff, v17;
	v17, _, _ =	vpop (xrf0)  }
0x45: {  	s4 =	simm.s32 $0x30;
	v23 =	vld [tilespmem:s24+$0xFFFFFFC0];
	vm9 =	vlt.s32 v15, $0x88;
	v12 =	vnsel vm8, $0x88, v12;
	v13 =	vadd.s32 v17, v13  }
0x46: {  	s9 =	simm.s32 $0x70;
	v26 =	vor.u32 s4, v0;
	v15 =	vnsel vm9, $0x88, v15;
	v21, _, _ =	vpop (xrf0);
	v13 =	vadd.s32 $0xFFFFFFFF, v13  }
0x47: {  	v17 =	vor.u32 s9, v0;
	v14 =	vadd.s32 v21, v14;
	v21, _, _ =	vpop (xrf0);
	vm3 =	vlt.s32 v13, $0x88  }
0x48: {  	v62 =	vld [tilespmem:s24+$0x30];
	v14 =	vadd.s32 $0xFFFFFFFF, v14;
	v10 =	vadd.s32 v21, v10;
	v21, _, _ =	vpop (xrf0);
	vm10 =	vge.f32 v25, v9  }
0x49: {  	vm8 =	vlt.s32 v14, $0x88;
	v10 =	vadd.s32 $0xFFFFFFFF, v10;
	v11 =	vadd.s32 v21, v11  }
0x4a: {  	v21, _, _ =	vpop (xrf0);
	v13 =	vnsel vm3, $0x88, v13;
	[tilespmem:v12+s31+$0x0] =	vst.idx.msk vm2, v20;
	vm2 =	vge.f32 v23, v9;
	vm9 =	vlt.s32 v10, $0x88  }
0x4b: {  	v24 =	vld [tilespmem:s24+$0xFFFFFFE0];
	v11 =	vadd.s32 $0xFFFFFFFF, v11;
	v16 =	vadd.s32 v21, v16;
	v21, _, _ =	vpop (xrf0);
	v14 =	vnsel vm8, $0x88, v14  }
0x4c: {  	[tilespmem:v15+s31+$0x0] =	vst.idx.msk vm1, v22;
	v15 =	vsel vm2, $0x1, v1;
	v29 =	vmpcnt.ones.xlane vm2;
	v18 =	vadd.s32 v21, v18;
	v21 =	vld [tilespmem:s24+$0xFFFFFFD0]  }
0x4d: {  	v12 =	vld [tilespmem:s24+$0xFFFFFFF0];
	vm1 =	vge.f32 v62, v9;
	vm3 =	vlt.s32 v11, $0x88;
	v16 =	vadd.s32 $0xFFFFFFFF, v16  }
0x4e: {  	v22 =	vld [tilespmem:s24+$0x10];
	v10 =	vnsel vm9, $0x88, v10;
	v18 =	vadd.s32 $0xFFFFFFFF, v18;
	vm8 =	vlt.s32 v16, $0x88  }
0x4f: {  	s12 =	simm.s32 $0x20;
	v11 =	vnsel vm3, $0x88, v11;
	v29 =	vadd.s32 v19, v29;
	vm9 =	vlt.s32 v18, $0x88  }
0x50: {  	(xrf0) =	vadd.scan.msk.s32 $0xffff, v15;
	v20 =	vnsel vm8, $0x88, v16;
	v16 =	vor.u32 s12, v0;
	s12 =	simm.s32 $0x50;
	v18 =	vnsel vm9, $0x88, v18  }
0x51: {  	v23 =	vor.u32 s12, v0;
	[tilespmem:v13+s31+$0x0] =	vst.idx.msk vm0, v16;
	vm0 =	vge.f32 v24, v9;
	vm3 =	vge.f32 v21, v9  }
0x52: {  	vm12 =	vge.f32 v12, v9;
	v15 =	vmpcnt.ones.xlane vm0;
	[tilespmem:v14+s31+$0x0] =	vst.idx.msk vm5, v26;
	v21 =	vld [tilespmem:s24+$0x20];
	v13 =	vsel vm3, $0x1, v1  }
0x53: {  	vm8 =	vge.f32 v22, v9;
	[tilespmem:v10+s31+$0x0] =	vst.idx.msk vm6, v27;
	v16 =	vmpcnt.ones.xlane vm3;
	(xrf0) =	vadd.scan.msk.s32 $0xffff, v13  }
0x54: {  	v12 =	vmpcnt.ones.xlane vm12;
	v22 =	vsel vm12, $0x1, v1;
	v63 =	vsel vm8, $0x1, v1;
	[tilespmem:v11+s31+$0x0] =	vst.idx.msk vm11, v23  }
0x55: {  	v11 =	vsel vm0, $0x1, v1;
	v23 =	vsel vm10, $0x1, v1;
	[tilespmem:v20+s31+$0x0] =	vst.idx.msk vm7, v28;
	v16 =	vadd.s32 v29, v16  }
0x56: {  	v13 =	vmpcnt.ones.xlane vm10;
	v20, _, _ =	vpop (xrf0);
	[tilespmem:v18+s31+$0x0] =	vst.idx.msk vm4, v17;
	v17 =	vmpcnt.ones.xlane vm8;
	v15 =	vadd.s32 v16, v15  }
0x57: {  	v19 =	vadd.s32 v20, v19;
	v14 =	vadd.s32 v15, v12;
	vm9 =	vge.f32 v21, v9  }
0x58: {  	(xrf0) =	vadd.scan.msk.s32 $0xffff, v11;
	vm4 =	vmmov vm12;
	v12 =	vadd.s32 v14, v13;
	v10 =	vmpcnt.ones.xlane vm9  }
0x59: {  	v19 =	vadd.s32 $0xFFFFFFFF, v19;
	v21 =	vmpcnt.ones.xlane vm1;
	v13 =	vadd.s32 v12, v17;
	v11, _, _ =	vpop (xrf0);
	(xrf0) =	vadd.scan.msk.s32 $0xffff, v22  }
0x5a: {  	v18 =	vsel vm9, $0x1, v1;
	v17 =	vadd.s32 v13, v10;
	v11 =	vadd.s32 v11, v29;
	(xrf0) =	vadd.scan.msk.s32 $0xffff, v23  }
0x5b: {  	s10 =	simm.s32 $0x8;
	v10 =	vadd.s32 v17, v21;
	v21 =	vsel vm1, $0x1, v1;
	v20 =	vadd.s32 $0xFFFFFFFF, v11;
	(xrf0) =	vadd.scan.msk.s32 $0xffff, v63  }
.LBB2_3:
0x5c: {  	s10 =	sadd.s32 $0x8, s10;
	vm6 =	vlt.s32 v19, $0x88;
	vm7 =	vlt.s32 v20, $0x88;
	(xrf0) =	vadd.scan.msk.s32 $0xffff, v18;
	v11 =	vmovc v10;
	vm5 =	vmmov vm10  }
0x5d: {  	s9 =	sadd.s32 $0x80, s9;
	p0 =	slt.u32 s10, $0x1F8;
	v18 =	vnsel vm6, $0x88, v19;
	v19 =	vnsel vm7, $0x88, v20;
	(xrf0) =	vadd.scan.msk.s32 $0xffff, v21;
	vm7 =	vmmov vm8  }
0x5e: {  	s12 =	sadd.s32 $0xFFFFFF90, s9;
	vm6 =	vmmov vm9;
	v20, _, _ =	vpop (xrf0)  }
0x5f: {  	v21 =	vor.u32 s12, v0;
	s12 =	sadd.s32 $0xFFFFFFA0, s9;
	v16 =	vadd.s32 v20, v16;
	v20 =	vor.u32 s9, v0;
	v22, _, _ =	vpop (xrf0)  }
0x60: {  	v23 =	vor.u32 s12, v0;
	v16 =	vadd.s32 $0xFFFFFFFF, v16;
	v15 =	vadd.s32 v22, v15;
	v22, _, _ =	vpop (xrf0)  }
0x61: {  	vm8 =	vlt.s32 v16, $0x88;
	v15 =	vadd.s32 $0xFFFFFFFF, v15;
	v14 =	vadd.s32 v22, v14;
	v22, _, _ =	vpop (xrf0)  }
0x62: {  	[tilespmem:v18+s31+$0x0] =	vst.idx.msk vm2, v21;
	vm2 =	vlt.s32 v15, $0x88;
	v14 =	vadd.s32 $0xFFFFFFFF, v14;
	v12 =	vadd.s32 v22, v12;
	v18, _, _ =	vpop (xrf0)  }
0x63: {  	s24 =	sadd.s32 $0x80, s24;
	[tilespmem:v19+s31+$0x0] =	vst.idx.msk vm3, v23;
	vm3 =	vlt.s32 v14, $0x88;
	v12 =	vadd.s32 $0xFFFFFFFF, v12;
	v13 =	vadd.s32 v18, v13;
	v18, _, _ =	vpop (xrf0)  }
0x64: {  	v19 =	vld [tilespmem:s24+$0xFFFFFFC0];
	vm9 =	vlt.s32 v12, $0x88;
	v13 =	vadd.s32 $0xFFFFFFFF, v13;
	v17 =	vadd.s32 v18, v17  }
0x65: {  	v16 =	vnsel vm8, $0x88, v16;
	v18 =	vld [tilespmem:s24+$0xFFFFFFD0];
	vm8 =	vlt.s32 v13, $0x88;
	v17 =	vadd.s32 $0xFFFFFFFF, v17  }
0x66: {  	v22 =	vnsel vm2, $0x88, v15;
	v23 =	vnsel vm3, $0x88, v14;
	v21 =	vld [tilespmem:s24+$0xFFFFFFE0];
	vm2 =	vlt.s32 v17, $0x88  }
0x67: {  	s13 =	sadd.s32 $0xFFFFFFC0, s9;
	s4 =	sadd.s32 $0xFFFFFFD0, s9;
	s12 =	sadd.s32 $0xFFFFFFB0, s9;
	v24 =	vnsel vm9, $0x88, v12;
	v25 =	vnsel vm8, $0x88, v13;
	v14 =	vld [tilespmem:s24+$0xFFFFFFF0];
	v12 =	vnsel vm2, $0x88, v17  }
0x68: {  	v26 =	vor.u32 s4, v0;
	s4 =	sadd.s32 $0xFFFFFFE0, s9;
	v15 =	vor.u32 s12, v0;
	s12 =	sadd.s32 $0xFFFFFFF0, s9;
	v17 =	vor.u32 s13, v0;
	v13 =	vld [tilespmem:s24+$0x0]  }
0x69: {  	v27 =	vor.u32 s4, v0;
	v28 =	vor.u32 s12, v0;
	vm2 =	vge.f32 v19, v9;
	v19 =	vld [tilespmem:s24+$0x10]  }
0x6a: {  	v29 =	vsel vm2, $0x1, v1;
	v30 =	vmpcnt.ones.xlane vm2;
	vm3 =	vge.f32 v18, v9;
	v18 =	vld [tilespmem:s24+$0x20];
	[tilespmem:v16+s31+$0x0] =	vst.idx.msk vm0, v15  }
0x6b: {  	v15 =	vsel vm3, $0x1, v1;
	v16 =	vmpcnt.ones.xlane vm3;
	vm0 =	vge.f32 v21, v9;
	v21 =	vld [tilespmem:s24+$0x30];
	(xrf0) =	vadd.scan.msk.s32 $0xffff, v29  }
0x6c: {  	v29 =	vadd.s32 v10, v30;
	v10 =	vmpcnt.ones.xlane vm0;
	vm11 =	vge.f32 v14, v9;
	(xrf0) =	vadd.scan.msk.s32 $0xffff, v15  }
0x6d: {  	v16 =	vadd.s32 v29, v16;
	v14 =	vmpcnt.ones.xlane vm11;
	vm10 =	vge.f32 v13, v9;
	[tilespmem:v12+s31+$0x0] =	vst.idx.msk vm1, v20  }
0x6e: {  	v15 =	vadd.s32 v16, v10;
	v10 =	vmpcnt.ones.xlane vm10;
	vm8 =	vge.f32 v19, v9;
	[tilespmem:v22+s31+$0x0] =	vst.idx.msk vm4, v17  }
0x6f: {  	v14 =	vadd.s32 v15, v14;
	v13 =	vmpcnt.ones.xlane vm8;
	vm9 =	vge.f32 v18, v9;
	[tilespmem:v23+s31+$0x0] =	vst.idx.msk vm5, v26  }
0x70: {  	v12 =	vadd.s32 v14, v10;
	v10 =	vmpcnt.ones.xlane vm9;
	vm1 =	vge.f32 v21, v9;
	[tilespmem:v24+s31+$0x0] =	vst.idx.msk vm7, v27  }
.Ltmp0:
0x71: {  	v18 =	vsel vm0, $0x1, v1;
	v13 =	vadd.s32 v12, v13;
	v19 =	vmpcnt.ones.xlane vm1;
	v20, _, _ =	vpop (xrf0);
	[tilespmem:v25+s31+$0x0] =	vst.idx.msk vm6, v28;
	(pc) =	sbr.rel @p0 .LBB2_3-.Ltmp0, $4  }
0x72: {  	v22 =	vsel vm10, $0x1, v1;
	v21 =	vsel vm11, $0x1, v1;
	v17 =	vadd.s32 v13, v10;
	v23, _, _ =	vpop (xrf0);
	(xrf0) =	vadd.scan.msk.s32 $0xffff, v18  }
0x73: {  	v24 =	vsel vm8, $0x1, v1;
	v18 =	vsel vm9, $0x1, v1;
	v10 =	vadd.s32 v17, v19;
	(xrf0) =	vadd.scan.msk.s32 $0xffff, v21  }
0x74: {  	v11 =	vadd.s32 v20, v11;
	v20 =	vadd.s32 v23, v29;
	v21 =	vsel vm1, $0x1, v1;
	(xrf0) =	vadd.scan.msk.s32 $0xffff, v22  }
0x75: {  	vm4 =	vmmov vm11;
	v19 =	vadd.s32 $0xFFFFFFFF, v11;
	v20 =	vadd.s32 $0xFFFFFFFF, v20;
	(xrf0) =	vadd.scan.msk.s32 $0xffff, v24  }
0x76: {  	(xrf0) =	vadd.scan.msk.s32 $0xffff, v18  }
0x77: {  	(xrf0) =	vadd.scan.msk.s32 $0xffff, v21  }
0x78: {  	v9, _, _ =	vpop (xrf0)  }
0x79: {  	vm6 =	vlt.s32 v19, $0x88;
	vm7 =	vlt.s32 v20, $0x88;
	vm5 =	vmmov vm10;
	s4 =	sadd.s32 $0x80, s9;
	v11, _, _ =	vpop (xrf0)  }
0x7a: {  	v19 =	vnsel vm6, $0x88, v19;
	v20 =	vnsel vm7, $0x88, v20;
	vm6 =	vmmov vm8;
	s9 =	sadd.s32 $0xFFFFFF90, s4;
	v18, _, _ =	vpop (xrf0)  }
0x7b: {  	vm7 =	vmmov vm9;
	s12 =	sadd.s32 $0xFFFFFFA0, s4;
	v22 =	vor.u32 s9, v0;
	v9 =	vadd.s32 v9, v16;
	v21, _, _ =	vpop (xrf0)  }
0x7c: {  	v23 =	vor.u32 s12, v0;
	v9 =	vadd.s32 $0xFFFFFFFF, v9;
	v11 =	vadd.s32 v11, v15;
	v16, _, _ =	vpop (xrf0)  }
0x7d: {  	vm8 =	vlt.s32 v9, $0x88;
	v11 =	vadd.s32 $0xFFFFFFFF, v11;
	v14 =	vadd.s32 v18, v14;
	v15, _, _ =	vpop (xrf0)  }
0x7e: {  	vm9 =	vlt.s32 v11, $0x88;
	v14 =	vadd.s32 $0xFFFFFFFF, v14;
	v15 =	vadd.s32 v15, v17  }
0x7f: {  	v9 =	vnsel vm8, $0x88, v9;
	v12 =	vadd.s32 v21, v12;
	v15 =	vadd.s32 $0xFFFFFFFF, v15  }
0x80: {  	vm10 =	vlt.s32 v14, $0x88;
	v11 =	vnsel vm9, $0x88, v11;
	vm8 =	vlt.s32 v15, $0x88  }
0x81: {  	v12 =	vadd.s32 $0xFFFFFFFF, v12;
	v13 =	vadd.s32 v16, v13;
	v15 =	vnsel vm8, $0x88, v15  }
0x82: {  	s13 =	sadd.s32 $0xFFFFFFB0, s4;
	[tilespmem:v19+s31+$0x0] =	vst.idx.msk vm2, v22;
	vm2 =	vlt.s32 v12, $0x88;
	v13 =	vadd.s32 $0xFFFFFFFF, v13;
	v14 =	vnsel vm10, $0x88, v14  }
0x83: {  	s24 =	sadd.s32 $0xFFFFFFC0, s4;
	[tilespmem:v20+s31+$0x0] =	vst.idx.msk vm3, v23;
	v16 =	vor.u32 s13, v0;
	vm3 =	vlt.s32 v13, $0x88;
	v12 =	vnsel vm2, $0x88, v12  }
0x84: {  	v13 =	vnsel vm3, $0x88, v13;
	[tilespmem:v9+s31+$0x0] =	vst.idx.msk vm0, v16;
	v9 =	vor.u32 s24, v0  }
0x85: {  	s10 =	sadd.s32 $0xFFFFFFD0, s4;
	v17 =	vor.u32 s4, v0;
	[tilespmem:v11+s31+$0x0] =	vst.idx.msk vm4, v9  }
0x86: {  	[tilespmem:v15+s31+$0x0] =	vst.idx.msk vm1, v17;
	v15 =	vor.u32 s10, v0;
	s10 =	sadd.s32 $0xFFFFFFE0, s4  }
0x87: {  	s4 =	sadd.s32 $0xFFFFFFF0, s4;
	v9 =	vor.u32 s10, v0;
	[tilespmem:v14+s31+$0x0] =	vst.idx.msk vm5, v15  }
0x88: {  	v11 =	vor.u32 s4, v0;
	[tilespmem:v12+s31+$0x0] =	vst.idx.msk vm6, v9  }
0x89: {  	[tilespmem:v13+s31+$0x0] =	vst.idx.msk vm7, v11  }
0x8a: {  	v9 =	vld [tilespmem:$0xA800];
	_ =	sdelay $0x1  }
0x8b: {  	vm0 =	vgt.s32 v10, v0;
	_ =	sdelay $0x5  }
0x8c: {  	v11 =	vld.idx.msk [tilespmem:v9+s28+$0x0], vm0;
	_ =	sdelay $0x4  }
0x8d: {  	s12 =	sshll.u32 s8, $0x8;
	v11 =	vnsel vm0, $0xC0400000, v11  }
0x8e: {  	[tilespmem:s12+$0xA900] =	vst v11  }
0x8f: {  	v11 =	vld.idx.msk [tilespmem:v9+s2+$0x0], vm0;
	_ =	sdelay $0x4  }
0x90: {  	[tilespmem:s12+$0xC900] =	vst v11  }
0x91: {  	v11 =	vld.idx.msk [tilespmem:v9+s22+$0x0], vm0;
	_ =	sdelay $0x4  }
0x92: {  	[tilespmem:s12+$0xE900] =	vst v11  }
0x93: {  	v9 =	vld.idx.msk [tilespmem:v9+s23+$0x0], vm0;
	_ =	sdelay $0x4  }
0x94: {  	[tilespmem:s12+$0x10900] =	vst v9  }
0x95: {  	v9 =	vld [tilespmem:$0xA810];
	_ =	sdelay $0x1  }
0x96: {  	vm0 =	vgt.s32 v10, v2;
	_ =	sdelay $0x5  }
0x97: {  	v11 =	vld.idx.msk [tilespmem:v9+s28+$0x0], vm0;
	_ =	sdelay $0x4  }
0x98: {  	v11 =	vnsel vm0, $0xC0400000, v11  }
0x99: {  	[tilespmem:s12+$0xA910] =	vst v11  }
0x9a: {  	v11 =	vld.idx.msk [tilespmem:v9+s2+$0x0], vm0;
	_ =	sdelay $0x4  }
0x9b: {  	[tilespmem:s12+$0xC910] =	vst v11  }
0x9c: {  	v11 =	vld.idx.msk [tilespmem:v9+s22+$0x0], vm0;
	_ =	sdelay $0x4  }
0x9d: {  	[tilespmem:s12+$0xE910] =	vst v11  }
0x9e: {  	v9 =	vld.idx.msk [tilespmem:v9+s23+$0x0], vm0;
	_ =	sdelay $0x4  }
0x9f: {  	[tilespmem:s12+$0x10910] =	vst v9  }
0xa0: {  	v9 =	vld [tilespmem:$0xA820];
	_ =	sdelay $0x1  }
0xa1: {  	vm0 =	vgt.s32 v10, v3;
	_ =	sdelay $0x5  }
0xa2: {  	v11 =	vld.idx.msk [tilespmem:v9+s28+$0x0], vm0;
	_ =	sdelay $0x4  }
0xa3: {  	v11 =	vnsel vm0, $0xC0400000, v11  }
0xa4: {  	[tilespmem:s12+$0xA920] =	vst v11  }
0xa5: {  	v11 =	vld.idx.msk [tilespmem:v9+s2+$0x0], vm0;
	_ =	sdelay $0x4  }
0xa6: {  	[tilespmem:s12+$0xC920] =	vst v11  }
0xa7: {  	v11 =	vld.idx.msk [tilespmem:v9+s22+$0x0], vm0;
	_ =	sdelay $0x4  }
0xa8: {  	[tilespmem:s12+$0xE920] =	vst v11  }
0xa9: {  	v9 =	vld.idx.msk [tilespmem:v9+s23+$0x0], vm0;
	_ =	sdelay $0x4  }
0xaa: {  	[tilespmem:s12+$0x10920] =	vst v9  }
0xab: {  	v9 =	vld [tilespmem:$0xA830];
	_ =	sdelay $0x1  }
0xac: {  	vm0 =	vgt.s32 v10, v4;
	_ =	sdelay $0x5  }
0xad: {  	v11 =	vld.idx.msk [tilespmem:v9+s28+$0x0], vm0;
	_ =	sdelay $0x4  }
0xae: {  	v11 =	vnsel vm0, $0xC0400000, v11  }
0xaf: {  	[tilespmem:s12+$0xA930] =	vst v11  }
0xb0: {  	v11 =	vld.idx.msk [tilespmem:v9+s2+$0x0], vm0;
	_ =	sdelay $0x4  }
0xb1: {  	[tilespmem:s12+$0xC930] =	vst v11  }
0xb2: {  	v11 =	vld.idx.msk [tilespmem:v9+s22+$0x0], vm0;
	_ =	sdelay $0x4  }
0xb3: {  	[tilespmem:s12+$0xE930] =	vst v11  }
0xb4: {  	v9 =	vld.idx.msk [tilespmem:v9+s23+$0x0], vm0;
	_ =	sdelay $0x4  }
0xb5: {  	[tilespmem:s12+$0x10930] =	vst v9  }
0xb6: {  	v9 =	vld [tilespmem:$0xA840];
	_ =	sdelay $0x1  }
0xb7: {  	vm0 =	vgt.s32 v10, v5;
	_ =	sdelay $0x5  }
0xb8: {  	v11 =	vld.idx.msk [tilespmem:v9+s28+$0x0], vm0;
	_ =	sdelay $0x4  }
0xb9: {  	v11 =	vnsel vm0, $0xC0400000, v11  }
0xba: {  	[tilespmem:s12+$0xA940] =	vst v11  }
0xbb: {  	v11 =	vld.idx.msk [tilespmem:v9+s2+$0x0], vm0;
	_ =	sdelay $0x4  }
0xbc: {  	[tilespmem:s12+$0xC940] =	vst v11  }
0xbd: {  	v11 =	vld.idx.msk [tilespmem:v9+s22+$0x0], vm0;
	_ =	sdelay $0x4  }
0xbe: {  	[tilespmem:s12+$0xE940] =	vst v11  }
0xbf: {  	v9 =	vld.idx.msk [tilespmem:v9+s23+$0x0], vm0;
	_ =	sdelay $0x4  }
0xc0: {  	[tilespmem:s12+$0x10940] =	vst v9  }
0xc1: {  	v9 =	vld [tilespmem:$0xA850];
	_ =	sdelay $0x1  }
0xc2: {  	vm0 =	vgt.s32 v10, v6;
	_ =	sdelay $0x5  }
0xc3: {  	v11 =	vld.idx.msk [tilespmem:v9+s28+$0x0], vm0;
	_ =	sdelay $0x4  }
0xc4: {  	v11 =	vnsel vm0, $0xC0400000, v11  }
0xc5: {  	[tilespmem:s12+$0xA950] =	vst v11  }
0xc6: {  	v11 =	vld.idx.msk [tilespmem:v9+s2+$0x0], vm0;
	_ =	sdelay $0x4  }
0xc7: {  	[tilespmem:s12+$0xC950] =	vst v11  }
0xc8: {  	v11 =	vld.idx.msk [tilespmem:v9+s22+$0x0], vm0;
	_ =	sdelay $0x4  }
0xc9: {  	[tilespmem:s12+$0xE950] =	vst v11  }
0xca: {  	v9 =	vld.idx.msk [tilespmem:v9+s23+$0x0], vm0;
	_ =	sdelay $0x4  }
0xcb: {  	[tilespmem:s12+$0x10950] =	vst v9  }
0xcc: {  	v9 =	vld [tilespmem:$0xA860];
	_ =	sdelay $0x1  }
0xcd: {  	vm0 =	vgt.s32 v10, v7;
	_ =	sdelay $0x5  }
0xce: {  	v11 =	vld.idx.msk [tilespmem:v9+s28+$0x0], vm0;
	_ =	sdelay $0x4  }
0xcf: {  	v11 =	vnsel vm0, $0xC0400000, v11  }
0xd0: {  	[tilespmem:s12+$0xA960] =	vst v11  }
0xd1: {  	v11 =	vld.idx.msk [tilespmem:v9+s2+$0x0], vm0;
	_ =	sdelay $0x4  }
0xd2: {  	[tilespmem:s12+$0xC960] =	vst v11  }
0xd3: {  	v11 =	vld.idx.msk [tilespmem:v9+s22+$0x0], vm0;
	_ =	sdelay $0x4  }
0xd4: {  	[tilespmem:s12+$0xE960] =	vst v11  }
0xd5: {  	v9 =	vld.idx.msk [tilespmem:v9+s23+$0x0], vm0;
	_ =	sdelay $0x4  }
0xd6: {  	[tilespmem:s12+$0x10960] =	vst v9  }
0xd7: {  	v9 =	vld [tilespmem:$0xA870];
	_ =	sdelay $0x1  }
0xd8: {  	vm0 =	vgt.s32 v10, v8;
	_ =	sdelay $0x5  }
0xd9: {  	v10 =	vld.idx.msk [tilespmem:v9+s28+$0x0], vm0;
	_ =	sdelay $0x4  }
0xda: {  	v10 =	vnsel vm0, $0xC0400000, v10  }
0xdb: {  	[tilespmem:s12+$0xA970] =	vst v10  }
0xdc: {  	v10 =	vld.idx.msk [tilespmem:v9+s2+$0x0], vm0;
	_ =	sdelay $0x4  }
0xdd: {  	[tilespmem:s12+$0xC970] =	vst v10  }
0xde: {  	v10 =	vld.idx.msk [tilespmem:v9+s22+$0x0], vm0;
	_ =	sdelay $0x4  }
0xdf: {  	[tilespmem:s12+$0xE970] =	vst v10  }
0xe0: {  	v9 =	vld.idx.msk [tilespmem:v9+s23+$0x0], vm0;
	_ =	sdelay $0x2  }
0xe1: {  	s13 =	smin.u32 s1, $0x3D  }
0xe2: {  	s4 =	sadd.s32 $0x2, s13  }
0xe3: {  	s1 =	sor.u32 $0x1, s1;
	s24 =	sor.u32 s7, s4;
	s4 =	sshll.u32 s4, $0x4;
	[tilespmem:s12+$0x10970] =	vst v9  }
0xe4: {  	s9 =	sshll.u32 s24, $0xA;
	s4 =	sand.u32 $0x70, s4;
	_ =	swait.ge [sflag:s0], $0x2000  }
0xe5: {  	s9 =	sand.u32 $0x3FE000, s9;
	s4 =	sadd.s32 s3, s4;
	[sflag:s0] =	ssyncset.done $0x0  }
0xe6: {  	s10 =	sshll.u32 s1, $0x4;
	s4 =	sadd.s32 s9, s4;
	[sflag:s0] =	ssyncadd.s32 $0xFFFFE000  }
0xe7: {  	[tilespmem:s28], [sflag:$0x1] =	stream.strided.gather [hbm4b:s4+s25], $0x2000, s26, s25, $0x38;
	[tilespmem:$0x12900] =	vst v63  }
0xe8: {  	s4 =	sand.u32 $0x3FFFFFF0, s10  }
0xe9: {  	s12 =	simm.s32 $0x8040;
	v9 =	vld [tilespmem:s4+$0xA000]  }
0xea: {  	v10 =	vld [tilespmem:s12+$0xFFFFFFC0]  }
0xeb: {  	v11 =	vld [tilespmem:s12+$0xFFFFFFD0]  }
0xec: {  	v12 =	vld [tilespmem:s12+$0xFFFFFFE0]  }
0xed: {  	v13 =	vld [tilespmem:s12+$0xFFFFFFF0]  }
0xee: {  	v14 =	vld [tilespmem:s12+$0x0];
	_ =	sdelay $0x2  }
0xef: {  	v15 =	vimm.s32 $0x0;
	s10 =	simm.s32 $0x20  }
0xf0: {  	v25 =	vor.u32 s10, v0;
	vm2 =	vge.f32 v10, v9;
	v10 =	vld [tilespmem:s12+$0x10];
	vm1 =	vge.f32 v11, v9  }
0xf1: {  	vm0 =	vge.f32 v12, v9;
	v12 =	vld [tilespmem:s12+$0x30];
	vm5 =	vge.f32 v13, v9;
	vm6 =	vge.f32 v14, v9  }
0xf2: {  	v11 =	vld [tilespmem:s12+$0x20];
	v16 =	vsel vm2, $0x1, v1;
	v17 =	vmpcnt.ones.xlane vm2;
	v18 =	vsel vm1, $0x1, v1  }
0xf3: {  	s12 =	simm.s32 $0x40;
	v19 =	vmpcnt.ones.xlane vm1;
	v20 =	vmpcnt.ones.xlane vm0;
	v21 =	vsel vm6, $0x1, v1;
	(xrf0) =	vadd.scan.msk.s32 $0xffff, v16  }
0xf4: {  	v27 =	vor.u32 s12, v0;
	v16 =	vmpcnt.ones.xlane vm5;
	v17 =	vadd.s32 v15, v17;
	(xrf0) =	vadd.scan.msk.s32 $0xffff, v18  }
0xf5: {  	v18 =	vmpcnt.ones.xlane vm6;
	vm6 =	vmmov vm6;
	v13 =	vadd.s32 v17, v19  }
0xf6: {  	v14 =	vadd.s32 v13, v20;
	vm4 =	vge.f32 v12, v9;
	v12 =	vsel vm0, $0x1, v1  }
0xf7: {  	vm3 =	vge.f32 v10, v9;
	vm7 =	vge.f32 v11, v9;
	v20 =	vsel vm5, $0x1, v1  }
0xf8: {  	vm5 =	vmmov vm5;
	v10 =	vadd.s32 v14, v16;
	v16 =	vmpcnt.ones.xlane vm3;
	(xrf0) =	vadd.scan.msk.s32 $0xffff, v12  }
0xf9: {  	v19 =	vmpcnt.ones.xlane vm4;
	v22 =	vsel vm3, $0x1, v1;
	v11 =	vadd.s32 v10, v18;
	(xrf0) =	vadd.scan.msk.s32 $0xffff, v20;
	v12, _, _ =	vpop (xrf0)  }
0xfa: {  	v23 =	vsel vm7, $0x1, v1;
	v18 =	vmpcnt.ones.xlane vm7;
	v16 =	vadd.s32 v11, v16;
	v20, _, _ =	vpop (xrf0)  }
0xfb: {  	(xrf0) =	vadd.scan.msk.s32 $0xffff, v21;
	v12 =	vadd.s32 v12, v15;
	v15 =	vadd.s32 v20, v17;
	v17 =	vsel vm4, $0x1, v1  }
0xfc: {  	s24 =	simm.s32 $0x10;
	vm11 =	vmmov vm3;
	vm7 =	vmmov vm7;
	v18 =	vadd.s32 v16, v18;
	(xrf0) =	vadd.scan.msk.s32 $0xffff, v22  }
0xfd: {  	s13 =	simm.s32 $0x0;
	v22 =	vor.u32 s24, v0;
	v19 =	vadd.s32 v18, v19;
	v12 =	vadd.s32 $0xFFFFFFFF, v12;
	(xrf0) =	vadd.scan.msk.s32 $0xffff, v23  }
0xfe: {  	s24 =	simm.s32 $0x80C0;
	v20 =	vor.u32 s13, v0;
	s13 =	simm.s32 $0x30;
	v15 =	vadd.s32 $0xFFFFFFFF, v15;
	vm8 =	vlt.s32 v12, $0x88;
	(xrf0) =	vadd.scan.msk.s32 $0xffff, v17;
	v17, _, _ =	vpop (xrf0)  }
0xff: {  	v23 =	vld [tilespmem:s24+$0xFFFFFFC0];
	v26 =	vor.u32 s13, v0;
	vm9 =	vlt.s32 v15, $0x88;
	v12 =	vnsel vm8, $0x88, v12;
	v21, _, _ =	vpop (xrf0)  }
0x100: {  	s9 =	simm.s32 $0x70;
	v15 =	vnsel vm9, $0x88, v15;
	v13 =	vadd.s32 v17, v13;
	v14 =	vadd.s32 v21, v14  }
0x101: {  	v17 =	vor.u32 s9, v0;
	v13 =	vadd.s32 $0xFFFFFFFF, v13;
	v21, _, _ =	vpop (xrf0);
	v14 =	vadd.s32 $0xFFFFFFFF, v14  }
0x102: {  	vm3 =	vlt.s32 v13, $0x88;
	v10 =	vadd.s32 v21, v10;
	v21, _, _ =	vpop (xrf0);
	vm8 =	vlt.s32 v14, $0x88  }
0x103: {  	v30 =	vld [tilespmem:s24+$0x30];
	s13 =	simm.s32 $0x60;
	v10 =	vadd.s32 $0xFFFFFFFF, v10;
	v11 =	vadd.s32 v21, v11;
	v13 =	vnsel vm3, $0x88, v13  }
0x104: {  	v21, _, _ =	vpop (xrf0);
	[tilespmem:v12+s31+$0x0] =	vst.idx.msk vm2, v20;
	v12 =	vld [tilespmem:s24+$0xFFFFFFF0];
	vm2 =	vge.f32 v23, v9;
	v23 =	vor.u32 s13, v0;
	vm9 =	vlt.s32 v10, $0x88  }
0x105: {  	s12 =	simm.s32 $0x50;
	v11 =	vadd.s32 $0xFFFFFFFF, v11;
	v16 =	vadd.s32 v21, v16;
	v21, _, _ =	vpop (xrf0);
	v24 =	vnsel vm8, $0x88, v14;
	v14 =	vld [tilespmem:s24+$0xFFFFFFE0]  }
0x106: {  	[tilespmem:v15+s31+$0x0] =	vst.idx.msk vm1, v22;
	v22 =	vor.u32 s12, v0;
	v28 =	vsel vm2, $0x1, v1;
	v18 =	vadd.s32 v21, v18;
	v21 =	vld [tilespmem:s24+$0xFFFFFFD0]  }
0x107: {  	v15 =	vld [tilespmem:s24+$0x10];
	v29 =	vmpcnt.ones.xlane vm2;
	vm3 =	vlt.s32 v11, $0x88;
	v16 =	vadd.s32 $0xFFFFFFFF, v16  }
0x108: {  	(xrf0) =	vadd.scan.msk.s32 $0xffff, v28;
	v18 =	vadd.s32 $0xFFFFFFFF, v18;
	vm8 =	vlt.s32 v16, $0x88;
	v11 =	vnsel vm3, $0x88, v11  }
0x109: {  	v10 =	vnsel vm9, $0x88, v10;
	vm9 =	vlt.s32 v18, $0x88;
	v20 =	vnsel vm8, $0x88, v16  }
0x10a: {  	vm1 =	vge.f32 v30, v9;
	v61 =	vadd.s32 v19, v29;
	v16 =	vnsel vm9, $0x88, v18;
	v18 =	vld [tilespmem:s24+$0x0];
	[tilespmem:v13+s31+$0x0] =	vst.idx.msk vm0, v25  }
0x10b: {  	vm12 =	vge.f32 v12, v9;
	vm0 =	vge.f32 v14, v9;
	vm3 =	vge.f32 v21, v9  }
0x10c: {  	v12 =	vmpcnt.ones.xlane vm12;
	vm8 =	vge.f32 v15, v9;
	[tilespmem:v24+s31+$0x0] =	vst.idx.msk vm5, v26;
	v21 =	vld [tilespmem:s24+$0x20];
	v13 =	vsel vm3, $0x1, v1  }
0x10d: {  	v62 =	vmpcnt.ones.xlane vm0;
	v60 =	vmpcnt.ones.xlane vm3;
	[tilespmem:v11+s31+$0x0] =	vst.idx.msk vm11, v22;
	(xrf0) =	vadd.scan.msk.s32 $0xffff, v13  }
0x10e: {  	v63 =	vsel vm8, $0x1, v1;
	v11 =	vsel vm0, $0x1, v1;
	v22 =	vsel vm12, $0x1, v1;
	[tilespmem:v20+s31+$0x0] =	vst.idx.msk vm7, v23;
	v20, _, _ =	vpop (xrf0)  }
0x10f: {  	v14 =	vadd.s32 v61, v60;
	vm10 =	vge.f32 v18, v9;
	v20 =	vadd.s32 v20, v19  }
0x110: {  	[tilespmem:v16+s31+$0x0] =	vst.idx.msk vm4, v17;
	v19 =	vsel vm1, $0x1, v1;
	v16 =	vadd.s32 v14, v62;
	v13 =	vmpcnt.ones.xlane vm10  }
0x111: {  	[tilespmem:v10+s31+$0x0] =	vst.idx.msk vm6, v27;
	v15 =	vadd.s32 v16, v12;
	v12 =	vmpcnt.ones.xlane vm8;
	vm9 =	vge.f32 v21, v9  }
0x112: {  	(xrf0) =	vadd.scan.msk.s32 $0xffff, v11;
	vm4 =	vmmov vm12;
	v13 =	vadd.s32 v15, v13;
	v10 =	vmpcnt.ones.xlane vm9  }
0x113: {  	v23 =	vsel vm10, $0x1, v1;
	(xrf0) =	vadd.scan.msk.s32 $0xffff, v22;
	v21 =	vmpcnt.ones.xlane vm1;
	v12 =	vadd.s32 v13, v12;
	v11, _, _ =	vpop (xrf0)  }
0x114: {  	v20 =	vadd.s32 $0xFFFFFFFF, v20;
	v17 =	vadd.s32 v12, v10;
	(xrf0) =	vadd.scan.msk.s32 $0xffff, v23;
	v11 =	vadd.s32 v11, v61  }
0x115: {  	s10 =	simm.s32 $0x8;
	v18 =	vsel vm9, $0x1, v1;
	v10 =	vadd.s32 v17, v21;
	(xrf0) =	vadd.scan.msk.s32 $0xffff, v63;
	v21 =	vadd.s32 $0xFFFFFFFF, v11  }
.LBB2_5:
0x116: {  	s10 =	sadd.s32 $0x8, s10;
	vm6 =	vlt.s32 v20, $0x88;
	vm7 =	vlt.s32 v21, $0x88;
	(xrf0) =	vadd.scan.msk.s32 $0xffff, v18;
	v11 =	vmovc v10;
	vm5 =	vmmov vm10  }
0x117: {  	s9 =	sadd.s32 $0x80, s9;
	p0 =	slt.u32 s10, $0x1F8;
	v18 =	vnsel vm6, $0x88, v20;
	v20 =	vnsel vm7, $0x88, v21;
	(xrf0) =	vadd.scan.msk.s32 $0xffff, v19;
	vm7 =	vmmov vm8  }
0x118: {  	s4 =	sadd.s32 $0xFFFFFF90, s9;
	vm6 =	vmmov vm9;
	v19, _, _ =	vpop (xrf0)  }
0x119: {  	v21 =	vor.u32 s4, v0;
	s4 =	sadd.s32 $0xFFFFFFA0, s9;
	v14 =	vadd.s32 v19, v14;
	v19 =	vor.u32 s9, v0;
	v22, _, _ =	vpop (xrf0)  }
0x11a: {  	v23 =	vor.u32 s4, v0;
	v14 =	vadd.s32 $0xFFFFFFFF, v14;
	v16 =	vadd.s32 v22, v16;
	v22, _, _ =	vpop (xrf0)  }
0x11b: {  	vm8 =	vlt.s32 v14, $0x88;
	v16 =	vadd.s32 $0xFFFFFFFF, v16;
	v15 =	vadd.s32 v22, v15;
	v22, _, _ =	vpop (xrf0)  }
0x11c: {  	[tilespmem:v18+s31+$0x0] =	vst.idx.msk vm2, v21;
	vm2 =	vlt.s32 v16, $0x88;
	v15 =	vadd.s32 $0xFFFFFFFF, v15;
	v13 =	vadd.s32 v22, v13;
	v18, _, _ =	vpop (xrf0)  }
0x11d: {  	s24 =	sadd.s32 $0x80, s24;
	[tilespmem:v20+s31+$0x0] =	vst.idx.msk vm3, v23;
	vm3 =	vlt.s32 v15, $0x88;
	v13 =	vadd.s32 $0xFFFFFFFF, v13;
	v12 =	vadd.s32 v18, v12;
	v18, _, _ =	vpop (xrf0)  }
0x11e: {  	v20 =	vld [tilespmem:s24+$0xFFFFFFC0];
	vm9 =	vlt.s32 v13, $0x88;
	v12 =	vadd.s32 $0xFFFFFFFF, v12;
	v17 =	vadd.s32 v18, v17  }
0x11f: {  	v14 =	vnsel vm8, $0x88, v14;
	v18 =	vld [tilespmem:s24+$0xFFFFFFD0];
	vm8 =	vlt.s32 v12, $0x88;
	v17 =	vadd.s32 $0xFFFFFFFF, v17  }
0x120: {  	v22 =	vnsel vm2, $0x88, v16;
	v23 =	vnsel vm3, $0x88, v15;
	v21 =	vld [tilespmem:s24+$0xFFFFFFE0];
	vm2 =	vlt.s32 v17, $0x88  }
0x121: {  	s12 =	sadd.s32 $0xFFFFFFC0, s9;
	s13 =	sadd.s32 $0xFFFFFFD0, s9;
	s4 =	sadd.s32 $0xFFFFFFB0, s9;
	v24 =	vnsel vm9, $0x88, v13;
	v25 =	vnsel vm8, $0x88, v12;
	v15 =	vld [tilespmem:s24+$0xFFFFFFF0];
	v12 =	vnsel vm2, $0x88, v17  }
0x122: {  	v26 =	vor.u32 s13, v0;
	v16 =	vor.u32 s4, v0;
	s4 =	sadd.s32 $0xFFFFFFE0, s9;
	v17 =	vor.u32 s12, v0;
	s12 =	sadd.s32 $0xFFFFFFF0, s9;
	v13 =	vld [tilespmem:s24+$0x0]  }
0x123: {  	v27 =	vor.u32 s4, v0;
	v28 =	vor.u32 s12, v0;
	vm2 =	vge.f32 v20, v9;
	v20 =	vld [tilespmem:s24+$0x10]  }
0x124: {  	v29 =	vsel vm2, $0x1, v1;
	v30 =	vmpcnt.ones.xlane vm2;
	vm3 =	vge.f32 v18, v9;
	v18 =	vld [tilespmem:s24+$0x20];
	[tilespmem:v14+s31+$0x0] =	vst.idx.msk vm0, v16  }
0x125: {  	v14 =	vsel vm3, $0x1, v1;
	v16 =	vmpcnt.ones.xlane vm3;
	vm0 =	vge.f32 v21, v9;
	v21 =	vld [tilespmem:s24+$0x30];
	(xrf0) =	vadd.scan.msk.s32 $0xffff, v29  }
0x126: {  	v29 =	vadd.s32 v10, v30;
	v10 =	vmpcnt.ones.xlane vm0;
	vm11 =	vge.f32 v15, v9;
	(xrf0) =	vadd.scan.msk.s32 $0xffff, v14  }
0x127: {  	v14 =	vadd.s32 v29, v16;
	v15 =	vmpcnt.ones.xlane vm11;
	vm10 =	vge.f32 v13, v9;
	[tilespmem:v12+s31+$0x0] =	vst.idx.msk vm1, v19  }
0x128: {  	v16 =	vadd.s32 v14, v10;
	v10 =	vmpcnt.ones.xlane vm10;
	vm8 =	vge.f32 v20, v9;
	[tilespmem:v22+s31+$0x0] =	vst.idx.msk vm4, v17  }
0x129: {  	v15 =	vadd.s32 v16, v15;
	v12 =	vmpcnt.ones.xlane vm8;
	vm9 =	vge.f32 v18, v9;
	[tilespmem:v23+s31+$0x0] =	vst.idx.msk vm5, v26  }
0x12a: {  	v13 =	vadd.s32 v15, v10;
	v10 =	vmpcnt.ones.xlane vm9;
	vm1 =	vge.f32 v21, v9;
	[tilespmem:v24+s31+$0x0] =	vst.idx.msk vm7, v27  }
.Ltmp1:
0x12b: {  	v18 =	vsel vm0, $0x1, v1;
	v12 =	vadd.s32 v13, v12;
	v19 =	vmpcnt.ones.xlane vm1;
	v20, _, _ =	vpop (xrf0);
	[tilespmem:v25+s31+$0x0] =	vst.idx.msk vm6, v28;
	(pc) =	sbr.rel @p0 .LBB2_5-.Ltmp1, $4  }
0x12c: {  	v22 =	vsel vm10, $0x1, v1;
	v21 =	vsel vm11, $0x1, v1;
	v17 =	vadd.s32 v12, v10;
	v23, _, _ =	vpop (xrf0);
	(xrf0) =	vadd.scan.msk.s32 $0xffff, v18  }
0x12d: {  	v24 =	vsel vm8, $0x1, v1;
	v18 =	vsel vm9, $0x1, v1;
	v10 =	vadd.s32 v17, v19;
	(xrf0) =	vadd.scan.msk.s32 $0xffff, v21  }
0x12e: {  	v11 =	vadd.s32 v20, v11;
	v21 =	vadd.s32 v23, v29;
	v19 =	vsel vm1, $0x1, v1;
	(xrf0) =	vadd.scan.msk.s32 $0xffff, v22  }
0x12f: {  	vm4 =	vmmov vm11;
	v20 =	vadd.s32 $0xFFFFFFFF, v11;
	v21 =	vadd.s32 $0xFFFFFFFF, v21;
	(xrf0) =	vadd.scan.msk.s32 $0xffff, v24  }
0x130: {  	(xrf0) =	vadd.scan.msk.s32 $0xffff, v18  }
0x131: {  	vm6 =	vlt.s32 v20, $0x88;
	vm7 =	vlt.s32 v21, $0x88;
	vm5 =	vmmov vm10;
	s4 =	sadd.s32 $0x80, s9;
	(xrf0) =	vadd.scan.msk.s32 $0xffff, v19  }
0x132: {  	v53 =	vnsel vm6, $0x88, v20;
	v54 =	vnsel vm7, $0x88, v21;
	vm6 =	vmmov vm8;
	s9 =	sadd.s32 $0xFFFFFF90, s4;
	v9, _, _ =	vpop (xrf0)  }
0x133: {  	vm7 =	vmmov vm9;
	s10 =	sadd.s32 $0xFFFFFFA0, s4;
	v57 =	vor.u32 s9, v0;
	v11, _, _ =	vpop (xrf0);
	v9 =	vadd.s32 v9, v14  }
0x134: {  	v59 =	vor.u32 s10, v0;
	v52, _, _ =	vpop (xrf0);
	v11 =	vadd.s32 v11, v16;
	v9 =	vadd.s32 $0xFFFFFFFF, v9  }
0x135: {  	v55, _, _ =	vpop (xrf0);
	v15 =	vadd.s32 v52, v15;
	vm14 =	vlt.s32 v9, $0x88;
	v11 =	vadd.s32 $0xFFFFFFFF, v11  }
0x136: {  	v56, _, _ =	vpop (xrf0);
	v15 =	vadd.s32 $0xFFFFFFFF, v15;
	v13 =	vadd.s32 v55, v13;
	v9 =	vnsel vm14, $0x88, v9  }
0x137: {  	vm12 =	vlt.s32 v11, $0x88;
	v58, _, _ =	vpop (xrf0);
	vm13 =	vlt.s32 v15, $0x88;
	v13 =	vadd.s32 $0xFFFFFFFF, v13  }
0x138: {  	v12 =	vadd.s32 v56, v12;
	v11 =	vnsel vm12, $0x88, v11;
	v17 =	vadd.s32 v58, v17  }
0x139: {  	vm14 =	vlt.s32 v13, $0x88;
	v60 =	vnsel vm13, $0x88, v15;
	v17 =	vadd.s32 $0xFFFFFFFF, v17  }
0x13a: {  	s12 =	sadd.s32 $0xFFFFFFB0, s4;
	[tilespmem:v53+s31+$0x0] =	vst.idx.msk vm2, v57;
	v12 =	vadd.s32 $0xFFFFFFFF, v12;
	v13 =	vnsel vm14, $0x88, v13;
	vm15 =	vlt.s32 v17, $0x88  }
0x13b: {  	s13 =	sadd.s32 $0xFFFFFFC0, s4;
	v61 =	vor.u32 s12, v0;
	[tilespmem:v54+s31+$0x0] =	vst.idx.msk vm3, v59;
	v17 =	vnsel vm15, $0x88, v17;
	vm15 =	vlt.s32 v12, $0x88  }
0x13c: {  	s10 =	sadd.s32 $0xFFFFFFD0, s4;
	[tilespmem:v9+s31+$0x0] =	vst.idx.msk vm0, v61;
	v9 =	vor.u32 s13, v0;
	v12 =	vnsel vm15, $0x88, v12  }
0x13d: {  	s24 =	sadd.s32 $0xFFFFFFE0, s4;
	v63 =	vor.u32 s10, v0;
	[tilespmem:v11+s31+$0x0] =	vst.idx.msk vm4, v9  }
0x13e: {  	v9 =	vor.u32 s24, v0;
	[tilespmem:v60+s31+$0x0] =	vst.idx.msk vm5, v63  }
0x13f: {  	v62 =	vor.u32 s4, v0;
	s4 =	sadd.s32 $0xFFFFFFF0, s4;
	[tilespmem:v13+s31+$0x0] =	vst.idx.msk vm6, v9  }
0x140: {  	v11 =	vor.u32 s4, v0;
	[tilespmem:v17+s31+$0x0] =	vst.idx.msk vm1, v62  }
0x141: {  	[tilespmem:v12+s31+$0x0] =	vst.idx.msk vm7, v11  }
0x142: {  	v9 =	vld [tilespmem:$0xA800];
	_ =	sdelay $0x1  }
0x143: {  	vm8 =	vgt.s32 v10, v0;
	_ =	sdelay $0x5  }
0x144: {  	v11 =	vld.idx.msk [tilespmem:v9+s30+$0x0], vm8;
	_ =	sdelay $0x4  }
0x145: {  	s1 =	sshll.u32 s1, $0x7;
	v11 =	vnsel vm8, $0xC0400000, v11  }
0x146: {  	[tilespmem:s1+$0xA900] =	vst v11  }
0x147: {  	v11 =	vld.idx.msk [tilespmem:v9+s2+$0x0], vm8;
	_ =	sdelay $0x4  }
0x148: {  	[tilespmem:s1+$0xC900] =	vst v11  }
0x149: {  	v11 =	vld.idx.msk [tilespmem:v9+s22+$0x0], vm8;
	_ =	sdelay $0x4  }
0x14a: {  	[tilespmem:s1+$0xE900] =	vst v11  }
0x14b: {  	v9 =	vld.idx.msk [tilespmem:v9+s23+$0x0], vm8;
	_ =	sdelay $0x4  }
0x14c: {  	[tilespmem:s1+$0x10900] =	vst v9  }
0x14d: {  	v9 =	vld [tilespmem:$0xA810];
	_ =	sdelay $0x1  }
0x14e: {  	vm9 =	vgt.s32 v10, v2;
	_ =	sdelay $0x5  }
0x14f: {  	v11 =	vld.idx.msk [tilespmem:v9+s30+$0x0], vm9;
	_ =	sdelay $0x4  }
0x150: {  	v11 =	vnsel vm9, $0xC0400000, v11  }
0x151: {  	[tilespmem:s1+$0xA910] =	vst v11  }
0x152: {  	v11 =	vld.idx.msk [tilespmem:v9+s2+$0x0], vm9;
	_ =	sdelay $0x4  }
0x153: {  	[tilespmem:s1+$0xC910] =	vst v11  }
0x154: {  	v11 =	vld.idx.msk [tilespmem:v9+s22+$0x0], vm9;
	_ =	sdelay $0x4  }
0x155: {  	[tilespmem:s1+$0xE910] =	vst v11  }
0x156: {  	v9 =	vld.idx.msk [tilespmem:v9+s23+$0x0], vm9;
	_ =	sdelay $0x4  }
0x157: {  	[tilespmem:s1+$0x10910] =	vst v9  }
0x158: {  	v9 =	vld [tilespmem:$0xA820];
	_ =	sdelay $0x1  }
0x159: {  	vm10 =	vgt.s32 v10, v3;
	_ =	sdelay $0x5  }
0x15a: {  	v11 =	vld.idx.msk [tilespmem:v9+s30+$0x0], vm10;
	_ =	sdelay $0x4  }
0x15b: {  	v11 =	vnsel vm10, $0xC0400000, v11  }
0x15c: {  	[tilespmem:s1+$0xA920] =	vst v11  }
0x15d: {  	v11 =	vld.idx.msk [tilespmem:v9+s2+$0x0], vm10;
	_ =	sdelay $0x4  }
0x15e: {  	[tilespmem:s1+$0xC920] =	vst v11  }
0x15f: {  	v11 =	vld.idx.msk [tilespmem:v9+s22+$0x0], vm10;
	_ =	sdelay $0x4  }
0x160: {  	[tilespmem:s1+$0xE920] =	vst v11  }
0x161: {  	v9 =	vld.idx.msk [tilespmem:v9+s23+$0x0], vm10;
	_ =	sdelay $0x4  }
0x162: {  	[tilespmem:s1+$0x10920] =	vst v9  }
0x163: {  	v9 =	vld [tilespmem:$0xA830];
	_ =	sdelay $0x1  }
0x164: {  	vm11 =	vgt.s32 v10, v4;
	_ =	sdelay $0x5  }
0x165: {  	v11 =	vld.idx.msk [tilespmem:v9+s30+$0x0], vm11;
	_ =	sdelay $0x4  }
0x166: {  	v11 =	vnsel vm11, $0xC0400000, v11  }
0x167: {  	[tilespmem:s1+$0xA930] =	vst v11  }
0x168: {  	v11 =	vld.idx.msk [tilespmem:v9+s2+$0x0], vm11;
	_ =	sdelay $0x4  }
0x169: {  	[tilespmem:s1+$0xC930] =	vst v11  }
0x16a: {  	v11 =	vld.idx.msk [tilespmem:v9+s22+$0x0], vm11;
	_ =	sdelay $0x4  }
0x16b: {  	[tilespmem:s1+$0xE930] =	vst v11  }
0x16c: {  	v9 =	vld.idx.msk [tilespmem:v9+s23+$0x0], vm11;
	_ =	sdelay $0x4  }
0x16d: {  	[tilespmem:s1+$0x10930] =	vst v9  }
0x16e: {  	v9 =	vld [tilespmem:$0xA840];
	_ =	sdelay $0x1  }
0x16f: {  	vm12 =	vgt.s32 v10, v5;
	_ =	sdelay $0x5  }
0x170: {  	v11 =	vld.idx.msk [tilespmem:v9+s30+$0x0], vm12;
	_ =	sdelay $0x4  }
0x171: {  	v11 =	vnsel vm12, $0xC0400000, v11  }
0x172: {  	[tilespmem:s1+$0xA940] =	vst v11  }
0x173: {  	v11 =	vld.idx.msk [tilespmem:v9+s2+$0x0], vm12;
	_ =	sdelay $0x4  }
0x174: {  	[tilespmem:s1+$0xC940] =	vst v11  }
0x175: {  	v11 =	vld.idx.msk [tilespmem:v9+s22+$0x0], vm12;
	_ =	sdelay $0x4  }
0x176: {  	[tilespmem:s1+$0xE940] =	vst v11  }
0x177: {  	v9 =	vld.idx.msk [tilespmem:v9+s23+$0x0], vm12;
	_ =	sdelay $0x4  }
0x178: {  	[tilespmem:s1+$0x10940] =	vst v9  }
0x179: {  	v9 =	vld [tilespmem:$0xA850];
	_ =	sdelay $0x1  }
0x17a: {  	vm13 =	vgt.s32 v10, v6;
	_ =	sdelay $0x5  }
0x17b: {  	v11 =	vld.idx.msk [tilespmem:v9+s30+$0x0], vm13;
	_ =	sdelay $0x4  }
0x17c: {  	v11 =	vnsel vm13, $0xC0400000, v11  }
0x17d: {  	[tilespmem:s1+$0xA950] =	vst v11  }
0x17e: {  	v11 =	vld.idx.msk [tilespmem:v9+s2+$0x0], vm13;
	_ =	sdelay $0x4  }
0x17f: {  	[tilespmem:s1+$0xC950] =	vst v11  }
0x180: {  	v11 =	vld.idx.msk [tilespmem:v9+s22+$0x0], vm13;
	_ =	sdelay $0x4  }
0x181: {  	[tilespmem:s1+$0xE950] =	vst v11  }
0x182: {  	v9 =	vld.idx.msk [tilespmem:v9+s23+$0x0], vm13;
	_ =	sdelay $0x4  }
0x183: {  	[tilespmem:s1+$0x10950] =	vst v9  }
0x184: {  	v9 =	vld [tilespmem:$0xA860];
	_ =	sdelay $0x1  }
0x185: {  	vm14 =	vgt.s32 v10, v7;
	_ =	sdelay $0x5  }
0x186: {  	v11 =	vld.idx.msk [tilespmem:v9+s30+$0x0], vm14;
	_ =	sdelay $0x4  }
0x187: {  	v11 =	vnsel vm14, $0xC0400000, v11  }
0x188: {  	[tilespmem:s1+$0xA960] =	vst v11  }
0x189: {  	v11 =	vld.idx.msk [tilespmem:v9+s2+$0x0], vm14;
	_ =	sdelay $0x4  }
0x18a: {  	[tilespmem:s1+$0xC960] =	vst v11  }
0x18b: {  	v11 =	vld.idx.msk [tilespmem:v9+s22+$0x0], vm14;
	_ =	sdelay $0x4  }
0x18c: {  	[tilespmem:s1+$0xE960] =	vst v11  }
0x18d: {  	v9 =	vld.idx.msk [tilespmem:v9+s23+$0x0], vm14;
	_ =	sdelay $0x4  }
0x18e: {  	[tilespmem:s1+$0x10960] =	vst v9  }
0x18f: {  	v9 =	vld [tilespmem:$0xA870];
	_ =	sdelay $0x1  }
0x190: {  	vm15 =	vgt.s32 v10, v8;
	_ =	sdelay $0x5  }
0x191: {  	v10 =	vld.idx.msk [tilespmem:v9+s30+$0x0], vm15;
	_ =	sdelay $0x4  }
0x192: {  	v10 =	vnsel vm15, $0xC0400000, v10  }
0x193: {  	[tilespmem:s1+$0xA970] =	vst v10  }
0x194: {  	v10 =	vld.idx.msk [tilespmem:v9+s2+$0x0], vm15;
	_ =	sdelay $0x4  }
0x195: {  	[tilespmem:s1+$0xC970] =	vst v10  }
0x196: {  	v10 =	vld.idx.msk [tilespmem:v9+s22+$0x0], vm15;
	_ =	sdelay $0x4  }
0x197: {  	s8 =	sadd.s32 $0x1, s8;
	[tilespmem:s1+$0xE970] =	vst v10  }
0x198: {  	p0 =	sne.s32 s8, $0x20;
	v9 =	vld.idx.msk [tilespmem:v9+s23+$0x0], vm15  }
.Ltmp2:
0x199: {  	_ = 	snop;
	(pc) =	sbr.rel @p0 .LBB2_2-.Ltmp2, $2  }
0x19a: {  	_ =	sdelay $0x2  }
0x19b: {  	[tilespmem:s1+$0x10970] =	vst v9  }
0x19c: {  	_ =	swait.ge [sflag:s29], $0x2000  }
0x19d: {  	[sflag:s29] =	ssyncset.done $0x0  }
0x19e: {  	s8 =	simm.s32 $0x0;
	s1 =	rddreg [dreg:$0x8];
	[sflag:s29] =	ssyncadd.s32 $0xFFFFE000  }
0x19f: {  	[hbm4b:s1+s8] =	stream.linear.scatter [tilespmem:s5], [sflag:$0x3], $0x2000, $0x38;
	[tilespmem:$0x12900] =	vst v63  }
0x1a0: {  	_ =	swait.ge [sflag:s21], $0x2000  }
0x1a1: {  	[sflag:s21] =	ssyncset.done $0x0  }
0x1a2: {  	s4 =	simm.s32 $0xC900;
	s10 =	rddreg [dreg:$0x9];
	[sflag:s21] =	ssyncadd.s32 $0xFFFFE000  }
0x1a3: {  	[hbm4b:s10+s8] =	stream.linear.scatter [tilespmem:s4], [sflag:$0x3], $0x2000, $0x38;
	[tilespmem:$0x12900] =	vst v63  }
0x1a4: {  	_ =	swait.ge [sflag:s21], $0x2000  }
0x1a5: {  	[sflag:s21] =	ssyncset.done $0x0  }
0x1a6: {  	s13 =	simm.s32 $0xE900;
	s12 =	rddreg [dreg:$0xa];
	[sflag:s21] =	ssyncadd.s32 $0xFFFFE000  }
0x1a7: {  	[hbm4b:s12+s8] =	stream.linear.scatter [tilespmem:s13], [sflag:$0x3], $0x2000, $0x38;
	[tilespmem:$0x12900] =	vst v63  }
0x1a8: {  	_ =	swait.ge [sflag:s21], $0x2000  }
0x1a9: {  	[sflag:s21] =	ssyncset.done $0x0  }
0x1aa: {  	s24 =	simm.s32 $0x10900;
	[sflag:s21] =	ssyncadd.s32 $0xFFFFE000  }
0x1ab: {  	[hbm4b:s14+s8] =	stream.linear.scatter [tilespmem:s24], [sflag:$0x3], $0x2000, $0x38;
	[tilespmem:$0x12900] =	vst v63  }
0x1ac: {  	_ =	swait.ge [sflag:s21], $0x2000  }
0x1ad: {  	[sflag:s21] =	ssyncset.done $0x0  }
0x1ae: {  	[sflag:s21] =	ssyncadd.s32 $0xFFFFE000  }
0x1af: {  	[tilespmem:s28], [sflag:$0x1] =	stream.strided.gather [hbm4b:s15+s25], $0x2000, s26, s25, $0x38;
	[tilespmem:$0x12900] =	vst v63  }
.LBB2_8:
0x1b0: {  	s24 =	sshll.u32 s8, $0x1  }
0x1b1: {  	s9 =	sshll.u32 s8, $0x5;
	s1 =	sadd.s32 s11, s24  }
0x1b2: {  	s4 =	sand.u32 $0x60, s9;
	s1 =	sshll.u32 s1, $0xA  }
0x1b3: {  	_ =	swait.ge [sflag:s29], $0x2000;
	s4 =	sadd.s32 s4, s3;
	s1 =	sand.u32 $0xFFFE000, s1  }
0x1b4: {  	[sflag:s29] =	ssyncset.done $0x0;
	s1 =	sadd.s32 s1, s4  }
0x1b5: {  	s5 =	sand.u32 $0x3E0, s9;
	[sflag:s29] =	ssyncadd.s32 $0xFFFFE000;
	s1 =	sadd.s32 $0x10, s1  }
0x1b6: {  	[tilespmem:s30], [sflag:$0x2] =	stream.strided.gather [hbm4b:s1+s25], $0x2000, s26, s25, $0x38;
	[tilespmem:$0x12900] =	vst v63  }
0x1b7: {  	s10 =	simm.s32 $0x6040;
	v9 =	vld [tilespmem:s5+$0xA400]  }
0x1b8: {  	v10 =	vld [tilespmem:s10+$0xFFFFFFC0]  }
0x1b9: {  	v11 =	vld [tilespmem:s10+$0xFFFFFFD0]  }
0x1ba: {  	v12 =	vld [tilespmem:s10+$0xFFFFFFE0]  }
0x1bb: {  	v13 =	vld [tilespmem:s10+$0xFFFFFFF0]  }
0x1bc: {  	v14 =	vld [tilespmem:s10+$0x0];
	_ =	sdelay $0x2  }
0x1bd: {  	vm2 =	vge.f32 v10, v9;
	v10 =	vld [tilespmem:s10+$0x10]  }
0x1be: {  	v15 =	vimm.s32 $0x0;
	vm1 =	vge.f32 v11, v9;
	v11 =	vld [tilespmem:s10+$0x20];
	vm0 =	vge.f32 v12, v9  }
0x1bf: {  	v12 =	vld [tilespmem:s10+$0x30];
	vm5 =	vge.f32 v13, v9;
	vm6 =	vge.f32 v14, v9;
	v17 =	vmpcnt.ones.xlane vm2  }
0x1c0: {  	v16 =	vsel vm2, $0x1, v1;
	v18 =	vsel vm1, $0x1, v1;
	v19 =	vmpcnt.ones.xlane vm1  }
0x1c1: {  	v20 =	vmpcnt.ones.xlane vm0;
	v21 =	vsel vm6, $0x1, v1;
	(xrf0) =	vadd.scan.msk.s32 $0xffff, v16;
	v17 =	vadd.s32 v15, v17  }
0x1c2: {  	s10 =	simm.s32 $0x60C0;
	v16 =	vmpcnt.ones.xlane vm5;
	(xrf0) =	vadd.scan.msk.s32 $0xffff, v18;
	v18 =	vmpcnt.ones.xlane vm6;
	v13 =	vadd.s32 v17, v19  }
0x1c3: {  	v25 =	vld [tilespmem:s10+$0x0];
	vm6 =	vmmov vm6;
	v14 =	vadd.s32 v13, v20;
	vm3 =	vge.f32 v10, v9  }
0x1c4: {  	vm7 =	vge.f32 v11, v9;
	vm4 =	vge.f32 v12, v9;
	v12 =	vsel vm0, $0x1, v1  }
0x1c5: {  	v20 =	vsel vm5, $0x1, v1;
	vm5 =	vmmov vm5;
	v10 =	vadd.s32 v14, v16  }
0x1c6: {  	v16 =	vmpcnt.ones.xlane vm3;
	v19 =	vmpcnt.ones.xlane vm4;
	v22 =	vsel vm3, $0x1, v1  }
0x1c7: {  	(xrf0) =	vadd.scan.msk.s32 $0xffff, v12;
	v23 =	vsel vm7, $0x1, v1;
	v11 =	vadd.s32 v10, v18;
	v18 =	vmpcnt.ones.xlane vm7  }
0x1c8: {  	vm11 =	vmmov vm3;
	vm10 =	vge.f32 v25, v9;
	v16 =	vadd.s32 v11, v16;
	v12, _, _ =	vpop (xrf0);
	(xrf0) =	vadd.scan.msk.s32 $0xffff, v20  }
0x1c9: {  	vm7 =	vmmov vm7;
	v18 =	vadd.s32 v16, v18;
	v20, _, _ =	vpop (xrf0);
	v12 =	vadd.s32 v12, v15;
	(xrf0) =	vadd.scan.msk.s32 $0xffff, v21  }
0x1ca: {  	s12 =	simm.s32 $0x0;
	s13 =	simm.s32 $0x10;
	v19 =	vadd.s32 v18, v19;
	v15 =	vadd.s32 v20, v17;
	v17 =	vsel vm4, $0x1, v1;
	(xrf0) =	vadd.scan.msk.s32 $0xffff, v22  }
0x1cb: {  	v12 =	vadd.s32 $0xFFFFFFFF, v12;
	v20 =	vor.u32 s12, v0;
	v22 =	vor.u32 s13, v0;
	s12 =	simm.s32 $0x30  }
0x1cc: {  	s13 =	simm.s32 $0x40;
	v15 =	vadd.s32 $0xFFFFFFFF, v15;
	vm8 =	vlt.s32 v12, $0x88;
	(xrf0) =	vadd.scan.msk.s32 $0xffff, v23;
	v26 =	vor.u32 s12, v0  }
0x1cd: {  	v23 =	vld [tilespmem:s10+$0xFFFFFFC0];
	v27 =	vor.u32 s13, v0;
	s13 =	simm.s32 $0x60;
	vm9 =	vlt.s32 v15, $0x88;
	v12 =	vnsel vm8, $0x88, v12;
	(xrf0) =	vadd.scan.msk.s32 $0xffff, v17;
	v17, _, _ =	vpop (xrf0)  }
0x1ce: {  	s1 =	simm.s32 $0x70;
	v28 =	vor.u32 s13, v0;
	v15 =	vnsel vm9, $0x88, v15;
	v13 =	vadd.s32 v17, v13;
	v21, _, _ =	vpop (xrf0)  }
0x1cf: {  	v17 =	vor.u32 s1, v0;
	v13 =	vadd.s32 $0xFFFFFFFF, v13;
	v14 =	vadd.s32 v21, v14;
	v21, _, _ =	vpop (xrf0)  }
0x1d0: {  	v62 =	vld [tilespmem:s10+$0x30];
	vm3 =	vlt.s32 v13, $0x88;
	v14 =	vadd.s32 $0xFFFFFFFF, v14;
	v10 =	vadd.s32 v21, v10;
	v21, _, _ =	vpop (xrf0)  }
0x1d1: {  	s12 =	simm.s32 $0x50;
	vm8 =	vlt.s32 v14, $0x88;
	v10 =	vadd.s32 $0xFFFFFFFF, v10;
	v11 =	vadd.s32 v21, v11  }
0x1d2: {  	v21, _, _ =	vpop (xrf0);
	v13 =	vnsel vm3, $0x88, v13;
	[tilespmem:v12+s31+$0x0] =	vst.idx.msk vm2, v20;
	vm2 =	vge.f32 v23, v9;
	v23 =	vor.u32 s12, v0  }
0x1d3: {  	v24 =	vld [tilespmem:s10+$0xFFFFFFE0];
	vm9 =	vlt.s32 v10, $0x88;
	v11 =	vadd.s32 $0xFFFFFFFF, v11;
	v16 =	vadd.s32 v21, v16;
	v21, _, _ =	vpop (xrf0)  }
0x1d4: {  	v14 =	vnsel vm8, $0x88, v14;
	[tilespmem:v15+s31+$0x0] =	vst.idx.msk vm1, v22;
	v15 =	vsel vm2, $0x1, v1;
	v18 =	vadd.s32 v21, v18;
	v21 =	vld [tilespmem:s10+$0xFFFFFFD0]  }
0x1d5: {  	v12 =	vld [tilespmem:s10+$0xFFFFFFF0];
	v29 =	vmpcnt.ones.xlane vm2;
	vm1 =	vge.f32 v62, v9;
	vm3 =	vlt.s32 v11, $0x88  }
0x1d6: {  	v22 =	vld [tilespmem:s10+$0x10];
	v16 =	vadd.s32 $0xFFFFFFFF, v16;
	v10 =	vnsel vm9, $0x88, v10;
	v18 =	vadd.s32 $0xFFFFFFFF, v18  }
0x1d7: {  	s5 =	simm.s32 $0x20;
	vm8 =	vlt.s32 v16, $0x88;
	v11 =	vnsel vm3, $0x88, v11;
	v29 =	vadd.s32 v19, v29  }
0x1d8: {  	(xrf0) =	vadd.scan.msk.s32 $0xffff, v15;
	vm9 =	vlt.s32 v18, $0x88;
	v20 =	vnsel vm8, $0x88, v16;
	v16 =	vor.u32 s5, v0  }
0x1d9: {  	v18 =	vnsel vm9, $0x88, v18;
	[tilespmem:v13+s31+$0x0] =	vst.idx.msk vm0, v16;
	vm0 =	vge.f32 v24, v9;
	vm3 =	vge.f32 v21, v9  }
0x1da: {  	vm12 =	vge.f32 v12, v9;
	v15 =	vmpcnt.ones.xlane vm0;
	[tilespmem:v14+s31+$0x0] =	vst.idx.msk vm5, v26;
	v21 =	vld [tilespmem:s10+$0x20];
	v13 =	vsel vm3, $0x1, v1  }
0x1db: {  	vm8 =	vge.f32 v22, v9;
	[tilespmem:v10+s31+$0x0] =	vst.idx.msk vm6, v27;
	v16 =	vmpcnt.ones.xlane vm3;
	(xrf0) =	vadd.scan.msk.s32 $0xffff, v13  }
0x1dc: {  	v12 =	vmpcnt.ones.xlane vm12;
	v22 =	vsel vm12, $0x1, v1;
	v63 =	vsel vm8, $0x1, v1;
	[tilespmem:v11+s31+$0x0] =	vst.idx.msk vm11, v23  }
0x1dd: {  	v11 =	vsel vm0, $0x1, v1;
	v23 =	vsel vm10, $0x1, v1;
	[tilespmem:v20+s31+$0x0] =	vst.idx.msk vm7, v28;
	v16 =	vadd.s32 v29, v16  }
0x1de: {  	v13 =	vmpcnt.ones.xlane vm10;
	v20, _, _ =	vpop (xrf0);
	[tilespmem:v18+s31+$0x0] =	vst.idx.msk vm4, v17;
	v17 =	vmpcnt.ones.xlane vm8;
	v15 =	vadd.s32 v16, v15  }
0x1df: {  	v19 =	vadd.s32 v20, v19;
	v14 =	vadd.s32 v15, v12;
	vm9 =	vge.f32 v21, v9  }
0x1e0: {  	(xrf0) =	vadd.scan.msk.s32 $0xffff, v11;
	vm4 =	vmmov vm12;
	v12 =	vadd.s32 v14, v13;
	v10 =	vmpcnt.ones.xlane vm9  }
0x1e1: {  	v19 =	vadd.s32 $0xFFFFFFFF, v19;
	v21 =	vmpcnt.ones.xlane vm1;
	v13 =	vadd.s32 v12, v17;
	v11, _, _ =	vpop (xrf0);
	(xrf0) =	vadd.scan.msk.s32 $0xffff, v22  }
0x1e2: {  	v18 =	vsel vm9, $0x1, v1;
	v17 =	vadd.s32 v13, v10;
	v11 =	vadd.s32 v11, v29;
	(xrf0) =	vadd.scan.msk.s32 $0xffff, v23  }
0x1e3: {  	s12 =	simm.s32 $0x8;
	v10 =	vadd.s32 v17, v21;
	v21 =	vsel vm1, $0x1, v1;
	v20 =	vadd.s32 $0xFFFFFFFF, v11;
	(xrf0) =	vadd.scan.msk.s32 $0xffff, v63  }
.LBB2_9:
0x1e4: {  	s12 =	sadd.s32 $0x8, s12;
	vm6 =	vlt.s32 v19, $0x88;
	vm7 =	vlt.s32 v20, $0x88;
	(xrf0) =	vadd.scan.msk.s32 $0xffff, v18;
	v11 =	vmovc v10;
	vm5 =	vmmov vm10  }
0x1e5: {  	s1 =	sadd.s32 $0x80, s1;
	p0 =	slt.u32 s12, $0x1F8;
	v18 =	vnsel vm6, $0x88, v19;
	v19 =	vnsel vm7, $0x88, v20;
	(xrf0) =	vadd.scan.msk.s32 $0xffff, v21;
	vm7 =	vmmov vm8  }
0x1e6: {  	s4 =	sadd.s32 $0xFFFFFF90, s1;
	vm6 =	vmmov vm9;
	v20, _, _ =	vpop (xrf0)  }
0x1e7: {  	v21 =	vor.u32 s4, v0;
	s4 =	sadd.s32 $0xFFFFFFA0, s1;
	v16 =	vadd.s32 v20, v16;
	v20 =	vor.u32 s1, v0;
	v22, _, _ =	vpop (xrf0)  }
0x1e8: {  	v23 =	vor.u32 s4, v0;
	v16 =	vadd.s32 $0xFFFFFFFF, v16;
	v15 =	vadd.s32 v22, v15;
	v22, _, _ =	vpop (xrf0)  }
0x1e9: {  	vm8 =	vlt.s32 v16, $0x88;
	v15 =	vadd.s32 $0xFFFFFFFF, v15;
	v14 =	vadd.s32 v22, v14;
	v22, _, _ =	vpop (xrf0)  }
0x1ea: {  	[tilespmem:v18+s31+$0x0] =	vst.idx.msk vm2, v21;
	vm2 =	vlt.s32 v15, $0x88;
	v14 =	vadd.s32 $0xFFFFFFFF, v14;
	v12 =	vadd.s32 v22, v12;
	v18, _, _ =	vpop (xrf0)  }
0x1eb: {  	s10 =	sadd.s32 $0x80, s10;
	[tilespmem:v19+s31+$0x0] =	vst.idx.msk vm3, v23;
	vm3 =	vlt.s32 v14, $0x88;
	v12 =	vadd.s32 $0xFFFFFFFF, v12;
	v13 =	vadd.s32 v18, v13;
	v18, _, _ =	vpop (xrf0)  }
0x1ec: {  	v19 =	vld [tilespmem:s10+$0xFFFFFFC0];
	vm9 =	vlt.s32 v12, $0x88;
	v13 =	vadd.s32 $0xFFFFFFFF, v13;
	v17 =	vadd.s32 v18, v17  }
0x1ed: {  	v16 =	vnsel vm8, $0x88, v16;
	v18 =	vld [tilespmem:s10+$0xFFFFFFD0];
	vm8 =	vlt.s32 v13, $0x88;
	v17 =	vadd.s32 $0xFFFFFFFF, v17  }
0x1ee: {  	v22 =	vnsel vm2, $0x88, v15;
	v23 =	vnsel vm3, $0x88, v14;
	v21 =	vld [tilespmem:s10+$0xFFFFFFE0];
	vm2 =	vlt.s32 v17, $0x88  }
0x1ef: {  	s13 =	sadd.s32 $0xFFFFFFC0, s1;
	s5 =	sadd.s32 $0xFFFFFFD0, s1;
	s4 =	sadd.s32 $0xFFFFFFB0, s1;
	v24 =	vnsel vm9, $0x88, v12;
	v25 =	vnsel vm8, $0x88, v13;
	v14 =	vld [tilespmem:s10+$0xFFFFFFF0];
	v12 =	vnsel vm2, $0x88, v17  }
0x1f0: {  	v26 =	vor.u32 s5, v0;
	s5 =	sadd.s32 $0xFFFFFFF0, s1;
	v15 =	vor.u32 s4, v0;
	s4 =	sadd.s32 $0xFFFFFFE0, s1;
	v17 =	vor.u32 s13, v0;
	v13 =	vld [tilespmem:s10+$0x0]  }
0x1f1: {  	v28 =	vor.u32 s5, v0;
	v27 =	vor.u32 s4, v0;
	vm2 =	vge.f32 v19, v9;
	v19 =	vld [tilespmem:s10+$0x10]  }
0x1f2: {  	v29 =	vsel vm2, $0x1, v1;
	v30 =	vmpcnt.ones.xlane vm2;
	vm3 =	vge.f32 v18, v9;
	v18 =	vld [tilespmem:s10+$0x20];
	[tilespmem:v16+s31+$0x0] =	vst.idx.msk vm0, v15  }
0x1f3: {  	v15 =	vsel vm3, $0x1, v1;
	v16 =	vmpcnt.ones.xlane vm3;
	vm0 =	vge.f32 v21, v9;
	v21 =	vld [tilespmem:s10+$0x30];
	(xrf0) =	vadd.scan.msk.s32 $0xffff, v29  }
0x1f4: {  	v29 =	vadd.s32 v10, v30;
	v10 =	vmpcnt.ones.xlane vm0;
	vm11 =	vge.f32 v14, v9;
	(xrf0) =	vadd.scan.msk.s32 $0xffff, v15  }
0x1f5: {  	v16 =	vadd.s32 v29, v16;
	v14 =	vmpcnt.ones.xlane vm11;
	vm10 =	vge.f32 v13, v9;
	[tilespmem:v12+s31+$0x0] =	vst.idx.msk vm1, v20  }
0x1f6: {  	v15 =	vadd.s32 v16, v10;
	v10 =	vmpcnt.ones.xlane vm10;
	vm8 =	vge.f32 v19, v9;
	[tilespmem:v22+s31+$0x0] =	vst.idx.msk vm4, v17  }
0x1f7: {  	v14 =	vadd.s32 v15, v14;
	v13 =	vmpcnt.ones.xlane vm8;
	vm9 =	vge.f32 v18, v9;
	[tilespmem:v23+s31+$0x0] =	vst.idx.msk vm5, v26  }
0x1f8: {  	v12 =	vadd.s32 v14, v10;
	v10 =	vmpcnt.ones.xlane vm9;
	vm1 =	vge.f32 v21, v9;
	[tilespmem:v24+s31+$0x0] =	vst.idx.msk vm7, v27  }
.Ltmp3:
0x1f9: {  	v18 =	vsel vm0, $0x1, v1;
	v13 =	vadd.s32 v12, v13;
	v19 =	vmpcnt.ones.xlane vm1;
	v20, _, _ =	vpop (xrf0);
	[tilespmem:v25+s31+$0x0] =	vst.idx.msk vm6, v28;
	(pc) =	sbr.rel @p0 .LBB2_9-.Ltmp3, $4  }
0x1fa: {  	v22 =	vsel vm10, $0x1, v1;
	v21 =	vsel vm11, $0x1, v1;
	v17 =	vadd.s32 v13, v10;
	v23, _, _ =	vpop (xrf0);
	(xrf0) =	vadd.scan.msk.s32 $0xffff, v18  }
0x1fb: {  	v24 =	vsel vm8, $0x1, v1;
	v18 =	vsel vm9, $0x1, v1;
	v10 =	vadd.s32 v17, v19;
	(xrf0) =	vadd.scan.msk.s32 $0xffff, v21  }
0x1fc: {  	v11 =	vadd.s32 v20, v11;
	v20 =	vadd.s32 v23, v29;
	v21 =	vsel vm1, $0x1, v1;
	(xrf0) =	vadd.scan.msk.s32 $0xffff, v22  }
0x1fd: {  	vm4 =	vmmov vm11;
	v19 =	vadd.s32 $0xFFFFFFFF, v11;
	v20 =	vadd.s32 $0xFFFFFFFF, v20;
	(xrf0) =	vadd.scan.msk.s32 $0xffff, v24  }
0x1fe: {  	(xrf0) =	vadd.scan.msk.s32 $0xffff, v18  }
0x1ff: {  	vm6 =	vlt.s32 v19, $0x88;
	vm7 =	vlt.s32 v20, $0x88;
	vm5 =	vmmov vm10;
	s1 =	sadd.s32 $0x80, s1;
	(xrf0) =	vadd.scan.msk.s32 $0xffff, v21  }
0x200: {  	v19 =	vnsel vm6, $0x88, v19;
	v20 =	vnsel vm7, $0x88, v20;
	vm6 =	vmmov vm8;
	s4 =	sadd.s32 $0xFFFFFF90, s1;
	v9, _, _ =	vpop (xrf0)  }
0x201: {  	vm7 =	vmmov vm9;
	s13 =	sadd.s32 $0xFFFFFFA0, s1;
	v22 =	vor.u32 s4, v0;
	v11, _, _ =	vpop (xrf0);
	v9 =	vadd.s32 v9, v16  }
0x202: {  	v23 =	vor.u32 s13, v0;
	v18, _, _ =	vpop (xrf0);
	v9 =	vadd.s32 $0xFFFFFFFF, v9;
	v11 =	vadd.s32 v11, v15  }
0x203: {  	v21, _, _ =	vpop (xrf0);
	vm8 =	vlt.s32 v9, $0x88;
	v11 =	vadd.s32 $0xFFFFFFFF, v11;
	v14 =	vadd.s32 v18, v14  }
0x204: {  	v16, _, _ =	vpop (xrf0);
	vm9 =	vlt.s32 v11, $0x88;
	v9 =	vnsel vm8, $0x88, v9;
	v12 =	vadd.s32 v21, v12  }
0x205: {  	v15, _, _ =	vpop (xrf0);
	v12 =	vadd.s32 $0xFFFFFFFF, v12;
	v13 =	vadd.s32 v16, v13;
	v11 =	vnsel vm9, $0x88, v11  }
0x206: {  	[tilespmem:v19+s31+$0x0] =	vst.idx.msk vm2, v22;
	v15 =	vadd.s32 v15, v17;
	vm2 =	vlt.s32 v12, $0x88;
	v13 =	vadd.s32 $0xFFFFFFFF, v13  }
0x207: {  	[tilespmem:v20+s31+$0x0] =	vst.idx.msk vm3, v23;
	v15 =	vadd.s32 $0xFFFFFFFF, v15;
	vm3 =	vlt.s32 v13, $0x88;
	v12 =	vnsel vm2, $0x88, v12  }
0x208: {  	s5 =	sadd.s32 $0xFFFFFFB0, s1;
	v14 =	vadd.s32 $0xFFFFFFFF, v14;
	vm8 =	vlt.s32 v15, $0x88;
	v13 =	vnsel vm3, $0x88, v13  }
0x209: {  	s10 =	sadd.s32 $0xFFFFFFC0, s1;
	vm10 =	vlt.s32 v14, $0x88;
	v16 =	vor.u32 s5, v0;
	v15 =	vnsel vm8, $0x88, v15  }
0x20a: {  	s12 =	sadd.s32 $0xFFFFFFE0, s1;
	v14 =	vnsel vm10, $0x88, v14;
	[tilespmem:v9+s31+$0x0] =	vst.idx.msk vm0, v16;
	v9 =	vor.u32 s10, v0  }
0x20b: {  	s5 =	sadd.s32 $0xFFFFFFD0, s1;
	v17 =	vor.u32 s1, v0;
	s1 =	sadd.s32 $0xFFFFFFF0, s1;
	[tilespmem:v11+s31+$0x0] =	vst.idx.msk vm4, v9;
	v9 =	vor.u32 s12, v0  }
0x20c: {  	v11 =	vor.u32 s1, v0;
	[tilespmem:v12+s31+$0x0] =	vst.idx.msk vm6, v9  }
0x20d: {  	[tilespmem:v13+s31+$0x0] =	vst.idx.msk vm7, v11  }
0x20e: {  	[tilespmem:v15+s31+$0x0] =	vst.idx.msk vm1, v17;
	v15 =	vor.u32 s5, v0  }
0x20f: {  	[tilespmem:v14+s31+$0x0] =	vst.idx.msk vm5, v15  }
0x210: {  	v9 =	vld [tilespmem:$0xA800];
	_ =	sdelay $0x1  }
0x211: {  	vm0 =	vgt.s32 v10, v0;
	_ =	sdelay $0x5  }
0x212: {  	v11 =	vld.idx.msk [tilespmem:v9+s28+$0x0], vm0;
	_ =	sdelay $0x4  }
0x213: {  	s1 =	sshll.u32 s8, $0x8;
	v11 =	vnsel vm0, $0xC0400000, v11  }
0x214: {  	[tilespmem:s1+$0xA900] =	vst v11  }
0x215: {  	v11 =	vld.idx.msk [tilespmem:v9+s2+$0x0], vm0;
	_ =	sdelay $0x4  }
0x216: {  	[tilespmem:s1+$0xC900] =	vst v11  }
0x217: {  	v11 =	vld.idx.msk [tilespmem:v9+s22+$0x0], vm0;
	_ =	sdelay $0x4  }
0x218: {  	[tilespmem:s1+$0xE900] =	vst v11  }
0x219: {  	v9 =	vld.idx.msk [tilespmem:v9+s23+$0x0], vm0;
	_ =	sdelay $0x4  }
0x21a: {  	[tilespmem:s1+$0x10900] =	vst v9  }
0x21b: {  	v9 =	vld [tilespmem:$0xA810];
	_ =	sdelay $0x1  }
0x21c: {  	vm0 =	vgt.s32 v10, v2;
	_ =	sdelay $0x5  }
0x21d: {  	v11 =	vld.idx.msk [tilespmem:v9+s28+$0x0], vm0;
	_ =	sdelay $0x4  }
0x21e: {  	v11 =	vnsel vm0, $0xC0400000, v11  }
0x21f: {  	[tilespmem:s1+$0xA910] =	vst v11  }
0x220: {  	v11 =	vld.idx.msk [tilespmem:v9+s2+$0x0], vm0;
	_ =	sdelay $0x4  }
0x221: {  	[tilespmem:s1+$0xC910] =	vst v11  }
0x222: {  	v11 =	vld.idx.msk [tilespmem:v9+s22+$0x0], vm0;
	_ =	sdelay $0x4  }
0x223: {  	[tilespmem:s1+$0xE910] =	vst v11  }
0x224: {  	v9 =	vld.idx.msk [tilespmem:v9+s23+$0x0], vm0;
	_ =	sdelay $0x4  }
0x225: {  	[tilespmem:s1+$0x10910] =	vst v9  }
0x226: {  	v9 =	vld [tilespmem:$0xA820];
	_ =	sdelay $0x1  }
0x227: {  	vm0 =	vgt.s32 v10, v3;
	_ =	sdelay $0x5  }
0x228: {  	v11 =	vld.idx.msk [tilespmem:v9+s28+$0x0], vm0;
	_ =	sdelay $0x4  }
0x229: {  	v11 =	vnsel vm0, $0xC0400000, v11  }
0x22a: {  	[tilespmem:s1+$0xA920] =	vst v11  }
0x22b: {  	v11 =	vld.idx.msk [tilespmem:v9+s2+$0x0], vm0;
	_ =	sdelay $0x4  }
0x22c: {  	[tilespmem:s1+$0xC920] =	vst v11  }
0x22d: {  	v11 =	vld.idx.msk [tilespmem:v9+s22+$0x0], vm0;
	_ =	sdelay $0x4  }
0x22e: {  	[tilespmem:s1+$0xE920] =	vst v11  }
0x22f: {  	v9 =	vld.idx.msk [tilespmem:v9+s23+$0x0], vm0;
	_ =	sdelay $0x4  }
0x230: {  	[tilespmem:s1+$0x10920] =	vst v9  }
0x231: {  	v9 =	vld [tilespmem:$0xA830];
	_ =	sdelay $0x1  }
0x232: {  	vm0 =	vgt.s32 v10, v4;
	_ =	sdelay $0x5  }
0x233: {  	v11 =	vld.idx.msk [tilespmem:v9+s28+$0x0], vm0;
	_ =	sdelay $0x4  }
0x234: {  	v11 =	vnsel vm0, $0xC0400000, v11  }
0x235: {  	[tilespmem:s1+$0xA930] =	vst v11  }
0x236: {  	v11 =	vld.idx.msk [tilespmem:v9+s2+$0x0], vm0;
	_ =	sdelay $0x4  }
0x237: {  	[tilespmem:s1+$0xC930] =	vst v11  }
0x238: {  	v11 =	vld.idx.msk [tilespmem:v9+s22+$0x0], vm0;
	_ =	sdelay $0x4  }
0x239: {  	[tilespmem:s1+$0xE930] =	vst v11  }
0x23a: {  	v9 =	vld.idx.msk [tilespmem:v9+s23+$0x0], vm0;
	_ =	sdelay $0x4  }
0x23b: {  	[tilespmem:s1+$0x10930] =	vst v9  }
0x23c: {  	v9 =	vld [tilespmem:$0xA840];
	_ =	sdelay $0x1  }
0x23d: {  	vm0 =	vgt.s32 v10, v5;
	_ =	sdelay $0x5  }
0x23e: {  	v11 =	vld.idx.msk [tilespmem:v9+s28+$0x0], vm0;
	_ =	sdelay $0x4  }
0x23f: {  	v11 =	vnsel vm0, $0xC0400000, v11  }
0x240: {  	[tilespmem:s1+$0xA940] =	vst v11  }
0x241: {  	v11 =	vld.idx.msk [tilespmem:v9+s2+$0x0], vm0;
	_ =	sdelay $0x4  }
0x242: {  	[tilespmem:s1+$0xC940] =	vst v11  }
0x243: {  	v11 =	vld.idx.msk [tilespmem:v9+s22+$0x0], vm0;
	_ =	sdelay $0x4  }
0x244: {  	[tilespmem:s1+$0xE940] =	vst v11  }
0x245: {  	v9 =	vld.idx.msk [tilespmem:v9+s23+$0x0], vm0;
	_ =	sdelay $0x4  }
0x246: {  	[tilespmem:s1+$0x10940] =	vst v9  }
0x247: {  	v9 =	vld [tilespmem:$0xA850];
	_ =	sdelay $0x1  }
0x248: {  	vm0 =	vgt.s32 v10, v6;
	_ =	sdelay $0x5  }
0x249: {  	v11 =	vld.idx.msk [tilespmem:v9+s28+$0x0], vm0;
	_ =	sdelay $0x4  }
0x24a: {  	v11 =	vnsel vm0, $0xC0400000, v11  }
0x24b: {  	[tilespmem:s1+$0xA950] =	vst v11  }
0x24c: {  	v11 =	vld.idx.msk [tilespmem:v9+s2+$0x0], vm0;
	_ =	sdelay $0x4  }
0x24d: {  	[tilespmem:s1+$0xC950] =	vst v11  }
0x24e: {  	v11 =	vld.idx.msk [tilespmem:v9+s22+$0x0], vm0;
	_ =	sdelay $0x4  }
0x24f: {  	[tilespmem:s1+$0xE950] =	vst v11  }
0x250: {  	v9 =	vld.idx.msk [tilespmem:v9+s23+$0x0], vm0;
	_ =	sdelay $0x4  }
0x251: {  	[tilespmem:s1+$0x10950] =	vst v9  }
0x252: {  	v9 =	vld [tilespmem:$0xA860];
	_ =	sdelay $0x1  }
0x253: {  	vm0 =	vgt.s32 v10, v7;
	_ =	sdelay $0x5  }
0x254: {  	v11 =	vld.idx.msk [tilespmem:v9+s28+$0x0], vm0;
	_ =	sdelay $0x4  }
0x255: {  	v11 =	vnsel vm0, $0xC0400000, v11  }
0x256: {  	[tilespmem:s1+$0xA960] =	vst v11  }
0x257: {  	v11 =	vld.idx.msk [tilespmem:v9+s2+$0x0], vm0;
	_ =	sdelay $0x4  }
0x258: {  	[tilespmem:s1+$0xC960] =	vst v11  }
0x259: {  	v11 =	vld.idx.msk [tilespmem:v9+s22+$0x0], vm0;
	_ =	sdelay $0x4  }
0x25a: {  	[tilespmem:s1+$0xE960] =	vst v11  }
0x25b: {  	v9 =	vld.idx.msk [tilespmem:v9+s23+$0x0], vm0;
	_ =	sdelay $0x4  }
0x25c: {  	[tilespmem:s1+$0x10960] =	vst v9  }
0x25d: {  	v9 =	vld [tilespmem:$0xA870];
	_ =	sdelay $0x1  }
0x25e: {  	vm0 =	vgt.s32 v10, v8;
	_ =	sdelay $0x5  }
0x25f: {  	v10 =	vld.idx.msk [tilespmem:v9+s28+$0x0], vm0;
	_ =	sdelay $0x4  }
0x260: {  	v10 =	vnsel vm0, $0xC0400000, v10  }
0x261: {  	[tilespmem:s1+$0xA970] =	vst v10  }
0x262: {  	v10 =	vld.idx.msk [tilespmem:v9+s2+$0x0], vm0;
	_ =	sdelay $0x4  }
0x263: {  	[tilespmem:s1+$0xC970] =	vst v10  }
0x264: {  	v10 =	vld.idx.msk [tilespmem:v9+s22+$0x0], vm0;
	_ =	sdelay $0x4  }
0x265: {  	[tilespmem:s1+$0xE970] =	vst v10  }
0x266: {  	v9 =	vld.idx.msk [tilespmem:v9+s23+$0x0], vm0;
	_ =	sdelay $0x2  }
0x267: {  	s13 =	smin.u32 s24, $0x3D  }
0x268: {  	s4 =	sadd.s32 $0x2, s13  }
0x269: {  	s24 =	sadd.s32 s11, s4;
	s4 =	sshll.u32 s4, $0x4;
	[tilespmem:s1+$0x10970] =	vst v9  }
0x26a: {  	s4 =	sand.u32 $0x70, s4;
	s5 =	sshll.u32 s24, $0xA;
	_ =	swait.ge [sflag:s0], $0x2000  }
0x26b: {  	s4 =	sadd.s32 s3, s4;
	s5 =	sand.u32 $0x7FE000, s5;
	[sflag:s0] =	ssyncset.done $0x0  }
0x26c: {  	s4 =	sadd.s32 s5, s4;
	s5 =	sand.u32 $0x3FFFFFE0, s9;
	[sflag:s0] =	ssyncadd.s32 $0xFFFFE000  }
0x26d: {  	[tilespmem:s28], [sflag:$0x1] =	stream.strided.gather [hbm4b:s4+s25], $0x2000, s26, s25, $0x38;
	[tilespmem:$0x12900] =	vst v63  }
0x26e: {  	s9 =	simm.s32 $0x8040;
	v9 =	vld [tilespmem:s5+$0xA410]  }
0x26f: {  	v10 =	vld [tilespmem:s9+$0xFFFFFFC0]  }
0x270: {  	v11 =	vld [tilespmem:s9+$0xFFFFFFD0]  }
0x271: {  	v12 =	vld [tilespmem:s9+$0xFFFFFFE0]  }
0x272: {  	v13 =	vld [tilespmem:s9+$0xFFFFFFF0]  }
0x273: {  	v14 =	vld [tilespmem:s9+$0x0]  }
0x274: {  	s13 =	simm.s32 $0x20  }
0x275: {  	v25 =	vor.u32 s13, v0;
	s24 =	simm.s32 $0x30  }
0x276: {  	v15 =	vimm.s32 $0x0;
	v26 =	vor.u32 s24, v0;
	vm2 =	vge.f32 v10, v9;
	v10 =	vld [tilespmem:s9+$0x10]  }
0x277: {  	vm1 =	vge.f32 v11, v9;
	vm0 =	vge.f32 v12, v9;
	v12 =	vld [tilespmem:s9+$0x30];
	vm5 =	vge.f32 v13, v9  }
0x278: {  	v11 =	vld [tilespmem:s9+$0x20];
	vm6 =	vge.f32 v14, v9;
	v16 =	vsel vm2, $0x1, v1;
	v17 =	vmpcnt.ones.xlane vm2  }
0x279: {  	v18 =	vsel vm1, $0x1, v1;
	v19 =	vmpcnt.ones.xlane vm1;
	v20 =	vmpcnt.ones.xlane vm0;
	(xrf0) =	vadd.scan.msk.s32 $0xffff, v16  }
0x27a: {  	v21 =	vsel vm6, $0x1, v1;
	v16 =	vmpcnt.ones.xlane vm5;
	v17 =	vadd.s32 v15, v17;
	(xrf0) =	vadd.scan.msk.s32 $0xffff, v18  }
0x27b: {  	v18 =	vmpcnt.ones.xlane vm6;
	vm6 =	vmmov vm6;
	v13 =	vadd.s32 v17, v19  }
0x27c: {  	v14 =	vadd.s32 v13, v20;
	vm4 =	vge.f32 v12, v9;
	v12 =	vsel vm0, $0x1, v1  }
0x27d: {  	vm3 =	vge.f32 v10, v9;
	vm7 =	vge.f32 v11, v9;
	v20 =	vsel vm5, $0x1, v1  }
0x27e: {  	vm5 =	vmmov vm5;
	v10 =	vadd.s32 v14, v16;
	v16 =	vmpcnt.ones.xlane vm3;
	(xrf0) =	vadd.scan.msk.s32 $0xffff, v12  }
0x27f: {  	v19 =	vmpcnt.ones.xlane vm4;
	v22 =	vsel vm3, $0x1, v1;
	v11 =	vadd.s32 v10, v18;
	(xrf0) =	vadd.scan.msk.s32 $0xffff, v20;
	v12, _, _ =	vpop (xrf0)  }
0x280: {  	v23 =	vsel vm7, $0x1, v1;
	v18 =	vmpcnt.ones.xlane vm7;
	v16 =	vadd.s32 v11, v16;
	v20, _, _ =	vpop (xrf0)  }
0x281: {  	(xrf0) =	vadd.scan.msk.s32 $0xffff, v21;
	v12 =	vadd.s32 v12, v15;
	v15 =	vadd.s32 v20, v17;
	v17 =	vsel vm4, $0x1, v1  }
0x282: {  	s12 =	simm.s32 $0x10;
	vm11 =	vmmov vm3;
	vm7 =	vmmov vm7;
	v18 =	vadd.s32 v16, v18;
	(xrf0) =	vadd.scan.msk.s32 $0xffff, v22  }
0x283: {  	s10 =	simm.s32 $0x0;
	v22 =	vor.u32 s12, v0;
	v19 =	vadd.s32 v18, v19;
	v12 =	vadd.s32 $0xFFFFFFFF, v12;
	(xrf0) =	vadd.scan.msk.s32 $0xffff, v23  }
0x284: {  	s12 =	simm.s32 $0x40;
	v20 =	vor.u32 s10, v0;
	s10 =	simm.s32 $0x80C0;
	v15 =	vadd.s32 $0xFFFFFFFF, v15;
	vm8 =	vlt.s32 v12, $0x88;
	(xrf0) =	vadd.scan.msk.s32 $0xffff, v17;
	v17, _, _ =	vpop (xrf0)  }
0x285: {  	v27 =	vor.u32 s12, v0;
	v23 =	vld [tilespmem:s10+$0xFFFFFFC0];
	vm9 =	vlt.s32 v15, $0x88;
	v12 =	vnsel vm8, $0x88, v12;
	v21, _, _ =	vpop (xrf0)  }
0x286: {  	s9 =	simm.s32 $0x70;
	v15 =	vnsel vm9, $0x88, v15;
	v13 =	vadd.s32 v17, v13;
	v14 =	vadd.s32 v21, v14  }
0x287: {  	v17 =	vor.u32 s9, v0;
	v13 =	vadd.s32 $0xFFFFFFFF, v13;
	v21, _, _ =	vpop (xrf0);
	v14 =	vadd.s32 $0xFFFFFFFF, v14  }
0x288: {  	vm3 =	vlt.s32 v13, $0x88;
	v10 =	vadd.s32 v21, v10;
	v21, _, _ =	vpop (xrf0);
	vm8 =	vlt.s32 v14, $0x88  }
0x289: {  	s24 =	simm.s32 $0x60;
	v30 =	vld [tilespmem:s10+$0x30];
	v10 =	vadd.s32 $0xFFFFFFFF, v10;
	v11 =	vadd.s32 v21, v11;
	v13 =	vnsel vm3, $0x88, v13  }
0x28a: {  	v21, _, _ =	vpop (xrf0);
	[tilespmem:v12+s31+$0x0] =	vst.idx.msk vm2, v20;
	v12 =	vld [tilespmem:s10+$0xFFFFFFF0];
	vm2 =	vge.f32 v23, v9;
	v23 =	vor.u32 s24, v0;
	vm9 =	vlt.s32 v10, $0x88  }
0x28b: {  	s13 =	simm.s32 $0x50;
	v11 =	vadd.s32 $0xFFFFFFFF, v11;
	v16 =	vadd.s32 v21, v16;
	v21, _, _ =	vpop (xrf0);
	v24 =	vnsel vm8, $0x88, v14;
	v14 =	vld [tilespmem:s10+$0xFFFFFFE0]  }
0x28c: {  	[tilespmem:v15+s31+$0x0] =	vst.idx.msk vm1, v22;
	v22 =	vor.u32 s13, v0;
	v28 =	vsel vm2, $0x1, v1;
	v18 =	vadd.s32 v21, v18;
	v21 =	vld [tilespmem:s10+$0xFFFFFFD0]  }
0x28d: {  	v15 =	vld [tilespmem:s10+$0x10];
	v29 =	vmpcnt.ones.xlane vm2;
	vm3 =	vlt.s32 v11, $0x88;
	v16 =	vadd.s32 $0xFFFFFFFF, v16  }
0x28e: {  	(xrf0) =	vadd.scan.msk.s32 $0xffff, v28;
	v18 =	vadd.s32 $0xFFFFFFFF, v18;
	vm8 =	vlt.s32 v16, $0x88;
	v11 =	vnsel vm3, $0x88, v11  }
0x28f: {  	v10 =	vnsel vm9, $0x88, v10;
	vm9 =	vlt.s32 v18, $0x88;
	v20 =	vnsel vm8, $0x88, v16  }
0x290: {  	vm1 =	vge.f32 v30, v9;
	v61 =	vadd.s32 v19, v29;
	v16 =	vnsel vm9, $0x88, v18;
	v18 =	vld [tilespmem:s10+$0x0];
	[tilespmem:v13+s31+$0x0] =	vst.idx.msk vm0, v25  }
0x291: {  	vm12 =	vge.f32 v12, v9;
	vm0 =	vge.f32 v14, v9;
	vm3 =	vge.f32 v21, v9  }
0x292: {  	v12 =	vmpcnt.ones.xlane vm12;
	vm8 =	vge.f32 v15, v9;
	[tilespmem:v24+s31+$0x0] =	vst.idx.msk vm5, v26;
	v21 =	vld [tilespmem:s10+$0x20];
	v13 =	vsel vm3, $0x1, v1  }
0x293: {  	v62 =	vmpcnt.ones.xlane vm0;
	v60 =	vmpcnt.ones.xlane vm3;
	[tilespmem:v11+s31+$0x0] =	vst.idx.msk vm11, v22;
	(xrf0) =	vadd.scan.msk.s32 $0xffff, v13  }
0x294: {  	v63 =	vsel vm8, $0x1, v1;
	v11 =	vsel vm0, $0x1, v1;
	v22 =	vsel vm12, $0x1, v1;
	[tilespmem:v20+s31+$0x0] =	vst.idx.msk vm7, v23;
	v20, _, _ =	vpop (xrf0)  }
0x295: {  	v14 =	vadd.s32 v61, v60;
	vm10 =	vge.f32 v18, v9;
	v20 =	vadd.s32 v20, v19  }
0x296: {  	[tilespmem:v16+s31+$0x0] =	vst.idx.msk vm4, v17;
	v19 =	vsel vm1, $0x1, v1;
	v16 =	vadd.s32 v14, v62;
	v13 =	vmpcnt.ones.xlane vm10  }
0x297: {  	[tilespmem:v10+s31+$0x0] =	vst.idx.msk vm6, v27;
	v15 =	vadd.s32 v16, v12;
	v12 =	vmpcnt.ones.xlane vm8;
	vm9 =	vge.f32 v21, v9  }
0x298: {  	(xrf0) =	vadd.scan.msk.s32 $0xffff, v11;
	vm4 =	vmmov vm12;
	v13 =	vadd.s32 v15, v13;
	v10 =	vmpcnt.ones.xlane vm9  }
0x299: {  	v23 =	vsel vm10, $0x1, v1;
	(xrf0) =	vadd.scan.msk.s32 $0xffff, v22;
	v21 =	vmpcnt.ones.xlane vm1;
	v12 =	vadd.s32 v13, v12;
	v11, _, _ =	vpop (xrf0)  }
0x29a: {  	v20 =	vadd.s32 $0xFFFFFFFF, v20;
	v17 =	vadd.s32 v12, v10;
	(xrf0) =	vadd.scan.msk.s32 $0xffff, v23;
	v11 =	vadd.s32 v11, v61  }
0x29b: {  	s12 =	simm.s32 $0x8;
	v18 =	vsel vm9, $0x1, v1;
	v10 =	vadd.s32 v17, v21;
	(xrf0) =	vadd.scan.msk.s32 $0xffff, v63;
	v21 =	vadd.s32 $0xFFFFFFFF, v11  }
.LBB2_11:
0x29c: {  	s12 =	sadd.s32 $0x8, s12;
	vm6 =	vlt.s32 v20, $0x88;
	vm7 =	vlt.s32 v21, $0x88;
	(xrf0) =	vadd.scan.msk.s32 $0xffff, v18;
	v11 =	vmovc v10;
	vm5 =	vmmov vm10  }
0x29d: {  	s9 =	sadd.s32 $0x80, s9;
	p0 =	slt.u32 s12, $0x1F8;
	v18 =	vnsel vm6, $0x88, v20;
	v20 =	vnsel vm7, $0x88, v21;
	(xrf0) =	vadd.scan.msk.s32 $0xffff, v19;
	vm7 =	vmmov vm8  }
0x29e: {  	s4 =	sadd.s32 $0xFFFFFF90, s9;
	vm6 =	vmmov vm9;
	v19, _, _ =	vpop (xrf0)  }
0x29f: {  	v21 =	vor.u32 s4, v0;
	s4 =	sadd.s32 $0xFFFFFFA0, s9;
	v14 =	vadd.s32 v19, v14;
	v19 =	vor.u32 s9, v0;
	v22, _, _ =	vpop (xrf0)  }
0x2a0: {  	v23 =	vor.u32 s4, v0;
	v14 =	vadd.s32 $0xFFFFFFFF, v14;
	v16 =	vadd.s32 v22, v16;
	v22, _, _ =	vpop (xrf0)  }
0x2a1: {  	vm8 =	vlt.s32 v14, $0x88;
	v16 =	vadd.s32 $0xFFFFFFFF, v16;
	v15 =	vadd.s32 v22, v15;
	v22, _, _ =	vpop (xrf0)  }
0x2a2: {  	[tilespmem:v18+s31+$0x0] =	vst.idx.msk vm2, v21;
	vm2 =	vlt.s32 v16, $0x88;
	v15 =	vadd.s32 $0xFFFFFFFF, v15;
	v13 =	vadd.s32 v22, v13;
	v18, _, _ =	vpop (xrf0)  }
0x2a3: {  	s10 =	sadd.s32 $0x80, s10;
	[tilespmem:v20+s31+$0x0] =	vst.idx.msk vm3, v23;
	vm3 =	vlt.s32 v15, $0x88;
	v13 =	vadd.s32 $0xFFFFFFFF, v13;
	v12 =	vadd.s32 v18, v12;
	v18, _, _ =	vpop (xrf0)  }
0x2a4: {  	v20 =	vld [tilespmem:s10+$0xFFFFFFC0];
	vm9 =	vlt.s32 v13, $0x88;
	v12 =	vadd.s32 $0xFFFFFFFF, v12;
	v17 =	vadd.s32 v18, v17  }
0x2a5: {  	v14 =	vnsel vm8, $0x88, v14;
	v18 =	vld [tilespmem:s10+$0xFFFFFFD0];
	vm8 =	vlt.s32 v12, $0x88;
	v17 =	vadd.s32 $0xFFFFFFFF, v17  }
0x2a6: {  	v22 =	vnsel vm2, $0x88, v16;
	v23 =	vnsel vm3, $0x88, v15;
	v21 =	vld [tilespmem:s10+$0xFFFFFFE0];
	vm2 =	vlt.s32 v17, $0x88  }
0x2a7: {  	s5 =	sadd.s32 $0xFFFFFFC0, s9;
	s13 =	sadd.s32 $0xFFFFFFD0, s9;
	s4 =	sadd.s32 $0xFFFFFFB0, s9;
	v24 =	vnsel vm9, $0x88, v13;
	v25 =	vnsel vm8, $0x88, v12;
	v15 =	vld [tilespmem:s10+$0xFFFFFFF0];
	v12 =	vnsel vm2, $0x88, v17  }
0x2a8: {  	v26 =	vor.u32 s13, v0;
	v16 =	vor.u32 s4, v0;
	s4 =	sadd.s32 $0xFFFFFFE0, s9;
	v17 =	vor.u32 s5, v0;
	s5 =	sadd.s32 $0xFFFFFFF0, s9;
	v13 =	vld [tilespmem:s10+$0x0]  }
0x2a9: {  	v27 =	vor.u32 s4, v0;
	v28 =	vor.u32 s5, v0;
	vm2 =	vge.f32 v20, v9;
	v20 =	vld [tilespmem:s10+$0x10]  }
0x2aa: {  	v29 =	vsel vm2, $0x1, v1;
	v30 =	vmpcnt.ones.xlane vm2;
	vm3 =	vge.f32 v18, v9;
	v18 =	vld [tilespmem:s10+$0x20];
	[tilespmem:v14+s31+$0x0] =	vst.idx.msk vm0, v16  }
0x2ab: {  	v14 =	vsel vm3, $0x1, v1;
	v16 =	vmpcnt.ones.xlane vm3;
	vm0 =	vge.f32 v21, v9;
	v21 =	vld [tilespmem:s10+$0x30];
	(xrf0) =	vadd.scan.msk.s32 $0xffff, v29  }
0x2ac: {  	v29 =	vadd.s32 v10, v30;
	v10 =	vmpcnt.ones.xlane vm0;
	vm11 =	vge.f32 v15, v9;
	(xrf0) =	vadd.scan.msk.s32 $0xffff, v14  }
0x2ad: {  	v14 =	vadd.s32 v29, v16;
	v15 =	vmpcnt.ones.xlane vm11;
	vm10 =	vge.f32 v13, v9;
	[tilespmem:v12+s31+$0x0] =	vst.idx.msk vm1, v19  }
0x2ae: {  	v16 =	vadd.s32 v14, v10;
	v10 =	vmpcnt.ones.xlane vm10;
	vm8 =	vge.f32 v20, v9;
	[tilespmem:v22+s31+$0x0] =	vst.idx.msk vm4, v17  }
0x2af: {  	v15 =	vadd.s32 v16, v15;
	v12 =	vmpcnt.ones.xlane vm8;
	vm9 =	vge.f32 v18, v9;
	[tilespmem:v23+s31+$0x0] =	vst.idx.msk vm5, v26  }
0x2b0: {  	v13 =	vadd.s32 v15, v10;
	v10 =	vmpcnt.ones.xlane vm9;
	vm1 =	vge.f32 v21, v9;
	[tilespmem:v24+s31+$0x0] =	vst.idx.msk vm7, v27  }
.Ltmp4:
0x2b1: {  	v18 =	vsel vm0, $0x1, v1;
	v12 =	vadd.s32 v13, v12;
	v19 =	vmpcnt.ones.xlane vm1;
	v20, _, _ =	vpop (xrf0);
	[tilespmem:v25+s31+$0x0] =	vst.idx.msk vm6, v28;
	(pc) =	sbr.rel @p0 .LBB2_11-.Ltmp4, $4  }
0x2b2: {  	v22 =	vsel vm10, $0x1, v1;
	v21 =	vsel vm11, $0x1, v1;
	v17 =	vadd.s32 v12, v10;
	v23, _, _ =	vpop (xrf0);
	(xrf0) =	vadd.scan.msk.s32 $0xffff, v18  }
0x2b3: {  	v24 =	vsel vm8, $0x1, v1;
	v18 =	vsel vm9, $0x1, v1;
	v10 =	vadd.s32 v17, v19;
	(xrf0) =	vadd.scan.msk.s32 $0xffff, v21  }
0x2b4: {  	v11 =	vadd.s32 v20, v11;
	v21 =	vadd.s32 v23, v29;
	v19 =	vsel vm1, $0x1, v1;
	(xrf0) =	vadd.scan.msk.s32 $0xffff, v22  }
0x2b5: {  	vm4 =	vmmov vm11;
	v20 =	vadd.s32 $0xFFFFFFFF, v11;
	v21 =	vadd.s32 $0xFFFFFFFF, v21;
	(xrf0) =	vadd.scan.msk.s32 $0xffff, v24  }
0x2b6: {  	(xrf0) =	vadd.scan.msk.s32 $0xffff, v18  }
0x2b7: {  	vm6 =	vlt.s32 v20, $0x88;
	vm7 =	vlt.s32 v21, $0x88;
	vm5 =	vmmov vm10;
	s4 =	sadd.s32 $0x80, s9;
	(xrf0) =	vadd.scan.msk.s32 $0xffff, v19  }
0x2b8: {  	v53 =	vnsel vm6, $0x88, v20;
	v54 =	vnsel vm7, $0x88, v21;
	vm6 =	vmmov vm8;
	s5 =	sadd.s32 $0xFFFFFF90, s4;
	v9, _, _ =	vpop (xrf0)  }
0x2b9: {  	vm7 =	vmmov vm9;
	s10 =	sadd.s32 $0xFFFFFFA0, s4;
	v57 =	vor.u32 s5, v0;
	v11, _, _ =	vpop (xrf0);
	v9 =	vadd.s32 v9, v14  }
0x2ba: {  	v59 =	vor.u32 s10, v0;
	v52, _, _ =	vpop (xrf0);
	v11 =	vadd.s32 v11, v16;
	v9 =	vadd.s32 $0xFFFFFFFF, v9  }
0x2bb: {  	v55, _, _ =	vpop (xrf0);
	v15 =	vadd.s32 v52, v15;
	vm14 =	vlt.s32 v9, $0x88;
	v11 =	vadd.s32 $0xFFFFFFFF, v11  }
0x2bc: {  	v56, _, _ =	vpop (xrf0);
	v15 =	vadd.s32 $0xFFFFFFFF, v15;
	v13 =	vadd.s32 v55, v13;
	v9 =	vnsel vm14, $0x88, v9  }
0x2bd: {  	vm12 =	vlt.s32 v11, $0x88;
	v58, _, _ =	vpop (xrf0);
	vm13 =	vlt.s32 v15, $0x88;
	v13 =	vadd.s32 $0xFFFFFFFF, v13  }
0x2be: {  	v12 =	vadd.s32 v56, v12;
	v11 =	vnsel vm12, $0x88, v11;
	v17 =	vadd.s32 v58, v17  }
0x2bf: {  	vm14 =	vlt.s32 v13, $0x88;
	v60 =	vnsel vm13, $0x88, v15;
	v17 =	vadd.s32 $0xFFFFFFFF, v17  }
0x2c0: {  	s12 =	sadd.s32 $0xFFFFFFB0, s4;
	[tilespmem:v53+s31+$0x0] =	vst.idx.msk vm2, v57;
	v12 =	vadd.s32 $0xFFFFFFFF, v12;
	v13 =	vnsel vm14, $0x88, v13;
	vm15 =	vlt.s32 v17, $0x88  }
0x2c1: {  	s13 =	sadd.s32 $0xFFFFFFC0, s4;
	v61 =	vor.u32 s12, v0;
	[tilespmem:v54+s31+$0x0] =	vst.idx.msk vm3, v59;
	v17 =	vnsel vm15, $0x88, v17;
	vm15 =	vlt.s32 v12, $0x88  }
0x2c2: {  	s9 =	sadd.s32 $0xFFFFFFD0, s4;
	[tilespmem:v9+s31+$0x0] =	vst.idx.msk vm0, v61;
	v9 =	vor.u32 s13, v0;
	v12 =	vnsel vm15, $0x88, v12  }
0x2c3: {  	s24 =	sadd.s32 $0xFFFFFFE0, s4;
	v63 =	vor.u32 s9, v0;
	[tilespmem:v11+s31+$0x0] =	vst.idx.msk vm4, v9  }
0x2c4: {  	v9 =	vor.u32 s24, v0;
	[tilespmem:v60+s31+$0x0] =	vst.idx.msk vm5, v63  }
0x2c5: {  	v62 =	vor.u32 s4, v0;
	s4 =	sadd.s32 $0xFFFFFFF0, s4;
	[tilespmem:v13+s31+$0x0] =	vst.idx.msk vm6, v9  }
0x2c6: {  	v11 =	vor.u32 s4, v0;
	[tilespmem:v17+s31+$0x0] =	vst.idx.msk vm1, v62  }
0x2c7: {  	[tilespmem:v12+s31+$0x0] =	vst.idx.msk vm7, v11  }
0x2c8: {  	v9 =	vld [tilespmem:$0xA800];
	_ =	sdelay $0x1  }
0x2c9: {  	vm8 =	vgt.s32 v10, v0;
	_ =	sdelay $0x5  }
0x2ca: {  	v11 =	vld.idx.msk [tilespmem:v9+s30+$0x0], vm8;
	_ =	sdelay $0x4  }
0x2cb: {  	v11 =	vnsel vm8, $0xC0400000, v11  }
0x2cc: {  	[tilespmem:s1+$0xA980] =	vst v11  }
0x2cd: {  	v11 =	vld.idx.msk [tilespmem:v9+s2+$0x0], vm8;
	_ =	sdelay $0x4  }
0x2ce: {  	[tilespmem:s1+$0xC980] =	vst v11  }
0x2cf: {  	v11 =	vld.idx.msk [tilespmem:v9+s22+$0x0], vm8;
	_ =	sdelay $0x4  }
0x2d0: {  	[tilespmem:s1+$0xE980] =	vst v11  }
0x2d1: {  	v9 =	vld.idx.msk [tilespmem:v9+s23+$0x0], vm8;
	_ =	sdelay $0x4  }
0x2d2: {  	[tilespmem:s1+$0x10980] =	vst v9  }
0x2d3: {  	v9 =	vld [tilespmem:$0xA810];
	_ =	sdelay $0x1  }
0x2d4: {  	vm9 =	vgt.s32 v10, v2;
	_ =	sdelay $0x5  }
0x2d5: {  	v11 =	vld.idx.msk [tilespmem:v9+s30+$0x0], vm9;
	_ =	sdelay $0x4  }
0x2d6: {  	v11 =	vnsel vm9, $0xC0400000, v11  }
0x2d7: {  	[tilespmem:s1+$0xA990] =	vst v11  }
0x2d8: {  	v11 =	vld.idx.msk [tilespmem:v9+s2+$0x0], vm9;
	_ =	sdelay $0x4  }
0x2d9: {  	[tilespmem:s1+$0xC990] =	vst v11  }
0x2da: {  	v11 =	vld.idx.msk [tilespmem:v9+s22+$0x0], vm9;
	_ =	sdelay $0x4  }
0x2db: {  	[tilespmem:s1+$0xE990] =	vst v11  }
0x2dc: {  	v9 =	vld.idx.msk [tilespmem:v9+s23+$0x0], vm9;
	_ =	sdelay $0x4  }
0x2dd: {  	[tilespmem:s1+$0x10990] =	vst v9  }
0x2de: {  	v9 =	vld [tilespmem:$0xA820];
	_ =	sdelay $0x1  }
0x2df: {  	vm10 =	vgt.s32 v10, v3;
	_ =	sdelay $0x5  }
0x2e0: {  	v11 =	vld.idx.msk [tilespmem:v9+s30+$0x0], vm10;
	_ =	sdelay $0x4  }
0x2e1: {  	v11 =	vnsel vm10, $0xC0400000, v11  }
0x2e2: {  	[tilespmem:s1+$0xA9A0] =	vst v11  }
0x2e3: {  	v11 =	vld.idx.msk [tilespmem:v9+s2+$0x0], vm10;
	_ =	sdelay $0x4  }
0x2e4: {  	[tilespmem:s1+$0xC9A0] =	vst v11  }
0x2e5: {  	v11 =	vld.idx.msk [tilespmem:v9+s22+$0x0], vm10;
	_ =	sdelay $0x4  }
0x2e6: {  	[tilespmem:s1+$0xE9A0] =	vst v11  }
0x2e7: {  	v9 =	vld.idx.msk [tilespmem:v9+s23+$0x0], vm10;
	_ =	sdelay $0x4  }
0x2e8: {  	[tilespmem:s1+$0x109A0] =	vst v9  }
0x2e9: {  	v9 =	vld [tilespmem:$0xA830];
	_ =	sdelay $0x1  }
0x2ea: {  	vm11 =	vgt.s32 v10, v4;
	_ =	sdelay $0x5  }
0x2eb: {  	v11 =	vld.idx.msk [tilespmem:v9+s30+$0x0], vm11;
	_ =	sdelay $0x4  }
0x2ec: {  	v11 =	vnsel vm11, $0xC0400000, v11  }
0x2ed: {  	[tilespmem:s1+$0xA9B0] =	vst v11  }
0x2ee: {  	v11 =	vld.idx.msk [tilespmem:v9+s2+$0x0], vm11;
	_ =	sdelay $0x4  }
0x2ef: {  	[tilespmem:s1+$0xC9B0] =	vst v11  }
0x2f0: {  	v11 =	vld.idx.msk [tilespmem:v9+s22+$0x0], vm11;
	_ =	sdelay $0x4  }
0x2f1: {  	[tilespmem:s1+$0xE9B0] =	vst v11  }
0x2f2: {  	v9 =	vld.idx.msk [tilespmem:v9+s23+$0x0], vm11;
	_ =	sdelay $0x4  }
0x2f3: {  	[tilespmem:s1+$0x109B0] =	vst v9  }
0x2f4: {  	v9 =	vld [tilespmem:$0xA840];
	_ =	sdelay $0x1  }
0x2f5: {  	vm12 =	vgt.s32 v10, v5;
	_ =	sdelay $0x5  }
0x2f6: {  	v11 =	vld.idx.msk [tilespmem:v9+s30+$0x0], vm12;
	_ =	sdelay $0x4  }
0x2f7: {  	v11 =	vnsel vm12, $0xC0400000, v11  }
0x2f8: {  	[tilespmem:s1+$0xA9C0] =	vst v11  }
0x2f9: {  	v11 =	vld.idx.msk [tilespmem:v9+s2+$0x0], vm12;
	_ =	sdelay $0x4  }
0x2fa: {  	[tilespmem:s1+$0xC9C0] =	vst v11  }
0x2fb: {  	v11 =	vld.idx.msk [tilespmem:v9+s22+$0x0], vm12;
	_ =	sdelay $0x4  }
0x2fc: {  	[tilespmem:s1+$0xE9C0] =	vst v11  }
0x2fd: {  	v9 =	vld.idx.msk [tilespmem:v9+s23+$0x0], vm12;
	_ =	sdelay $0x4  }
0x2fe: {  	[tilespmem:s1+$0x109C0] =	vst v9  }
0x2ff: {  	v9 =	vld [tilespmem:$0xA850];
	_ =	sdelay $0x1  }
0x300: {  	vm13 =	vgt.s32 v10, v6;
	_ =	sdelay $0x5  }
0x301: {  	v11 =	vld.idx.msk [tilespmem:v9+s30+$0x0], vm13;
	_ =	sdelay $0x4  }
0x302: {  	v11 =	vnsel vm13, $0xC0400000, v11  }
0x303: {  	[tilespmem:s1+$0xA9D0] =	vst v11  }
0x304: {  	v11 =	vld.idx.msk [tilespmem:v9+s2+$0x0], vm13;
	_ =	sdelay $0x4  }
0x305: {  	[tilespmem:s1+$0xC9D0] =	vst v11  }
0x306: {  	v11 =	vld.idx.msk [tilespmem:v9+s22+$0x0], vm13;
	_ =	sdelay $0x4  }
0x307: {  	[tilespmem:s1+$0xE9D0] =	vst v11  }
0x308: {  	v9 =	vld.idx.msk [tilespmem:v9+s23+$0x0], vm13;
	_ =	sdelay $0x4  }
0x309: {  	[tilespmem:s1+$0x109D0] =	vst v9  }
0x30a: {  	v9 =	vld [tilespmem:$0xA860];
	_ =	sdelay $0x1  }
0x30b: {  	vm14 =	vgt.s32 v10, v7;
	_ =	sdelay $0x5  }
0x30c: {  	v11 =	vld.idx.msk [tilespmem:v9+s30+$0x0], vm14;
	_ =	sdelay $0x4  }
0x30d: {  	v11 =	vnsel vm14, $0xC0400000, v11  }
0x30e: {  	[tilespmem:s1+$0xA9E0] =	vst v11  }
0x30f: {  	v11 =	vld.idx.msk [tilespmem:v9+s2+$0x0], vm14;
	_ =	sdelay $0x4  }
0x310: {  	[tilespmem:s1+$0xC9E0] =	vst v11  }
0x311: {  	v11 =	vld.idx.msk [tilespmem:v9+s22+$0x0], vm14;
	_ =	sdelay $0x4  }
0x312: {  	[tilespmem:s1+$0xE9E0] =	vst v11  }
0x313: {  	v9 =	vld.idx.msk [tilespmem:v9+s23+$0x0], vm14;
	_ =	sdelay $0x4  }
0x314: {  	[tilespmem:s1+$0x109E0] =	vst v9  }
0x315: {  	v9 =	vld [tilespmem:$0xA870];
	_ =	sdelay $0x1  }
0x316: {  	vm15 =	vgt.s32 v10, v8;
	_ =	sdelay $0x5  }
0x317: {  	v10 =	vld.idx.msk [tilespmem:v9+s30+$0x0], vm15;
	_ =	sdelay $0x4  }
0x318: {  	v10 =	vnsel vm15, $0xC0400000, v10  }
0x319: {  	[tilespmem:s1+$0xA9F0] =	vst v10  }
0x31a: {  	v10 =	vld.idx.msk [tilespmem:v9+s2+$0x0], vm15;
	_ =	sdelay $0x4  }
0x31b: {  	[tilespmem:s1+$0xC9F0] =	vst v10  }
0x31c: {  	v10 =	vld.idx.msk [tilespmem:v9+s22+$0x0], vm15;
	_ =	sdelay $0x4  }
0x31d: {  	s8 =	sadd.s32 $0x1, s8;
	[tilespmem:s1+$0xE9F0] =	vst v10  }
0x31e: {  	p0 =	sne.s32 s8, $0x20;
	v9 =	vld.idx.msk [tilespmem:v9+s23+$0x0], vm15  }
.Ltmp5:
0x31f: {  	_ = 	snop;
	(pc) =	sbr.rel @p0 .LBB2_8-.Ltmp5, $2  }
0x320: {  	_ =	sdelay $0x2  }
0x321: {  	[tilespmem:s1+$0x109F0] =	vst v9  }
0x322: {  	_ =	swait.ge [sflag:s29], $0x2000  }
0x323: {  	[sflag:s29] =	ssyncset.done $0x0  }
0x324: {  	s5 =	simm.s32 $0xA900;
	[sflag:s29] =	ssyncadd.s32 $0xFFFFE000  }
0x325: {  	[hbm4b:s16+s2] =	stream.linear.scatter [tilespmem:s5], [sflag:$0x3], $0x2000, $0x38;
	[tilespmem:$0x12900] =	vst v63  }
0x326: {  	_ =	swait.ge [sflag:s21], $0x2000  }
0x327: {  	[sflag:s21] =	ssyncset.done $0x0  }
0x328: {  	s1 =	simm.s32 $0xC900;
	[sflag:s21] =	ssyncadd.s32 $0xFFFFE000  }
0x329: {  	[hbm4b:s17+s2] =	stream.linear.scatter [tilespmem:s1], [sflag:$0x3], $0x2000, $0x38;
	[tilespmem:$0x12900] =	vst v63  }
0x32a: {  	_ =	swait.ge [sflag:s21], $0x2000  }
0x32b: {  	[sflag:s21] =	ssyncset.done $0x0  }
0x32c: {  	s13 =	simm.s32 $0xE900;
	[sflag:s21] =	ssyncadd.s32 $0xFFFFE000  }
0x32d: {  	[hbm4b:s18+s2] =	stream.linear.scatter [tilespmem:s13], [sflag:$0x3], $0x2000, $0x38;
	[tilespmem:$0x12900] =	vst v63  }
0x32e: {  	s6 =	sadd.s32 $0x1, s6;
	_ =	swait.ge [sflag:s21], $0x2000  }
0x32f: {  	p0 =	sne.s32 s6, s20;
	[sflag:s21] =	ssyncset.done $0x0  }
.Ltmp6:
0x330: {  	s24 =	simm.s32 $0x10900;
	[sflag:s21] =	ssyncadd.s32 $0xFFFFE000;
	(pc) =	sbr.rel @p0 .LBB2_1-.Ltmp6, $4  }
0x331: {  	[hbm4b:s19+s2] =	stream.linear.scatter [tilespmem:s24], [sflag:$0x3], $0x2000, $0x38;
	[tilespmem:$0x12900] =	vst v63  }
0x332: {  	_ =	swait.ge [sflag:s21], $0x2000  }
0x333: {  	[sflag:s21] =	ssyncset.done $0x0  }
0x334: {  	[sflag:s21] =	ssyncadd.s32 $0xFFFFE000  }
0x335: {  	_ =	sfence.sel $0x180000  }
0x336: {  	[bflag:$0x0] =	sbarrier.arrive $0xFFFF  }
0x337: {  	_ =	strace $0x9000004A  }
0x338: {  	s0 =	stileid.u32;
	[bflag:$0x2] =	sbarrier.arrive $0xFFFF  }
0x339: {  	p0 =	sne.s32 s0, $0x0;
	s0 =	rddreg [dreg:$0x2]  }
0x33a: {  	s0 =	sadd.s32 @!p0 $0x100000, s0  }
0x33b: {  	[sflag:s0] =	ssyncadd.tile.s32 @!p0 $0x1;
	_ =	shalt  }
.Lfunc_end2:
_tile_overlayer_lowered:
.L_overlay_start_2:
0x33c: {  	(tag) =	ssettag $0x2  }
0x33d: {  	s0 =	rddreg [dreg:$0x0];
	s2 =	stileid.u32  }
0x33e: {  	s1 =	rddreg [dreg:$0x1];
	p0 =	sne.s32 s2, $0x0  }
0x33f: {  	s3 =	rddreg [dreg:$0x2];
	[bflag:$0x3] =	sbarrier.arrive $0xFFFF;
	s2 =	simm.s32 @!p0 $0x1C03  }
0x340: {  	[timem:s3], [sflag:s2] =	dma.local @!p0 [hbm:s0], s1  }
0x341: {  	s0 =	simm.s32 @!p0 $0x3  }
0x342: {  	_ =	swait.ge @!p0 [sflag:s0], s1  }
0x343: {  	s1 =	ssub.s32 @!p0 $0x0, s1;
	[sflag:s0] =	ssyncset.done @!p0 $0x0  }
0x344: {  	[sflag:s0] =	ssyncadd.s32 @!p0 s1  }
0x345: {  	[bflag:$0x3] =	sbarrier.arrive $0xFFFF  }
0x346: {  	_ =	shalt  }

// kernel: kernel.8.cloned.1.call-start
scs
__scs_entry_jumppad:
0x0: {  	(pc) =	sbr.rel $0x88, $3  }
0x1: {  	(tag) =	ssettag $0x0;
	lr =	simm.s32 $0x1  }
0x2: {  	[smem:$0x3F9D] =	sst lr;
	_ =	strace $0xD0000000  }
0x3: {  	_ = 	snop  }
0x4: {  	_ = 	snop  }
0x5: {  	_ = 	snop  }
0x6: {  	_ = 	snop  }
0x7: {  	_ = 	snop  }
__scs_overlays_trampoline_lowered:
0x8: {  	[smem:$0x3FAC] =	sst s0  }
0x9: {  	[smem:$0x3FAD] =	sst s1  }
0xa: {  	[smem:$0x3FAE] =	sst s2  }
0xb: {  	[smem:$0x3FAF] =	sst s3  }
0xc: {  	[smem:$0x3FB0] =	sst s4  }
0xd: {  	[smem:$0x3FB1] =	sst s5  }
0xe: {  	[smem:$0x3FB2] =	sst s6  }
0xf: {  	[smem:$0x3FB3] =	sst s7  }
0x10: {  	[smem:$0x3FB4] =	sst s8  }
0x11: {  	[smem:$0x3FB5] =	sst s9;
	s0 =	simm.s32 @!p0 $0x0  }
0x12: {  	s1 =	sld [smem:$0x3F9B];
	s0 =	simm.s32 @p0 $0x1  }
0x13: {  	[smem:$0x3FB6] =	sst s0;
	s0 =	simm.s32 @!p1 $0x0  }
0x14: {  	s2 =	sld [smem:$0x3F9A];
	s0 =	simm.s32 @p1 $0x1  }
0x15: {  	[smem:$0x3FB7] =	sst s0;
	s0 =	simm.s32 @!p2 $0x0  }
0x16: {  	s3 =	sld [smem:$0x3FDB];
	s0 =	simm.s32 @p2 $0x1  }
0x17: {  	s4 =	simm.s32 $0x1BF5;
	[smem:$0x3FB9] =	sst s0  }
0x18: {  	s0 =	sld [smem:$0x3F9C];
	_ =	swait.ge [sflag:s4], $0x0  }
0x19: {  	s7 =	sld [smem:$0x3F9D]  }
0x1a: {  	s8 =	sadd.s32 $0xFFFFE003, lr  }
0x1b: {  	s9 =	sadd.s32 $0xFFFFFEF7, lr;
	s5 =	simm.s32 $0xFFFFFFFF;
	p2 =	slt.u32 s8, $0xFFFFF086  }
0x1c: {  	p1 =	slt.u32 s9, $0xF7A;
	s5 =	simm.s32 @!p2 $0x0  }
0x1d: {  	s5 =	simm.s32 @p1 $0x1;
	p0 =	seq.s32 s7, s2  }
0x1e: {  	s7 =	smul.u32 @!p0 $0xF7A, s2;
	p2 =	seq.s32 @!p0 s5, $0x0  }
0x1f: {  	s9 =	smul.u32 $0xF7A, s1;
	s8 =	simm.s32 @!p0 $0x1BF5;
	p2 =	por !p2, p0  }
0x20: {  	[sflag:s8] =	ssyncset.s32 @!p0 $0xFFFFF086;
	s6 =	sadd.s32 @!p0 s3, s7;
	s7 =	simm.s32 @!p0 $0x108  }
0x21: {  	s3 =	sadd.s32 s3, s9;
	s6 =	sadd.s32 @!p0 $0x88, s6;
	s7 =	simm.s32 @p2 $0x1082  }
0x22: {  	[simem:s7], [sflag:s8] =	dma.local @!p0 [hbm:s6], $0xF7A  }
0x23: {  	s9 =	sor.u32 $0xD0000000, s2;
	s6 =	simm.s32 $0x108;
	_ =	swait.ge @!p0 [sflag:s8], $0x0  }
0x24: {  	s3 =	sadd.s32 $0x88, s3;
	s6 =	simm.s32 @!p1 $0x1082;
	[sflag:s4] =	ssyncset.s32 $0xFFFFF086  }
0x25: {  	[simem:s6], [sflag:s4] =	dma.local [hbm:s3], $0xF7A  }
0x26: {  	[smem:$0x3F9D] =	sst s1;
	(tag) =	ssettag s2;
	_ =	strace s9  }
0x27: {  	s1 =	sld [smem:$0x3FAD]  }
0x28: {  	s2 =	sld [smem:$0x3FAE]  }
0x29: {  	s4 =	sld [smem:$0x3FB0]  }
0x2a: {  	p0 =	seq.s32 s5, $0x0;
	s5 =	sld [smem:$0x3FB1]  }
0x2b: {  	s6 =	sld [smem:$0x3FB2]  }
0x2c: {  	s7 =	sld [smem:$0x3FB3]  }
0x2d: {  	s3 =	simm.s32 $0x108;
	s8 =	sld [smem:$0x3FB4]  }
0x2e: {  	s3 =	simm.s32 @!p0 $0x1082;
	s9 =	sld [smem:$0x3FB5]  }
0x2f: {  	lr =	sadd.s32 s0, s3;
	s0 =	sld [smem:$0x3FAC]  }
0x30: {  	s3 =	sld [smem:$0x3FAF]  }
0x31: {  	[smem:$0x3FB8] =	sst s10  }
0x32: {  	s10 =	sld [smem:$0x3FB6];
	_ =	sdelay $0x3  }
0x33: {  	p0 =	seq.s32 s10, $0x1;
	s10 =	sld [smem:$0x3FB8];
	_ =	sdelay $0x3  }
0x34: {  	[smem:$0x3FB8] =	sst s10  }
0x35: {  	s10 =	sld [smem:$0x3FB7];
	_ =	sdelay $0x3  }
0x36: {  	p1 =	seq.s32 s10, $0x1;
	s10 =	sld [smem:$0x3FB8];
	_ =	sdelay $0x3  }
0x37: {  	[smem:$0x3FB8] =	sst s10  }
0x38: {  	s10 =	sld [smem:$0x3FB9]  }
0x39: {  	_ = 	snop;
	(pc) =	sbr.ind lr, $3  }
0x3a: {  	_ = 	snop  }
0x3b: {  	_ = 	snop  }
0x3c: {  	p2 =	seq.s32 s10, $0x1;
	s10 =	sld [smem:$0x3FB8]  }
0x3d: {  	_ =	shalt  }
0x3e: {  	_ =	shalt  }
0x3f: {  	_ =	shalt  }
0x40: {  	_ =	shalt  }
0x41: {  	_ =	shalt  }
0x42: {  	_ =	shalt  }
0x43: {  	_ =	shalt  }
0x44: {  	_ =	shalt  }
0x45: {  	_ =	shalt  }
0x46: {  	_ =	shalt  }
0x47: {  	_ =	shalt  }
0x48: {  	_ =	shalt  }
0x49: {  	_ =	shalt  }
0x4a: {  	_ =	shalt  }
0x4b: {  	_ =	shalt  }
0x4c: {  	_ =	shalt  }
0x4d: {  	_ =	shalt  }
0x4e: {  	_ =	shalt  }
0x4f: {  	_ =	shalt  }
0x50: {  	_ =	shalt  }
0x51: {  	_ =	shalt  }
0x52: {  	_ =	shalt  }
0x53: {  	_ =	shalt  }
0x54: {  	_ =	shalt  }
0x55: {  	_ =	shalt  }
0x56: {  	_ =	shalt  }
0x57: {  	_ =	shalt  }
0x58: {  	_ =	shalt  }
0x59: {  	_ =	shalt  }
0x5a: {  	_ =	shalt  }
0x5b: {  	_ =	shalt  }
0x5c: {  	_ =	shalt  }
0x5d: {  	_ =	shalt  }
0x5e: {  	_ =	shalt  }
0x5f: {  	_ =	shalt  }
0x60: {  	_ =	shalt  }
0x61: {  	_ =	shalt  }
0x62: {  	_ =	shalt  }
0x63: {  	_ =	shalt  }
0x64: {  	_ =	shalt  }
0x65: {  	_ =	shalt  }
0x66: {  	_ =	shalt  }
0x67: {  	_ =	shalt  }
0x68: {  	_ =	shalt  }
0x69: {  	_ =	shalt  }
0x6a: {  	_ =	shalt  }
0x6b: {  	_ =	shalt  }
0x6c: {  	_ =	shalt  }
0x6d: {  	_ =	shalt  }
0x6e: {  	_ =	shalt  }
0x6f: {  	_ =	shalt  }
0x70: {  	_ =	shalt  }
0x71: {  	_ =	shalt  }
0x72: {  	_ =	shalt  }
0x73: {  	_ =	shalt  }
0x74: {  	_ =	shalt  }
0x75: {  	_ =	shalt  }
0x76: {  	_ =	shalt  }
0x77: {  	_ =	shalt  }
0x78: {  	_ =	shalt  }
0x79: {  	_ =	shalt  }
0x7a: {  	_ =	shalt  }
0x7b: {  	_ =	shalt  }
0x7c: {  	_ =	shalt  }
0x7d: {  	_ =	shalt  }
0x7e: {  	_ =	shalt  }
0x7f: {  	_ =	shalt  }
0x80: {  	_ =	shalt  }
0x81: {  	_ =	shalt  }
0x82: {  	_ =	shalt  }
0x83: {  	_ =	shalt  }
0x84: {  	_ =	shalt  }
0x85: {  	_ =	shalt  }
0x86: {  	_ =	shalt  }
0x87: {  	_ =	shalt  }
.Lfunc_end0:
.L_simem_size_0:
called_computation_lowered:
.L_overlay_start_0:
0x88: {  	s2 =	sld [smem:$0x3FD9]  }
0x89: {  	s3 =	sld [smem:$0x3FFE];
	_ =	sdelay $0x1  }
0x8a: {  	s1 =	srdreg.scid  }
0x8b: {  	s0 =	sand.u32 $0x1, s1  }
0x8c: {  	s16 =	sshll.u32 s0, $0xA;
	s2 =	sadd.s32 s3, s2  }
0x8d: {  	s2 =	sadd.s32 s2, s16  }
0x8e: {  	[smem:$0x3FC4] =	sst s2  }
0x8f: {  	_ = 	snop  }
0x90: {  	(tm) =	ssettm $0x1  }
0x91: {  	s17 =	sld [smem:$0x3FFB];
	_ =	sdelay $0x3  }
0x92: {  	_ =	strace s17  }
0x93: {  	s2 =	sld [smem:$0x3FFC];
	_ =	sdelay $0x3  }
0x94: {  	_ =	strace s2  }
0x95: {  	s2 =	sld [smem:$0x3FFD];
	_ =	sdelay $0x3  }
0x96: {  	_ =	strace s2  }
0x97: {  	_ =	strace $0x8FFFFFFF  }
0x98: {  	s18 =	sld [smem:$0x3FDB];
	_ =	sdelay $0x1  }
0x99: {  	s19 =	simm.s32 $_scs_section_size  }
0x9a: {  	s4 =	simm.s32 $_size__tile_overlayer_lowered;
	s5 =	simm.s32 $_tile_overlayer_lowered  }
0x9b: {  	s22 =	simm.s32 $0x1BFF;
	s21 =	sshll.u32 s5, $0x1;
	s2 =	sadd.s32 s19, s18  }
0x9c: {  	s6 =	simm.s32 $0x0;
	s20 =	sshll.u32 s4, $0x1;
	s4 =	sadd.s32 s21, s2  }
0x9d: {  	[timem:s6], [sflag:s22] =	dma.local [hbm:s4], s20  }
0x9e: {  	_ =	swait.ge [sflag:s22], s20  }
0x9f: {  	s3 =	ssub.s32 $0x0, s20;
	[sflag:s22] =	ssyncset.done $0x0  }
0xa0: {  	[sflag:s22] =	ssyncadd.s32 s3;
	_ =	sdelay $0x1  }
0xa1: {  	s23 =	simm.s32 $0x1B8B  }
0xa2: {  	_ =	swait.ge [sflag:s23], $0x1  }
0xa3: {  	[sflag:s23] =	ssyncset.done $0x0  }
0xa4: {  	s25 =	simm.s32 $0x1B8E;
	s24 =	sld [smem:$0x3FFE];
	[sflag:s23] =	ssyncadd.s32 $0xFFFFFFFF  }
0xa5: {  	s26 =	simm.s32 $execute0_lowered;
	[smem:$0x3FD2] =	sst s25  }
0xa6: {  	s4 =	sshll.u32 s26, $0x1;
	_ =	strace $0x80000046;
	[dreg:$0x1] =	wrdreg $0xFFFFFFFF  }
0xa7: {  	s28 =	simm.s32 $_size_execute0_lowered;
	s2 =	sadd.s32 s2, s4;
	[dreg:$0x0] =	wrdreg $0x0  }
0xa8: {  	s4 =	sshll.u32 s28, $0x1;
	[dreg:$0x2] =	wrdreg s2  }
0xa9: {  	[dreg:$0x3] =	wrdreg s4  }
0xaa: {  	[dreg:$0x4] =	wrdreg $0xC0  }
0xab: {  	_ =	task [dreg:s6], $0x5FFFF  }
0xac: {  	[dreg:$0x1] =	wrdreg $0xFFFFFFFF  }
0xad: {  	[dreg:$0x0] =	wrdreg $0x60  }
0xae: {  	[dreg:$0x2] =	wrdreg s24  }
0xaf: {  	[dreg:$0x3] =	wrdreg $0x9  }
0xb0: {  	_ =	task.clear_ibuf [dreg:s6], $0x4FFFF;
	_ =	strace $0x90000046  }
0xb1: {  	s29 =	simm.s32 $0x9;
	_ =	strace $0x80000048  }
0xb2: {  	_ =	swait.ge [sflag:s29], $0x1  }
0xb3: {  	[sflag:s29] =	ssyncadd.s32 $0xFFFFFFFF  }
0xb4: {  	_ =	strace $0x90000048  }
0xb5: {  	_ =	sfence  }
0xb6: {  	s30 =	sld [smem:$0x0];
	_ =	sdelay $0x2  }
0xb7: {  	s31 =	sshll.u32 s1, $0xD;
	s1 =	sshrl.u32 s1, $0x2  }
0xb8: {  	s3 =	sand.u32 $0x4000, s31;
	s1 =	sadd.s32 s1, s30  }
0xb9: {  	s0 =	sor.u32 s3, s0;
	s1 =	sshll.u32 s1, $0x11  }
0xba: {  	s0 =	sor.u32 s1, s0  }
0xbb: {  	s0 =	sadd.s32 $0x8F2B, s0  }
0xbc: {  	[sflag:s0] =	ssyncadd.remote.s32 $0x1  }
0xbd: {  	_ =	sfence.sel $0xFFFF  }
0xbe: {  	[dreg:$0x0] =	wrdreg $0xFFFFFFFF;
	(pc) =	sbr.abs _section_cstart, $3  }
0xbf: {  	[dreg:$0x1] =	wrdreg $0xFFFFFFFF  }
0xc0: {  	_ =	task.clear_ibuf [dreg:s6], $0x2FFFF;
	_ =	strace $0x9FFFFFFF  }
0xc1: {  	(tm) =	ssettm $0x7FFFFFFF  }
tec
execute0_lowered:
.L_overlay_start_1:
0x0: {  	(tag) =	ssettag $0x1  }
0x1: {  	s0 =	rddreg [dreg:$0x0]  }
0x2: {  	s1 =	srdreg.scid;
	s3 =	stileid.u32  }
0x3: {  	s2 =	simm.s32 $0x0;
	s28 =	simm.s32 $0x6000;
	s29 =	simm.s32 $0x1  }
0x4: {  	s30 =	simm.s32 $0x8000;
	s31 =	simm.s32 $0xA800;
	s1 =	sand.u32 $0x1, s1  }
0x5: {  	s3 =	sshll.u32 s3, $0x1;
	[smem:$0x7FF] =	sst s2;
	s6 =	sadd.s32 $0x3600, s0  }
0x6: {  	s18 =	sadd.s32 $0x3200, s0;
	s19 =	sadd.s32 $0x2E00, s0;
	s20 =	sadd.s32 $0x405A00, s0  }
0x7: {  	s8 =	sadd.s32 $0x415A00, s0;
	_ =	strace $0x80000047;
	[dreg:$0x2] =	wrdreg s6  }
0x8: {  	s9 =	sadd.s32 $0x425A00, s0;
	s4 =	sor.u32 s1, s3;
	[dreg:$0x3] =	wrdreg s18  }
0x9: {  	s3 =	sadd.s32 $0x3A00, s0;
	[dreg:$0x4] =	wrdreg s19;
	s1 =	ssub.s32 $0x2, s1  }
0xa: {  	s6 =	simm.s32 $0x0;
	s5 =	sshll.u32 s4, $0x8;
	s7 =	sshrl.u32 s1, $0x1  }
0xb: {  	s21 =	sshll.u32 s4, $0x11;
	s5 =	sadd.s32 s5, s0;
	s1 =	ssub.s32 s1, s7  }
0xc: {  	s7 =	sshll.u32 s4, $0x7;
	s4 =	sshll.u32 s4, $0xB;
	s5 =	sadd.s32 $0x403A00, s5  }
0xd: {  	s0 =	sadd.s32 $0x435A00, s0;
	s22 =	sadd.s32 s20, s4;
	[dreg:$0x5] =	wrdreg s5  }
0xe: {  	s11 =	sor.u32 $0x40, s7;
	s23 =	sadd.s32 s8, s4;
	[dreg:$0x7] =	wrdreg s22  }
0xf: {  	s24 =	sadd.s32 s9, s4;
	s14 =	sadd.s32 s0, s4;
	[dreg:$0x8] =	wrdreg s23  }
0x10: {  	s5 =	sadd.s32 s3, s21;
	[dreg:$0x9] =	wrdreg s24;
	s25 =	sshll.u32 s11, $0xA  }
0x11: {  	s26 =	sshll.u32 s11, $0x4;
	s21 =	simm.s32 $0x3;
	s22 =	simm.s32 $0x2000  }
0x12: {  	v0 =	vlaneseq.u32;
	s23 =	simm.s32 $0x4000;
	[dreg:$0x6] =	wrdreg s5;
	s15 =	sadd.s32 s3, s25  }
0x13: {  	v1 =	vimm.s32 $0x0;
	v2 =	vor.u32 $0x10, v0;
	s16 =	sadd.s32 s20, s26;
	s17 =	sadd.s32 s8, s26;
	s18 =	sadd.s32 s9, s26  }
0x14: {  	v3 =	vor.u32 $0x20, v0;
	v4 =	vor.u32 $0x30, v0;
	v5 =	vor.u32 $0x40, v0;
	s19 =	sadd.s32 s0, s26;
	s20 =	smax.u32 s1, $0x1;
	s25 =	simm.s32 $0x80  }
0x15: {  	v6 =	vor.u32 $0x50, v0;
	v7 =	vor.u32 $0x60, v0;
	v8 =	vor.u32 $0x70, v0;
	s26 =	simm.s32 $0x400;
	s0 =	simm.s32 $0x2;
	s5 =	simm.s32 $0xA900  }
.LBB2_1:
0x16: {  	s1 =	rddreg [dreg:$0x2]  }
0x17: {  	[tilespmem:s2], [sflag:$0x3] =	stream.linear.gather [hbm4b:s1+s2], $0x2000, $0x38;
	[tilespmem:$0x12900] =	vst v63  }
0x18: {  	_ =	swait.ge [sflag:s21], $0x2000  }
0x19: {  	[sflag:s21] =	ssyncset.done $0x0  }
0x1a: {  	s10 =	rddreg [dreg:$0x3];
	[sflag:s21] =	ssyncadd.s32 $0xFFFFE000  }
0x1b: {  	[tilespmem:s22], [sflag:$0x3] =	stream.linear.gather [hbm4b:s10+s2], $0x2000, $0x38;
	[tilespmem:$0x12900] =	vst v63  }
0x1c: {  	_ =	swait.ge [sflag:s21], $0x2000  }
0x1d: {  	[sflag:s21] =	ssyncset.done $0x0  }
0x1e: {  	s12 =	rddreg [dreg:$0x4];
	[sflag:s21] =	ssyncadd.s32 $0xFFFFE000  }
0x1f: {  	[tilespmem:s23], [sflag:$0x3] =	stream.linear.gather [hbm4b:s12+s2], $0x2000, $0x38;
	[tilespmem:$0x12900] =	vst v63  }
0x20: {  	_ =	swait.ge [sflag:s21], $0x2000  }
0x21: {  	[sflag:s21] =	ssyncset.done $0x0  }
0x22: {  	s4 =	simm.s32 $0xA000;
	s13 =	rddreg [dreg:$0x5];
	[sflag:s21] =	ssyncadd.s32 $0xFFFFE000  }
0x23: {  	[tilespmem:s4], [sflag:$0x3] =	stream.linear.gather [hbm4b:s13+s2], $0x800, $0x38;
	[tilespmem:$0x12900] =	vst v63  }
0x24: {  	_ =	swait.ge [sflag:s21], $0x800  }
0x25: {  	[sflag:s21] =	ssyncset.done $0x0  }
0x26: {  	s8 =	simm.s32 $0x0;
	s24 =	rddreg [dreg:$0x6];
	[sflag:s21] =	ssyncadd.s32 $0xFFFFF800  }
0x27: {  	[tilespmem:s28], [sflag:$0x1] =	stream.strided.gather [hbm4b:s24+s25], $0x2000, s26, s25, $0x38;
	[tilespmem:$0x12900] =	vst v63  }
.LBB2_2:
0x28: {  	s1 =	sshll.u32 s8, $0x1  }
0x29: {  	s10 =	sshll.u32 s8, $0x5;
	s9 =	sadd.s32 s7, s1  }
0x2a: {  	s12 =	sand.u32 $0x60, s10;
	s9 =	sshll.u32 s9, $0xA  }
0x2b: {  	_ =	swait.ge [sflag:s29], $0x2000;
	s12 =	sadd.s32 s12, s3;
	s9 =	sand.u32 $0xFFEE000, s9  }
0x2c: {  	[sflag:s29] =	ssyncset.done $0x0;
	s9 =	sadd.s32 s9, s12  }
0x2d: {  	[sflag:s29] =	ssyncadd.s32 $0xFFFFE000;
	s12 =	sand.u32 $0x3FFFFFE0, s10;
	s9 =	sadd.s32 $0x10, s9  }
0x2e: {  	[tilespmem:s30], [sflag:$0x2] =	stream.strided.gather [hbm4b:s9+s25], $0x2000, s26, s25, $0x38;
	[tilespmem:$0x12900] =	vst v63  }
0x2f: {  	s13 =	simm.s32 $0x6040;
	v9 =	vld [tilespmem:s12+$0xA000]  }
0x30: {  	v10 =	vld [tilespmem:s13+$0xFFFFFFC0]  }
0x31: {  	v11 =	vld [tilespmem:s13+$0xFFFFFFD0]  }
0x32: {  	v12 =	vld [tilespmem:s13+$0xFFFFFFE0]  }
0x33: {  	v13 =	vld [tilespmem:s13+$0xFFFFFFF0]  }
0x34: {  	v14 =	vld [tilespmem:s13+$0x0];
	_ =	sdelay $0x2  }
0x35: {  	v15 =	vimm.s32 $0x0  }
0x36: {  	vm2 =	vge.f32 v10, v9;
	v10 =	vld [tilespmem:s13+$0x10];
	vm1 =	vge.f32 v11, v9;
	vm0 =	vge.f32 v12, v9  }
0x37: {  	v12 =	vld [tilespmem:s13+$0x30];
	vm5 =	vge.f32 v13, v9;
	vm6 =	vge.f32 v14, v9;
	v16 =	vsel vm2, $0x1, v1  }
0x38: {  	v11 =	vld [tilespmem:s13+$0x20];
	s13 =	simm.s32 $0x40;
	v17 =	vmpcnt.ones.xlane vm2;
	v18 =	vsel vm1, $0x1, v1;
	v19 =	vmpcnt.ones.xlane vm1  }
0x39: {  	v20 =	vmpcnt.ones.xlane vm0;
	v21 =	vsel vm6, $0x1, v1;
	v27 =	vor.u32 s13, v0;
	s13 =	simm.s32 $0x60;
	(xrf0) =	vadd.scan.msk.s32 $0xffff, v16  }
0x3a: {  	v16 =	vmpcnt.ones.xlane vm5;
	v28 =	vor.u32 s13, v0;
	v17 =	vadd.s32 v15, v17;
	(xrf0) =	vadd.scan.msk.s32 $0xffff, v18  }
0x3b: {  	v18 =	vmpcnt.ones.xlane vm6;
	vm6 =	vmmov vm6;
	v13 =	vadd.s32 v17, v19  }
0x3c: {  	v14 =	vadd.s32 v13, v20;
	vm4 =	vge.f32 v12, v9;
	v12 =	vsel vm0, $0x1, v1  }
0x3d: {  	vm3 =	vge.f32 v10, v9;
	vm7 =	vge.f32 v11, v9;
	v20 =	vsel vm5, $0x1, v1  }
0x3e: {  	vm5 =	vmmov vm5;
	v10 =	vadd.s32 v14, v16;
	v16 =	vmpcnt.ones.xlane vm3;
	(xrf0) =	vadd.scan.msk.s32 $0xffff, v12  }
0x3f: {  	v19 =	vmpcnt.ones.xlane vm4;
	v22 =	vsel vm3, $0x1, v1;
	v11 =	vadd.s32 v10, v18;
	v12, _, _ =	vpop (xrf0)  }
0x40: {  	v23 =	vsel vm7, $0x1, v1;
	v18 =	vmpcnt.ones.xlane vm7;
	v16 =	vadd.s32 v11, v16;
	(xrf0) =	vadd.scan.msk.s32 $0xffff, v20;
	v20, _, _ =	vpop (xrf0)  }
0x41: {  	s24 =	simm.s32 $0x0;
	v12 =	vadd.s32 v12, v15;
	(xrf0) =	vadd.scan.msk.s32 $0xffff, v21;
	v15 =	vadd.s32 v20, v17;
	v17 =	vsel vm4, $0x1, v1  }
0x42: {  	vm11 =	vmmov vm3;
	v18 =	vadd.s32 v16, v18;
	(xrf0) =	vadd.scan.msk.s32 $0xffff, v22;
	v20 =	vor.u32 s24, v0;
	s24 =	simm.s32 $0x60C0  }
0x43: {  	s4 =	simm.s32 $0x10;
	vm7 =	vmmov vm7;
	v19 =	vadd.s32 v18, v19;
	v12 =	vadd.s32 $0xFFFFFFFF, v12;
	(xrf0) =	vadd.scan.msk.s32 $0xffff, v23;
	v25 =	vld [tilespmem:s24+$0x0]  }
0x44: {  	v22 =	vor.u32 s4, v0;
	v15 =	vadd.s32 $0xFFFFFFFF, v15;
	vm8 =	vlt.s32 v12, $0x88;
	(xrf0) =	vadd.scan.msk.s32 $0xffff, v17;
	v17, _, _ =	vpop (xrf0)  }
0x45: {  	s4 =	simm.s32 $0x30;
	v23 =	vld [tilespmem:s24+$0xFFFFFFC0];
	vm9 =	vlt.s32 v15, $0x88;
	v12 =	vnsel vm8, $0x88, v12;
	v13 =	vadd.s32 v17, v13  }
0x46: {  	s9 =	simm.s32 $0x70;
	v26 =	vor.u32 s4, v0;
	v15 =	vnsel vm9, $0x88, v15;
	v21, _, _ =	vpop (xrf0);
	v13 =	vadd.s32 $0xFFFFFFFF, v13  }
0x47: {  	v17 =	vor.u32 s9, v0;
	v14 =	vadd.s32 v21, v14;
	v21, _, _ =	vpop (xrf0);
	vm3 =	vlt.s32 v13, $0x88  }
0x48: {  	v62 =	vld [tilespmem:s24+$0x30];
	v14 =	vadd.s32 $0xFFFFFFFF, v14;
	v10 =	vadd.s32 v21, v10;
	v21, _, _ =	vpop (xrf0);
	vm10 =	vge.f32 v25, v9  }
0x49: {  	vm8 =	vlt.s32 v14, $0x88;
	v10 =	vadd.s32 $0xFFFFFFFF, v10;
	v11 =	vadd.s32 v21, v11  }
0x4a: {  	v21, _, _ =	vpop (xrf0);
	v13 =	vnsel vm3, $0x88, v13;
	[tilespmem:v12+s31+$0x0] =	vst.idx.msk vm2, v20;
	vm2 =	vge.f32 v23, v9;
	vm9 =	vlt.s32 v10, $0x88  }
0x4b: {  	v24 =	vld [tilespmem:s24+$0xFFFFFFE0];
	v11 =	vadd.s32 $0xFFFFFFFF, v11;
	v16 =	vadd.s32 v21, v16;
	v21, _, _ =	vpop (xrf0);
	v14 =	vnsel vm8, $0x88, v14  }
0x4c: {  	[tilespmem:v15+s31+$0x0] =	vst.idx.msk vm1, v22;
	v15 =	vsel vm2, $0x1, v1;
	v29 =	vmpcnt.ones.xlane vm2;
	v18 =	vadd.s32 v21, v18;
	v21 =	vld [tilespmem:s24+$0xFFFFFFD0]  }
0x4d: {  	v12 =	vld [tilespmem:s24+$0xFFFFFFF0];
	vm1 =	vge.f32 v62, v9;
	vm3 =	vlt.s32 v11, $0x88;
	v16 =	vadd.s32 $0xFFFFFFFF, v16  }
0x4e: {  	v22 =	vld [tilespmem:s24+$0x10];
	v10 =	vnsel vm9, $0x88, v10;
	v18 =	vadd.s32 $0xFFFFFFFF, v18;
	vm8 =	vlt.s32 v16, $0x88  }
0x4f: {  	s12 =	simm.s32 $0x20;
	v11 =	vnsel vm3, $0x88, v11;
	v29 =	vadd.s32 v19, v29;
	vm9 =	vlt.s32 v18, $0x88  }
0x50: {  	(xrf0) =	vadd.scan.msk.s32 $0xffff, v15;
	v20 =	vnsel vm8, $0x88, v16;
	v16 =	vor.u32 s12, v0;
	s12 =	simm.s32 $0x50;
	v18 =	vnsel vm9, $0x88, v18  }
0x51: {  	v23 =	vor.u32 s12, v0;
	[tilespmem:v13+s31+$0x0] =	vst.idx.msk vm0, v16;
	vm0 =	vge.f32 v24, v9;
	vm3 =	vge.f32 v21, v9  }
0x52: {  	vm12 =	vge.f32 v12, v9;
	v15 =	vmpcnt.ones.xlane vm0;
	[tilespmem:v14+s31+$0x0] =	vst.idx.msk vm5, v26;
	v21 =	vld [tilespmem:s24+$0x20];
	v13 =	vsel vm3, $0x1, v1  }
0x53: {  	vm8 =	vge.f32 v22, v9;
	[tilespmem:v10+s31+$0x0] =	vst.idx.msk vm6, v27;
	v16 =	vmpcnt.ones.xlane vm3;
	(xrf0) =	vadd.scan.msk.s32 $0xffff, v13  }
0x54: {  	v12 =	vmpcnt.ones.xlane vm12;
	v22 =	vsel vm12, $0x1, v1;
	v63 =	vsel vm8, $0x1, v1;
	[tilespmem:v11+s31+$0x0] =	vst.idx.msk vm11, v23  }
0x55: {  	v11 =	vsel vm0, $0x1, v1;
	v23 =	vsel vm10, $0x1, v1;
	[tilespmem:v20+s31+$0x0] =	vst.idx.msk vm7, v28;
	v16 =	vadd.s32 v29, v16  }
0x56: {  	v13 =	vmpcnt.ones.xlane vm10;
	v20, _, _ =	vpop (xrf0);
	[tilespmem:v18+s31+$0x0] =	vst.idx.msk vm4, v17;
	v17 =	vmpcnt.ones.xlane vm8;
	v15 =	vadd.s32 v16, v15  }
0x57: {  	v19 =	vadd.s32 v20, v19;
	v14 =	vadd.s32 v15, v12;
	vm9 =	vge.f32 v21, v9  }
0x58: {  	(xrf0) =	vadd.scan.msk.s32 $0xffff, v11;
	vm4 =	vmmov vm12;
	v12 =	vadd.s32 v14, v13;
	v10 =	vmpcnt.ones.xlane vm9  }
0x59: {  	v19 =	vadd.s32 $0xFFFFFFFF, v19;
	v21 =	vmpcnt.ones.xlane vm1;
	v13 =	vadd.s32 v12, v17;
	v11, _, _ =	vpop (xrf0);
	(xrf0) =	vadd.scan.msk.s32 $0xffff, v22  }
0x5a: {  	v18 =	vsel vm9, $0x1, v1;
	v17 =	vadd.s32 v13, v10;
	v11 =	vadd.s32 v11, v29;
	(xrf0) =	vadd.scan.msk.s32 $0xffff, v23  }
0x5b: {  	s10 =	simm.s32 $0x8;
	v10 =	vadd.s32 v17, v21;
	v21 =	vsel vm1, $0x1, v1;
	v20 =	vadd.s32 $0xFFFFFFFF, v11;
	(xrf0) =	vadd.scan.msk.s32 $0xffff, v63  }
.LBB2_3:
0x5c: {  	s10 =	sadd.s32 $0x8, s10;
	vm6 =	vlt.s32 v19, $0x88;
	vm7 =	vlt.s32 v20, $0x88;
	(xrf0) =	vadd.scan.msk.s32 $0xffff, v18;
	v11 =	vmovc v10;
	vm5 =	vmmov vm10  }
0x5d: {  	s9 =	sadd.s32 $0x80, s9;
	p0 =	slt.u32 s10, $0x1F8;
	v18 =	vnsel vm6, $0x88, v19;
	v19 =	vnsel vm7, $0x88, v20;
	(xrf0) =	vadd.scan.msk.s32 $0xffff, v21;
	vm7 =	vmmov vm8  }
0x5e: {  	s12 =	sadd.s32 $0xFFFFFF90, s9;
	vm6 =	vmmov vm9;
	v20, _, _ =	vpop (xrf0)  }
0x5f: {  	v21 =	vor.u32 s12, v0;
	s12 =	sadd.s32 $0xFFFFFFA0, s9;
	v16 =	vadd.s32 v20, v16;
	v20 =	vor.u32 s9, v0;
	v22, _, _ =	vpop (xrf0)  }
0x60: {  	v23 =	vor.u32 s12, v0;
	v16 =	vadd.s32 $0xFFFFFFFF, v16;
	v15 =	vadd.s32 v22, v15;
	v22, _, _ =	vpop (xrf0)  }
0x61: {  	vm8 =	vlt.s32 v16, $0x88;
	v15 =	vadd.s32 $0xFFFFFFFF, v15;
	v14 =	vadd.s32 v22, v14;
	v22, _, _ =	vpop (xrf0)  }
0x62: {  	[tilespmem:v18+s31+$0x0] =	vst.idx.msk vm2, v21;
	vm2 =	vlt.s32 v15, $0x88;
	v14 =	vadd.s32 $0xFFFFFFFF, v14;
	v12 =	vadd.s32 v22, v12;
	v18, _, _ =	vpop (xrf0)  }
0x63: {  	s24 =	sadd.s32 $0x80, s24;
	[tilespmem:v19+s31+$0x0] =	vst.idx.msk vm3, v23;
	vm3 =	vlt.s32 v14, $0x88;
	v12 =	vadd.s32 $0xFFFFFFFF, v12;
	v13 =	vadd.s32 v18, v13;
	v18, _, _ =	vpop (xrf0)  }
0x64: {  	v19 =	vld [tilespmem:s24+$0xFFFFFFC0];
	vm9 =	vlt.s32 v12, $0x88;
	v13 =	vadd.s32 $0xFFFFFFFF, v13;
	v17 =	vadd.s32 v18, v17  }
0x65: {  	v16 =	vnsel vm8, $0x88, v16;
	v18 =	vld [tilespmem:s24+$0xFFFFFFD0];
	vm8 =	vlt.s32 v13, $0x88;
	v17 =	vadd.s32 $0xFFFFFFFF, v17  }
0x66: {  	v22 =	vnsel vm2, $0x88, v15;
	v23 =	vnsel vm3, $0x88, v14;
	v21 =	vld [tilespmem:s24+$0xFFFFFFE0];
	vm2 =	vlt.s32 v17, $0x88  }
0x67: {  	s13 =	sadd.s32 $0xFFFFFFC0, s9;
	s4 =	sadd.s32 $0xFFFFFFD0, s9;
	s12 =	sadd.s32 $0xFFFFFFB0, s9;
	v24 =	vnsel vm9, $0x88, v12;
	v25 =	vnsel vm8, $0x88, v13;
	v14 =	vld [tilespmem:s24+$0xFFFFFFF0];
	v12 =	vnsel vm2, $0x88, v17  }
0x68: {  	v26 =	vor.u32 s4, v0;
	s4 =	sadd.s32 $0xFFFFFFE0, s9;
	v15 =	vor.u32 s12, v0;
	s12 =	sadd.s32 $0xFFFFFFF0, s9;
	v17 =	vor.u32 s13, v0;
	v13 =	vld [tilespmem:s24+$0x0]  }
0x69: {  	v27 =	vor.u32 s4, v0;
	v28 =	vor.u32 s12, v0;
	vm2 =	vge.f32 v19, v9;
	v19 =	vld [tilespmem:s24+$0x10]  }
0x6a: {  	v29 =	vsel vm2, $0x1, v1;
	v30 =	vmpcnt.ones.xlane vm2;
	vm3 =	vge.f32 v18, v9;
	v18 =	vld [tilespmem:s24+$0x20];
	[tilespmem:v16+s31+$0x0] =	vst.idx.msk vm0, v15  }
0x6b: {  	v15 =	vsel vm3, $0x1, v1;
	v16 =	vmpcnt.ones.xlane vm3;
	vm0 =	vge.f32 v21, v9;
	v21 =	vld [tilespmem:s24+$0x30];
	(xrf0) =	vadd.scan.msk.s32 $0xffff, v29  }
0x6c: {  	v29 =	vadd.s32 v10, v30;
	v10 =	vmpcnt.ones.xlane vm0;
	vm11 =	vge.f32 v14, v9;
	(xrf0) =	vadd.scan.msk.s32 $0xffff, v15  }
0x6d: {  	v16 =	vadd.s32 v29, v16;
	v14 =	vmpcnt.ones.xlane vm11;
	vm10 =	vge.f32 v13, v9;
	[tilespmem:v12+s31+$0x0] =	vst.idx.msk vm1, v20  }
0x6e: {  	v15 =	vadd.s32 v16, v10;
	v10 =	vmpcnt.ones.xlane vm10;
	vm8 =	vge.f32 v19, v9;
	[tilespmem:v22+s31+$0x0] =	vst.idx.msk vm4, v17  }
0x6f: {  	v14 =	vadd.s32 v15, v14;
	v13 =	vmpcnt.ones.xlane vm8;
	vm9 =	vge.f32 v18, v9;
	[tilespmem:v23+s31+$0x0] =	vst.idx.msk vm5, v26  }
0x70: {  	v12 =	vadd.s32 v14, v10;
	v10 =	vmpcnt.ones.xlane vm9;
	vm1 =	vge.f32 v21, v9;
	[tilespmem:v24+s31+$0x0] =	vst.idx.msk vm7, v27  }
.Ltmp0:
0x71: {  	v18 =	vsel vm0, $0x1, v1;
	v13 =	vadd.s32 v12, v13;
	v19 =	vmpcnt.ones.xlane vm1;
	v20, _, _ =	vpop (xrf0);
	[tilespmem:v25+s31+$0x0] =	vst.idx.msk vm6, v28;
	(pc) =	sbr.rel @p0 .LBB2_3-.Ltmp0, $4  }
0x72: {  	v22 =	vsel vm10, $0x1, v1;
	v21 =	vsel vm11, $0x1, v1;
	v17 =	vadd.s32 v13, v10;
	v23, _, _ =	vpop (xrf0);
	(xrf0) =	vadd.scan.msk.s32 $0xffff, v18  }
0x73: {  	v24 =	vsel vm8, $0x1, v1;
	v18 =	vsel vm9, $0x1, v1;
	v10 =	vadd.s32 v17, v19;
	(xrf0) =	vadd.scan.msk.s32 $0xffff, v21  }
0x74: {  	v11 =	vadd.s32 v20, v11;
	v20 =	vadd.s32 v23, v29;
	v21 =	vsel vm1, $0x1, v1;
	(xrf0) =	vadd.scan.msk.s32 $0xffff, v22  }
0x75: {  	vm4 =	vmmov vm11;
	v19 =	vadd.s32 $0xFFFFFFFF, v11;
	v20 =	vadd.s32 $0xFFFFFFFF, v20;
	(xrf0) =	vadd.scan.msk.s32 $0xffff, v24  }
0x76: {  	(xrf0) =	vadd.scan.msk.s32 $0xffff, v18  }
0x77: {  	(xrf0) =	vadd.scan.msk.s32 $0xffff, v21  }
0x78: {  	v9, _, _ =	vpop (xrf0)  }
0x79: {  	vm6 =	vlt.s32 v19, $0x88;
	vm7 =	vlt.s32 v20, $0x88;
	vm5 =	vmmov vm10;
	s4 =	sadd.s32 $0x80, s9;
	v11, _, _ =	vpop (xrf0)  }
0x7a: {  	v19 =	vnsel vm6, $0x88, v19;
	v20 =	vnsel vm7, $0x88, v20;
	vm6 =	vmmov vm8;
	s9 =	sadd.s32 $0xFFFFFF90, s4;
	v18, _, _ =	vpop (xrf0)  }
0x7b: {  	vm7 =	vmmov vm9;
	s12 =	sadd.s32 $0xFFFFFFA0, s4;
	v22 =	vor.u32 s9, v0;
	v9 =	vadd.s32 v9, v16;
	v21, _, _ =	vpop (xrf0)  }
0x7c: {  	v23 =	vor.u32 s12, v0;
	v9 =	vadd.s32 $0xFFFFFFFF, v9;
	v11 =	vadd.s32 v11, v15;
	v16, _, _ =	vpop (xrf0)  }
0x7d: {  	vm8 =	vlt.s32 v9, $0x88;
	v11 =	vadd.s32 $0xFFFFFFFF, v11;
	v14 =	vadd.s32 v18, v14;
	v15, _, _ =	vpop (xrf0)  }
0x7e: {  	vm9 =	vlt.s32 v11, $0x88;
	v14 =	vadd.s32 $0xFFFFFFFF, v14;
	v15 =	vadd.s32 v15, v17  }
0x7f: {  	v9 =	vnsel vm8, $0x88, v9;
	v12 =	vadd.s32 v21, v12;
	v15 =	vadd.s32 $0xFFFFFFFF, v15  }
0x80: {  	vm10 =	vlt.s32 v14, $0x88;
	v11 =	vnsel vm9, $0x88, v11;
	vm8 =	vlt.s32 v15, $0x88  }
0x81: {  	v12 =	vadd.s32 $0xFFFFFFFF, v12;
	v13 =	vadd.s32 v16, v13;
	v15 =	vnsel vm8, $0x88, v15  }
0x82: {  	s13 =	sadd.s32 $0xFFFFFFB0, s4;
	[tilespmem:v19+s31+$0x0] =	vst.idx.msk vm2, v22;
	vm2 =	vlt.s32 v12, $0x88;
	v13 =	vadd.s32 $0xFFFFFFFF, v13;
	v14 =	vnsel vm10, $0x88, v14  }
0x83: {  	s24 =	sadd.s32 $0xFFFFFFC0, s4;
	[tilespmem:v20+s31+$0x0] =	vst.idx.msk vm3, v23;
	v16 =	vor.u32 s13, v0;
	vm3 =	vlt.s32 v13, $0x88;
	v12 =	vnsel vm2, $0x88, v12  }
0x84: {  	v13 =	vnsel vm3, $0x88, v13;
	[tilespmem:v9+s31+$0x0] =	vst.idx.msk vm0, v16;
	v9 =	vor.u32 s24, v0  }
0x85: {  	s10 =	sadd.s32 $0xFFFFFFD0, s4;
	v17 =	vor.u32 s4, v0;
	[tilespmem:v11+s31+$0x0] =	vst.idx.msk vm4, v9  }
0x86: {  	[tilespmem:v15+s31+$0x0] =	vst.idx.msk vm1, v17;
	v15 =	vor.u32 s10, v0;
	s10 =	sadd.s32 $0xFFFFFFE0, s4  }
0x87: {  	s4 =	sadd.s32 $0xFFFFFFF0, s4;
	v9 =	vor.u32 s10, v0;
	[tilespmem:v14+s31+$0x0] =	vst.idx.msk vm5, v15  }
0x88: {  	v11 =	vor.u32 s4, v0;
	[tilespmem:v12+s31+$0x0] =	vst.idx.msk vm6, v9  }
0x89: {  	[tilespmem:v13+s31+$0x0] =	vst.idx.msk vm7, v11  }
0x8a: {  	v9 =	vld [tilespmem:$0xA800];
	_ =	sdelay $0x1  }
0x8b: {  	vm0 =	vgt.s32 v10, v0;
	_ =	sdelay $0x5  }
0x8c: {  	v11 =	vld.idx.msk [tilespmem:v9+s28+$0x0], vm0;
	_ =	sdelay $0x4  }
0x8d: {  	s12 =	sshll.u32 s8, $0x8;
	v11 =	vnsel vm0, $0xC0400000, v11  }
0x8e: {  	[tilespmem:s12+$0xA900] =	vst v11  }
0x8f: {  	v11 =	vld.idx.msk [tilespmem:v9+s2+$0x0], vm0;
	_ =	sdelay $0x4  }
0x90: {  	[tilespmem:s12+$0xC900] =	vst v11  }
0x91: {  	v11 =	vld.idx.msk [tilespmem:v9+s22+$0x0], vm0;
	_ =	sdelay $0x4  }
0x92: {  	[tilespmem:s12+$0xE900] =	vst v11  }
0x93: {  	v9 =	vld.idx.msk [tilespmem:v9+s23+$0x0], vm0;
	_ =	sdelay $0x4  }
0x94: {  	[tilespmem:s12+$0x10900] =	vst v9  }
0x95: {  	v9 =	vld [tilespmem:$0xA810];
	_ =	sdelay $0x1  }
0x96: {  	vm0 =	vgt.s32 v10, v2;
	_ =	sdelay $0x5  }
0x97: {  	v11 =	vld.idx.msk [tilespmem:v9+s28+$0x0], vm0;
	_ =	sdelay $0x4  }
0x98: {  	v11 =	vnsel vm0, $0xC0400000, v11  }
0x99: {  	[tilespmem:s12+$0xA910] =	vst v11  }
0x9a: {  	v11 =	vld.idx.msk [tilespmem:v9+s2+$0x0], vm0;
	_ =	sdelay $0x4  }
0x9b: {  	[tilespmem:s12+$0xC910] =	vst v11  }
0x9c: {  	v11 =	vld.idx.msk [tilespmem:v9+s22+$0x0], vm0;
	_ =	sdelay $0x4  }
0x9d: {  	[tilespmem:s12+$0xE910] =	vst v11  }
0x9e: {  	v9 =	vld.idx.msk [tilespmem:v9+s23+$0x0], vm0;
	_ =	sdelay $0x4  }
0x9f: {  	[tilespmem:s12+$0x10910] =	vst v9  }
0xa0: {  	v9 =	vld [tilespmem:$0xA820];
	_ =	sdelay $0x1  }
0xa1: {  	vm0 =	vgt.s32 v10, v3;
	_ =	sdelay $0x5  }
0xa2: {  	v11 =	vld.idx.msk [tilespmem:v9+s28+$0x0], vm0;
	_ =	sdelay $0x4  }
0xa3: {  	v11 =	vnsel vm0, $0xC0400000, v11  }
0xa4: {  	[tilespmem:s12+$0xA920] =	vst v11  }
0xa5: {  	v11 =	vld.idx.msk [tilespmem:v9+s2+$0x0], vm0;
	_ =	sdelay $0x4  }
0xa6: {  	[tilespmem:s12+$0xC920] =	vst v11  }
0xa7: {  	v11 =	vld.idx.msk [tilespmem:v9+s22+$0x0], vm0;
	_ =	sdelay $0x4  }
0xa8: {  	[tilespmem:s12+$0xE920] =	vst v11  }
0xa9: {  	v9 =	vld.idx.msk [tilespmem:v9+s23+$0x0], vm0;
	_ =	sdelay $0x4  }
0xaa: {  	[tilespmem:s12+$0x10920] =	vst v9  }
0xab: {  	v9 =	vld [tilespmem:$0xA830];
	_ =	sdelay $0x1  }
0xac: {  	vm0 =	vgt.s32 v10, v4;
	_ =	sdelay $0x5  }
0xad: {  	v11 =	vld.idx.msk [tilespmem:v9+s28+$0x0], vm0;
	_ =	sdelay $0x4  }
0xae: {  	v11 =	vnsel vm0, $0xC0400000, v11  }
0xaf: {  	[tilespmem:s12+$0xA930] =	vst v11  }
0xb0: {  	v11 =	vld.idx.msk [tilespmem:v9+s2+$0x0], vm0;
	_ =	sdelay $0x4  }
0xb1: {  	[tilespmem:s12+$0xC930] =	vst v11  }
0xb2: {  	v11 =	vld.idx.msk [tilespmem:v9+s22+$0x0], vm0;
	_ =	sdelay $0x4  }
0xb3: {  	[tilespmem:s12+$0xE930] =	vst v11  }
0xb4: {  	v9 =	vld.idx.msk [tilespmem:v9+s23+$0x0], vm0;
	_ =	sdelay $0x4  }
0xb5: {  	[tilespmem:s12+$0x10930] =	vst v9  }
0xb6: {  	v9 =	vld [tilespmem:$0xA840];
	_ =	sdelay $0x1  }
0xb7: {  	vm0 =	vgt.s32 v10, v5;
	_ =	sdelay $0x5  }
0xb8: {  	v11 =	vld.idx.msk [tilespmem:v9+s28+$0x0], vm0;
	_ =	sdelay $0x4  }
0xb9: {  	v11 =	vnsel vm0, $0xC0400000, v11  }
0xba: {  	[tilespmem:s12+$0xA940] =	vst v11  }
0xbb: {  	v11 =	vld.idx.msk [tilespmem:v9+s2+$0x0], vm0;
	_ =	sdelay $0x4  }
0xbc: {  	[tilespmem:s12+$0xC940] =	vst v11  }
0xbd: {  	v11 =	vld.idx.msk [tilespmem:v9+s22+$0x0], vm0;
	_ =	sdelay $0x4  }
0xbe: {  	[tilespmem:s12+$0xE940] =	vst v11  }
0xbf: {  	v9 =	vld.idx.msk [tilespmem:v9+s23+$0x0], vm0;
	_ =	sdelay $0x4  }
0xc0: {  	[tilespmem:s12+$0x10940] =	vst v9  }
0xc1: {  	v9 =	vld [tilespmem:$0xA850];
	_ =	sdelay $0x1  }
0xc2: {  	vm0 =	vgt.s32 v10, v6;
	_ =	sdelay $0x5  }
0xc3: {  	v11 =	vld.idx.msk [tilespmem:v9+s28+$0x0], vm0;
	_ =	sdelay $0x4  }
0xc4: {  	v11 =	vnsel vm0, $0xC0400000, v11  }
0xc5: {  	[tilespmem:s12+$0xA950] =	vst v11  }
0xc6: {  	v11 =	vld.idx.msk [tilespmem:v9+s2+$0x0], vm0;
	_ =	sdelay $0x4  }
0xc7: {  	[tilespmem:s12+$0xC950] =	vst v11  }
0xc8: {  	v11 =	vld.idx.msk [tilespmem:v9+s22+$0x0], vm0;
	_ =	sdelay $0x4  }
0xc9: {  	[tilespmem:s12+$0xE950] =	vst v11  }
0xca: {  	v9 =	vld.idx.msk [tilespmem:v9+s23+$0x0], vm0;
	_ =	sdelay $0x4  }
0xcb: {  	[tilespmem:s12+$0x10950] =	vst v9  }
0xcc: {  	v9 =	vld [tilespmem:$0xA860];
	_ =	sdelay $0x1  }
0xcd: {  	vm0 =	vgt.s32 v10, v7;
	_ =	sdelay $0x5  }
0xce: {  	v11 =	vld.idx.msk [tilespmem:v9+s28+$0x0], vm0;
	_ =	sdelay $0x4  }
0xcf: {  	v11 =	vnsel vm0, $0xC0400000, v11  }
0xd0: {  	[tilespmem:s12+$0xA960] =	vst v11  }
0xd1: {  	v11 =	vld.idx.msk [tilespmem:v9+s2+$0x0], vm0;
	_ =	sdelay $0x4  }
0xd2: {  	[tilespmem:s12+$0xC960] =	vst v11  }
0xd3: {  	v11 =	vld.idx.msk [tilespmem:v9+s22+$0x0], vm0;
	_ =	sdelay $0x4  }
0xd4: {  	[tilespmem:s12+$0xE960] =	vst v11  }
0xd5: {  	v9 =	vld.idx.msk [tilespmem:v9+s23+$0x0], vm0;
	_ =	sdelay $0x4  }
0xd6: {  	[tilespmem:s12+$0x10960] =	vst v9  }
0xd7: {  	v9 =	vld [tilespmem:$0xA870];
	_ =	sdelay $0x1  }
0xd8: {  	vm0 =	vgt.s32 v10, v8;
	_ =	sdelay $0x5  }
0xd9: {  	v10 =	vld.idx.msk [tilespmem:v9+s28+$0x0], vm0;
	_ =	sdelay $0x4  }
0xda: {  	v10 =	vnsel vm0, $0xC0400000, v10  }
0xdb: {  	[tilespmem:s12+$0xA970] =	vst v10  }
0xdc: {  	v10 =	vld.idx.msk [tilespmem:v9+s2+$0x0], vm0;
	_ =	sdelay $0x4  }
0xdd: {  	[tilespmem:s12+$0xC970] =	vst v10  }
0xde: {  	v10 =	vld.idx.msk [tilespmem:v9+s22+$0x0], vm0;
	_ =	sdelay $0x4  }
0xdf: {  	[tilespmem:s12+$0xE970] =	vst v10  }
0xe0: {  	v9 =	vld.idx.msk [tilespmem:v9+s23+$0x0], vm0;
	_ =	sdelay $0x2  }
0xe1: {  	s13 =	smin.u32 s1, $0x3D  }
0xe2: {  	s4 =	sadd.s32 $0x2, s13  }
0xe3: {  	s1 =	sor.u32 $0x1, s1;
	s24 =	sor.u32 s7, s4;
	s4 =	sshll.u32 s4, $0x4;
	[tilespmem:s12+$0x10970] =	vst v9  }
0xe4: {  	s9 =	sshll.u32 s24, $0xA;
	s4 =	sand.u32 $0x70, s4;
	_ =	swait.ge [sflag:s0], $0x2000  }
0xe5: {  	s9 =	sand.u32 $0x3FE000, s9;
	s4 =	sadd.s32 s3, s4;
	[sflag:s0] =	ssyncset.done $0x0  }
0xe6: {  	s10 =	sshll.u32 s1, $0x4;
	s4 =	sadd.s32 s9, s4;
	[sflag:s0] =	ssyncadd.s32 $0xFFFFE000  }
0xe7: {  	[tilespmem:s28], [sflag:$0x1] =	stream.strided.gather [hbm4b:s4+s25], $0x2000, s26, s25, $0x38;
	[tilespmem:$0x12900] =	vst v63  }
0xe8: {  	s4 =	sand.u32 $0x3FFFFFF0, s10  }
0xe9: {  	s12 =	simm.s32 $0x8040;
	v9 =	vld [tilespmem:s4+$0xA000]  }
0xea: {  	v10 =	vld [tilespmem:s12+$0xFFFFFFC0]  }
0xeb: {  	v11 =	vld [tilespmem:s12+$0xFFFFFFD0]  }
0xec: {  	v12 =	vld [tilespmem:s12+$0xFFFFFFE0]  }
0xed: {  	v13 =	vld [tilespmem:s12+$0xFFFFFFF0]  }
0xee: {  	v14 =	vld [tilespmem:s12+$0x0];
	_ =	sdelay $0x2  }
0xef: {  	v15 =	vimm.s32 $0x0;
	s10 =	simm.s32 $0x20  }
0xf0: {  	v25 =	vor.u32 s10, v0;
	vm2 =	vge.f32 v10, v9;
	v10 =	vld [tilespmem:s12+$0x10];
	vm1 =	vge.f32 v11, v9  }
0xf1: {  	vm0 =	vge.f32 v12, v9;
	v12 =	vld [tilespmem:s12+$0x30];
	vm5 =	vge.f32 v13, v9;
	vm6 =	vge.f32 v14, v9  }
0xf2: {  	v11 =	vld [tilespmem:s12+$0x20];
	v16 =	vsel vm2, $0x1, v1;
	v17 =	vmpcnt.ones.xlane vm2;
	v18 =	vsel vm1, $0x1, v1  }
0xf3: {  	s12 =	simm.s32 $0x40;
	v19 =	vmpcnt.ones.xlane vm1;
	v20 =	vmpcnt.ones.xlane vm0;
	v21 =	vsel vm6, $0x1, v1;
	(xrf0) =	vadd.scan.msk.s32 $0xffff, v16  }
0xf4: {  	v27 =	vor.u32 s12, v0;
	v16 =	vmpcnt.ones.xlane vm5;
	v17 =	vadd.s32 v15, v17;
	(xrf0) =	vadd.scan.msk.s32 $0xffff, v18  }
0xf5: {  	v18 =	vmpcnt.ones.xlane vm6;
	vm6 =	vmmov vm6;
	v13 =	vadd.s32 v17, v19  }
0xf6: {  	v14 =	vadd.s32 v13, v20;
	vm4 =	vge.f32 v12, v9;
	v12 =	vsel vm0, $0x1, v1  }
0xf7: {  	vm3 =	vge.f32 v10, v9;
	vm7 =	vge.f32 v11, v9;
	v20 =	vsel vm5, $0x1, v1  }
0xf8: {  	vm5 =	vmmov vm5;
	v10 =	vadd.s32 v14, v16;
	v16 =	vmpcnt.ones.xlane vm3;
	(xrf0) =	vadd.scan.msk.s32 $0xffff, v12  }
0xf9: {  	v19 =	vmpcnt.ones.xlane vm4;
	v22 =	vsel vm3, $0x1, v1;
	v11 =	vadd.s32 v10, v18;
	(xrf0) =	vadd.scan.msk.s32 $0xffff, v20;
	v12, _, _ =	vpop (xrf0)  }
0xfa: {  	v23 =	vsel vm7, $0x1, v1;
	v18 =	vmpcnt.ones.xlane vm7;
	v16 =	vadd.s32 v11, v16;
	v20, _, _ =	vpop (xrf0)  }
0xfb: {  	(xrf0) =	vadd.scan.msk.s32 $0xffff, v21;
	v12 =	vadd.s32 v12, v15;
	v15 =	vadd.s32 v20, v17;
	v17 =	vsel vm4, $0x1, v1  }
0xfc: {  	s24 =	simm.s32 $0x10;
	vm11 =	vmmov vm3;
	vm7 =	vmmov vm7;
	v18 =	vadd.s32 v16, v18;
	(xrf0) =	vadd.scan.msk.s32 $0xffff, v22  }
0xfd: {  	s13 =	simm.s32 $0x0;
	v22 =	vor.u32 s24, v0;
	v19 =	vadd.s32 v18, v19;
	v12 =	vadd.s32 $0xFFFFFFFF, v12;
	(xrf0) =	vadd.scan.msk.s32 $0xffff, v23  }
0xfe: {  	s24 =	simm.s32 $0x80C0;
	v20 =	vor.u32 s13, v0;
	s13 =	simm.s32 $0x30;
	v15 =	vadd.s32 $0xFFFFFFFF, v15;
	vm8 =	vlt.s32 v12, $0x88;
	(xrf0) =	vadd.scan.msk.s32 $0xffff, v17;
	v17, _, _ =	vpop (xrf0)  }
0xff: {  	v23 =	vld [tilespmem:s24+$0xFFFFFFC0];
	v26 =	vor.u32 s13, v0;
	vm9 =	vlt.s32 v15, $0x88;
	v12 =	vnsel vm8, $0x88, v12;
	v21, _, _ =	vpop (xrf0)  }
0x100: {  	s9 =	simm.s32 $0x70;
	v15 =	vnsel vm9, $0x88, v15;
	v13 =	vadd.s32 v17, v13;
	v14 =	vadd.s32 v21, v14  }
0x101: {  	v17 =	vor.u32 s9, v0;
	v13 =	vadd.s32 $0xFFFFFFFF, v13;
	v21, _, _ =	vpop (xrf0);
	v14 =	vadd.s32 $0xFFFFFFFF, v14  }
0x102: {  	vm3 =	vlt.s32 v13, $0x88;
	v10 =	vadd.s32 v21, v10;
	v21, _, _ =	vpop (xrf0);
	vm8 =	vlt.s32 v14, $0x88  }
0x103: {  	v30 =	vld [tilespmem:s24+$0x30];
	s13 =	simm.s32 $0x60;
	v10 =	vadd.s32 $0xFFFFFFFF, v10;
	v11 =	vadd.s32 v21, v11;
	v13 =	vnsel vm3, $0x88, v13  }
0x104: {  	v21, _, _ =	vpop (xrf0);
	[tilespmem:v12+s31+$0x0] =	vst.idx.msk vm2, v20;
	v12 =	vld [tilespmem:s24+$0xFFFFFFF0];
	vm2 =	vge.f32 v23, v9;
	v23 =	vor.u32 s13, v0;
	vm9 =	vlt.s32 v10, $0x88  }
0x105: {  	s12 =	simm.s32 $0x50;
	v11 =	vadd.s32 $0xFFFFFFFF, v11;
	v16 =	vadd.s32 v21, v16;
	v21, _, _ =	vpop (xrf0);
	v24 =	vnsel vm8, $0x88, v14;
	v14 =	vld [tilespmem:s24+$0xFFFFFFE0]  }
0x106: {  	[tilespmem:v15+s31+$0x0] =	vst.idx.msk vm1, v22;
	v22 =	vor.u32 s12, v0;
	v28 =	vsel vm2, $0x1, v1;
	v18 =	vadd.s32 v21, v18;
	v21 =	vld [tilespmem:s24+$0xFFFFFFD0]  }
0x107: {  	v15 =	vld [tilespmem:s24+$0x10];
	v29 =	vmpcnt.ones.xlane vm2;
	vm3 =	vlt.s32 v11, $0x88;
	v16 =	vadd.s32 $0xFFFFFFFF, v16  }
0x108: {  	(xrf0) =	vadd.scan.msk.s32 $0xffff, v28;
	v18 =	vadd.s32 $0xFFFFFFFF, v18;
	vm8 =	vlt.s32 v16, $0x88;
	v11 =	vnsel vm3, $0x88, v11  }
0x109: {  	v10 =	vnsel vm9, $0x88, v10;
	vm9 =	vlt.s32 v18, $0x88;
	v20 =	vnsel vm8, $0x88, v16  }
0x10a: {  	vm1 =	vge.f32 v30, v9;
	v61 =	vadd.s32 v19, v29;
	v16 =	vnsel vm9, $0x88, v18;
	v18 =	vld [tilespmem:s24+$0x0];
	[tilespmem:v13+s31+$0x0] =	vst.idx.msk vm0, v25  }
0x10b: {  	vm12 =	vge.f32 v12, v9;
	vm0 =	vge.f32 v14, v9;
	vm3 =	vge.f32 v21, v9  }
0x10c: {  	v12 =	vmpcnt.ones.xlane vm12;
	vm8 =	vge.f32 v15, v9;
	[tilespmem:v24+s31+$0x0] =	vst.idx.msk vm5, v26;
	v21 =	vld [tilespmem:s24+$0x20];
	v13 =	vsel vm3, $0x1, v1  }
0x10d: {  	v62 =	vmpcnt.ones.xlane vm0;
	v60 =	vmpcnt.ones.xlane vm3;
	[tilespmem:v11+s31+$0x0] =	vst.idx.msk vm11, v22;
	(xrf0) =	vadd.scan.msk.s32 $0xffff, v13  }
0x10e: {  	v63 =	vsel vm8, $0x1, v1;
	v11 =	vsel vm0, $0x1, v1;
	v22 =	vsel vm12, $0x1, v1;
	[tilespmem:v20+s31+$0x0] =	vst.idx.msk vm7, v23;
	v20, _, _ =	vpop (xrf0)  }
0x10f: {  	v14 =	vadd.s32 v61, v60;
	vm10 =	vge.f32 v18, v9;
	v20 =	vadd.s32 v20, v19  }
0x110: {  	[tilespmem:v16+s31+$0x0] =	vst.idx.msk vm4, v17;
	v19 =	vsel vm1, $0x1, v1;
	v16 =	vadd.s32 v14, v62;
	v13 =	vmpcnt.ones.xlane vm10  }
0x111: {  	[tilespmem:v10+s31+$0x0] =	vst.idx.msk vm6, v27;
	v15 =	vadd.s32 v16, v12;
	v12 =	vmpcnt.ones.xlane vm8;
	vm9 =	vge.f32 v21, v9  }
0x112: {  	(xrf0) =	vadd.scan.msk.s32 $0xffff, v11;
	vm4 =	vmmov vm12;
	v13 =	vadd.s32 v15, v13;
	v10 =	vmpcnt.ones.xlane vm9  }
0x113: {  	v23 =	vsel vm10, $0x1, v1;
	(xrf0) =	vadd.scan.msk.s32 $0xffff, v22;
	v21 =	vmpcnt.ones.xlane vm1;
	v12 =	vadd.s32 v13, v12;
	v11, _, _ =	vpop (xrf0)  }
0x114: {  	v20 =	vadd.s32 $0xFFFFFFFF, v20;
	v17 =	vadd.s32 v12, v10;
	(xrf0) =	vadd.scan.msk.s32 $0xffff, v23;
	v11 =	vadd.s32 v11, v61  }
0x115: {  	s10 =	simm.s32 $0x8;
	v18 =	vsel vm9, $0x1, v1;
	v10 =	vadd.s32 v17, v21;
	(xrf0) =	vadd.scan.msk.s32 $0xffff, v63;
	v21 =	vadd.s32 $0xFFFFFFFF, v11  }
.LBB2_5:
0x116: {  	s10 =	sadd.s32 $0x8, s10;
	vm6 =	vlt.s32 v20, $0x88;
	vm7 =	vlt.s32 v21, $0x88;
	(xrf0) =	vadd.scan.msk.s32 $0xffff, v18;
	v11 =	vmovc v10;
	vm5 =	vmmov vm10  }
0x117: {  	s9 =	sadd.s32 $0x80, s9;
	p0 =	slt.u32 s10, $0x1F8;
	v18 =	vnsel vm6, $0x88, v20;
	v20 =	vnsel vm7, $0x88, v21;
	(xrf0) =	vadd.scan.msk.s32 $0xffff, v19;
	vm7 =	vmmov vm8  }
0x118: {  	s4 =	sadd.s32 $0xFFFFFF90, s9;
	vm6 =	vmmov vm9;
	v19, _, _ =	vpop (xrf0)  }
0x119: {  	v21 =	vor.u32 s4, v0;
	s4 =	sadd.s32 $0xFFFFFFA0, s9;
	v14 =	vadd.s32 v19, v14;
	v19 =	vor.u32 s9, v0;
	v22, _, _ =	vpop (xrf0)  }
0x11a: {  	v23 =	vor.u32 s4, v0;
	v14 =	vadd.s32 $0xFFFFFFFF, v14;
	v16 =	vadd.s32 v22, v16;
	v22, _, _ =	vpop (xrf0)  }
0x11b: {  	vm8 =	vlt.s32 v14, $0x88;
	v16 =	vadd.s32 $0xFFFFFFFF, v16;
	v15 =	vadd.s32 v22, v15;
	v22, _, _ =	vpop (xrf0)  }
0x11c: {  	[tilespmem:v18+s31+$0x0] =	vst.idx.msk vm2, v21;
	vm2 =	vlt.s32 v16, $0x88;
	v15 =	vadd.s32 $0xFFFFFFFF, v15;
	v13 =	vadd.s32 v22, v13;
	v18, _, _ =	vpop (xrf0)  }
0x11d: {  	s24 =	sadd.s32 $0x80, s24;
	[tilespmem:v20+s31+$0x0] =	vst.idx.msk vm3, v23;
	vm3 =	vlt.s32 v15, $0x88;
	v13 =	vadd.s32 $0xFFFFFFFF, v13;
	v12 =	vadd.s32 v18, v12;
	v18, _, _ =	vpop (xrf0)  }
0x11e: {  	v20 =	vld [tilespmem:s24+$0xFFFFFFC0];
	vm9 =	vlt.s32 v13, $0x88;
	v12 =	vadd.s32 $0xFFFFFFFF, v12;
	v17 =	vadd.s32 v18, v17  }
0x11f: {  	v14 =	vnsel vm8, $0x88, v14;
	v18 =	vld [tilespmem:s24+$0xFFFFFFD0];
	vm8 =	vlt.s32 v12, $0x88;
	v17 =	vadd.s32 $0xFFFFFFFF, v17  }
0x120: {  	v22 =	vnsel vm2, $0x88, v16;
	v23 =	vnsel vm3, $0x88, v15;
	v21 =	vld [tilespmem:s24+$0xFFFFFFE0];
	vm2 =	vlt.s32 v17, $0x88  }
0x121: {  	s12 =	sadd.s32 $0xFFFFFFC0, s9;
	s13 =	sadd.s32 $0xFFFFFFD0, s9;
	s4 =	sadd.s32 $0xFFFFFFB0, s9;
	v24 =	vnsel vm9, $0x88, v13;
	v25 =	vnsel vm8, $0x88, v12;
	v15 =	vld [tilespmem:s24+$0xFFFFFFF0];
	v12 =	vnsel vm2, $0x88, v17  }
0x122: {  	v26 =	vor.u32 s13, v0;
	v16 =	vor.u32 s4, v0;
	s4 =	sadd.s32 $0xFFFFFFE0, s9;
	v17 =	vor.u32 s12, v0;
	s12 =	sadd.s32 $0xFFFFFFF0, s9;
	v13 =	vld [tilespmem:s24+$0x0]  }
0x123: {  	v27 =	vor.u32 s4, v0;
	v28 =	vor.u32 s12, v0;
	vm2 =	vge.f32 v20, v9;
	v20 =	vld [tilespmem:s24+$0x10]  }
0x124: {  	v29 =	vsel vm2, $0x1, v1;
	v30 =	vmpcnt.ones.xlane vm2;
	vm3 =	vge.f32 v18, v9;
	v18 =	vld [tilespmem:s24+$0x20];
	[tilespmem:v14+s31+$0x0] =	vst.idx.msk vm0, v16  }
0x125: {  	v14 =	vsel vm3, $0x1, v1;
	v16 =	vmpcnt.ones.xlane vm3;
	vm0 =	vge.f32 v21, v9;
	v21 =	vld [tilespmem:s24+$0x30];
	(xrf0) =	vadd.scan.msk.s32 $0xffff, v29  }
0x126: {  	v29 =	vadd.s32 v10, v30;
	v10 =	vmpcnt.ones.xlane vm0;
	vm11 =	vge.f32 v15, v9;
	(xrf0) =	vadd.scan.msk.s32 $0xffff, v14  }
0x127: {  	v14 =	vadd.s32 v29, v16;
	v15 =	vmpcnt.ones.xlane vm11;
	vm10 =	vge.f32 v13, v9;
	[tilespmem:v12+s31+$0x0] =	vst.idx.msk vm1, v19  }
0x128: {  	v16 =	vadd.s32 v14, v10;
	v10 =	vmpcnt.ones.xlane vm10;
	vm8 =	vge.f32 v20, v9;
	[tilespmem:v22+s31+$0x0] =	vst.idx.msk vm4, v17  }
0x129: {  	v15 =	vadd.s32 v16, v15;
	v12 =	vmpcnt.ones.xlane vm8;
	vm9 =	vge.f32 v18, v9;
	[tilespmem:v23+s31+$0x0] =	vst.idx.msk vm5, v26  }
0x12a: {  	v13 =	vadd.s32 v15, v10;
	v10 =	vmpcnt.ones.xlane vm9;
	vm1 =	vge.f32 v21, v9;
	[tilespmem:v24+s31+$0x0] =	vst.idx.msk vm7, v27  }
.Ltmp1:
0x12b: {  	v18 =	vsel vm0, $0x1, v1;
	v12 =	vadd.s32 v13, v12;
	v19 =	vmpcnt.ones.xlane vm1;
	v20, _, _ =	vpop (xrf0);
	[tilespmem:v25+s31+$0x0] =	vst.idx.msk vm6, v28;
	(pc) =	sbr.rel @p0 .LBB2_5-.Ltmp1, $4  }
0x12c: {  	v22 =	vsel vm10, $0x1, v1;
	v21 =	vsel vm11, $0x1, v1;
	v17 =	vadd.s32 v12, v10;
	v23, _, _ =	vpop (xrf0);
	(xrf0) =	vadd.scan.msk.s32 $0xffff, v18  }
0x12d: {  	v24 =	vsel vm8, $0x1, v1;
	v18 =	vsel vm9, $0x1, v1;
	v10 =	vadd.s32 v17, v19;
	(xrf0) =	vadd.scan.msk.s32 $0xffff, v21  }
0x12e: {  	v11 =	vadd.s32 v20, v11;
	v21 =	vadd.s32 v23, v29;
	v19 =	vsel vm1, $0x1, v1;
	(xrf0) =	vadd.scan.msk.s32 $0xffff, v22  }
0x12f: {  	vm4 =	vmmov vm11;
	v20 =	vadd.s32 $0xFFFFFFFF, v11;
	v21 =	vadd.s32 $0xFFFFFFFF, v21;
	(xrf0) =	vadd.scan.msk.s32 $0xffff, v24  }
0x130: {  	(xrf0) =	vadd.scan.msk.s32 $0xffff, v18  }
0x131: {  	vm6 =	vlt.s32 v20, $0x88;
	vm7 =	vlt.s32 v21, $0x88;
	vm5 =	vmmov vm10;
	s4 =	sadd.s32 $0x80, s9;
	(xrf0) =	vadd.scan.msk.s32 $0xffff, v19  }
0x132: {  	v53 =	vnsel vm6, $0x88, v20;
	v54 =	vnsel vm7, $0x88, v21;
	vm6 =	vmmov vm8;
	s9 =	sadd.s32 $0xFFFFFF90, s4;
	v9, _, _ =	vpop (xrf0)  }
0x133: {  	vm7 =	vmmov vm9;
	s10 =	sadd.s32 $0xFFFFFFA0, s4;
	v57 =	vor.u32 s9, v0;
	v11, _, _ =	vpop (xrf0);
	v9 =	vadd.s32 v9, v14  }
0x134: {  	v59 =	vor.u32 s10, v0;
	v52, _, _ =	vpop (xrf0);
	v11 =	vadd.s32 v11, v16;
	v9 =	vadd.s32 $0xFFFFFFFF, v9  }
0x135: {  	v55, _, _ =	vpop (xrf0);
	v15 =	vadd.s32 v52, v15;
	vm14 =	vlt.s32 v9, $0x88;
	v11 =	vadd.s32 $0xFFFFFFFF, v11  }
0x136: {  	v56, _, _ =	vpop (xrf0);
	v15 =	vadd.s32 $0xFFFFFFFF, v15;
	v13 =	vadd.s32 v55, v13;
	v9 =	vnsel vm14, $0x88, v9  }
0x137: {  	vm12 =	vlt.s32 v11, $0x88;
	v58, _, _ =	vpop (xrf0);
	vm13 =	vlt.s32 v15, $0x88;
	v13 =	vadd.s32 $0xFFFFFFFF, v13  }
0x138: {  	v12 =	vadd.s32 v56, v12;
	v11 =	vnsel vm12, $0x88, v11;
	v17 =	vadd.s32 v58, v17  }
0x139: {  	vm14 =	vlt.s32 v13, $0x88;
	v60 =	vnsel vm13, $0x88, v15;
	v17 =	vadd.s32 $0xFFFFFFFF, v17  }
0x13a: {  	s12 =	sadd.s32 $0xFFFFFFB0, s4;
	[tilespmem:v53+s31+$0x0] =	vst.idx.msk vm2, v57;
	v12 =	vadd.s32 $0xFFFFFFFF, v12;
	v13 =	vnsel vm14, $0x88, v13;
	vm15 =	vlt.s32 v17, $0x88  }
0x13b: {  	s13 =	sadd.s32 $0xFFFFFFC0, s4;
	v61 =	vor.u32 s12, v0;
	[tilespmem:v54+s31+$0x0] =	vst.idx.msk vm3, v59;
	v17 =	vnsel vm15, $0x88, v17;
	vm15 =	vlt.s32 v12, $0x88  }
0x13c: {  	s10 =	sadd.s32 $0xFFFFFFD0, s4;
	[tilespmem:v9+s31+$0x0] =	vst.idx.msk vm0, v61;
	v9 =	vor.u32 s13, v0;
	v12 =	vnsel vm15, $0x88, v12  }
0x13d: {  	s24 =	sadd.s32 $0xFFFFFFE0, s4;
	v63 =	vor.u32 s10, v0;
	[tilespmem:v11+s31+$0x0] =	vst.idx.msk vm4, v9  }
0x13e: {  	v9 =	vor.u32 s24, v0;
	[tilespmem:v60+s31+$0x0] =	vst.idx.msk vm5, v63  }
0x13f: {  	v62 =	vor.u32 s4, v0;
	s4 =	sadd.s32 $0xFFFFFFF0, s4;
	[tilespmem:v13+s31+$0x0] =	vst.idx.msk vm6, v9  }
0x140: {  	v11 =	vor.u32 s4, v0;
	[tilespmem:v17+s31+$0x0] =	vst.idx.msk vm1, v62  }
0x141: {  	[tilespmem:v12+s31+$0x0] =	vst.idx.msk vm7, v11  }
0x142: {  	v9 =	vld [tilespmem:$0xA800];
	_ =	sdelay $0x1  }
0x143: {  	vm8 =	vgt.s32 v10, v0;
	_ =	sdelay $0x5  }
0x144: {  	v11 =	vld.idx.msk [tilespmem:v9+s30+$0x0], vm8;
	_ =	sdelay $0x4  }
0x145: {  	s1 =	sshll.u32 s1, $0x7;
	v11 =	vnsel vm8, $0xC0400000, v11  }
0x146: {  	[tilespmem:s1+$0xA900] =	vst v11  }
0x147: {  	v11 =	vld.idx.msk [tilespmem:v9+s2+$0x0], vm8;
	_ =	sdelay $0x4  }
0x148: {  	[tilespmem:s1+$0xC900] =	vst v11  }
0x149: {  	v11 =	vld.idx.msk [tilespmem:v9+s22+$0x0], vm8;
	_ =	sdelay $0x4  }
0x14a: {  	[tilespmem:s1+$0xE900] =	vst v11  }
0x14b: {  	v9 =	vld.idx.msk [tilespmem:v9+s23+$0x0], vm8;
	_ =	sdelay $0x4  }
0x14c: {  	[tilespmem:s1+$0x10900] =	vst v9  }
0x14d: {  	v9 =	vld [tilespmem:$0xA810];
	_ =	sdelay $0x1  }
0x14e: {  	vm9 =	vgt.s32 v10, v2;
	_ =	sdelay $0x5  }
0x14f: {  	v11 =	vld.idx.msk [tilespmem:v9+s30+$0x0], vm9;
	_ =	sdelay $0x4  }
0x150: {  	v11 =	vnsel vm9, $0xC0400000, v11  }
0x151: {  	[tilespmem:s1+$0xA910] =	vst v11  }
0x152: {  	v11 =	vld.idx.msk [tilespmem:v9+s2+$0x0], vm9;
	_ =	sdelay $0x4  }
0x153: {  	[tilespmem:s1+$0xC910] =	vst v11  }
0x154: {  	v11 =	vld.idx.msk [tilespmem:v9+s22+$0x0], vm9;
	_ =	sdelay $0x4  }
0x155: {  	[tilespmem:s1+$0xE910] =	vst v11  }
0x156: {  	v9 =	vld.idx.msk [tilespmem:v9+s23+$0x0], vm9;
	_ =	sdelay $0x4  }
0x157: {  	[tilespmem:s1+$0x10910] =	vst v9  }
0x158: {  	v9 =	vld [tilespmem:$0xA820];
	_ =	sdelay $0x1  }
0x159: {  	vm10 =	vgt.s32 v10, v3;
	_ =	sdelay $0x5  }
0x15a: {  	v11 =	vld.idx.msk [tilespmem:v9+s30+$0x0], vm10;
	_ =	sdelay $0x4  }
0x15b: {  	v11 =	vnsel vm10, $0xC0400000, v11  }
0x15c: {  	[tilespmem:s1+$0xA920] =	vst v11  }
0x15d: {  	v11 =	vld.idx.msk [tilespmem:v9+s2+$0x0], vm10;
	_ =	sdelay $0x4  }
0x15e: {  	[tilespmem:s1+$0xC920] =	vst v11  }
0x15f: {  	v11 =	vld.idx.msk [tilespmem:v9+s22+$0x0], vm10;
	_ =	sdelay $0x4  }
0x160: {  	[tilespmem:s1+$0xE920] =	vst v11  }
0x161: {  	v9 =	vld.idx.msk [tilespmem:v9+s23+$0x0], vm10;
	_ =	sdelay $0x4  }
0x162: {  	[tilespmem:s1+$0x10920] =	vst v9  }
0x163: {  	v9 =	vld [tilespmem:$0xA830];
	_ =	sdelay $0x1  }
0x164: {  	vm11 =	vgt.s32 v10, v4;
	_ =	sdelay $0x5  }
0x165: {  	v11 =	vld.idx.msk [tilespmem:v9+s30+$0x0], vm11;
	_ =	sdelay $0x4  }
0x166: {  	v11 =	vnsel vm11, $0xC0400000, v11  }
0x167: {  	[tilespmem:s1+$0xA930] =	vst v11  }
0x168: {  	v11 =	vld.idx.msk [tilespmem:v9+s2+$0x0], vm11;
	_ =	sdelay $0x4  }
0x169: {  	[tilespmem:s1+$0xC930] =	vst v11  }
0x16a: {  	v11 =	vld.idx.msk [tilespmem:v9+s22+$0x0], vm11;
	_ =	sdelay $0x4  }
0x16b: {  	[tilespmem:s1+$0xE930] =	vst v11  }
0x16c: {  	v9 =	vld.idx.msk [tilespmem:v9+s23+$0x0], vm11;
	_ =	sdelay $0x4  }
0x16d: {  	[tilespmem:s1+$0x10930] =	vst v9  }
0x16e: {  	v9 =	vld [tilespmem:$0xA840];
	_ =	sdelay $0x1  }
0x16f: {  	vm12 =	vgt.s32 v10, v5;
	_ =	sdelay $0x5  }
0x170: {  	v11 =	vld.idx.msk [tilespmem:v9+s30+$0x0], vm12;
	_ =	sdelay $0x4  }
0x171: {  	v11 =	vnsel vm12, $0xC0400000, v11  }
0x172: {  	[tilespmem:s1+$0xA940] =	vst v11  }
0x173: {  	v11 =	vld.idx.msk [tilespmem:v9+s2+$0x0], vm12;
	_ =	sdelay $0x4  }
0x174: {  	[tilespmem:s1+$0xC940] =	vst v11  }
0x175: {  	v11 =	vld.idx.msk [tilespmem:v9+s22+$0x0], vm12;
	_ =	sdelay $0x4  }
0x176: {  	[tilespmem:s1+$0xE940] =	vst v11  }
0x177: {  	v9 =	vld.idx.msk [tilespmem:v9+s23+$0x0], vm12;
	_ =	sdelay $0x4  }
0x178: {  	[tilespmem:s1+$0x10940] =	vst v9  }
0x179: {  	v9 =	vld [tilespmem:$0xA850];
	_ =	sdelay $0x1  }
0x17a: {  	vm13 =	vgt.s32 v10, v6;
	_ =	sdelay $0x5  }
0x17b: {  	v11 =	vld.idx.msk [tilespmem:v9+s30+$0x0], vm13;
	_ =	sdelay $0x4  }
0x17c: {  	v11 =	vnsel vm13, $0xC0400000, v11  }
0x17d: {  	[tilespmem:s1+$0xA950] =	vst v11  }
0x17e: {  	v11 =	vld.idx.msk [tilespmem:v9+s2+$0x0], vm13;
	_ =	sdelay $0x4  }
0x17f: {  	[tilespmem:s1+$0xC950] =	vst v11  }
0x180: {  	v11 =	vld.idx.msk [tilespmem:v9+s22+$0x0], vm13;
	_ =	sdelay $0x4  }
0x181: {  	[tilespmem:s1+$0xE950] =	vst v11  }
0x182: {  	v9 =	vld.idx.msk [tilespmem:v9+s23+$0x0], vm13;
	_ =	sdelay $0x4  }
0x183: {  	[tilespmem:s1+$0x10950] =	vst v9  }
0x184: {  	v9 =	vld [tilespmem:$0xA860];
	_ =	sdelay $0x1  }
0x185: {  	vm14 =	vgt.s32 v10, v7;
	_ =	sdelay $0x5  }
0x186: {  	v11 =	vld.idx.msk [tilespmem:v9+s30+$0x0], vm14;
	_ =	sdelay $0x4  }
0x187: {  	v11 =	vnsel vm14, $0xC0400000, v11  }
0x188: {  	[tilespmem:s1+$0xA960] =	vst v11  }
0x189: {  	v11 =	vld.idx.msk [tilespmem:v9+s2+$0x0], vm14;
	_ =	sdelay $0x4  }
0x18a: {  	[tilespmem:s1+$0xC960] =	vst v11  }
0x18b: {  	v11 =	vld.idx.msk [tilespmem:v9+s22+$0x0], vm14;
	_ =	sdelay $0x4  }
0x18c: {  	[tilespmem:s1+$0xE960] =	vst v11  }
0x18d: {  	v9 =	vld.idx.msk [tilespmem:v9+s23+$0x0], vm14;
	_ =	sdelay $0x4  }
0x18e: {  	[tilespmem:s1+$0x10960] =	vst v9  }
0x18f: {  	v9 =	vld [tilespmem:$0xA870];
	_ =	sdelay $0x1  }
0x190: {  	vm15 =	vgt.s32 v10, v8;
	_ =	sdelay $0x5  }
0x191: {  	v10 =	vld.idx.msk [tilespmem:v9+s30+$0x0], vm15;
	_ =	sdelay $0x4  }
0x192: {  	v10 =	vnsel vm15, $0xC0400000, v10  }
0x193: {  	[tilespmem:s1+$0xA970] =	vst v10  }
0x194: {  	v10 =	vld.idx.msk [tilespmem:v9+s2+$0x0], vm15;
	_ =	sdelay $0x4  }
0x195: {  	[tilespmem:s1+$0xC970] =	vst v10  }
0x196: {  	v10 =	vld.idx.msk [tilespmem:v9+s22+$0x0], vm15;
	_ =	sdelay $0x4  }
0x197: {  	s8 =	sadd.s32 $0x1, s8;
	[tilespmem:s1+$0xE970] =	vst v10  }
0x198: {  	p0 =	sne.s32 s8, $0x20;
	v9 =	vld.idx.msk [tilespmem:v9+s23+$0x0], vm15  }
.Ltmp2:
0x199: {  	_ = 	snop;
	(pc) =	sbr.rel @p0 .LBB2_2-.Ltmp2, $2  }
0x19a: {  	_ =	sdelay $0x2  }
0x19b: {  	[tilespmem:s1+$0x10970] =	vst v9  }
0x19c: {  	_ =	swait.ge [sflag:s29], $0x2000  }
0x19d: {  	[sflag:s29] =	ssyncset.done $0x0  }
0x19e: {  	s8 =	simm.s32 $0x0;
	s1 =	rddreg [dreg:$0x7];
	[sflag:s29] =	ssyncadd.s32 $0xFFFFE000  }
0x19f: {  	[hbm4b:s1+s8] =	stream.linear.scatter [tilespmem:s5], [sflag:$0x3], $0x2000, $0x38;
	[tilespmem:$0x12900] =	vst v63  }
0x1a0: {  	_ =	swait.ge [sflag:s21], $0x2000  }
0x1a1: {  	[sflag:s21] =	ssyncset.done $0x0  }
0x1a2: {  	s4 =	simm.s32 $0xC900;
	s10 =	rddreg [dreg:$0x8];
	[sflag:s21] =	ssyncadd.s32 $0xFFFFE000  }
0x1a3: {  	[hbm4b:s10+s8] =	stream.linear.scatter [tilespmem:s4], [sflag:$0x3], $0x2000, $0x38;
	[tilespmem:$0x12900] =	vst v63  }
0x1a4: {  	_ =	swait.ge [sflag:s21], $0x2000  }
0x1a5: {  	[sflag:s21] =	ssyncset.done $0x0  }
0x1a6: {  	s13 =	simm.s32 $0xE900;
	s12 =	rddreg [dreg:$0x9];
	[sflag:s21] =	ssyncadd.s32 $0xFFFFE000  }
0x1a7: {  	[hbm4b:s12+s8] =	stream.linear.scatter [tilespmem:s13], [sflag:$0x3], $0x2000, $0x38;
	[tilespmem:$0x12900] =	vst v63  }
0x1a8: {  	_ =	swait.ge [sflag:s21], $0x2000  }
0x1a9: {  	[sflag:s21] =	ssyncset.done $0x0  }
0x1aa: {  	s24 =	simm.s32 $0x10900;
	[sflag:s21] =	ssyncadd.s32 $0xFFFFE000  }
0x1ab: {  	[hbm4b:s14+s8] =	stream.linear.scatter [tilespmem:s24], [sflag:$0x3], $0x2000, $0x38;
	[tilespmem:$0x12900] =	vst v63  }
0x1ac: {  	_ =	swait.ge [sflag:s21], $0x2000  }
0x1ad: {  	[sflag:s21] =	ssyncset.done $0x0  }
0x1ae: {  	[sflag:s21] =	ssyncadd.s32 $0xFFFFE000  }
0x1af: {  	[tilespmem:s28], [sflag:$0x1] =	stream.strided.gather [hbm4b:s15+s25], $0x2000, s26, s25, $0x38;
	[tilespmem:$0x12900] =	vst v63  }
.LBB2_8:
0x1b0: {  	s24 =	sshll.u32 s8, $0x1  }
0x1b1: {  	s9 =	sshll.u32 s8, $0x5;
	s1 =	sadd.s32 s11, s24  }
0x1b2: {  	s4 =	sand.u32 $0x60, s9;
	s1 =	sshll.u32 s1, $0xA  }
0x1b3: {  	_ =	swait.ge [sflag:s29], $0x2000;
	s4 =	sadd.s32 s4, s3;
	s1 =	sand.u32 $0xFFFE000, s1  }
0x1b4: {  	[sflag:s29] =	ssyncset.done $0x0;
	s1 =	sadd.s32 s1, s4  }
0x1b5: {  	s5 =	sand.u32 $0x3E0, s9;
	[sflag:s29] =	ssyncadd.s32 $0xFFFFE000;
	s1 =	sadd.s32 $0x10, s1  }
0x1b6: {  	[tilespmem:s30], [sflag:$0x2] =	stream.strided.gather [hbm4b:s1+s25], $0x2000, s26, s25, $0x38;
	[tilespmem:$0x12900] =	vst v63  }
0x1b7: {  	s10 =	simm.s32 $0x6040;
	v9 =	vld [tilespmem:s5+$0xA400]  }
0x1b8: {  	v10 =	vld [tilespmem:s10+$0xFFFFFFC0]  }
0x1b9: {  	v11 =	vld [tilespmem:s10+$0xFFFFFFD0]  }
0x1ba: {  	v12 =	vld [tilespmem:s10+$0xFFFFFFE0]  }
0x1bb: {  	v13 =	vld [tilespmem:s10+$0xFFFFFFF0]  }
0x1bc: {  	v14 =	vld [tilespmem:s10+$0x0];
	_ =	sdelay $0x2  }
0x1bd: {  	vm2 =	vge.f32 v10, v9;
	v10 =	vld [tilespmem:s10+$0x10]  }
0x1be: {  	v15 =	vimm.s32 $0x0;
	vm1 =	vge.f32 v11, v9;
	v11 =	vld [tilespmem:s10+$0x20];
	vm0 =	vge.f32 v12, v9  }
0x1bf: {  	v12 =	vld [tilespmem:s10+$0x30];
	vm5 =	vge.f32 v13, v9;
	vm6 =	vge.f32 v14, v9;
	v17 =	vmpcnt.ones.xlane vm2  }
0x1c0: {  	v16 =	vsel vm2, $0x1, v1;
	v18 =	vsel vm1, $0x1, v1;
	v19 =	vmpcnt.ones.xlane vm1  }
0x1c1: {  	v20 =	vmpcnt.ones.xlane vm0;
	v21 =	vsel vm6, $0x1, v1;
	(xrf0) =	vadd.scan.msk.s32 $0xffff, v16;
	v17 =	vadd.s32 v15, v17  }
0x1c2: {  	s10 =	simm.s32 $0x60C0;
	v16 =	vmpcnt.ones.xlane vm5;
	(xrf0) =	vadd.scan.msk.s32 $0xffff, v18;
	v18 =	vmpcnt.ones.xlane vm6;
	v13 =	vadd.s32 v17, v19  }
0x1c3: {  	v25 =	vld [tilespmem:s10+$0x0];
	vm6 =	vmmov vm6;
	v14 =	vadd.s32 v13, v20;
	vm3 =	vge.f32 v10, v9  }
0x1c4: {  	vm7 =	vge.f32 v11, v9;
	vm4 =	vge.f32 v12, v9;
	v12 =	vsel vm0, $0x1, v1  }
0x1c5: {  	v20 =	vsel vm5, $0x1, v1;
	vm5 =	vmmov vm5;
	v10 =	vadd.s32 v14, v16  }
0x1c6: {  	v16 =	vmpcnt.ones.xlane vm3;
	v19 =	vmpcnt.ones.xlane vm4;
	v22 =	vsel vm3, $0x1, v1  }
0x1c7: {  	(xrf0) =	vadd.scan.msk.s32 $0xffff, v12;
	v23 =	vsel vm7, $0x1, v1;
	v11 =	vadd.s32 v10, v18;
	v18 =	vmpcnt.ones.xlane vm7  }
0x1c8: {  	vm11 =	vmmov vm3;
	vm10 =	vge.f32 v25, v9;
	v16 =	vadd.s32 v11, v16;
	v12, _, _ =	vpop (xrf0);
	(xrf0) =	vadd.scan.msk.s32 $0xffff, v20  }
0x1c9: {  	vm7 =	vmmov vm7;
	v18 =	vadd.s32 v16, v18;
	v20, _, _ =	vpop (xrf0);
	v12 =	vadd.s32 v12, v15;
	(xrf0) =	vadd.scan.msk.s32 $0xffff, v21  }
0x1ca: {  	s12 =	simm.s32 $0x0;
	s13 =	simm.s32 $0x10;
	v19 =	vadd.s32 v18, v19;
	v15 =	vadd.s32 v20, v17;
	v17 =	vsel vm4, $0x1, v1;
	(xrf0) =	vadd.scan.msk.s32 $0xffff, v22  }
0x1cb: {  	v12 =	vadd.s32 $0xFFFFFFFF, v12;
	v20 =	vor.u32 s12, v0;
	v22 =	vor.u32 s13, v0;
	s12 =	simm.s32 $0x30  }
0x1cc: {  	s13 =	simm.s32 $0x40;
	v15 =	vadd.s32 $0xFFFFFFFF, v15;
	vm8 =	vlt.s32 v12, $0x88;
	(xrf0) =	vadd.scan.msk.s32 $0xffff, v23;
	v26 =	vor.u32 s12, v0  }
0x1cd: {  	v23 =	vld [tilespmem:s10+$0xFFFFFFC0];
	v27 =	vor.u32 s13, v0;
	s13 =	simm.s32 $0x60;
	vm9 =	vlt.s32 v15, $0x88;
	v12 =	vnsel vm8, $0x88, v12;
	(xrf0) =	vadd.scan.msk.s32 $0xffff, v17;
	v17, _, _ =	vpop (xrf0)  }
0x1ce: {  	s1 =	simm.s32 $0x70;
	v28 =	vor.u32 s13, v0;
	v15 =	vnsel vm9, $0x88, v15;
	v13 =	vadd.s32 v17, v13;
	v21, _, _ =	vpop (xrf0)  }
0x1cf: {  	v17 =	vor.u32 s1, v0;
	v13 =	vadd.s32 $0xFFFFFFFF, v13;
	v14 =	vadd.s32 v21, v14;
	v21, _, _ =	vpop (xrf0)  }
0x1d0: {  	v62 =	vld [tilespmem:s10+$0x30];
	vm3 =	vlt.s32 v13, $0x88;
	v14 =	vadd.s32 $0xFFFFFFFF, v14;
	v10 =	vadd.s32 v21, v10;
	v21, _, _ =	vpop (xrf0)  }
0x1d1: {  	s12 =	simm.s32 $0x50;
	vm8 =	vlt.s32 v14, $0x88;
	v10 =	vadd.s32 $0xFFFFFFFF, v10;
	v11 =	vadd.s32 v21, v11  }
0x1d2: {  	v21, _, _ =	vpop (xrf0);
	v13 =	vnsel vm3, $0x88, v13;
	[tilespmem:v12+s31+$0x0] =	vst.idx.msk vm2, v20;
	vm2 =	vge.f32 v23, v9;
	v23 =	vor.u32 s12, v0  }
0x1d3: {  	v24 =	vld [tilespmem:s10+$0xFFFFFFE0];
	vm9 =	vlt.s32 v10, $0x88;
	v11 =	vadd.s32 $0xFFFFFFFF, v11;
	v16 =	vadd.s32 v21, v16;
	v21, _, _ =	vpop (xrf0)  }
0x1d4: {  	v14 =	vnsel vm8, $0x88, v14;
	[tilespmem:v15+s31+$0x0] =	vst.idx.msk vm1, v22;
	v15 =	vsel vm2, $0x1, v1;
	v18 =	vadd.s32 v21, v18;
	v21 =	vld [tilespmem:s10+$0xFFFFFFD0]  }
0x1d5: {  	v12 =	vld [tilespmem:s10+$0xFFFFFFF0];
	v29 =	vmpcnt.ones.xlane vm2;
	vm1 =	vge.f32 v62, v9;
	vm3 =	vlt.s32 v11, $0x88  }
0x1d6: {  	v22 =	vld [tilespmem:s10+$0x10];
	v16 =	vadd.s32 $0xFFFFFFFF, v16;
	v10 =	vnsel vm9, $0x88, v10;
	v18 =	vadd.s32 $0xFFFFFFFF, v18  }
0x1d7: {  	s5 =	simm.s32 $0x20;
	vm8 =	vlt.s32 v16, $0x88;
	v11 =	vnsel vm3, $0x88, v11;
	v29 =	vadd.s32 v19, v29  }
0x1d8: {  	(xrf0) =	vadd.scan.msk.s32 $0xffff, v15;
	vm9 =	vlt.s32 v18, $0x88;
	v20 =	vnsel vm8, $0x88, v16;
	v16 =	vor.u32 s5, v0  }
0x1d9: {  	v18 =	vnsel vm9, $0x88, v18;
	[tilespmem:v13+s31+$0x0] =	vst.idx.msk vm0, v16;
	vm0 =	vge.f32 v24, v9;
	vm3 =	vge.f32 v21, v9  }
0x1da: {  	vm12 =	vge.f32 v12, v9;
	v15 =	vmpcnt.ones.xlane vm0;
	[tilespmem:v14+s31+$0x0] =	vst.idx.msk vm5, v26;
	v21 =	vld [tilespmem:s10+$0x20];
	v13 =	vsel vm3, $0x1, v1  }
0x1db: {  	vm8 =	vge.f32 v22, v9;
	[tilespmem:v10+s31+$0x0] =	vst.idx.msk vm6, v27;
	v16 =	vmpcnt.ones.xlane vm3;
	(xrf0) =	vadd.scan.msk.s32 $0xffff, v13  }
0x1dc: {  	v12 =	vmpcnt.ones.xlane vm12;
	v22 =	vsel vm12, $0x1, v1;
	v63 =	vsel vm8, $0x1, v1;
	[tilespmem:v11+s31+$0x0] =	vst.idx.msk vm11, v23  }
0x1dd: {  	v11 =	vsel vm0, $0x1, v1;
	v23 =	vsel vm10, $0x1, v1;
	[tilespmem:v20+s31+$0x0] =	vst.idx.msk vm7, v28;
	v16 =	vadd.s32 v29, v16  }
0x1de: {  	v13 =	vmpcnt.ones.xlane vm10;
	v20, _, _ =	vpop (xrf0);
	[tilespmem:v18+s31+$0x0] =	vst.idx.msk vm4, v17;
	v17 =	vmpcnt.ones.xlane vm8;
	v15 =	vadd.s32 v16, v15  }
0x1df: {  	v19 =	vadd.s32 v20, v19;
	v14 =	vadd.s32 v15, v12;
	vm9 =	vge.f32 v21, v9  }
0x1e0: {  	(xrf0) =	vadd.scan.msk.s32 $0xffff, v11;
	vm4 =	vmmov vm12;
	v12 =	vadd.s32 v14, v13;
	v10 =	vmpcnt.ones.xlane vm9  }
0x1e1: {  	v19 =	vadd.s32 $0xFFFFFFFF, v19;
	v21 =	vmpcnt.ones.xlane vm1;
	v13 =	vadd.s32 v12, v17;
	v11, _, _ =	vpop (xrf0);
	(xrf0) =	vadd.scan.msk.s32 $0xffff, v22  }
0x1e2: {  	v18 =	vsel vm9, $0x1, v1;
	v17 =	vadd.s32 v13, v10;
	v11 =	vadd.s32 v11, v29;
	(xrf0) =	vadd.scan.msk.s32 $0xffff, v23  }
0x1e3: {  	s12 =	simm.s32 $0x8;
	v10 =	vadd.s32 v17, v21;
	v21 =	vsel vm1, $0x1, v1;
	v20 =	vadd.s32 $0xFFFFFFFF, v11;
	(xrf0) =	vadd.scan.msk.s32 $0xffff, v63  }
.LBB2_9:
0x1e4: {  	s12 =	sadd.s32 $0x8, s12;
	vm6 =	vlt.s32 v19, $0x88;
	vm7 =	vlt.s32 v20, $0x88;
	(xrf0) =	vadd.scan.msk.s32 $0xffff, v18;
	v11 =	vmovc v10;
	vm5 =	vmmov vm10  }
0x1e5: {  	s1 =	sadd.s32 $0x80, s1;
	p0 =	slt.u32 s12, $0x1F8;
	v18 =	vnsel vm6, $0x88, v19;
	v19 =	vnsel vm7, $0x88, v20;
	(xrf0) =	vadd.scan.msk.s32 $0xffff, v21;
	vm7 =	vmmov vm8  }
0x1e6: {  	s4 =	sadd.s32 $0xFFFFFF90, s1;
	vm6 =	vmmov vm9;
	v20, _, _ =	vpop (xrf0)  }
0x1e7: {  	v21 =	vor.u32 s4, v0;
	s4 =	sadd.s32 $0xFFFFFFA0, s1;
	v16 =	vadd.s32 v20, v16;
	v20 =	vor.u32 s1, v0;
	v22, _, _ =	vpop (xrf0)  }
0x1e8: {  	v23 =	vor.u32 s4, v0;
	v16 =	vadd.s32 $0xFFFFFFFF, v16;
	v15 =	vadd.s32 v22, v15;
	v22, _, _ =	vpop (xrf0)  }
0x1e9: {  	vm8 =	vlt.s32 v16, $0x88;
	v15 =	vadd.s32 $0xFFFFFFFF, v15;
	v14 =	vadd.s32 v22, v14;
	v22, _, _ =	vpop (xrf0)  }
0x1ea: {  	[tilespmem:v18+s31+$0x0] =	vst.idx.msk vm2, v21;
	vm2 =	vlt.s32 v15, $0x88;
	v14 =	vadd.s32 $0xFFFFFFFF, v14;
	v12 =	vadd.s32 v22, v12;
	v18, _, _ =	vpop (xrf0)  }
0x1eb: {  	s10 =	sadd.s32 $0x80, s10;
	[tilespmem:v19+s31+$0x0] =	vst.idx.msk vm3, v23;
	vm3 =	vlt.s32 v14, $0x88;
	v12 =	vadd.s32 $0xFFFFFFFF, v12;
	v13 =	vadd.s32 v18, v13;
	v18, _, _ =	vpop (xrf0)  }
0x1ec: {  	v19 =	vld [tilespmem:s10+$0xFFFFFFC0];
	vm9 =	vlt.s32 v12, $0x88;
	v13 =	vadd.s32 $0xFFFFFFFF, v13;
	v17 =	vadd.s32 v18, v17  }
0x1ed: {  	v16 =	vnsel vm8, $0x88, v16;
	v18 =	vld [tilespmem:s10+$0xFFFFFFD0];
	vm8 =	vlt.s32 v13, $0x88;
	v17 =	vadd.s32 $0xFFFFFFFF, v17  }
0x1ee: {  	v22 =	vnsel vm2, $0x88, v15;
	v23 =	vnsel vm3, $0x88, v14;
	v21 =	vld [tilespmem:s10+$0xFFFFFFE0];
	vm2 =	vlt.s32 v17, $0x88  }
0x1ef: {  	s13 =	sadd.s32 $0xFFFFFFC0, s1;
	s5 =	sadd.s32 $0xFFFFFFD0, s1;
	s4 =	sadd.s32 $0xFFFFFFB0, s1;
	v24 =	vnsel vm9, $0x88, v12;
	v25 =	vnsel vm8, $0x88, v13;
	v14 =	vld [tilespmem:s10+$0xFFFFFFF0];
	v12 =	vnsel vm2, $0x88, v17  }
0x1f0: {  	v26 =	vor.u32 s5, v0;
	s5 =	sadd.s32 $0xFFFFFFF0, s1;
	v15 =	vor.u32 s4, v0;
	s4 =	sadd.s32 $0xFFFFFFE0, s1;
	v17 =	vor.u32 s13, v0;
	v13 =	vld [tilespmem:s10+$0x0]  }
0x1f1: {  	v28 =	vor.u32 s5, v0;
	v27 =	vor.u32 s4, v0;
	vm2 =	vge.f32 v19, v9;
	v19 =	vld [tilespmem:s10+$0x10]  }
0x1f2: {  	v29 =	vsel vm2, $0x1, v1;
	v30 =	vmpcnt.ones.xlane vm2;
	vm3 =	vge.f32 v18, v9;
	v18 =	vld [tilespmem:s10+$0x20];
	[tilespmem:v16+s31+$0x0] =	vst.idx.msk vm0, v15  }
0x1f3: {  	v15 =	vsel vm3, $0x1, v1;
	v16 =	vmpcnt.ones.xlane vm3;
	vm0 =	vge.f32 v21, v9;
	v21 =	vld [tilespmem:s10+$0x30];
	(xrf0) =	vadd.scan.msk.s32 $0xffff, v29  }
0x1f4: {  	v29 =	vadd.s32 v10, v30;
	v10 =	vmpcnt.ones.xlane vm0;
	vm11 =	vge.f32 v14, v9;
	(xrf0) =	vadd.scan.msk.s32 $0xffff, v15  }
0x1f5: {  	v16 =	vadd.s32 v29, v16;
	v14 =	vmpcnt.ones.xlane vm11;
	vm10 =	vge.f32 v13, v9;
	[tilespmem:v12+s31+$0x0] =	vst.idx.msk vm1, v20  }
0x1f6: {  	v15 =	vadd.s32 v16, v10;
	v10 =	vmpcnt.ones.xlane vm10;
	vm8 =	vge.f32 v19, v9;
	[tilespmem:v22+s31+$0x0] =	vst.idx.msk vm4, v17  }
0x1f7: {  	v14 =	vadd.s32 v15, v14;
	v13 =	vmpcnt.ones.xlane vm8;
	vm9 =	vge.f32 v18, v9;
	[tilespmem:v23+s31+$0x0] =	vst.idx.msk vm5, v26  }
0x1f8: {  	v12 =	vadd.s32 v14, v10;
	v10 =	vmpcnt.ones.xlane vm9;
	vm1 =	vge.f32 v21, v9;
	[tilespmem:v24+s31+$0x0] =	vst.idx.msk vm7, v27  }
.Ltmp3:
0x1f9: {  	v18 =	vsel vm0, $0x1, v1;
	v13 =	vadd.s32 v12, v13;
	v19 =	vmpcnt.ones.xlane vm1;
	v20, _, _ =	vpop (xrf0);
	[tilespmem:v25+s31+$0x0] =	vst.idx.msk vm6, v28;
	(pc) =	sbr.rel @p0 .LBB2_9-.Ltmp3, $4  }
0x1fa: {  	v22 =	vsel vm10, $0x1, v1;
	v21 =	vsel vm11, $0x1, v1;
	v17 =	vadd.s32 v13, v10;
	v23, _, _ =	vpop (xrf0);
	(xrf0) =	vadd.scan.msk.s32 $0xffff, v18  }
0x1fb: {  	v24 =	vsel vm8, $0x1, v1;
	v18 =	vsel vm9, $0x1, v1;
	v10 =	vadd.s32 v17, v19;
	(xrf0) =	vadd.scan.msk.s32 $0xffff, v21  }
0x1fc: {  	v11 =	vadd.s32 v20, v11;
	v20 =	vadd.s32 v23, v29;
	v21 =	vsel vm1, $0x1, v1;
	(xrf0) =	vadd.scan.msk.s32 $0xffff, v22  }
0x1fd: {  	vm4 =	vmmov vm11;
	v19 =	vadd.s32 $0xFFFFFFFF, v11;
	v20 =	vadd.s32 $0xFFFFFFFF, v20;
	(xrf0) =	vadd.scan.msk.s32 $0xffff, v24  }
0x1fe: {  	(xrf0) =	vadd.scan.msk.s32 $0xffff, v18  }
0x1ff: {  	vm6 =	vlt.s32 v19, $0x88;
	vm7 =	vlt.s32 v20, $0x88;
	vm5 =	vmmov vm10;
	s1 =	sadd.s32 $0x80, s1;
	(xrf0) =	vadd.scan.msk.s32 $0xffff, v21  }
0x200: {  	v19 =	vnsel vm6, $0x88, v19;
	v20 =	vnsel vm7, $0x88, v20;
	vm6 =	vmmov vm8;
	s4 =	sadd.s32 $0xFFFFFF90, s1;
	v9, _, _ =	vpop (xrf0)  }
0x201: {  	vm7 =	vmmov vm9;
	s13 =	sadd.s32 $0xFFFFFFA0, s1;
	v22 =	vor.u32 s4, v0;
	v11, _, _ =	vpop (xrf0);
	v9 =	vadd.s32 v9, v16  }
0x202: {  	v23 =	vor.u32 s13, v0;
	v18, _, _ =	vpop (xrf0);
	v9 =	vadd.s32 $0xFFFFFFFF, v9;
	v11 =	vadd.s32 v11, v15  }
0x203: {  	v21, _, _ =	vpop (xrf0);
	vm8 =	vlt.s32 v9, $0x88;
	v11 =	vadd.s32 $0xFFFFFFFF, v11;
	v14 =	vadd.s32 v18, v14  }
0x204: {  	v16, _, _ =	vpop (xrf0);
	vm9 =	vlt.s32 v11, $0x88;
	v9 =	vnsel vm8, $0x88, v9;
	v12 =	vadd.s32 v21, v12  }
0x205: {  	v15, _, _ =	vpop (xrf0);
	v12 =	vadd.s32 $0xFFFFFFFF, v12;
	v13 =	vadd.s32 v16, v13;
	v11 =	vnsel vm9, $0x88, v11  }
0x206: {  	[tilespmem:v19+s31+$0x0] =	vst.idx.msk vm2, v22;
	v15 =	vadd.s32 v15, v17;
	vm2 =	vlt.s32 v12, $0x88;
	v13 =	vadd.s32 $0xFFFFFFFF, v13  }
0x207: {  	[tilespmem:v20+s31+$0x0] =	vst.idx.msk vm3, v23;
	v15 =	vadd.s32 $0xFFFFFFFF, v15;
	vm3 =	vlt.s32 v13, $0x88;
	v12 =	vnsel vm2, $0x88, v12  }
0x208: {  	s5 =	sadd.s32 $0xFFFFFFB0, s1;
	v14 =	vadd.s32 $0xFFFFFFFF, v14;
	vm8 =	vlt.s32 v15, $0x88;
	v13 =	vnsel vm3, $0x88, v13  }
0x209: {  	s10 =	sadd.s32 $0xFFFFFFC0, s1;
	vm10 =	vlt.s32 v14, $0x88;
	v16 =	vor.u32 s5, v0;
	v15 =	vnsel vm8, $0x88, v15  }
0x20a: {  	s12 =	sadd.s32 $0xFFFFFFE0, s1;
	v14 =	vnsel vm10, $0x88, v14;
	[tilespmem:v9+s31+$0x0] =	vst.idx.msk vm0, v16;
	v9 =	vor.u32 s10, v0  }
0x20b: {  	s5 =	sadd.s32 $0xFFFFFFD0, s1;
	v17 =	vor.u32 s1, v0;
	s1 =	sadd.s32 $0xFFFFFFF0, s1;
	[tilespmem:v11+s31+$0x0] =	vst.idx.msk vm4, v9;
	v9 =	vor.u32 s12, v0  }
0x20c: {  	v11 =	vor.u32 s1, v0;
	[tilespmem:v12+s31+$0x0] =	vst.idx.msk vm6, v9  }
0x20d: {  	[tilespmem:v13+s31+$0x0] =	vst.idx.msk vm7, v11  }
0x20e: {  	[tilespmem:v15+s31+$0x0] =	vst.idx.msk vm1, v17;
	v15 =	vor.u32 s5, v0  }
0x20f: {  	[tilespmem:v14+s31+$0x0] =	vst.idx.msk vm5, v15  }
0x210: {  	v9 =	vld [tilespmem:$0xA800];
	_ =	sdelay $0x1  }
0x211: {  	vm0 =	vgt.s32 v10, v0;
	_ =	sdelay $0x5  }
0x212: {  	v11 =	vld.idx.msk [tilespmem:v9+s28+$0x0], vm0;
	_ =	sdelay $0x4  }
0x213: {  	s1 =	sshll.u32 s8, $0x8;
	v11 =	vnsel vm0, $0xC0400000, v11  }
0x214: {  	[tilespmem:s1+$0xA900] =	vst v11  }
0x215: {  	v11 =	vld.idx.msk [tilespmem:v9+s2+$0x0], vm0;
	_ =	sdelay $0x4  }
0x216: {  	[tilespmem:s1+$0xC900] =	vst v11  }
0x217: {  	v11 =	vld.idx.msk [tilespmem:v9+s22+$0x0], vm0;
	_ =	sdelay $0x4  }
0x218: {  	[tilespmem:s1+$0xE900] =	vst v11  }
0x219: {  	v9 =	vld.idx.msk [tilespmem:v9+s23+$0x0], vm0;
	_ =	sdelay $0x4  }
0x21a: {  	[tilespmem:s1+$0x10900] =	vst v9  }
0x21b: {  	v9 =	vld [tilespmem:$0xA810];
	_ =	sdelay $0x1  }
0x21c: {  	vm0 =	vgt.s32 v10, v2;
	_ =	sdelay $0x5  }
0x21d: {  	v11 =	vld.idx.msk [tilespmem:v9+s28+$0x0], vm0;
	_ =	sdelay $0x4  }
0x21e: {  	v11 =	vnsel vm0, $0xC0400000, v11  }
0x21f: {  	[tilespmem:s1+$0xA910] =	vst v11  }
0x220: {  	v11 =	vld.idx.msk [tilespmem:v9+s2+$0x0], vm0;
	_ =	sdelay $0x4  }
0x221: {  	[tilespmem:s1+$0xC910] =	vst v11  }
0x222: {  	v11 =	vld.idx.msk [tilespmem:v9+s22+$0x0], vm0;
	_ =	sdelay $0x4  }
0x223: {  	[tilespmem:s1+$0xE910] =	vst v11  }
0x224: {  	v9 =	vld.idx.msk [tilespmem:v9+s23+$0x0], vm0;
	_ =	sdelay $0x4  }
0x225: {  	[tilespmem:s1+$0x10910] =	vst v9  }
0x226: {  	v9 =	vld [tilespmem:$0xA820];
	_ =	sdelay $0x1  }
0x227: {  	vm0 =	vgt.s32 v10, v3;
	_ =	sdelay $0x5  }
0x228: {  	v11 =	vld.idx.msk [tilespmem:v9+s28+$0x0], vm0;
	_ =	sdelay $0x4  }
0x229: {  	v11 =	vnsel vm0, $0xC0400000, v11  }
0x22a: {  	[tilespmem:s1+$0xA920] =	vst v11  }
0x22b: {  	v11 =	vld.idx.msk [tilespmem:v9+s2+$0x0], vm0;
	_ =	sdelay $0x4  }
0x22c: {  	[tilespmem:s1+$0xC920] =	vst v11  }
0x22d: {  	v11 =	vld.idx.msk [tilespmem:v9+s22+$0x0], vm0;
	_ =	sdelay $0x4  }
0x22e: {  	[tilespmem:s1+$0xE920] =	vst v11  }
0x22f: {  	v9 =	vld.idx.msk [tilespmem:v9+s23+$0x0], vm0;
	_ =	sdelay $0x4  }
0x230: {  	[tilespmem:s1+$0x10920] =	vst v9  }
0x231: {  	v9 =	vld [tilespmem:$0xA830];
	_ =	sdelay $0x1  }
0x232: {  	vm0 =	vgt.s32 v10, v4;
	_ =	sdelay $0x5  }
0x233: {  	v11 =	vld.idx.msk [tilespmem:v9+s28+$0x0], vm0;
	_ =	sdelay $0x4  }
0x234: {  	v11 =	vnsel vm0, $0xC0400000, v11  }
0x235: {  	[tilespmem:s1+$0xA930] =	vst v11  }
0x236: {  	v11 =	vld.idx.msk [tilespmem:v9+s2+$0x0], vm0;
	_ =	sdelay $0x4  }
0x237: {  	[tilespmem:s1+$0xC930] =	vst v11  }
0x238: {  	v11 =	vld.idx.msk [tilespmem:v9+s22+$0x0], vm0;
	_ =	sdelay $0x4  }
0x239: {  	[tilespmem:s1+$0xE930] =	vst v11  }
0x23a: {  	v9 =	vld.idx.msk [tilespmem:v9+s23+$0x0], vm0;
	_ =	sdelay $0x4  }
0x23b: {  	[tilespmem:s1+$0x10930] =	vst v9  }
0x23c: {  	v9 =	vld [tilespmem:$0xA840];
	_ =	sdelay $0x1  }
0x23d: {  	vm0 =	vgt.s32 v10, v5;
	_ =	sdelay $0x5  }
0x23e: {  	v11 =	vld.idx.msk [tilespmem:v9+s28+$0x0], vm0;
	_ =	sdelay $0x4  }
0x23f: {  	v11 =	vnsel vm0, $0xC0400000, v11  }
0x240: {  	[tilespmem:s1+$0xA940] =	vst v11  }
0x241: {  	v11 =	vld.idx.msk [tilespmem:v9+s2+$0x0], vm0;
	_ =	sdelay $0x4  }
0x242: {  	[tilespmem:s1+$0xC940] =	vst v11  }
0x243: {  	v11 =	vld.idx.msk [tilespmem:v9+s22+$0x0], vm0;
	_ =	sdelay $0x4  }
0x244: {  	[tilespmem:s1+$0xE940] =	vst v11  }
0x245: {  	v9 =	vld.idx.msk [tilespmem:v9+s23+$0x0], vm0;
	_ =	sdelay $0x4  }
0x246: {  	[tilespmem:s1+$0x10940] =	vst v9  }
0x247: {  	v9 =	vld [tilespmem:$0xA850];
	_ =	sdelay $0x1  }
0x248: {  	vm0 =	vgt.s32 v10, v6;
	_ =	sdelay $0x5  }
0x249: {  	v11 =	vld.idx.msk [tilespmem:v9+s28+$0x0], vm0;
	_ =	sdelay $0x4  }
0x24a: {  	v11 =	vnsel vm0, $0xC0400000, v11  }
0x24b: {  	[tilespmem:s1+$0xA950] =	vst v11  }
0x24c: {  	v11 =	vld.idx.msk [tilespmem:v9+s2+$0x0], vm0;
	_ =	sdelay $0x4  }
0x24d: {  	[tilespmem:s1+$0xC950] =	vst v11  }
0x24e: {  	v11 =	vld.idx.msk [tilespmem:v9+s22+$0x0], vm0;
	_ =	sdelay $0x4  }
0x24f: {  	[tilespmem:s1+$0xE950] =	vst v11  }
0x250: {  	v9 =	vld.idx.msk [tilespmem:v9+s23+$0x0], vm0;
	_ =	sdelay $0x4  }
0x251: {  	[tilespmem:s1+$0x10950] =	vst v9  }
0x252: {  	v9 =	vld [tilespmem:$0xA860];
	_ =	sdelay $0x1  }
0x253: {  	vm0 =	vgt.s32 v10, v7;
	_ =	sdelay $0x5  }
0x254: {  	v11 =	vld.idx.msk [tilespmem:v9+s28+$0x0], vm0;
	_ =	sdelay $0x4  }
0x255: {  	v11 =	vnsel vm0, $0xC0400000, v11  }
0x256: {  	[tilespmem:s1+$0xA960] =	vst v11  }
0x257: {  	v11 =	vld.idx.msk [tilespmem:v9+s2+$0x0], vm0;
	_ =	sdelay $0x4  }
0x258: {  	[tilespmem:s1+$0xC960] =	vst v11  }
0x259: {  	v11 =	vld.idx.msk [tilespmem:v9+s22+$0x0], vm0;
	_ =	sdelay $0x4  }
0x25a: {  	[tilespmem:s1+$0xE960] =	vst v11  }
0x25b: {  	v9 =	vld.idx.msk [tilespmem:v9+s23+$0x0], vm0;
	_ =	sdelay $0x4  }
0x25c: {  	[tilespmem:s1+$0x10960] =	vst v9  }
0x25d: {  	v9 =	vld [tilespmem:$0xA870];
	_ =	sdelay $0x1  }
0x25e: {  	vm0 =	vgt.s32 v10, v8;
	_ =	sdelay $0x5  }
0x25f: {  	v10 =	vld.idx.msk [tilespmem:v9+s28+$0x0], vm0;
	_ =	sdelay $0x4  }
0x260: {  	v10 =	vnsel vm0, $0xC0400000, v10  }
0x261: {  	[tilespmem:s1+$0xA970] =	vst v10  }
0x262: {  	v10 =	vld.idx.msk [tilespmem:v9+s2+$0x0], vm0;
	_ =	sdelay $0x4  }
0x263: {  	[tilespmem:s1+$0xC970] =	vst v10  }
0x264: {  	v10 =	vld.idx.msk [tilespmem:v9+s22+$0x0], vm0;
	_ =	sdelay $0x4  }
0x265: {  	[tilespmem:s1+$0xE970] =	vst v10  }
0x266: {  	v9 =	vld.idx.msk [tilespmem:v9+s23+$0x0], vm0;
	_ =	sdelay $0x2  }
0x267: {  	s13 =	smin.u32 s24, $0x3D  }
0x268: {  	s4 =	sadd.s32 $0x2, s13  }
0x269: {  	s24 =	sadd.s32 s11, s4;
	s4 =	sshll.u32 s4, $0x4;
	[tilespmem:s1+$0x10970] =	vst v9  }
0x26a: {  	s4 =	sand.u32 $0x70, s4;
	s5 =	sshll.u32 s24, $0xA;
	_ =	swait.ge [sflag:s0], $0x2000  }
0x26b: {  	s4 =	sadd.s32 s3, s4;
	s5 =	sand.u32 $0x7FE000, s5;
	[sflag:s0] =	ssyncset.done $0x0  }
0x26c: {  	s4 =	sadd.s32 s5, s4;
	s5 =	sand.u32 $0x3FFFFFE0, s9;
	[sflag:s0] =	ssyncadd.s32 $0xFFFFE000  }
0x26d: {  	[tilespmem:s28], [sflag:$0x1] =	stream.strided.gather [hbm4b:s4+s25], $0x2000, s26, s25, $0x38;
	[tilespmem:$0x12900] =	vst v63  }
0x26e: {  	s9 =	simm.s32 $0x8040;
	v9 =	vld [tilespmem:s5+$0xA410]  }
0x26f: {  	v10 =	vld [tilespmem:s9+$0xFFFFFFC0]  }
0x270: {  	v11 =	vld [tilespmem:s9+$0xFFFFFFD0]  }
0x271: {  	v12 =	vld [tilespmem:s9+$0xFFFFFFE0]  }
0x272: {  	v13 =	vld [tilespmem:s9+$0xFFFFFFF0]  }
0x273: {  	v14 =	vld [tilespmem:s9+$0x0]  }
0x274: {  	s13 =	simm.s32 $0x20  }
0x275: {  	v25 =	vor.u32 s13, v0;
	s24 =	simm.s32 $0x30  }
0x276: {  	v15 =	vimm.s32 $0x0;
	v26 =	vor.u32 s24, v0;
	vm2 =	vge.f32 v10, v9;
	v10 =	vld [tilespmem:s9+$0x10]  }
0x277: {  	vm1 =	vge.f32 v11, v9;
	vm0 =	vge.f32 v12, v9;
	v12 =	vld [tilespmem:s9+$0x30];
	vm5 =	vge.f32 v13, v9  }
0x278: {  	v11 =	vld [tilespmem:s9+$0x20];
	vm6 =	vge.f32 v14, v9;
	v16 =	vsel vm2, $0x1, v1;
	v17 =	vmpcnt.ones.xlane vm2  }
0x279: {  	v18 =	vsel vm1, $0x1, v1;
	v19 =	vmpcnt.ones.xlane vm1;
	v20 =	vmpcnt.ones.xlane vm0;
	(xrf0) =	vadd.scan.msk.s32 $0xffff, v16  }
0x27a: {  	v21 =	vsel vm6, $0x1, v1;
	v16 =	vmpcnt.ones.xlane vm5;
	v17 =	vadd.s32 v15, v17;
	(xrf0) =	vadd.scan.msk.s32 $0xffff, v18  }
0x27b: {  	v18 =	vmpcnt.ones.xlane vm6;
	vm6 =	vmmov vm6;
	v13 =	vadd.s32 v17, v19  }
0x27c: {  	v14 =	vadd.s32 v13, v20;
	vm4 =	vge.f32 v12, v9;
	v12 =	vsel vm0, $0x1, v1  }
0x27d: {  	vm3 =	vge.f32 v10, v9;
	vm7 =	vge.f32 v11, v9;
	v20 =	vsel vm5, $0x1, v1  }
0x27e: {  	vm5 =	vmmov vm5;
	v10 =	vadd.s32 v14, v16;
	v16 =	vmpcnt.ones.xlane vm3;
	(xrf0) =	vadd.scan.msk.s32 $0xffff, v12  }
0x27f: {  	v19 =	vmpcnt.ones.xlane vm4;
	v22 =	vsel vm3, $0x1, v1;
	v11 =	vadd.s32 v10, v18;
	(xrf0) =	vadd.scan.msk.s32 $0xffff, v20;
	v12, _, _ =	vpop (xrf0)  }
0x280: {  	v23 =	vsel vm7, $0x1, v1;
	v18 =	vmpcnt.ones.xlane vm7;
	v16 =	vadd.s32 v11, v16;
	v20, _, _ =	vpop (xrf0)  }
0x281: {  	(xrf0) =	vadd.scan.msk.s32 $0xffff, v21;
	v12 =	vadd.s32 v12, v15;
	v15 =	vadd.s32 v20, v17;
	v17 =	vsel vm4, $0x1, v1  }
0x282: {  	s12 =	simm.s32 $0x10;
	vm11 =	vmmov vm3;
	vm7 =	vmmov vm7;
	v18 =	vadd.s32 v16, v18;
	(xrf0) =	vadd.scan.msk.s32 $0xffff, v22  }
0x283: {  	s10 =	simm.s32 $0x0;
	v22 =	vor.u32 s12, v0;
	v19 =	vadd.s32 v18, v19;
	v12 =	vadd.s32 $0xFFFFFFFF, v12;
	(xrf0) =	vadd.scan.msk.s32 $0xffff, v23  }
0x284: {  	s12 =	simm.s32 $0x40;
	v20 =	vor.u32 s10, v0;
	s10 =	simm.s32 $0x80C0;
	v15 =	vadd.s32 $0xFFFFFFFF, v15;
	vm8 =	vlt.s32 v12, $0x88;
	(xrf0) =	vadd.scan.msk.s32 $0xffff, v17;
	v17, _, _ =	vpop (xrf0)  }
0x285: {  	v27 =	vor.u32 s12, v0;
	v23 =	vld [tilespmem:s10+$0xFFFFFFC0];
	vm9 =	vlt.s32 v15, $0x88;
	v12 =	vnsel vm8, $0x88, v12;
	v21, _, _ =	vpop (xrf0)  }
0x286: {  	s9 =	simm.s32 $0x70;
	v15 =	vnsel vm9, $0x88, v15;
	v13 =	vadd.s32 v17, v13;
	v14 =	vadd.s32 v21, v14  }
0x287: {  	v17 =	vor.u32 s9, v0;
	v13 =	vadd.s32 $0xFFFFFFFF, v13;
	v21, _, _ =	vpop (xrf0);
	v14 =	vadd.s32 $0xFFFFFFFF, v14  }
0x288: {  	vm3 =	vlt.s32 v13, $0x88;
	v10 =	vadd.s32 v21, v10;
	v21, _, _ =	vpop (xrf0);
	vm8 =	vlt.s32 v14, $0x88  }
0x289: {  	s24 =	simm.s32 $0x60;
	v30 =	vld [tilespmem:s10+$0x30];
	v10 =	vadd.s32 $0xFFFFFFFF, v10;
	v11 =	vadd.s32 v21, v11;
	v13 =	vnsel vm3, $0x88, v13  }
0x28a: {  	v21, _, _ =	vpop (xrf0);
	[tilespmem:v12+s31+$0x0] =	vst.idx.msk vm2, v20;
	v12 =	vld [tilespmem:s10+$0xFFFFFFF0];
	vm2 =	vge.f32 v23, v9;
	v23 =	vor.u32 s24, v0;
	vm9 =	vlt.s32 v10, $0x88  }
0x28b: {  	s13 =	simm.s32 $0x50;
	v11 =	vadd.s32 $0xFFFFFFFF, v11;
	v16 =	vadd.s32 v21, v16;
	v21, _, _ =	vpop (xrf0);
	v24 =	vnsel vm8, $0x88, v14;
	v14 =	vld [tilespmem:s10+$0xFFFFFFE0]  }
0x28c: {  	[tilespmem:v15+s31+$0x0] =	vst.idx.msk vm1, v22;
	v22 =	vor.u32 s13, v0;
	v28 =	vsel vm2, $0x1, v1;
	v18 =	vadd.s32 v21, v18;
	v21 =	vld [tilespmem:s10+$0xFFFFFFD0]  }
0x28d: {  	v15 =	vld [tilespmem:s10+$0x10];
	v29 =	vmpcnt.ones.xlane vm2;
	vm3 =	vlt.s32 v11, $0x88;
	v16 =	vadd.s32 $0xFFFFFFFF, v16  }
0x28e: {  	(xrf0) =	vadd.scan.msk.s32 $0xffff, v28;
	v18 =	vadd.s32 $0xFFFFFFFF, v18;
	vm8 =	vlt.s32 v16, $0x88;
	v11 =	vnsel vm3, $0x88, v11  }
0x28f: {  	v10 =	vnsel vm9, $0x88, v10;
	vm9 =	vlt.s32 v18, $0x88;
	v20 =	vnsel vm8, $0x88, v16  }
0x290: {  	vm1 =	vge.f32 v30, v9;
	v61 =	vadd.s32 v19, v29;
	v16 =	vnsel vm9, $0x88, v18;
	v18 =	vld [tilespmem:s10+$0x0];
	[tilespmem:v13+s31+$0x0] =	vst.idx.msk vm0, v25  }
0x291: {  	vm12 =	vge.f32 v12, v9;
	vm0 =	vge.f32 v14, v9;
	vm3 =	vge.f32 v21, v9  }
0x292: {  	v12 =	vmpcnt.ones.xlane vm12;
	vm8 =	vge.f32 v15, v9;
	[tilespmem:v24+s31+$0x0] =	vst.idx.msk vm5, v26;
	v21 =	vld [tilespmem:s10+$0x20];
	v13 =	vsel vm3, $0x1, v1  }
0x293: {  	v62 =	vmpcnt.ones.xlane vm0;
	v60 =	vmpcnt.ones.xlane vm3;
	[tilespmem:v11+s31+$0x0] =	vst.idx.msk vm11, v22;
	(xrf0) =	vadd.scan.msk.s32 $0xffff, v13  }
0x294: {  	v63 =	vsel vm8, $0x1, v1;
	v11 =	vsel vm0, $0x1, v1;
	v22 =	vsel vm12, $0x1, v1;
	[tilespmem:v20+s31+$0x0] =	vst.idx.msk vm7, v23;
	v20, _, _ =	vpop (xrf0)  }
0x295: {  	v14 =	vadd.s32 v61, v60;
	vm10 =	vge.f32 v18, v9;
	v20 =	vadd.s32 v20, v19  }
0x296: {  	[tilespmem:v16+s31+$0x0] =	vst.idx.msk vm4, v17;
	v19 =	vsel vm1, $0x1, v1;
	v16 =	vadd.s32 v14, v62;
	v13 =	vmpcnt.ones.xlane vm10  }
0x297: {  	[tilespmem:v10+s31+$0x0] =	vst.idx.msk vm6, v27;
	v15 =	vadd.s32 v16, v12;
	v12 =	vmpcnt.ones.xlane vm8;
	vm9 =	vge.f32 v21, v9  }
0x298: {  	(xrf0) =	vadd.scan.msk.s32 $0xffff, v11;
	vm4 =	vmmov vm12;
	v13 =	vadd.s32 v15, v13;
	v10 =	vmpcnt.ones.xlane vm9  }
0x299: {  	v23 =	vsel vm10, $0x1, v1;
	(xrf0) =	vadd.scan.msk.s32 $0xffff, v22;
	v21 =	vmpcnt.ones.xlane vm1;
	v12 =	vadd.s32 v13, v12;
	v11, _, _ =	vpop (xrf0)  }
0x29a: {  	v20 =	vadd.s32 $0xFFFFFFFF, v20;
	v17 =	vadd.s32 v12, v10;
	(xrf0) =	vadd.scan.msk.s32 $0xffff, v23;
	v11 =	vadd.s32 v11, v61  }
0x29b: {  	s12 =	simm.s32 $0x8;
	v18 =	vsel vm9, $0x1, v1;
	v10 =	vadd.s32 v17, v21;
	(xrf0) =	vadd.scan.msk.s32 $0xffff, v63;
	v21 =	vadd.s32 $0xFFFFFFFF, v11  }
.LBB2_11:
0x29c: {  	s12 =	sadd.s32 $0x8, s12;
	vm6 =	vlt.s32 v20, $0x88;
	vm7 =	vlt.s32 v21, $0x88;
	(xrf0) =	vadd.scan.msk.s32 $0xffff, v18;
	v11 =	vmovc v10;
	vm5 =	vmmov vm10  }
0x29d: {  	s9 =	sadd.s32 $0x80, s9;
	p0 =	slt.u32 s12, $0x1F8;
	v18 =	vnsel vm6, $0x88, v20;
	v20 =	vnsel vm7, $0x88, v21;
	(xrf0) =	vadd.scan.msk.s32 $0xffff, v19;
	vm7 =	vmmov vm8  }
0x29e: {  	s4 =	sadd.s32 $0xFFFFFF90, s9;
	vm6 =	vmmov vm9;
	v19, _, _ =	vpop (xrf0)  }
0x29f: {  	v21 =	vor.u32 s4, v0;
	s4 =	sadd.s32 $0xFFFFFFA0, s9;
	v14 =	vadd.s32 v19, v14;
	v19 =	vor.u32 s9, v0;
	v22, _, _ =	vpop (xrf0)  }
0x2a0: {  	v23 =	vor.u32 s4, v0;
	v14 =	vadd.s32 $0xFFFFFFFF, v14;
	v16 =	vadd.s32 v22, v16;
	v22, _, _ =	vpop (xrf0)  }
0x2a1: {  	vm8 =	vlt.s32 v14, $0x88;
	v16 =	vadd.s32 $0xFFFFFFFF, v16;
	v15 =	vadd.s32 v22, v15;
	v22, _, _ =	vpop (xrf0)  }
0x2a2: {  	[tilespmem:v18+s31+$0x0] =	vst.idx.msk vm2, v21;
	vm2 =	vlt.s32 v16, $0x88;
	v15 =	vadd.s32 $0xFFFFFFFF, v15;
	v13 =	vadd.s32 v22, v13;
	v18, _, _ =	vpop (xrf0)  }
0x2a3: {  	s10 =	sadd.s32 $0x80, s10;
	[tilespmem:v20+s31+$0x0] =	vst.idx.msk vm3, v23;
	vm3 =	vlt.s32 v15, $0x88;
	v13 =	vadd.s32 $0xFFFFFFFF, v13;
	v12 =	vadd.s32 v18, v12;
	v18, _, _ =	vpop (xrf0)  }
0x2a4: {  	v20 =	vld [tilespmem:s10+$0xFFFFFFC0];
	vm9 =	vlt.s32 v13, $0x88;
	v12 =	vadd.s32 $0xFFFFFFFF, v12;
	v17 =	vadd.s32 v18, v17  }
0x2a5: {  	v14 =	vnsel vm8, $0x88, v14;
	v18 =	vld [tilespmem:s10+$0xFFFFFFD0];
	vm8 =	vlt.s32 v12, $0x88;
	v17 =	vadd.s32 $0xFFFFFFFF, v17  }
0x2a6: {  	v22 =	vnsel vm2, $0x88, v16;
	v23 =	vnsel vm3, $0x88, v15;
	v21 =	vld [tilespmem:s10+$0xFFFFFFE0];
	vm2 =	vlt.s32 v17, $0x88  }
0x2a7: {  	s5 =	sadd.s32 $0xFFFFFFC0, s9;
	s13 =	sadd.s32 $0xFFFFFFD0, s9;
	s4 =	sadd.s32 $0xFFFFFFB0, s9;
	v24 =	vnsel vm9, $0x88, v13;
	v25 =	vnsel vm8, $0x88, v12;
	v15 =	vld [tilespmem:s10+$0xFFFFFFF0];
	v12 =	vnsel vm2, $0x88, v17  }
0x2a8: {  	v26 =	vor.u32 s13, v0;
	v16 =	vor.u32 s4, v0;
	s4 =	sadd.s32 $0xFFFFFFE0, s9;
	v17 =	vor.u32 s5, v0;
	s5 =	sadd.s32 $0xFFFFFFF0, s9;
	v13 =	vld [tilespmem:s10+$0x0]  }
0x2a9: {  	v27 =	vor.u32 s4, v0;
	v28 =	vor.u32 s5, v0;
	vm2 =	vge.f32 v20, v9;
	v20 =	vld [tilespmem:s10+$0x10]  }
0x2aa: {  	v29 =	vsel vm2, $0x1, v1;
	v30 =	vmpcnt.ones.xlane vm2;
	vm3 =	vge.f32 v18, v9;
	v18 =	vld [tilespmem:s10+$0x20];
	[tilespmem:v14+s31+$0x0] =	vst.idx.msk vm0, v16  }
0x2ab: {  	v14 =	vsel vm3, $0x1, v1;
	v16 =	vmpcnt.ones.xlane vm3;
	vm0 =	vge.f32 v21, v9;
	v21 =	vld [tilespmem:s10+$0x30];
	(xrf0) =	vadd.scan.msk.s32 $0xffff, v29  }
0x2ac: {  	v29 =	vadd.s32 v10, v30;
	v10 =	vmpcnt.ones.xlane vm0;
	vm11 =	vge.f32 v15, v9;
	(xrf0) =	vadd.scan.msk.s32 $0xffff, v14  }
0x2ad: {  	v14 =	vadd.s32 v29, v16;
	v15 =	vmpcnt.ones.xlane vm11;
	vm10 =	vge.f32 v13, v9;
	[tilespmem:v12+s31+$0x0] =	vst.idx.msk vm1, v19  }
0x2ae: {  	v16 =	vadd.s32 v14, v10;
	v10 =	vmpcnt.ones.xlane vm10;
	vm8 =	vge.f32 v20, v9;
	[tilespmem:v22+s31+$0x0] =	vst.idx.msk vm4, v17  }
0x2af: {  	v15 =	vadd.s32 v16, v15;
	v12 =	vmpcnt.ones.xlane vm8;
	vm9 =	vge.f32 v18, v9;
	[tilespmem:v23+s31+$0x0] =	vst.idx.msk vm5, v26  }
0x2b0: {  	v13 =	vadd.s32 v15, v10;
	v10 =	vmpcnt.ones.xlane vm9;
	vm1 =	vge.f32 v21, v9;
	[tilespmem:v24+s31+$0x0] =	vst.idx.msk vm7, v27  }
.Ltmp4:
0x2b1: {  	v18 =	vsel vm0, $0x1, v1;
	v12 =	vadd.s32 v13, v12;
	v19 =	vmpcnt.ones.xlane vm1;
	v20, _, _ =	vpop (xrf0);
	[tilespmem:v25+s31+$0x0] =	vst.idx.msk vm6, v28;
	(pc) =	sbr.rel @p0 .LBB2_11-.Ltmp4, $4  }
0x2b2: {  	v22 =	vsel vm10, $0x1, v1;
	v21 =	vsel vm11, $0x1, v1;
	v17 =	vadd.s32 v12, v10;
	v23, _, _ =	vpop (xrf0);
	(xrf0) =	vadd.scan.msk.s32 $0xffff, v18  }
0x2b3: {  	v24 =	vsel vm8, $0x1, v1;
	v18 =	vsel vm9, $0x1, v1;
	v10 =	vadd.s32 v17, v19;
	(xrf0) =	vadd.scan.msk.s32 $0xffff, v21  }
0x2b4: {  	v11 =	vadd.s32 v20, v11;
	v21 =	vadd.s32 v23, v29;
	v19 =	vsel vm1, $0x1, v1;
	(xrf0) =	vadd.scan.msk.s32 $0xffff, v22  }
0x2b5: {  	vm4 =	vmmov vm11;
	v20 =	vadd.s32 $0xFFFFFFFF, v11;
	v21 =	vadd.s32 $0xFFFFFFFF, v21;
	(xrf0) =	vadd.scan.msk.s32 $0xffff, v24  }
0x2b6: {  	(xrf0) =	vadd.scan.msk.s32 $0xffff, v18  }
0x2b7: {  	vm6 =	vlt.s32 v20, $0x88;
	vm7 =	vlt.s32 v21, $0x88;
	vm5 =	vmmov vm10;
	s4 =	sadd.s32 $0x80, s9;
	(xrf0) =	vadd.scan.msk.s32 $0xffff, v19  }
0x2b8: {  	v53 =	vnsel vm6, $0x88, v20;
	v54 =	vnsel vm7, $0x88, v21;
	vm6 =	vmmov vm8;
	s5 =	sadd.s32 $0xFFFFFF90, s4;
	v9, _, _ =	vpop (xrf0)  }
0x2b9: {  	vm7 =	vmmov vm9;
	s10 =	sadd.s32 $0xFFFFFFA0, s4;
	v57 =	vor.u32 s5, v0;
	v11, _, _ =	vpop (xrf0);
	v9 =	vadd.s32 v9, v14  }
0x2ba: {  	v59 =	vor.u32 s10, v0;
	v52, _, _ =	vpop (xrf0);
	v11 =	vadd.s32 v11, v16;
	v9 =	vadd.s32 $0xFFFFFFFF, v9  }
0x2bb: {  	v55, _, _ =	vpop (xrf0);
	v15 =	vadd.s32 v52, v15;
	vm14 =	vlt.s32 v9, $0x88;
	v11 =	vadd.s32 $0xFFFFFFFF, v11  }
0x2bc: {  	v56, _, _ =	vpop (xrf0);
	v15 =	vadd.s32 $0xFFFFFFFF, v15;
	v13 =	vadd.s32 v55, v13;
	v9 =	vnsel vm14, $0x88, v9  }
0x2bd: {  	vm12 =	vlt.s32 v11, $0x88;
	v58, _, _ =	vpop (xrf0);
	vm13 =	vlt.s32 v15, $0x88;
	v13 =	vadd.s32 $0xFFFFFFFF, v13  }
0x2be: {  	v12 =	vadd.s32 v56, v12;
	v11 =	vnsel vm12, $0x88, v11;
	v17 =	vadd.s32 v58, v17  }
0x2bf: {  	vm14 =	vlt.s32 v13, $0x88;
	v60 =	vnsel vm13, $0x88, v15;
	v17 =	vadd.s32 $0xFFFFFFFF, v17  }
0x2c0: {  	s12 =	sadd.s32 $0xFFFFFFB0, s4;
	[tilespmem:v53+s31+$0x0] =	vst.idx.msk vm2, v57;
	v12 =	vadd.s32 $0xFFFFFFFF, v12;
	v13 =	vnsel vm14, $0x88, v13;
	vm15 =	vlt.s32 v17, $0x88  }
0x2c1: {  	s13 =	sadd.s32 $0xFFFFFFC0, s4;
	v61 =	vor.u32 s12, v0;
	[tilespmem:v54+s31+$0x0] =	vst.idx.msk vm3, v59;
	v17 =	vnsel vm15, $0x88, v17;
	vm15 =	vlt.s32 v12, $0x88  }
0x2c2: {  	s9 =	sadd.s32 $0xFFFFFFD0, s4;
	[tilespmem:v9+s31+$0x0] =	vst.idx.msk vm0, v61;
	v9 =	vor.u32 s13, v0;
	v12 =	vnsel vm15, $0x88, v12  }
0x2c3: {  	s24 =	sadd.s32 $0xFFFFFFE0, s4;
	v63 =	vor.u32 s9, v0;
	[tilespmem:v11+s31+$0x0] =	vst.idx.msk vm4, v9  }
0x2c4: {  	v9 =	vor.u32 s24, v0;
	[tilespmem:v60+s31+$0x0] =	vst.idx.msk vm5, v63  }
0x2c5: {  	v62 =	vor.u32 s4, v0;
	s4 =	sadd.s32 $0xFFFFFFF0, s4;
	[tilespmem:v13+s31+$0x0] =	vst.idx.msk vm6, v9  }
0x2c6: {  	v11 =	vor.u32 s4, v0;
	[tilespmem:v17+s31+$0x0] =	vst.idx.msk vm1, v62  }
0x2c7: {  	[tilespmem:v12+s31+$0x0] =	vst.idx.msk vm7, v11  }
0x2c8: {  	v9 =	vld [tilespmem:$0xA800];
	_ =	sdelay $0x1  }
0x2c9: {  	vm8 =	vgt.s32 v10, v0;
	_ =	sdelay $0x5  }
0x2ca: {  	v11 =	vld.idx.msk [tilespmem:v9+s30+$0x0], vm8;
	_ =	sdelay $0x4  }
0x2cb: {  	v11 =	vnsel vm8, $0xC0400000, v11  }
0x2cc: {  	[tilespmem:s1+$0xA980] =	vst v11  }
0x2cd: {  	v11 =	vld.idx.msk [tilespmem:v9+s2+$0x0], vm8;
	_ =	sdelay $0x4  }
0x2ce: {  	[tilespmem:s1+$0xC980] =	vst v11  }
0x2cf: {  	v11 =	vld.idx.msk [tilespmem:v9+s22+$0x0], vm8;
	_ =	sdelay $0x4  }
0x2d0: {  	[tilespmem:s1+$0xE980] =	vst v11  }
0x2d1: {  	v9 =	vld.idx.msk [tilespmem:v9+s23+$0x0], vm8;
	_ =	sdelay $0x4  }
0x2d2: {  	[tilespmem:s1+$0x10980] =	vst v9  }
0x2d3: {  	v9 =	vld [tilespmem:$0xA810];
	_ =	sdelay $0x1  }
0x2d4: {  	vm9 =	vgt.s32 v10, v2;
	_ =	sdelay $0x5  }
0x2d5: {  	v11 =	vld.idx.msk [tilespmem:v9+s30+$0x0], vm9;
	_ =	sdelay $0x4  }
0x2d6: {  	v11 =	vnsel vm9, $0xC0400000, v11  }
0x2d7: {  	[tilespmem:s1+$0xA990] =	vst v11  }
0x2d8: {  	v11 =	vld.idx.msk [tilespmem:v9+s2+$0x0], vm9;
	_ =	sdelay $0x4  }
0x2d9: {  	[tilespmem:s1+$0xC990] =	vst v11  }
0x2da: {  	v11 =	vld.idx.msk [tilespmem:v9+s22+$0x0], vm9;
	_ =	sdelay $0x4  }
0x2db: {  	[tilespmem:s1+$0xE990] =	vst v11  }
0x2dc: {  	v9 =	vld.idx.msk [tilespmem:v9+s23+$0x0], vm9;
	_ =	sdelay $0x4  }
0x2dd: {  	[tilespmem:s1+$0x10990] =	vst v9  }
0x2de: {  	v9 =	vld [tilespmem:$0xA820];
	_ =	sdelay $0x1  }
0x2df: {  	vm10 =	vgt.s32 v10, v3;
	_ =	sdelay $0x5  }
0x2e0: {  	v11 =	vld.idx.msk [tilespmem:v9+s30+$0x0], vm10;
	_ =	sdelay $0x4  }
0x2e1: {  	v11 =	vnsel vm10, $0xC0400000, v11  }
0x2e2: {  	[tilespmem:s1+$0xA9A0] =	vst v11  }
0x2e3: {  	v11 =	vld.idx.msk [tilespmem:v9+s2+$0x0], vm10;
	_ =	sdelay $0x4  }
0x2e4: {  	[tilespmem:s1+$0xC9A0] =	vst v11  }
0x2e5: {  	v11 =	vld.idx.msk [tilespmem:v9+s22+$0x0], vm10;
	_ =	sdelay $0x4  }
0x2e6: {  	[tilespmem:s1+$0xE9A0] =	vst v11  }
0x2e7: {  	v9 =	vld.idx.msk [tilespmem:v9+s23+$0x0], vm10;
	_ =	sdelay $0x4  }
0x2e8: {  	[tilespmem:s1+$0x109A0] =	vst v9  }
0x2e9: {  	v9 =	vld [tilespmem:$0xA830];
	_ =	sdelay $0x1  }
0x2ea: {  	vm11 =	vgt.s32 v10, v4;
	_ =	sdelay $0x5  }
0x2eb: {  	v11 =	vld.idx.msk [tilespmem:v9+s30+$0x0], vm11;
	_ =	sdelay $0x4  }
0x2ec: {  	v11 =	vnsel vm11, $0xC0400000, v11  }
0x2ed: {  	[tilespmem:s1+$0xA9B0] =	vst v11  }
0x2ee: {  	v11 =	vld.idx.msk [tilespmem:v9+s2+$0x0], vm11;
	_ =	sdelay $0x4  }
0x2ef: {  	[tilespmem:s1+$0xC9B0] =	vst v11  }
0x2f0: {  	v11 =	vld.idx.msk [tilespmem:v9+s22+$0x0], vm11;
	_ =	sdelay $0x4  }
0x2f1: {  	[tilespmem:s1+$0xE9B0] =	vst v11  }
0x2f2: {  	v9 =	vld.idx.msk [tilespmem:v9+s23+$0x0], vm11;
	_ =	sdelay $0x4  }
0x2f3: {  	[tilespmem:s1+$0x109B0] =	vst v9  }
0x2f4: {  	v9 =	vld [tilespmem:$0xA840];
	_ =	sdelay $0x1  }
0x2f5: {  	vm12 =	vgt.s32 v10, v5;
	_ =	sdelay $0x5  }
0x2f6: {  	v11 =	vld.idx.msk [tilespmem:v9+s30+$0x0], vm12;
	_ =	sdelay $0x4  }
0x2f7: {  	v11 =	vnsel vm12, $0xC0400000, v11  }
0x2f8: {  	[tilespmem:s1+$0xA9C0] =	vst v11  }
0x2f9: {  	v11 =	vld.idx.msk [tilespmem:v9+s2+$0x0], vm12;
	_ =	sdelay $0x4  }
0x2fa: {  	[tilespmem:s1+$0xC9C0] =	vst v11  }
0x2fb: {  	v11 =	vld.idx.msk [tilespmem:v9+s22+$0x0], vm12;
	_ =	sdelay $0x4  }
0x2fc: {  	[tilespmem:s1+$0xE9C0] =	vst v11  }
0x2fd: {  	v9 =	vld.idx.msk [tilespmem:v9+s23+$0x0], vm12;
	_ =	sdelay $0x4  }
0x2fe: {  	[tilespmem:s1+$0x109C0] =	vst v9  }
0x2ff: {  	v9 =	vld [tilespmem:$0xA850];
	_ =	sdelay $0x1  }
0x300: {  	vm13 =	vgt.s32 v10, v6;
	_ =	sdelay $0x5  }
0x301: {  	v11 =	vld.idx.msk [tilespmem:v9+s30+$0x0], vm13;
	_ =	sdelay $0x4  }
0x302: {  	v11 =	vnsel vm13, $0xC0400000, v11  }
0x303: {  	[tilespmem:s1+$0xA9D0] =	vst v11  }
0x304: {  	v11 =	vld.idx.msk [tilespmem:v9+s2+$0x0], vm13;
	_ =	sdelay $0x4  }
0x305: {  	[tilespmem:s1+$0xC9D0] =	vst v11  }
0x306: {  	v11 =	vld.idx.msk [tilespmem:v9+s22+$0x0], vm13;
	_ =	sdelay $0x4  }
0x307: {  	[tilespmem:s1+$0xE9D0] =	vst v11  }
0x308: {  	v9 =	vld.idx.msk [tilespmem:v9+s23+$0x0], vm13;
	_ =	sdelay $0x4  }
0x309: {  	[tilespmem:s1+$0x109D0] =	vst v9  }
0x30a: {  	v9 =	vld [tilespmem:$0xA860];
	_ =	sdelay $0x1  }
0x30b: {  	vm14 =	vgt.s32 v10, v7;
	_ =	sdelay $0x5  }
0x30c: {  	v11 =	vld.idx.msk [tilespmem:v9+s30+$0x0], vm14;
	_ =	sdelay $0x4  }
0x30d: {  	v11 =	vnsel vm14, $0xC0400000, v11  }
0x30e: {  	[tilespmem:s1+$0xA9E0] =	vst v11  }
0x30f: {  	v11 =	vld.idx.msk [tilespmem:v9+s2+$0x0], vm14;
	_ =	sdelay $0x4  }
0x310: {  	[tilespmem:s1+$0xC9E0] =	vst v11  }
0x311: {  	v11 =	vld.idx.msk [tilespmem:v9+s22+$0x0], vm14;
	_ =	sdelay $0x4  }
0x312: {  	[tilespmem:s1+$0xE9E0] =	vst v11  }
0x313: {  	v9 =	vld.idx.msk [tilespmem:v9+s23+$0x0], vm14;
	_ =	sdelay $0x4  }
0x314: {  	[tilespmem:s1+$0x109E0] =	vst v9  }
0x315: {  	v9 =	vld [tilespmem:$0xA870];
	_ =	sdelay $0x1  }
0x316: {  	vm15 =	vgt.s32 v10, v8;
	_ =	sdelay $0x5  }
0x317: {  	v10 =	vld.idx.msk [tilespmem:v9+s30+$0x0], vm15;
	_ =	sdelay $0x4  }
0x318: {  	v10 =	vnsel vm15, $0xC0400000, v10  }
0x319: {  	[tilespmem:s1+$0xA9F0] =	vst v10  }
0x31a: {  	v10 =	vld.idx.msk [tilespmem:v9+s2+$0x0], vm15;
	_ =	sdelay $0x4  }
0x31b: {  	[tilespmem:s1+$0xC9F0] =	vst v10  }
0x31c: {  	v10 =	vld.idx.msk [tilespmem:v9+s22+$0x0], vm15;
	_ =	sdelay $0x4  }
0x31d: {  	s8 =	sadd.s32 $0x1, s8;
	[tilespmem:s1+$0xE9F0] =	vst v10  }
0x31e: {  	p0 =	sne.s32 s8, $0x20;
	v9 =	vld.idx.msk [tilespmem:v9+s23+$0x0], vm15  }
.Ltmp5:
0x31f: {  	_ = 	snop;
	(pc) =	sbr.rel @p0 .LBB2_8-.Ltmp5, $2  }
0x320: {  	_ =	sdelay $0x2  }
0x321: {  	[tilespmem:s1+$0x109F0] =	vst v9  }
0x322: {  	_ =	swait.ge [sflag:s29], $0x2000  }
0x323: {  	[sflag:s29] =	ssyncset.done $0x0  }
0x324: {  	s5 =	simm.s32 $0xA900;
	[sflag:s29] =	ssyncadd.s32 $0xFFFFE000  }
0x325: {  	[hbm4b:s16+s2] =	stream.linear.scatter [tilespmem:s5], [sflag:$0x3], $0x2000, $0x38;
	[tilespmem:$0x12900] =	vst v63  }
0x326: {  	_ =	swait.ge [sflag:s21], $0x2000  }
0x327: {  	[sflag:s21] =	ssyncset.done $0x0  }
0x328: {  	s1 =	simm.s32 $0xC900;
	[sflag:s21] =	ssyncadd.s32 $0xFFFFE000  }
0x329: {  	[hbm4b:s17+s2] =	stream.linear.scatter [tilespmem:s1], [sflag:$0x3], $0x2000, $0x38;
	[tilespmem:$0x12900] =	vst v63  }
0x32a: {  	_ =	swait.ge [sflag:s21], $0x2000  }
0x32b: {  	[sflag:s21] =	ssyncset.done $0x0  }
0x32c: {  	s13 =	simm.s32 $0xE900;
	[sflag:s21] =	ssyncadd.s32 $0xFFFFE000  }
0x32d: {  	[hbm4b:s18+s2] =	stream.linear.scatter [tilespmem:s13], [sflag:$0x3], $0x2000, $0x38;
	[tilespmem:$0x12900] =	vst v63  }
0x32e: {  	s6 =	sadd.s32 $0x1, s6;
	_ =	swait.ge [sflag:s21], $0x2000  }
0x32f: {  	p0 =	sne.s32 s6, s20;
	[sflag:s21] =	ssyncset.done $0x0  }
.Ltmp6:
0x330: {  	s24 =	simm.s32 $0x10900;
	[sflag:s21] =	ssyncadd.s32 $0xFFFFE000;
	(pc) =	sbr.rel @p0 .LBB2_1-.Ltmp6, $4  }
0x331: {  	[hbm4b:s19+s2] =	stream.linear.scatter [tilespmem:s24], [sflag:$0x3], $0x2000, $0x38;
	[tilespmem:$0x12900] =	vst v63  }
0x332: {  	_ =	swait.ge [sflag:s21], $0x2000  }
0x333: {  	[sflag:s21] =	ssyncset.done $0x0  }
0x334: {  	[sflag:s21] =	ssyncadd.s32 $0xFFFFE000  }
0x335: {  	_ =	sfence.sel $0x180000  }
0x336: {  	[bflag:$0x0] =	sbarrier.arrive $0xFFFF  }
0x337: {  	_ =	strace $0x90000047  }
0x338: {  	s0 =	stileid.u32;
	[bflag:$0x2] =	sbarrier.arrive $0xFFFF  }
0x339: {  	p0 =	sne.s32 s0, $0x0;
	s0 =	rddreg [dreg:$0x1]  }
0x33a: {  	s0 =	sadd.s32 @!p0 $0x100000, s0  }
0x33b: {  	[sflag:s0] =	ssyncadd.tile.s32 @!p0 $0x1;
	_ =	shalt  }
.Lfunc_end2:
_tile_overlayer_lowered:
.L_overlay_start_2:
0x33c: {  	(tag) =	ssettag $0x2  }
0x33d: {  	s0 =	rddreg [dreg:$0x0];
	s2 =	stileid.u32  }
0x33e: {  	s1 =	rddreg [dreg:$0x1];
	p0 =	sne.s32 s2, $0x0  }
0x33f: {  	s3 =	rddreg [dreg:$0x2];
	[bflag:$0x3] =	sbarrier.arrive $0xFFFF;
	s2 =	simm.s32 @!p0 $0x1C03  }
0x340: {  	[timem:s3], [sflag:s2] =	dma.local @!p0 [hbm:s0], s1  }
0x341: {  	s0 =	simm.s32 @!p0 $0x3  }
0x342: {  	_ =	swait.ge @!p0 [sflag:s0], s1  }
0x343: {  	s1 =	ssub.s32 @!p0 $0x0, s1;
	[sflag:s0] =	ssyncset.done @!p0 $0x0  }
0x344: {  	[sflag:s0] =	ssyncadd.s32 @!p0 s1  }
0x345: {  	[bflag:$0x3] =	sbarrier.arrive $0xFFFF  }
0x346: {  	_ =	shalt  }

</sc_bundles>
